<compile_context>
chip_gen: v7x
topology: tpu7x:2x2x1
jax: 0.10.2.dev20260603
libtpu: 0.0.44.dev20260713+nightly
codegen_flags: <defaults>
</compile_context>

<pallas_src>
import functools

import numpy as np
import jax
import jax.numpy as jnp
from jax import lax
from jax.experimental import pallas as pl
from jax.experimental.pallas import tpu as pltpu
from jax.experimental.pallas import tpu_sc as plsc

N = 20000
E = 160000
NM = 16
H = 64
WN = NM * NM
ALPHA = 0.25
PAD = 32

NC, NS = 2, 16
NW = NC * NS
CHUNK = 125
NCH = 40
KFIRE = 8
NGRP = NCH // KFIRE
EPW = NCH * CHUNK
NPT = N // NS

_mesh = plsc.VectorSubcoreMesh(
    core_axis_name="c", subcore_axis_name="s", num_cores=NC, num_subcores=NS)
_sc_params = pltpu.CompilerParams(use_tc_tiling_on_sc=False)


@functools.partial(
    pl.kernel,
    out_type=jax.ShapeDtypeStruct((E, NM), jnp.float32),
    mesh=_mesh,
    compiler_params=_sc_params,
    scratch_types=[
        pltpu.VMEM((NCH, CHUNK), jnp.int32),
        pltpu.VMEM((EPW, NM), jnp.float32),
        pltpu.SemaphoreType.DMA,
    ],
)
def _gather_x(table, idx2, out, idx_v, rows_v, sem):
    w = lax.axis_index("s") * NC + lax.axis_index("c")
    pltpu.sync_copy(idx2.at[pl.ds(w * NCH, NCH), :], idx_v)

    def group(g, carry):
        base = g * KFIRE
        cps = [
            pltpu.async_copy(
                table.at[idx_v.at[base + b]],
                rows_v.at[pl.ds((base + b) * CHUNK, CHUNK), :],
                sem,
            )
            for b in range(KFIRE)
        ]
        for cp in cps:
            cp.wait()
        return carry

    lax.fori_loop(0, NGRP, group, 0)
    pltpu.sync_copy(rows_v, out.at[pl.ds(w * EPW, EPW), :])


_BT = 1280


def _unpack16(packed, eye):
    parts = [
        lax.dot_general(eye, packed[:, 16 * j:16 * (j + 1)],
                        (((1,), (1,)), ((), ())))
        for j in range(8)
    ]
    return jnp.concatenate(parts, axis=1)


def _edge_tp_body(eft, xp, sht, w1t, b1c, w2t, b2c, out):
    eye = jnp.eye(NM, dtype=jnp.float32)
    ht = jnp.maximum(w1t[...] @ eft[...] + b1c[...], 0.0)
    wt = w2t[...] @ ht + b2c[...]
    xt = _unpack16(xp[...], eye)
    xsht = xt * (ALPHA * sht[...])
    tpt = xsht[0:1, :] * wt[0:NM, :]
    for i in range(1, NM):
        tpt = tpt + xsht[i:i + 1, :] * wt[i * NM:(i + 1) * NM, :]
    q = _BT // 4
    pieces = []
    for j in range(4):
        tj = lax.dot_general(tpt[:, j * q:(j + 1) * q], eye,
                             (((0,), (0,)), ((), ())))
        pieces.append(jnp.concatenate(
            [tj, jnp.ones((q, 1), jnp.float32),
             jnp.zeros((q, PAD - NM - 1), jnp.float32)], axis=1))
    out[...] = jnp.concatenate(pieces, axis=1)


_edge_tp = pl.pallas_call(
    _edge_tp_body,
    grid=(E // _BT,),
    in_specs=[
        pl.BlockSpec((H, _BT), lambda i: (0, i)),
        pl.BlockSpec((_BT // 8, 128), lambda i: (i, 0)),
        pl.BlockSpec((1, _BT), lambda i: (0, i)),
        pl.BlockSpec((H, H), lambda i: (0, 0)),
        pl.BlockSpec((H, 1), lambda i: (0, 0)),
        pl.BlockSpec((WN, H), lambda i: (0, 0)),
        pl.BlockSpec((WN, 1), lambda i: (0, 0)),
    ],
    out_specs=pl.BlockSpec((_BT // 4, 128), lambda i: (i, 0)),
    out_shape=jax.ShapeDtypeStruct((E // 4, 128), jnp.float32),
    compiler_params=pltpu.CompilerParams(dimension_semantics=("parallel",)),
)


@functools.partial(
    pl.kernel,
    out_type=jax.ShapeDtypeStruct((NC, N, PAD), jnp.float32),
    mesh=_mesh,
    compiler_params=_sc_params,
    scratch_types=[
        pltpu.VMEM((NCH, CHUNK), jnp.int32),
        pltpu.VMEM((KFIRE, CHUNK, PAD), jnp.float32),
        pltpu.VMEM_SHARED((N, PAD), jnp.float32),
        pltpu.SemaphoreType.DMA,
    ],
)
def _scatter_tp(tp2, src2, zeros_hbm, out, idx_v, rows_v, acc, sem):
    c = lax.axis_index("c")
    s = lax.axis_index("s")
    w = s * NC + c
    pltpu.sync_copy(zeros_hbm.at[pl.ds(s * NPT, NPT), :],
                    acc.at[pl.ds(s * NPT, NPT), :])
    pltpu.sync_copy(src2.at[pl.ds(w * NCH, NCH), :], idx_v)
    plsc.subcore_barrier()

    def group(g, carry):
        base = g * KFIRE
        cps = [
            pltpu.async_copy(
                tp2.at[pl.ds((w * NCH + base + b) * CHUNK, CHUNK), :],
                rows_v.at[b], sem)
            for b in range(KFIRE)
        ]
        for cp in cps:
            cp.wait()
        for b in range(KFIRE):
            pltpu.sync_copy(rows_v.at[b], acc.at[idx_v.at[base + b]], add=True)
        return carry

    lax.fori_loop(0, NGRP, group, 0)
    plsc.subcore_barrier()
    pltpu.sync_copy(acc.at[pl.ds(s * NPT, NPT), :],
                    out.at[c, pl.ds(s * NPT, NPT), :])


def _np_c(f):
    a = np.zeros(f[0], np.float32)
    f[1](a)
    return a


def _fill_cnt(a):
    for j in range(4):
        a[32 * j + NM, 32 * j:32 * j + NM] = 1.0


def _fill_lo(a):
    for q in range(4):
        for f in range(NM):
            a[NM * q + f, 32 * q + f] = 1.0


def _fill_hi(a):
    for q in range(4):
        for f in range(NM):
            a[64 + NM * q + f, 32 * q + f] = 1.0


def _fill_g(a):
    for j in range(4):
        for f in range(NM):
            a[32 * j + f, f] = 1.0


def _fill_b(a):
    for j in range(4):
        for f in range(NM):
            a[f, 32 * j + f] = 1.0


def _fill_k(a):
    for q in range(4):
        for f in range(NM):
            a[32 * q + f, NM * q + f] = 1.0


def _fill_m(a):
    for j in range(4):
        a[0, 32 * j:32 * j + NM] = 1.0


_CNT = _np_c(((128, 128), _fill_cnt))
_ELO = _np_c(((128, 128), _fill_lo))
_EHI = _np_c(((128, 128), _fill_hi))
_G16 = _np_c(((128, NM), _fill_g))
_B16 = _np_c(((NM, 128), _fill_b))
_K64 = _np_c(((128, 64), _fill_k))
_MSK = _np_c(((1, 128), _fill_m))


def _combine_bn_body(p, nf2, gamr, betr, cntm, elo, ehi, g16, b16, k64, mskm,
                     out):
    t4 = p[0] + p[1]
    cntb = t4 @ cntm[...]
    msk = mskm[...]
    nf4 = jnp.stack(
        [nf2[...] @ elo[...], nf2[...] @ ehi[...]],
        axis=1).reshape(N // 4, 128)
    o4 = t4 * msk / jnp.maximum(cntb, 1.0) + nf4
    mu = (jnp.sum(o4, axis=0, keepdims=True) @ g16[...]) / N
    mu4 = mu @ b16[...]
    d = (o4 - mu4) * msk
    var = (jnp.sum(d * d, axis=0, keepdims=True) @ g16[...]) / N
    scale4 = (lax.rsqrt(var + 1e-5) * gamr[...]) @ b16[...]
    b4 = betr[...] @ b16[...]
    o4 = d * scale4 + b4
    o2 = o4.reshape(N // 8, 2, 128)
    out[...] = jnp.concatenate(
        [o2[:, 0, :] @ k64[...], o2[:, 1, :] @ k64[...]], axis=1)


_combine_bn = pl.pallas_call(
    _combine_bn_body,
    out_shape=jax.ShapeDtypeStruct((N // 8, 128), jnp.float32),
)


@functools.partial(
    pl.kernel,
    out_type=(jax.ShapeDtypeStruct((E, NM), jnp.float32),
              jax.ShapeDtypeStruct((E, NM), jnp.float32)),
    mesh=_mesh,
    compiler_params=_sc_params,
    scratch_types=[
        pltpu.VMEM((NCH, CHUNK), jnp.int32),
        pltpu.VMEM((NCH, CHUNK), jnp.int32),
        pltpu.VMEM((EPW, NM), jnp.float32),
        pltpu.SemaphoreType.DMA,
    ],
)
def _gather_out(table, dst2, src2, o_dst, o_src, idx_d, idx_s, rows_v, sem):
    w = lax.axis_index("s") * NC + lax.axis_index("c")
    pltpu.sync_copy(dst2.at[pl.ds(w * NCH, NCH), :], idx_d)
    pltpu.sync_copy(src2.at[pl.ds(w * NCH, NCH), :], idx_s)

    def run(idx_v, dst_hbm):
        def group(g, carry):
            base = g * KFIRE
            cps = [
                pltpu.async_copy(
                    table.at[idx_v.at[base + b]],
                    rows_v.at[pl.ds((base + b) * CHUNK, CHUNK), :],
                    sem,
                )
                for b in range(KFIRE)
            ]
            for cp in cps:
                cp.wait()
            return carry

        lax.fori_loop(0, NGRP, group, 0)
        pltpu.sync_copy(rows_v, dst_hbm.at[pl.ds(w * EPW, EPW), :])

    run(idx_d, o_dst)
    run(idx_s, o_src)


def _edge_update_body(eft, od_p, os_p, lin, w1, b1c, w2t, b2c, w3t, b3c,
                      lngc, lnbc, out):
    eye = jnp.eye(NM, dtype=jnp.float32)
    odt = _unpack16(od_p[...], eye)
    ost = _unpack16(os_p[...], eye)
    lin4 = lin[...] * 0.25
    ad = (lin4 @ w1[0:H, :]).T
    as_ = (lin4 @ w1[H:2 * H, :]).T
    mt = (ad @ odt + as_ @ ost + w1[2 * H:, :].T @ eft[...]
          + b1c[...])
    mt = jnp.maximum(mt, 0.0)
    mt = jnp.maximum(w2t[...] @ mt + b2c[...], 0.0)
    mt = w3t[...] @ mt + b3c[...]
    ef2 = eft[...] + mt
    mu = jnp.mean(ef2, axis=0, keepdims=True)
    var = jnp.mean((ef2 - mu) ** 2, axis=0, keepdims=True)
    out[...] = (ef2 - mu) * lax.rsqrt(var + 1e-5) * lngc[...] + lnbc[...]


_edge_update = pl.pallas_call(
    _edge_update_body,
    grid=(E // _BT,),
    in_specs=[
        pl.BlockSpec((H, _BT), lambda i: (0, i)),
        pl.BlockSpec((_BT // 8, 128), lambda i: (i, 0)),
        pl.BlockSpec((_BT // 8, 128), lambda i: (i, 0)),
        pl.BlockSpec((NM, H), lambda i: (0, 0)),
        pl.BlockSpec((3 * H, H), lambda i: (0, 0)),
        pl.BlockSpec((H, 1), lambda i: (0, 0)),
        pl.BlockSpec((H, H), lambda i: (0, 0)),
        pl.BlockSpec((H, 1), lambda i: (0, 0)),
        pl.BlockSpec((H, H), lambda i: (0, 0)),
        pl.BlockSpec((H, 1), lambda i: (0, 0)),
        pl.BlockSpec((H, 1), lambda i: (0, 0)),
        pl.BlockSpec((H, 1), lambda i: (0, 0)),
    ],
    out_specs=pl.BlockSpec((H, _BT), lambda i: (0, i)),
    out_shape=jax.ShapeDtypeStruct((H, E), jnp.float32),
    compiler_params=pltpu.CompilerParams(dimension_semantics=("parallel",)),
)


def kernel(node_features, edge_features, edge_sh, edge_index,
           W_fc1, b_fc1, W_fc2, b_fc2, bn_gamma, bn_beta,
           eu_lin_W, eu_W1, eu_b1, eu_W2, eu_b2, eu_W3, eu_b3,
           ln_gamma, ln_beta):
    dstp = (edge_index[0].reshape(E // _BT, 8, _BT // 8)
            .swapaxes(1, 2).reshape(E // CHUNK, CHUNK))
    srcp = (edge_index[1].reshape(E // _BT, 8, _BT // 8)
            .swapaxes(1, 2).reshape(E // CHUNK, CHUNK))
    srcp4 = (edge_index[1].reshape(E // _BT, 4, _BT // 4)
             .swapaxes(1, 2).reshape(E // CHUNK, CHUNK))
    eft = edge_features.T
    sht = edge_sh.T

    x = _gather_x(node_features, dstp)
    tp = _edge_tp(eft, x.reshape(E // 8, 128), sht,
                  W_fc1.T, b_fc1.reshape(H, 1),
                  W_fc2.T, b_fc2.reshape(WN, 1))
    partials = _scatter_tp(tp.reshape(E, PAD), srcp4,
                           jnp.zeros((N, PAD), jnp.float32))
    out_sc = _combine_bn(partials.reshape(NC, N // 4, 128),
                         node_features.reshape(N // 8, 128),
                         bn_gamma.reshape(1, NM),
                         bn_beta.reshape(1, NM),
                         jnp.asarray(_CNT), jnp.asarray(_ELO),
                         jnp.asarray(_EHI), jnp.asarray(_G16),
                         jnp.asarray(_B16), jnp.asarray(_K64),
                         jnp.asarray(_MSK)).reshape(N, NM)
    o_dst, o_src = _gather_out(out_sc, dstp, srcp)
    eft_out = _edge_update(eft, o_dst.reshape(E // 8, 128),
                           o_src.reshape(E // 8, 128),
                           eu_lin_W, eu_W1,
                           eu_b1.reshape(H, 1), eu_W2.T,
                           eu_b2.reshape(H, 1), eu_W3.T,
                           eu_b3.reshape(H, 1),
                           ln_gamma.reshape(H, 1),
                           ln_beta.reshape(H, 1))
    return (out_sc, eft_out.T)

# --- scband reference (transcript-rebuilt; emitter-appended) ---
"""Pipeline reference for scband-tensor-conv-layer-7627861918027 (READ-ONLY COPY).

The authoritative reference and input builder live on the scoring server;
editing this copy changes nothing except your own understanding.
"""

import jax, jax.numpy as jnp
import numpy as np

N = 20000
E = 160000
NODE_MUL = 16
SH_MUL = 1
H = 64
W_NUMEL = NODE_MUL * SH_MUL * NODE_MUL  # 256, fully-connected (uvw) tensor product weights per edge


def setup_inputs(seed: int = 0) -> dict:
    key = jax.random.key(seed)
    ks = jax.random.split(key, 20)
    inp = {}
    inp['node_features'] = jax.random.normal(ks[0], (N, NODE_MUL), dtype=jnp.float32)
    inp['edge_features'] = jax.random.normal(ks[1], (E, H), dtype=jnp.float32)
    inp['edge_sh'] = jax.random.normal(ks[2], (E, SH_MUL), dtype=jnp.float32)
    inp['edge_index'] = jax.random.randint(ks[3], (2, E), 0, N, dtype=jnp.int32)
    # main fc: Linear(h_edge, h_edge) -> ReLU -> Linear(h_edge, weight_numel)
    inp['W_fc1'] = jax.random.normal(ks[4], (H, H), jnp.float32) / np.sqrt(H)
    inp['b_fc1'] = jnp.zeros((H,), jnp.float32)
    inp['W_fc2'] = jax.random.normal(ks[5], (H, W_NUMEL), jnp.float32) / np.sqrt(H)
    inp['b_fc2'] = jnp.zeros((W_NUMEL,), jnp.float32)
    # e3nn BatchNorm affine params (scalar irreps -> per-channel)
    inp['bn_gamma'] = jnp.ones((NODE_MUL,), jnp.float32)
    inp['bn_beta'] = jnp.zeros((NODE_MUL,), jnp.float32)
    # EdgeUpdate: o3.Linear(node_irreps -> h_edge x 0e)
    inp['eu_lin_W'] = jax.random.normal(ks[6], (NODE_MUL, H), jnp.float32)
    # EdgeUpdate fc: Linear(3H, H) -> ReLU -> Linear(H, H) -> ReLU -> Linear(H, H)
    inp['eu_W1'] = jax.random.normal(ks[7], (3 * H, H), jnp.float32) / np.sqrt(3 * H)
    inp['eu_b1'] = jnp.zeros((H,), jnp.float32)
    inp['eu_W2'] = jax.random.normal(ks[8], (H, H), jnp.float32) / np.sqrt(H)
    inp['eu_b2'] = jnp.zeros((H,), jnp.float32)
    inp['eu_W3'] = jax.random.normal(ks[9], (H, H), jnp.float32) / np.sqrt(H)
    inp['eu_b3'] = jnp.zeros((H,), jnp.float32)
    inp['ln_gamma'] = jnp.ones((H,), jnp.float32)
    inp['ln_beta'] = jnp.zeros((H,), jnp.float32)
    return inp


def reference(node_features, edge_features, edge_sh, edge_index,
              W_fc1, b_fc1, W_fc2, b_fc2, bn_gamma, bn_beta,
              eu_lin_W, eu_W1, eu_b1, eu_W2, eu_b2, eu_W3, eu_b3,
              ln_gamma, ln_beta):
    edge_dst = edge_index[0]
    edge_src = edge_index[1]
    # per-edge tensor-product weights from edge features
    h = jax.nn.relu(edge_features @ W_fc1 + b_fc1)
    w = (h @ W_fc2 + b_fc2).reshape(E, NODE_MUL, SH_MUL, NODE_MUL)
    # FullyConnectedTensorProduct on scalar irreps: weighted bilinear with e3nn path norm 1/sqrt(mul1*mul2)
    x = jnp.take(node_features, edge_dst, axis=0)
    alpha = 1.0 / np.sqrt(NODE_MUL * SH_MUL)
    tp = jnp.einsum('ei,ej,eijk->ek', x, edge_sh, w) * alpha
    # scatter_mean over source nodes
    sums = jax.ops.segment_sum(tp, edge_src, num_segments=N)
    cnt = jax.ops.segment_sum(jnp.ones((E,), jnp.float32), edge_src, num_segments=N)
    out = sums / jnp.clip(cnt, 1.0, None)[:, None]
    # F.pad is a no-op here since out dim == node dim
    out = out + node_features
    # e3nn BatchNorm on scalar irreps (training-mode batch stats)
    mu = out.mean(axis=0)
    var = out.var(axis=0)
    out = (out - mu) / jnp.sqrt(var + 1e-5) * bn_gamma + bn_beta
    # EdgeUpdate
    atom_scalars = (out @ eu_lin_W) * (1.0 / np.sqrt(NODE_MUL))  # o3.Linear fan-in norm
    edge_in = jnp.concatenate([jnp.take(atom_scalars, edge_dst, axis=0),
                               jnp.take(atom_scalars, edge_src, axis=0),
                               edge_features], axis=-1)
    m = jax.nn.relu(edge_in @ eu_W1 + eu_b1)
    m = jax.nn.relu(m @ eu_W2 + eu_b2)
    m = m @ eu_W3 + eu_b3
    ef = edge_features + m
    mu2 = ef.mean(axis=-1, keepdims=True)
    var2 = ef.var(axis=-1, keepdims=True)
    ef = (ef - mu2) / jnp.sqrt(var2 + 1e-5) * ln_gamma + ln_beta
    return (out, ef)

if __name__ == "__main__":
    import jax
    _d = setup_inputs()
    print(jax.jit(kernel)(*tuple(_d.values())))

</pallas_src>

<mosaic_0001>
#map = affine_map<(d0, d1) -> (0, 0)>
module attributes {stable_mosaic.version = 14 : i64} {
  func.func @_gather_x(%arg0: i32, %arg1: i32, %arg2: memref<20000x16xf32, #tpu.memory_space<hbm>>, %arg3: memref<1280x125xi32, #tpu.memory_space<hbm>>, %arg4: memref<160000x16xf32, #tpu.memory_space<hbm>>, %arg5: memref<40x125xi32, #tpu.memory_space<vmem>>, %arg6: memref<5000x16xf32, #tpu.memory_space<vmem>>, %arg7: memref<!tpu.dma_semaphore, #tpu.memory_space<semaphore_mem>>) attributes {dimension_semantics = [#tpu.dimension_semantics<core_parallel>, #tpu.dimension_semantics<subcore_parallel>], iteration_bounds = array<i64: 2, 16>, scalar_prefetch = 0 : i64, scratch_operands = 3 : i64, tpu.core_type = #tpu.core_type<sc_vector_subcore>, window_params = [{transform_indices = #map}, {transform_indices = #map}, {transform_indices = #map}]} {
    %mul3A = arith.constant 2 : i32
    %mul3A_0 = arith.muli %arg1, %mul3A : i32
    %add3A = arith.addi %mul3A_0, %arg0 : i32
    %mul3A_1 = arith.constant 40 : i32
    %mul3A_2 = arith.muli %add3A, %mul3A_1 : i32
    "tpu.region"() ({
      %run_scoped3A = tpu.sem_alloc : memref<!tpu.dma_semaphore, #tpu.memory_space<semaphore_mem>>
      %dma_start3A = arith.constant 0 : i32
      %dma_start3A_10 = tpu.memref_slice %arg3[%mul3A_2, %dma_start3A] : memref<1280x125xi32, #tpu.memory_space<hbm>> -> memref<40x125xi32, #tpu.memory_space<hbm>>
      %dma_start3A_11 = arith.constant 0 : i32
      %dma_start3A_12 = tpu.memref_slice %arg3[%mul3A_2, %dma_start3A_11] : memref<1280x125xi32, #tpu.memory_space<hbm>> -> memref<40x125xi32, #tpu.memory_space<hbm>>
      tpu.enqueue_dma source(%dma_start3A_12 : memref<40x125xi32, #tpu.memory_space<hbm>>) target(%arg5 : memref<40x125xi32, #tpu.memory_space<vmem>>) target_semaphore(%run_scoped3A : memref<!tpu.dma_semaphore, #tpu.memory_space<semaphore_mem>>)
      %dma_wait3A = arith.constant 0 : i32
      %dma_wait3A_13 = tpu.memref_slice %arg3[%mul3A_2, %dma_wait3A] : memref<1280x125xi32, #tpu.memory_space<hbm>> -> memref<40x125xi32, #tpu.memory_space<hbm>>
      %dma_wait3A_14 = arith.constant 0 : i32
      %dma_wait3A_15 = tpu.memref_slice %arg3[%mul3A_2, %dma_wait3A_14] : memref<1280x125xi32, #tpu.memory_space<hbm>> -> memref<40x125xi32, #tpu.memory_space<hbm>>
      tpu.wait_dma2 semaphore(%run_scoped3A : memref<!tpu.dma_semaphore, #tpu.memory_space<semaphore_mem>>) src(%dma_wait3A_15 : memref<40x125xi32, #tpu.memory_space<hbm>>) dst(%arg5 : memref<40x125xi32, #tpu.memory_space<vmem>>)
      tpu.yield
    }) : () -> ()
    %scan3A = arith.constant 0 : i32
    %scan3A_3 = arith.constant 0 : i32
    %scan3A_4 = arith.constant 5 : i32
    %scan3A_5 = arith.addi %scan3A_3, %scan3A_4 : i32
    %scan3A_6 = arith.constant 1 : i32
    scf.for %scan3A_10 = %scan3A_3 to %scan3A_5 step %scan3A_6  : i32 {
      %mul3A_11 = arith.constant 8 : i32
      %mul3A_12 = arith.muli %scan3A_10, %mul3A_11 : i32
      %add3A_13 = arith.constant 0 : i32
      %add3A_14 = arith.addi %mul3A_12, %add3A_13 : i32
      %add3A_15 = arith.constant 0 : i32
      %add3A_16 = arith.addi %mul3A_12, %add3A_15 : i32
      %mul3A_17 = arith.constant 125 : i32
      %mul3A_18 = arith.muli %add3A_16, %mul3A_17 : i32
      %dma_start3A = arith.constant 0 : i32
      %dma_start3A_19 = tpu.memref_slice %arg6[%mul3A_18, %dma_start3A] : memref<5000x16xf32, #tpu.memory_space<vmem>> -> memref<125x16xf32, #tpu.memory_space<vmem>>
      %dma_start3A_20 = arith.constant 0 : i32
      %dma_start3A_21 = tpu.memref_slice %arg5[%add3A_14, %dma_start3A_20] : memref<40x125xi32, #tpu.memory_space<vmem>> -> memref<1x125xi32, #tpu.memory_space<vmem>>
      %dma_start3A_22 = tpu.memref_squeeze %dma_start3A_21 : memref<1x125xi32, #tpu.memory_space<vmem>> -> memref<125xi32, #tpu.memory_space<vmem>>
      %dma_start3A_23 = arith.constant 0 : i32
      %dma_start3A_24 = arith.constant 0 : i32
      %dma_start3A_25 = tpu.memref_slice %arg2[%dma_start3A_23, %dma_start3A_24] : memref<20000x16xf32, #tpu.memory_space<hbm>> -> memref<20000x16xf32, #tpu.memory_space<hbm>>
      tpu.enqueue_indirect_dma source(%dma_start3A_25 : memref<20000x16xf32, #tpu.memory_space<hbm>>) target(%dma_start3A_19 : memref<125x16xf32, #tpu.memory_space<vmem>>) offsets(%dma_start3A_22 : memref<125xi32, #tpu.memory_space<vmem>>) semaphore(%arg7 : memref<!tpu.dma_semaphore, #tpu.memory_space<semaphore_mem>>)
      %add3A_26 = arith.constant 1 : i32
      %add3A_27 = arith.addi %mul3A_12, %add3A_26 : i32
      %add3A_28 = arith.constant 1 : i32
      %add3A_29 = arith.addi %mul3A_12, %add3A_28 : i32
      %mul3A_30 = arith.constant 125 : i32
      %mul3A_31 = arith.muli %add3A_29, %mul3A_30 : i32
      %dma_start3A_32 = arith.constant 0 : i32
      %dma_start3A_33 = tpu.memref_slice %arg6[%mul3A_31, %dma_start3A_32] : memref<5000x16xf32, #tpu.memory_space<vmem>> -> memref<125x16xf32, #tpu.memory_space<vmem>>
      %dma_start3A_34 = arith.constant 0 : i32
      %dma_start3A_35 = tpu.memref_slice %arg5[%add3A_27, %dma_start3A_34] : memref<40x125xi32, #tpu.memory_space<vmem>> -> memref<1x125xi32, #tpu.memory_space<vmem>>
      %dma_start3A_36 = tpu.memref_squeeze %dma_start3A_35 : memref<1x125xi32, #tpu.memory_space<vmem>> -> memref<125xi32, #tpu.memory_space<vmem>>
      %dma_start3A_37 = arith.constant 0 : i32
      %dma_start3A_38 = arith.constant 0 : i32
      %dma_start3A_39 = tpu.memref_slice %arg2[%dma_start3A_37, %dma_start3A_38] : memref<20000x16xf32, #tpu.memory_space<hbm>> -> memref<20000x16xf32, #tpu.memory_space<hbm>>
      tpu.enqueue_indirect_dma source(%dma_start3A_39 : memref<20000x16xf32, #tpu.memory_space<hbm>>) target(%dma_start3A_33 : memref<125x16xf32, #tpu.memory_space<vmem>>) offsets(%dma_start3A_36 : memref<125xi32, #tpu.memory_space<vmem>>) semaphore(%arg7 : memref<!tpu.dma_semaphore, #tpu.memory_space<semaphore_mem>>)
      %add3A_40 = arith.constant 2 : i32
      %add3A_41 = arith.addi %mul3A_12, %add3A_40 : i32
      %add3A_42 = arith.constant 2 : i32
      %add3A_43 = arith.addi %mul3A_12, %add3A_42 : i32
      %mul3A_44 = arith.constant 125 : i32
      %mul3A_45 = arith.muli %add3A_43, %mul3A_44 : i32
      %dma_start3A_46 = arith.constant 0 : i32
      %dma_start3A_47 = tpu.memref_slice %arg6[%mul3A_45, %dma_start3A_46] : memref<5000x16xf32, #tpu.memory_space<vmem>> -> memref<125x16xf32, #tpu.memory_space<vmem>>
      %dma_start3A_48 = arith.constant 0 : i32
      %dma_start3A_49 = tpu.memref_slice %arg5[%add3A_41, %dma_start3A_48] : memref<40x125xi32, #tpu.memory_space<vmem>> -> memref<1x125xi32, #tpu.memory_space<vmem>>
      %dma_start3A_50 = tpu.memref_squeeze %dma_start3A_49 : memref<1x125xi32, #tpu.memory_space<vmem>> -> memref<125xi32, #tpu.memory_space<vmem>>
      %dma_start3A_51 = arith.constant 0 : i32
      %dma_start3A_52 = arith.constant 0 : i32
      %dma_start3A_53 = tpu.memref_slice %arg2[%dma_start3A_51, %dma_start3A_52] : memref<20000x16xf32, #tpu.memory_space<hbm>> -> memref<20000x16xf32, #tpu.memory_space<hbm>>
      tpu.enqueue_indirect_dma source(%dma_start3A_53 : memref<20000x16xf32, #tpu.memory_space<hbm>>) target(%dma_start3A_47 : memref<125x16xf32, #tpu.memory_space<vmem>>) offsets(%dma_start3A_50 : memref<125xi32, #tpu.memory_space<vmem>>) semaphore(%arg7 : memref<!tpu.dma_semaphore, #tpu.memory_space<semaphore_mem>>)
      %add3A_54 = arith.constant 3 : i32
      %add3A_55 = arith.addi %mul3A_12, %add3A_54 : i32
      %add3A_56 = arith.constant 3 : i32
      %add3A_57 = arith.addi %mul3A_12, %add3A_56 : i32
      %mul3A_58 = arith.constant 125 : i32
      %mul3A_59 = arith.muli %add3A_57, %mul3A_58 : i32
      %dma_start3A_60 = arith.constant 0 : i32
      %dma_start3A_61 = tpu.memref_slice %arg6[%mul3A_59, %dma_start3A_60] : memref<5000x16xf32, #tpu.memory_space<vmem>> -> memref<125x16xf32, #tpu.memory_space<vmem>>
      %dma_start3A_62 = arith.constant 0 : i32
      %dma_start3A_63 = tpu.memref_slice %arg5[%add3A_55, %dma_start3A_62] : memref<40x125xi32, #tpu.memory_space<vmem>> -> memref<1x125xi32, #tpu.memory_space<vmem>>
      %dma_start3A_64 = tpu.memref_squeeze %dma_start3A_63 : memref<1x125xi32, #tpu.memory_space<vmem>> -> memref<125xi32, #tpu.memory_space<vmem>>
      %dma_start3A_65 = arith.constant 0 : i32
      %dma_start3A_66 = arith.constant 0 : i32
      %dma_start3A_67 = tpu.memref_slice %arg2[%dma_start3A_65, %dma_start3A_66] : memref<20000x16xf32, #tpu.memory_space<hbm>> -> memref<20000x16xf32, #tpu.memory_space<hbm>>
      tpu.enqueue_indirect_dma source(%dma_start3A_67 : memref<20000x16xf32, #tpu.memory_space<hbm>>) target(%dma_start3A_61 : memref<125x16xf32, #tpu.memory_space<vmem>>) offsets(%dma_start3A_64 : memref<125xi32, #tpu.memory_space<vmem>>) semaphore(%arg7 : memref<!tpu.dma_semaphore, #tpu.memory_space<semaphore_mem>>)
      %add3A_68 = arith.constant 4 : i32
      %add3A_69 = arith.addi %mul3A_12, %add3A_68 : i32
      %add3A_70 = arith.constant 4 : i32
      %add3A_71 = arith.addi %mul3A_12, %add3A_70 : i32
      %mul3A_72 = arith.constant 125 : i32
      %mul3A_73 = arith.muli %add3A_71, %mul3A_72 : i32
      %dma_start3A_74 = arith.constant 0 : i32
      %dma_start3A_75 = tpu.memref_slice %arg6[%mul3A_73, %dma_start3A_74] : memref<5000x16xf32, #tpu.memory_space<vmem>> -> memref<125x16xf32, #tpu.memory_space<vmem>>
      %dma_start3A_76 = arith.constant 0 : i32
      %dma_start3A_77 = tpu.memref_slice %arg5[%add3A_69, %dma_start3A_76] : memref<40x125xi32, #tpu.memory_space<vmem>> -> memref<1x125xi32, #tpu.memory_space<vmem>>
      %dma_start3A_78 = tpu.memref_squeeze %dma_start3A_77 : memref<1x125xi32, #tpu.memory_space<vmem>> -> memref<125xi32, #tpu.memory_space<vmem>>
      %dma_start3A_79 = arith.constant 0 : i32
      %dma_start3A_80 = arith.constant 0 : i32
      %dma_start3A_81 = tpu.memref_slice %arg2[%dma_start3A_79, %dma_start3A_80] : memref<20000x16xf32, #tpu.memory_space<hbm>> -> memref<20000x16xf32, #tpu.memory_space<hbm>>
      tpu.enqueue_indirect_dma source(%dma_start3A_81 : memref<20000x16xf32, #tpu.memory_space<hbm>>) target(%dma_start3A_75 : memref<125x16xf32, #tpu.memory_space<vmem>>) offsets(%dma_start3A_78 : memref<125xi32, #tpu.memory_space<vmem>>) semaphore(%arg7 : memref<!tpu.dma_semaphore, #tpu.memory_space<semaphore_mem>>)
      %add3A_82 = arith.constant 5 : i32
      %add3A_83 = arith.addi %mul3A_12, %add3A_82 : i32
      %add3A_84 = arith.constant 5 : i32
      %add3A_85 = arith.addi %mul3A_12, %add3A_84 : i32
      %mul3A_86 = arith.constant 125 : i32
      %mul3A_87 = arith.muli %add3A_85, %mul3A_86 : i32
      %dma_start3A_88 = arith.constant 0 : i32
      %dma_start3A_89 = tpu.memref_slice %arg6[%mul3A_87, %dma_start3A_88] : memref<5000x16xf32, #tpu.memory_space<vmem>> -> memref<125x16xf32, #tpu.memory_space<vmem>>
      %dma_start3A_90 = arith.constant 0 : i32
      %dma_start3A_91 = tpu.memref_slice %arg5[%add3A_83, %dma_start3A_90] : memref<40x125xi32, #tpu.memory_space<vmem>> -> memref<1x125xi32, #tpu.memory_space<vmem>>
      %dma_start3A_92 = tpu.memref_squeeze %dma_start3A_91 : memref<1x125xi32, #tpu.memory_space<vmem>> -> memref<125xi32, #tpu.memory_space<vmem>>
      %dma_start3A_93 = arith.constant 0 : i32
      %dma_start3A_94 = arith.constant 0 : i32
      %dma_start3A_95 = tpu.memref_slice %arg2[%dma_start3A_93, %dma_start3A_94] : memref<20000x16xf32, #tpu.memory_space<hbm>> -> memref<20000x16xf32, #tpu.memory_space<hbm>>
      tpu.enqueue_indirect_dma source(%dma_start3A_95 : memref<20000x16xf32, #tpu.memory_space<hbm>>) target(%dma_start3A_89 : memref<125x16xf32, #tpu.memory_space<vmem>>) offsets(%dma_start3A_92 : memref<125xi32, #tpu.memory_space<vmem>>) semaphore(%arg7 : memref<!tpu.dma_semaphore, #tpu.memory_space<semaphore_mem>>)
      %add3A_96 = arith.constant 6 : i32
      %add3A_97 = arith.addi %mul3A_12, %add3A_96 : i32
      %add3A_98 = arith.constant 6 : i32
      %add3A_99 = arith.addi %mul3A_12, %add3A_98 : i32
      %mul3A_100 = arith.constant 125 : i32
      %mul3A_101 = arith.muli %add3A_99, %mul3A_100 : i32
      %dma_start3A_102 = arith.constant 0 : i32
      %dma_start3A_103 = tpu.memref_slice %arg6[%mul3A_101, %dma_start3A_102] : memref<5000x16xf32, #tpu.memory_space<vmem>> -> memref<125x16xf32, #tpu.memory_space<vmem>>
      %dma_start3A_104 = arith.constant 0 : i32
      %dma_start3A_105 = tpu.memref_slice %arg5[%add3A_97, %dma_start3A_104] : memref<40x125xi32, #tpu.memory_space<vmem>> -> memref<1x125xi32, #tpu.memory_space<vmem>>
      %dma_start3A_106 = tpu.memref_squeeze %dma_start3A_105 : memref<1x125xi32, #tpu.memory_space<vmem>> -> memref<125xi32, #tpu.memory_space<vmem>>
      %dma_start3A_107 = arith.constant 0 : i32
      %dma_start3A_108 = arith.constant 0 : i32
      %dma_start3A_109 = tpu.memref_slice %arg2[%dma_start3A_107, %dma_start3A_108] : memref<20000x16xf32, #tpu.memory_space<hbm>> -> memref<20000x16xf32, #tpu.memory_space<hbm>>
      tpu.enqueue_indirect_dma source(%dma_start3A_109 : memref<20000x16xf32, #tpu.memory_space<hbm>>) target(%dma_start3A_103 : memref<125x16xf32, #tpu.memory_space<vmem>>) offsets(%dma_start3A_106 : memref<125xi32, #tpu.memory_space<vmem>>) semaphore(%arg7 : memref<!tpu.dma_semaphore, #tpu.memory_space<semaphore_mem>>)
      %add3A_110 = arith.constant 7 : i32
      %add3A_111 = arith.addi %mul3A_12, %add3A_110 : i32
      %add3A_112 = arith.constant 7 : i32
      %add3A_113 = arith.addi %mul3A_12, %add3A_112 : i32
      %mul3A_114 = arith.constant 125 : i32
      %mul3A_115 = arith.muli %add3A_113, %mul3A_114 : i32
      %dma_start3A_116 = arith.constant 0 : i32
      %dma_start3A_117 = tpu.memref_slice %arg6[%mul3A_115, %dma_start3A_116] : memref<5000x16xf32, #tpu.memory_space<vmem>> -> memref<125x16xf32, #tpu.memory_space<vmem>>
      %dma_start3A_118 = arith.constant 0 : i32
      %dma_start3A_119 = tpu.memref_slice %arg5[%add3A_111, %dma_start3A_118] : memref<40x125xi32, #tpu.memory_space<vmem>> -> memref<1x125xi32, #tpu.memory_space<vmem>>
      %dma_start3A_120 = tpu.memref_squeeze %dma_start3A_119 : memref<1x125xi32, #tpu.memory_space<vmem>> -> memref<125xi32, #tpu.memory_space<vmem>>
      %dma_start3A_121 = arith.constant 0 : i32
      %dma_start3A_122 = arith.constant 0 : i32
      %dma_start3A_123 = tpu.memref_slice %arg2[%dma_start3A_121, %dma_start3A_122] : memref<20000x16xf32, #tpu.memory_space<hbm>> -> memref<20000x16xf32, #tpu.memory_space<hbm>>
      tpu.enqueue_indirect_dma source(%dma_start3A_123 : memref<20000x16xf32, #tpu.memory_space<hbm>>) target(%dma_start3A_117 : memref<125x16xf32, #tpu.memory_space<vmem>>) offsets(%dma_start3A_120 : memref<125xi32, #tpu.memory_space<vmem>>) semaphore(%arg7 : memref<!tpu.dma_semaphore, #tpu.memory_space<semaphore_mem>>)
      %dma_wait3A = arith.constant 0 : i32
      %dma_wait3A_124 = tpu.memref_slice %arg6[%mul3A_18, %dma_wait3A] : memref<5000x16xf32, #tpu.memory_space<vmem>> -> memref<125x16xf32, #tpu.memory_space<vmem>>
      %dma_wait3A_125 = arith.constant 0 : i32
      %dma_wait3A_126 = tpu.memref_slice %arg5[%add3A_14, %dma_wait3A_125] : memref<40x125xi32, #tpu.memory_space<vmem>> -> memref<1x125xi32, #tpu.memory_space<vmem>>
      %dma_wait3A_127 = tpu.memref_squeeze %dma_wait3A_126 : memref<1x125xi32, #tpu.memory_space<vmem>> -> memref<125xi32, #tpu.memory_space<vmem>>
      %dma_wait3A_128 = arith.constant 0 : i32
      %dma_wait3A_129 = arith.constant 0 : i32
      %dma_wait3A_130 = tpu.memref_slice %arg2[%dma_wait3A_128, %dma_wait3A_129] : memref<20000x16xf32, #tpu.memory_space<hbm>> -> memref<20000x16xf32, #tpu.memory_space<hbm>>
      tpu.wait_indirect_dma semaphore(%arg7 : memref<!tpu.dma_semaphore, #tpu.memory_space<semaphore_mem>>) src(%dma_wait3A_130 : memref<20000x16xf32, #tpu.memory_space<hbm>>) dst(%dma_wait3A_124 : memref<125x16xf32, #tpu.memory_space<vmem>>)
      %dma_wait3A_131 = arith.constant 0 : i32
      %dma_wait3A_132 = tpu.memref_slice %arg6[%mul3A_31, %dma_wait3A_131] : memref<5000x16xf32, #tpu.memory_space<vmem>> -> memref<125x16xf32, #tpu.memory_space<vmem>>
      %dma_wait3A_133 = arith.constant 0 : i32
      %dma_wait3A_134 = tpu.memref_slice %arg5[%add3A_27, %dma_wait3A_133] : memref<40x125xi32, #tpu.memory_space<vmem>> -> memref<1x125xi32, #tpu.memory_space<vmem>>
      %dma_wait3A_135 = tpu.memref_squeeze %dma_wait3A_134 : memref<1x125xi32, #tpu.memory_space<vmem>> -> memref<125xi32, #tpu.memory_space<vmem>>
      %dma_wait3A_136 = arith.constant 0 : i32
      %dma_wait3A_137 = arith.constant 0 : i32
      %dma_wait3A_138 = tpu.memref_slice %arg2[%dma_wait3A_136, %dma_wait3A_137] : memref<20000x16xf32, #tpu.memory_space<hbm>> -> memref<20000x16xf32, #tpu.memory_space<hbm>>
      tpu.wait_indirect_dma semaphore(%arg7 : memref<!tpu.dma_semaphore, #tpu.memory_space<semaphore_mem>>) src(%dma_wait3A_138 : memref<20000x16xf32, #tpu.memory_space<hbm>>) dst(%dma_wait3A_132 : memref<125x16xf32, #tpu.memory_space<vmem>>)
      %dma_wait3A_139 = arith.constant 0 : i32
      %dma_wait3A_140 = tpu.memref_slice %arg6[%mul3A_45, %dma_wait3A_139] : memref<5000x16xf32, #tpu.memory_space<vmem>> -> memref<125x16xf32, #tpu.memory_space<vmem>>
      %dma_wait3A_141 = arith.constant 0 : i32
      %dma_wait3A_142 = tpu.memref_slice %arg5[%add3A_41, %dma_wait3A_141] : memref<40x125xi32, #tpu.memory_space<vmem>> -> memref<1x125xi32, #tpu.memory_space<vmem>>
      %dma_wait3A_143 = tpu.memref_squeeze %dma_wait3A_142 : memref<1x125xi32, #tpu.memory_space<vmem>> -> memref<125xi32, #tpu.memory_space<vmem>>
      %dma_wait3A_144 = arith.constant 0 : i32
      %dma_wait3A_145 = arith.constant 0 : i32
      %dma_wait3A_146 = tpu.memref_slice %arg2[%dma_wait3A_144, %dma_wait3A_145] : memref<20000x16xf32, #tpu.memory_space<hbm>> -> memref<20000x16xf32, #tpu.memory_space<hbm>>
      tpu.wait_indirect_dma semaphore(%arg7 : memref<!tpu.dma_semaphore, #tpu.memory_space<semaphore_mem>>) src(%dma_wait3A_146 : memref<20000x16xf32, #tpu.memory_space<hbm>>) dst(%dma_wait3A_140 : memref<125x16xf32, #tpu.memory_space<vmem>>)
      %dma_wait3A_147 = arith.constant 0 : i32
      %dma_wait3A_148 = tpu.memref_slice %arg6[%mul3A_59, %dma_wait3A_147] : memref<5000x16xf32, #tpu.memory_space<vmem>> -> memref<125x16xf32, #tpu.memory_space<vmem>>
      %dma_wait3A_149 = arith.constant 0 : i32
      %dma_wait3A_150 = tpu.memref_slice %arg5[%add3A_55, %dma_wait3A_149] : memref<40x125xi32, #tpu.memory_space<vmem>> -> memref<1x125xi32, #tpu.memory_space<vmem>>
      %dma_wait3A_151 = tpu.memref_squeeze %dma_wait3A_150 : memref<1x125xi32, #tpu.memory_space<vmem>> -> memref<125xi32, #tpu.memory_space<vmem>>
      %dma_wait3A_152 = arith.constant 0 : i32
      %dma_wait3A_153 = arith.constant 0 : i32
      %dma_wait3A_154 = tpu.memref_slice %arg2[%dma_wait3A_152, %dma_wait3A_153] : memref<20000x16xf32, #tpu.memory_space<hbm>> -> memref<20000x16xf32, #tpu.memory_space<hbm>>
      tpu.wait_indirect_dma semaphore(%arg7 : memref<!tpu.dma_semaphore, #tpu.memory_space<semaphore_mem>>) src(%dma_wait3A_154 : memref<20000x16xf32, #tpu.memory_space<hbm>>) dst(%dma_wait3A_148 : memref<125x16xf32, #tpu.memory_space<vmem>>)
      %dma_wait3A_155 = arith.constant 0 : i32
      %dma_wait3A_156 = tpu.memref_slice %arg6[%mul3A_73, %dma_wait3A_155] : memref<5000x16xf32, #tpu.memory_space<vmem>> -> memref<125x16xf32, #tpu.memory_space<vmem>>
      %dma_wait3A_157 = arith.constant 0 : i32
      %dma_wait3A_158 = tpu.memref_slice %arg5[%add3A_69, %dma_wait3A_157] : memref<40x125xi32, #tpu.memory_space<vmem>> -> memref<1x125xi32, #tpu.memory_space<vmem>>
      %dma_wait3A_159 = tpu.memref_squeeze %dma_wait3A_158 : memref<1x125xi32, #tpu.memory_space<vmem>> -> memref<125xi32, #tpu.memory_space<vmem>>
      %dma_wait3A_160 = arith.constant 0 : i32
      %dma_wait3A_161 = arith.constant 0 : i32
      %dma_wait3A_162 = tpu.memref_slice %arg2[%dma_wait3A_160, %dma_wait3A_161] : memref<20000x16xf32, #tpu.memory_space<hbm>> -> memref<20000x16xf32, #tpu.memory_space<hbm>>
      tpu.wait_indirect_dma semaphore(%arg7 : memref<!tpu.dma_semaphore, #tpu.memory_space<semaphore_mem>>) src(%dma_wait3A_162 : memref<20000x16xf32, #tpu.memory_space<hbm>>) dst(%dma_wait3A_156 : memref<125x16xf32, #tpu.memory_space<vmem>>)
      %dma_wait3A_163 = arith.constant 0 : i32
      %dma_wait3A_164 = tpu.memref_slice %arg6[%mul3A_87, %dma_wait3A_163] : memref<5000x16xf32, #tpu.memory_space<vmem>> -> memref<125x16xf32, #tpu.memory_space<vmem>>
      %dma_wait3A_165 = arith.constant 0 : i32
      %dma_wait3A_166 = tpu.memref_slice %arg5[%add3A_83, %dma_wait3A_165] : memref<40x125xi32, #tpu.memory_space<vmem>> -> memref<1x125xi32, #tpu.memory_space<vmem>>
      %dma_wait3A_167 = tpu.memref_squeeze %dma_wait3A_166 : memref<1x125xi32, #tpu.memory_space<vmem>> -> memref<125xi32, #tpu.memory_space<vmem>>
      %dma_wait3A_168 = arith.constant 0 : i32
      %dma_wait3A_169 = arith.constant 0 : i32
      %dma_wait3A_170 = tpu.memref_slice %arg2[%dma_wait3A_168, %dma_wait3A_169] : memref<20000x16xf32, #tpu.memory_space<hbm>> -> memref<20000x16xf32, #tpu.memory_space<hbm>>
      tpu.wait_indirect_dma semaphore(%arg7 : memref<!tpu.dma_semaphore, #tpu.memory_space<semaphore_mem>>) src(%dma_wait3A_170 : memref<20000x16xf32, #tpu.memory_space<hbm>>) dst(%dma_wait3A_164 : memref<125x16xf32, #tpu.memory_space<vmem>>)
      %dma_wait3A_171 = arith.constant 0 : i32
      %dma_wait3A_172 = tpu.memref_slice %arg6[%mul3A_101, %dma_wait3A_171] : memref<5000x16xf32, #tpu.memory_space<vmem>> -> memref<125x16xf32, #tpu.memory_space<vmem>>
      %dma_wait3A_173 = arith.constant 0 : i32
      %dma_wait3A_174 = tpu.memref_slice %arg5[%add3A_97, %dma_wait3A_173] : memref<40x125xi32, #tpu.memory_space<vmem>> -> memref<1x125xi32, #tpu.memory_space<vmem>>
      %dma_wait3A_175 = tpu.memref_squeeze %dma_wait3A_174 : memref<1x125xi32, #tpu.memory_space<vmem>> -> memref<125xi32, #tpu.memory_space<vmem>>
      %dma_wait3A_176 = arith.constant 0 : i32
      %dma_wait3A_177 = arith.constant 0 : i32
      %dma_wait3A_178 = tpu.memref_slice %arg2[%dma_wait3A_176, %dma_wait3A_177] : memref<20000x16xf32, #tpu.memory_space<hbm>> -> memref<20000x16xf32, #tpu.memory_space<hbm>>
      tpu.wait_indirect_dma semaphore(%arg7 : memref<!tpu.dma_semaphore, #tpu.memory_space<semaphore_mem>>) src(%dma_wait3A_178 : memref<20000x16xf32, #tpu.memory_space<hbm>>) dst(%dma_wait3A_172 : memref<125x16xf32, #tpu.memory_space<vmem>>)
      %dma_wait3A_179 = arith.constant 0 : i32
      %dma_wait3A_180 = tpu.memref_slice %arg6[%mul3A_115, %dma_wait3A_179] : memref<5000x16xf32, #tpu.memory_space<vmem>> -> memref<125x16xf32, #tpu.memory_space<vmem>>
      %dma_wait3A_181 = arith.constant 0 : i32
      %dma_wait3A_182 = tpu.memref_slice %arg5[%add3A_111, %dma_wait3A_181] : memref<40x125xi32, #tpu.memory_space<vmem>> -> memref<1x125xi32, #tpu.memory_space<vmem>>
      %dma_wait3A_183 = tpu.memref_squeeze %dma_wait3A_182 : memref<1x125xi32, #tpu.memory_space<vmem>> -> memref<125xi32, #tpu.memory_space<vmem>>
      %dma_wait3A_184 = arith.constant 0 : i32
      %dma_wait3A_185 = arith.constant 0 : i32
      %dma_wait3A_186 = tpu.memref_slice %arg2[%dma_wait3A_184, %dma_wait3A_185] : memref<20000x16xf32, #tpu.memory_space<hbm>> -> memref<20000x16xf32, #tpu.memory_space<hbm>>
      tpu.wait_indirect_dma semaphore(%arg7 : memref<!tpu.dma_semaphore, #tpu.memory_space<semaphore_mem>>) src(%dma_wait3A_186 : memref<20000x16xf32, #tpu.memory_space<hbm>>) dst(%dma_wait3A_180 : memref<125x16xf32, #tpu.memory_space<vmem>>)
    }
    %scan3A_7 = arith.constant 5 : i32
    %mul3A_8 = arith.constant 5000 : i32
    %mul3A_9 = arith.muli %add3A, %mul3A_8 : i32
    "tpu.region"() ({
      %run_scoped3A = tpu.sem_alloc : memref<!tpu.dma_semaphore, #tpu.memory_space<semaphore_mem>>
      %dma_start3A = arith.constant 0 : i32
      %dma_start3A_10 = tpu.memref_slice %arg4[%mul3A_9, %dma_start3A] : memref<160000x16xf32, #tpu.memory_space<hbm>> -> memref<5000x16xf32, #tpu.memory_space<hbm>>
      %dma_start3A_11 = arith.constant 0 : i32
      %dma_start3A_12 = tpu.memref_slice %arg4[%mul3A_9, %dma_start3A_11] : memref<160000x16xf32, #tpu.memory_space<hbm>> -> memref<5000x16xf32, #tpu.memory_space<hbm>>
      tpu.enqueue_dma source(%arg6 : memref<5000x16xf32, #tpu.memory_space<vmem>>) target(%dma_start3A_12 : memref<5000x16xf32, #tpu.memory_space<hbm>>) target_semaphore(%run_scoped3A : memref<!tpu.dma_semaphore, #tpu.memory_space<semaphore_mem>>)
      %dma_wait3A = arith.constant 0 : i32
      %dma_wait3A_13 = tpu.memref_slice %arg4[%mul3A_9, %dma_wait3A] : memref<160000x16xf32, #tpu.memory_space<hbm>> -> memref<5000x16xf32, #tpu.memory_space<hbm>>
      %dma_wait3A_14 = arith.constant 0 : i32
      %dma_wait3A_15 = tpu.memref_slice %arg4[%mul3A_9, %dma_wait3A_14] : memref<160000x16xf32, #tpu.memory_space<hbm>> -> memref<5000x16xf32, #tpu.memory_space<hbm>>
      tpu.wait_dma2 semaphore(%run_scoped3A : memref<!tpu.dma_semaphore, #tpu.memory_space<semaphore_mem>>) src(%arg6 : memref<5000x16xf32, #tpu.memory_space<vmem>>) dst(%dma_wait3A_15 : memref<5000x16xf32, #tpu.memory_space<hbm>>)
      tpu.yield
    }) : () -> ()
    return
  }
}

#map = affine_map<(d0, d1) -> (0, 0)>
module attributes {stable_mosaic.version = 14 : i64} {
  func.func @_gather_out(%arg0: i32, %arg1: i32, %arg2: memref<20000x16xf32, #tpu.memory_space<hbm>>, %arg3: memref<1280x125xi32, #tpu.memory_space<hbm>>, %arg4: memref<1280x125xi32, #tpu.memory_space<hbm>>, %arg5: memref<160000x16xf32, #tpu.memory_space<hbm>>, %arg6: memref<160000x16xf32, #tpu.memory_space<hbm>>, %arg7: memref<40x125xi32, #tpu.memory_space<vmem>>, %arg8: memref<40x125xi32, #tpu.memory_space<vmem>>, %arg9: memref<5000x16xf32, #tpu.memory_space<vmem>>, %arg10: memref<!tpu.dma_semaphore, #tpu.memory_space<semaphore_mem>>) attributes {dimension_semantics = [#tpu.dimension_semantics<core_parallel>, #tpu.dimension_semantics<subcore_parallel>], iteration_bounds = array<i64: 2, 16>, scalar_prefetch = 0 : i64, scratch_operands = 4 : i64, tpu.core_type = #tpu.core_type<sc_vector_subcore>, window_params = [{transform_indices = #map}, {transform_indices = #map}, {transform_indices = #map}, {transform_indices = #map}, {transform_indices = #map}]} {
    %mul3A = arith.constant 2 : i32
    %mul3A_0 = arith.muli %arg1, %mul3A : i32
    %add3A = arith.addi %mul3A_0, %arg0 : i32
    %mul3A_1 = arith.constant 40 : i32
    %mul3A_2 = arith.muli %add3A, %mul3A_1 : i32
    "tpu.region"() ({
      %run_scoped3A = tpu.sem_alloc : memref<!tpu.dma_semaphore, #tpu.memory_space<semaphore_mem>>
      %dma_start3A = arith.constant 0 : i32
      %dma_start3A_20 = tpu.memref_slice %arg3[%mul3A_2, %dma_start3A] : memref<1280x125xi32, #tpu.memory_space<hbm>> -> memref<40x125xi32, #tpu.memory_space<hbm>>
      %dma_start3A_21 = arith.constant 0 : i32
      %dma_start3A_22 = tpu.memref_slice %arg3[%mul3A_2, %dma_start3A_21] : memref<1280x125xi32, #tpu.memory_space<hbm>> -> memref<40x125xi32, #tpu.memory_space<hbm>>
      tpu.enqueue_dma source(%dma_start3A_22 : memref<40x125xi32, #tpu.memory_space<hbm>>) target(%arg7 : memref<40x125xi32, #tpu.memory_space<vmem>>) target_semaphore(%run_scoped3A : memref<!tpu.dma_semaphore, #tpu.memory_space<semaphore_mem>>)
      %dma_wait3A = arith.constant 0 : i32
      %dma_wait3A_23 = tpu.memref_slice %arg3[%mul3A_2, %dma_wait3A] : memref<1280x125xi32, #tpu.memory_space<hbm>> -> memref<40x125xi32, #tpu.memory_space<hbm>>
      %dma_wait3A_24 = arith.constant 0 : i32
      %dma_wait3A_25 = tpu.memref_slice %arg3[%mul3A_2, %dma_wait3A_24] : memref<1280x125xi32, #tpu.memory_space<hbm>> -> memref<40x125xi32, #tpu.memory_space<hbm>>
      tpu.wait_dma2 semaphore(%run_scoped3A : memref<!tpu.dma_semaphore, #tpu.memory_space<semaphore_mem>>) src(%dma_wait3A_25 : memref<40x125xi32, #tpu.memory_space<hbm>>) dst(%arg7 : memref<40x125xi32, #tpu.memory_space<vmem>>)
      tpu.yield
    }) : () -> ()
    %mul3A_3 = arith.constant 40 : i32
    %mul3A_4 = arith.muli %add3A, %mul3A_3 : i32
    "tpu.region"() ({
      %run_scoped3A = tpu.sem_alloc : memref<!tpu.dma_semaphore, #tpu.memory_space<semaphore_mem>>
      %dma_start3A = arith.constant 0 : i32
      %dma_start3A_20 = tpu.memref_slice %arg4[%mul3A_4, %dma_start3A] : memref<1280x125xi32, #tpu.memory_space<hbm>> -> memref<40x125xi32, #tpu.memory_space<hbm>>
      %dma_start3A_21 = arith.constant 0 : i32
      %dma_start3A_22 = tpu.memref_slice %arg4[%mul3A_4, %dma_start3A_21] : memref<1280x125xi32, #tpu.memory_space<hbm>> -> memref<40x125xi32, #tpu.memory_space<hbm>>
      tpu.enqueue_dma source(%dma_start3A_22 : memref<40x125xi32, #tpu.memory_space<hbm>>) target(%arg8 : memref<40x125xi32, #tpu.memory_space<vmem>>) target_semaphore(%run_scoped3A : memref<!tpu.dma_semaphore, #tpu.memory_space<semaphore_mem>>)
      %dma_wait3A = arith.constant 0 : i32
      %dma_wait3A_23 = tpu.memref_slice %arg4[%mul3A_4, %dma_wait3A] : memref<1280x125xi32, #tpu.memory_space<hbm>> -> memref<40x125xi32, #tpu.memory_space<hbm>>
      %dma_wait3A_24 = arith.constant 0 : i32
      %dma_wait3A_25 = tpu.memref_slice %arg4[%mul3A_4, %dma_wait3A_24] : memref<1280x125xi32, #tpu.memory_space<hbm>> -> memref<40x125xi32, #tpu.memory_space<hbm>>
      tpu.wait_dma2 semaphore(%run_scoped3A : memref<!tpu.dma_semaphore, #tpu.memory_space<semaphore_mem>>) src(%dma_wait3A_25 : memref<40x125xi32, #tpu.memory_space<hbm>>) dst(%arg8 : memref<40x125xi32, #tpu.memory_space<vmem>>)
      tpu.yield
    }) : () -> ()
    %scan3A = arith.constant 0 : i32
    %scan3A_5 = arith.constant 0 : i32
    %scan3A_6 = arith.constant 5 : i32
    %scan3A_7 = arith.addi %scan3A_5, %scan3A_6 : i32
    %scan3A_8 = arith.constant 1 : i32
    scf.for %scan3A_20 = %scan3A_5 to %scan3A_7 step %scan3A_8  : i32 {
      %mul3A_21 = arith.constant 8 : i32
      %mul3A_22 = arith.muli %scan3A_20, %mul3A_21 : i32
      %add3A_23 = arith.constant 0 : i32
      %add3A_24 = arith.addi %mul3A_22, %add3A_23 : i32
      %add3A_25 = arith.constant 0 : i32
      %add3A_26 = arith.addi %mul3A_22, %add3A_25 : i32
      %mul3A_27 = arith.constant 125 : i32
      %mul3A_28 = arith.muli %add3A_26, %mul3A_27 : i32
      %dma_start3A = arith.constant 0 : i32
      %dma_start3A_29 = tpu.memref_slice %arg9[%mul3A_28, %dma_start3A] : memref<5000x16xf32, #tpu.memory_space<vmem>> -> memref<125x16xf32, #tpu.memory_space<vmem>>
      %dma_start3A_30 = arith.constant 0 : i32
      %dma_start3A_31 = tpu.memref_slice %arg7[%add3A_24, %dma_start3A_30] : memref<40x125xi32, #tpu.memory_space<vmem>> -> memref<1x125xi32, #tpu.memory_space<vmem>>
      %dma_start3A_32 = tpu.memref_squeeze %dma_start3A_31 : memref<1x125xi32, #tpu.memory_space<vmem>> -> memref<125xi32, #tpu.memory_space<vmem>>
      %dma_start3A_33 = arith.constant 0 : i32
      %dma_start3A_34 = arith.constant 0 : i32
      %dma_start3A_35 = tpu.memref_slice %arg2[%dma_start3A_33, %dma_start3A_34] : memref<20000x16xf32, #tpu.memory_space<hbm>> -> memref<20000x16xf32, #tpu.memory_space<hbm>>
      tpu.enqueue_indirect_dma source(%dma_start3A_35 : memref<20000x16xf32, #tpu.memory_space<hbm>>) target(%dma_start3A_29 : memref<125x16xf32, #tpu.memory_space<vmem>>) offsets(%dma_start3A_32 : memref<125xi32, #tpu.memory_space<vmem>>) semaphore(%arg10 : memref<!tpu.dma_semaphore, #tpu.memory_space<semaphore_mem>>)
      %add3A_36 = arith.constant 1 : i32
      %add3A_37 = arith.addi %mul3A_22, %add3A_36 : i32
      %add3A_38 = arith.constant 1 : i32
      %add3A_39 = arith.addi %mul3A_22, %add3A_38 : i32
      %mul3A_40 = arith.constant 125 : i32
      %mul3A_41 = arith.muli %add3A_39, %mul3A_40 : i32
      %dma_start3A_42 = arith.constant 0 : i32
      %dma_start3A_43 = tpu.memref_slice %arg9[%mul3A_41, %dma_start3A_42] : memref<5000x16xf32, #tpu.memory_space<vmem>> -> memref<125x16xf32, #tpu.memory_space<vmem>>
      %dma_start3A_44 = arith.constant 0 : i32
      %dma_start3A_45 = tpu.memref_slice %arg7[%add3A_37, %dma_start3A_44] : memref<40x125xi32, #tpu.memory_space<vmem>> -> memref<1x125xi32, #tpu.memory_space<vmem>>
      %dma_start3A_46 = tpu.memref_squeeze %dma_start3A_45 : memref<1x125xi32, #tpu.memory_space<vmem>> -> memref<125xi32, #tpu.memory_space<vmem>>
      %dma_start3A_47 = arith.constant 0 : i32
      %dma_start3A_48 = arith.constant 0 : i32
      %dma_start3A_49 = tpu.memref_slice %arg2[%dma_start3A_47, %dma_start3A_48] : memref<20000x16xf32, #tpu.memory_space<hbm>> -> memref<20000x16xf32, #tpu.memory_space<hbm>>
      tpu.enqueue_indirect_dma source(%dma_start3A_49 : memref<20000x16xf32, #tpu.memory_space<hbm>>) target(%dma_start3A_43 : memref<125x16xf32, #tpu.memory_space<vmem>>) offsets(%dma_start3A_46 : memref<125xi32, #tpu.memory_space<vmem>>) semaphore(%arg10 : memref<!tpu.dma_semaphore, #tpu.memory_space<semaphore_mem>>)
      %add3A_50 = arith.constant 2 : i32
      %add3A_51 = arith.addi %mul3A_22, %add3A_50 : i32
      %add3A_52 = arith.constant 2 : i32
      %add3A_53 = arith.addi %mul3A_22, %add3A_52 : i32
      %mul3A_54 = arith.constant 125 : i32
      %mul3A_55 = arith.muli %add3A_53, %mul3A_54 : i32
      %dma_start3A_56 = arith.constant 0 : i32
      %dma_start3A_57 = tpu.memref_slice %arg9[%mul3A_55, %dma_start3A_56] : memref<5000x16xf32, #tpu.memory_space<vmem>> -> memref<125x16xf32, #tpu.memory_space<vmem>>
      %dma_start3A_58 = arith.constant 0 : i32
      %dma_start3A_59 = tpu.memref_slice %arg7[%add3A_51, %dma_start3A_58] : memref<40x125xi32, #tpu.memory_space<vmem>> -> memref<1x125xi32, #tpu.memory_space<vmem>>
      %dma_start3A_60 = tpu.memref_squeeze %dma_start3A_59 : memref<1x125xi32, #tpu.memory_space<vmem>> -> memref<125xi32, #tpu.memory_space<vmem>>
      %dma_start3A_61 = arith.constant 0 : i32
      %dma_start3A_62 = arith.constant 0 : i32
      %dma_start3A_63 = tpu.memref_slice %arg2[%dma_start3A_61, %dma_start3A_62] : memref<20000x16xf32, #tpu.memory_space<hbm>> -> memref<20000x16xf32, #tpu.memory_space<hbm>>
      tpu.enqueue_indirect_dma source(%dma_start3A_63 : memref<20000x16xf32, #tpu.memory_space<hbm>>) target(%dma_start3A_57 : memref<125x16xf32, #tpu.memory_space<vmem>>) offsets(%dma_start3A_60 : memref<125xi32, #tpu.memory_space<vmem>>) semaphore(%arg10 : memref<!tpu.dma_semaphore, #tpu.memory_space<semaphore_mem>>)
      %add3A_64 = arith.constant 3 : i32
      %add3A_65 = arith.addi %mul3A_22, %add3A_64 : i32
      %add3A_66 = arith.constant 3 : i32
      %add3A_67 = arith.addi %mul3A_22, %add3A_66 : i32
      %mul3A_68 = arith.constant 125 : i32
      %mul3A_69 = arith.muli %add3A_67, %mul3A_68 : i32
      %dma_start3A_70 = arith.constant 0 : i32
      %dma_start3A_71 = tpu.memref_slice %arg9[%mul3A_69, %dma_start3A_70] : memref<5000x16xf32, #tpu.memory_space<vmem>> -> memref<125x16xf32, #tpu.memory_space<vmem>>
      %dma_start3A_72 = arith.constant 0 : i32
      %dma_start3A_73 = tpu.memref_slice %arg7[%add3A_65, %dma_start3A_72] : memref<40x125xi32, #tpu.memory_space<vmem>> -> memref<1x125xi32, #tpu.memory_space<vmem>>
      %dma_start3A_74 = tpu.memref_squeeze %dma_start3A_73 : memref<1x125xi32, #tpu.memory_space<vmem>> -> memref<125xi32, #tpu.memory_space<vmem>>
      %dma_start3A_75 = arith.constant 0 : i32
      %dma_start3A_76 = arith.constant 0 : i32
      %dma_start3A_77 = tpu.memref_slice %arg2[%dma_start3A_75, %dma_start3A_76] : memref<20000x16xf32, #tpu.memory_space<hbm>> -> memref<20000x16xf32, #tpu.memory_space<hbm>>
      tpu.enqueue_indirect_dma source(%dma_start3A_77 : memref<20000x16xf32, #tpu.memory_space<hbm>>) target(%dma_start3A_71 : memref<125x16xf32, #tpu.memory_space<vmem>>) offsets(%dma_start3A_74 : memref<125xi32, #tpu.memory_space<vmem>>) semaphore(%arg10 : memref<!tpu.dma_semaphore, #tpu.memory_space<semaphore_mem>>)
      %add3A_78 = arith.constant 4 : i32
      %add3A_79 = arith.addi %mul3A_22, %add3A_78 : i32
      %add3A_80 = arith.constant 4 : i32
      %add3A_81 = arith.addi %mul3A_22, %add3A_80 : i32
      %mul3A_82 = arith.constant 125 : i32
      %mul3A_83 = arith.muli %add3A_81, %mul3A_82 : i32
      %dma_start3A_84 = arith.constant 0 : i32
      %dma_start3A_85 = tpu.memref_slice %arg9[%mul3A_83, %dma_start3A_84] : memref<5000x16xf32, #tpu.memory_space<vmem>> -> memref<125x16xf32, #tpu.memory_space<vmem>>
      %dma_start3A_86 = arith.constant 0 : i32
      %dma_start3A_87 = tpu.memref_slice %arg7[%add3A_79, %dma_start3A_86] : memref<40x125xi32, #tpu.memory_space<vmem>> -> memref<1x125xi32, #tpu.memory_space<vmem>>
      %dma_start3A_88 = tpu.memref_squeeze %dma_start3A_87 : memref<1x125xi32, #tpu.memory_space<vmem>> -> memref<125xi32, #tpu.memory_space<vmem>>
      %dma_start3A_89 = arith.constant 0 : i32
      %dma_start3A_90 = arith.constant 0 : i32
      %dma_start3A_91 = tpu.memref_slice %arg2[%dma_start3A_89, %dma_start3A_90] : memref<20000x16xf32, #tpu.memory_space<hbm>> -> memref<20000x16xf32, #tpu.memory_space<hbm>>
      tpu.enqueue_indirect_dma source(%dma_start3A_91 : memref<20000x16xf32, #tpu.memory_space<hbm>>) target(%dma_start3A_85 : memref<125x16xf32, #tpu.memory_space<vmem>>) offsets(%dma_start3A_88 : memref<125xi32, #tpu.memory_space<vmem>>) semaphore(%arg10 : memref<!tpu.dma_semaphore, #tpu.memory_space<semaphore_mem>>)
      %add3A_92 = arith.constant 5 : i32
      %add3A_93 = arith.addi %mul3A_22, %add3A_92 : i32
      %add3A_94 = arith.constant 5 : i32
      %add3A_95 = arith.addi %mul3A_22, %add3A_94 : i32
      %mul3A_96 = arith.constant 125 : i32
      %mul3A_97 = arith.muli %add3A_95, %mul3A_96 : i32
      %dma_start3A_98 = arith.constant 0 : i32
      %dma_start3A_99 = tpu.memref_slice %arg9[%mul3A_97, %dma_start3A_98] : memref<5000x16xf32, #tpu.memory_space<vmem>> -> memref<125x16xf32, #tpu.memory_space<vmem>>
      %dma_start3A_100 = arith.constant 0 : i32
      %dma_start3A_101 = tpu.memref_slice %arg7[%add3A_93, %dma_start3A_100] : memref<40x125xi32, #tpu.memory_space<vmem>> -> memref<1x125xi32, #tpu.memory_space<vmem>>
      %dma_start3A_102 = tpu.memref_squeeze %dma_start3A_101 : memref<1x125xi32, #tpu.memory_space<vmem>> -> memref<125xi32, #tpu.memory_space<vmem>>
      %dma_start3A_103 = arith.constant 0 : i32
      %dma_start3A_104 = arith.constant 0 : i32
      %dma_start3A_105 = tpu.memref_slice %arg2[%dma_start3A_103, %dma_start3A_104] : memref<20000x16xf32, #tpu.memory_space<hbm>> -> memref<20000x16xf32, #tpu.memory_space<hbm>>
      tpu.enqueue_indirect_dma source(%dma_start3A_105 : memref<20000x16xf32, #tpu.memory_space<hbm>>) target(%dma_start3A_99 : memref<125x16xf32, #tpu.memory_space<vmem>>) offsets(%dma_start3A_102 : memref<125xi32, #tpu.memory_space<vmem>>) semaphore(%arg10 : memref<!tpu.dma_semaphore, #tpu.memory_space<semaphore_mem>>)
      %add3A_106 = arith.constant 6 : i32
      %add3A_107 = arith.addi %mul3A_22, %add3A_106 : i32
      %add3A_108 = arith.constant 6 : i32
      %add3A_109 = arith.addi %mul3A_22, %add3A_108 : i32
      %mul3A_110 = arith.constant 125 : i32
      %mul3A_111 = arith.muli %add3A_109, %mul3A_110 : i32
      %dma_start3A_112 = arith.constant 0 : i32
      %dma_start3A_113 = tpu.memref_slice %arg9[%mul3A_111, %dma_start3A_112] : memref<5000x16xf32, #tpu.memory_space<vmem>> -> memref<125x16xf32, #tpu.memory_space<vmem>>
      %dma_start3A_114 = arith.constant 0 : i32
      %dma_start3A_115 = tpu.memref_slice %arg7[%add3A_107, %dma_start3A_114] : memref<40x125xi32, #tpu.memory_space<vmem>> -> memref<1x125xi32, #tpu.memory_space<vmem>>
      %dma_start3A_116 = tpu.memref_squeeze %dma_start3A_115 : memref<1x125xi32, #tpu.memory_space<vmem>> -> memref<125xi32, #tpu.memory_space<vmem>>
      %dma_start3A_117 = arith.constant 0 : i32
      %dma_start3A_118 = arith.constant 0 : i32
      %dma_start3A_119 = tpu.memref_slice %arg2[%dma_start3A_117, %dma_start3A_118] : memref<20000x16xf32, #tpu.memory_space<hbm>> -> memref<20000x16xf32, #tpu.memory_space<hbm>>
      tpu.enqueue_indirect_dma source(%dma_start3A_119 : memref<20000x16xf32, #tpu.memory_space<hbm>>) target(%dma_start3A_113 : memref<125x16xf32, #tpu.memory_space<vmem>>) offsets(%dma_start3A_116 : memref<125xi32, #tpu.memory_space<vmem>>) semaphore(%arg10 : memref<!tpu.dma_semaphore, #tpu.memory_space<semaphore_mem>>)
      %add3A_120 = arith.constant 7 : i32
      %add3A_121 = arith.addi %mul3A_22, %add3A_120 : i32
      %add3A_122 = arith.constant 7 : i32
      %add3A_123 = arith.addi %mul3A_22, %add3A_122 : i32
      %mul3A_124 = arith.constant 125 : i32
      %mul3A_125 = arith.muli %add3A_123, %mul3A_124 : i32
      %dma_start3A_126 = arith.constant 0 : i32
      %dma_start3A_127 = tpu.memref_slice %arg9[%mul3A_125, %dma_start3A_126] : memref<5000x16xf32, #tpu.memory_space<vmem>> -> memref<125x16xf32, #tpu.memory_space<vmem>>
      %dma_start3A_128 = arith.constant 0 : i32
      %dma_start3A_129 = tpu.memref_slice %arg7[%add3A_121, %dma_start3A_128] : memref<40x125xi32, #tpu.memory_space<vmem>> -> memref<1x125xi32, #tpu.memory_space<vmem>>
      %dma_start3A_130 = tpu.memref_squeeze %dma_start3A_129 : memref<1x125xi32, #tpu.memory_space<vmem>> -> memref<125xi32, #tpu.memory_space<vmem>>
      %dma_start3A_131 = arith.constant 0 : i32
      %dma_start3A_132 = arith.constant 0 : i32
      %dma_start3A_133 = tpu.memref_slice %arg2[%dma_start3A_131, %dma_start3A_132] : memref<20000x16xf32, #tpu.memory_space<hbm>> -> memref<20000x16xf32, #tpu.memory_space<hbm>>
      tpu.enqueue_indirect_dma source(%dma_start3A_133 : memref<20000x16xf32, #tpu.memory_space<hbm>>) target(%dma_start3A_127 : memref<125x16xf32, #tpu.memory_space<vmem>>) offsets(%dma_start3A_130 : memref<125xi32, #tpu.memory_space<vmem>>) semaphore(%arg10 : memref<!tpu.dma_semaphore, #tpu.memory_space<semaphore_mem>>)
      %dma_wait3A = arith.constant 0 : i32
      %dma_wait3A_134 = tpu.memref_slice %arg9[%mul3A_28, %dma_wait3A] : memref<5000x16xf32, #tpu.memory_space<vmem>> -> memref<125x16xf32, #tpu.memory_space<vmem>>
      %dma_wait3A_135 = arith.constant 0 : i32
      %dma_wait3A_136 = tpu.memref_slice %arg7[%add3A_24, %dma_wait3A_135] : memref<40x125xi32, #tpu.memory_space<vmem>> -> memref<1x125xi32, #tpu.memory_space<vmem>>
      %dma_wait3A_137 = tpu.memref_squeeze %dma_wait3A_136 : memref<1x125xi32, #tpu.memory_space<vmem>> -> memref<125xi32, #tpu.memory_space<vmem>>
      %dma_wait3A_138 = arith.constant 0 : i32
      %dma_wait3A_139 = arith.constant 0 : i32
      %dma_wait3A_140 = tpu.memref_slice %arg2[%dma_wait3A_138, %dma_wait3A_139] : memref<20000x16xf32, #tpu.memory_space<hbm>> -> memref<20000x16xf32, #tpu.memory_space<hbm>>
      tpu.wait_indirect_dma semaphore(%arg10 : memref<!tpu.dma_semaphore, #tpu.memory_space<semaphore_mem>>) src(%dma_wait3A_140 : memref<20000x16xf32, #tpu.memory_space<hbm>>) dst(%dma_wait3A_134 : memref<125x16xf32, #tpu.memory_space<vmem>>)
      %dma_wait3A_141 = arith.constant 0 : i32
      %dma_wait3A_142 = tpu.memref_slice %arg9[%mul3A_41, %dma_wait3A_141] : memref<5000x16xf32, #tpu.memory_space<vmem>> -> memref<125x16xf32, #tpu.memory_space<vmem>>
      %dma_wait3A_143 = arith.constant 0 : i32
      %dma_wait3A_144 = tpu.memref_slice %arg7[%add3A_37, %dma_wait3A_143] : memref<40x125xi32, #tpu.memory_space<vmem>> -> memref<1x125xi32, #tpu.memory_space<vmem>>
      %dma_wait3A_145 = tpu.memref_squeeze %dma_wait3A_144 : memref<1x125xi32, #tpu.memory_space<vmem>> -> memref<125xi32, #tpu.memory_space<vmem>>
      %dma_wait3A_146 = arith.constant 0 : i32
      %dma_wait3A_147 = arith.constant 0 : i32
      %dma_wait3A_148 = tpu.memref_slice %arg2[%dma_wait3A_146, %dma_wait3A_147] : memref<20000x16xf32, #tpu.memory_space<hbm>> -> memref<20000x16xf32, #tpu.memory_space<hbm>>
      tpu.wait_indirect_dma semaphore(%arg10 : memref<!tpu.dma_semaphore, #tpu.memory_space<semaphore_mem>>) src(%dma_wait3A_148 : memref<20000x16xf32, #tpu.memory_space<hbm>>) dst(%dma_wait3A_142 : memref<125x16xf32, #tpu.memory_space<vmem>>)
      %dma_wait3A_149 = arith.constant 0 : i32
      %dma_wait3A_150 = tpu.memref_slice %arg9[%mul3A_55, %dma_wait3A_149] : memref<5000x16xf32, #tpu.memory_space<vmem>> -> memref<125x16xf32, #tpu.memory_space<vmem>>
      %dma_wait3A_151 = arith.constant 0 : i32
      %dma_wait3A_152 = tpu.memref_slice %arg7[%add3A_51, %dma_wait3A_151] : memref<40x125xi32, #tpu.memory_space<vmem>> -> memref<1x125xi32, #tpu.memory_space<vmem>>
      %dma_wait3A_153 = tpu.memref_squeeze %dma_wait3A_152 : memref<1x125xi32, #tpu.memory_space<vmem>> -> memref<125xi32, #tpu.memory_space<vmem>>
      %dma_wait3A_154 = arith.constant 0 : i32
      %dma_wait3A_155 = arith.constant 0 : i32
      %dma_wait3A_156 = tpu.memref_slice %arg2[%dma_wait3A_154, %dma_wait3A_155] : memref<20000x16xf32, #tpu.memory_space<hbm>> -> memref<20000x16xf32, #tpu.memory_space<hbm>>
      tpu.wait_indirect_dma semaphore(%arg10 : memref<!tpu.dma_semaphore, #tpu.memory_space<semaphore_mem>>) src(%dma_wait3A_156 : memref<20000x16xf32, #tpu.memory_space<hbm>>) dst(%dma_wait3A_150 : memref<125x16xf32, #tpu.memory_space<vmem>>)
      %dma_wait3A_157 = arith.constant 0 : i32
      %dma_wait3A_158 = tpu.memref_slice %arg9[%mul3A_69, %dma_wait3A_157] : memref<5000x16xf32, #tpu.memory_space<vmem>> -> memref<125x16xf32, #tpu.memory_space<vmem>>
      %dma_wait3A_159 = arith.constant 0 : i32
      %dma_wait3A_160 = tpu.memref_slice %arg7[%add3A_65, %dma_wait3A_159] : memref<40x125xi32, #tpu.memory_space<vmem>> -> memref<1x125xi32, #tpu.memory_space<vmem>>
      %dma_wait3A_161 = tpu.memref_squeeze %dma_wait3A_160 : memref<1x125xi32, #tpu.memory_space<vmem>> -> memref<125xi32, #tpu.memory_space<vmem>>
      %dma_wait3A_162 = arith.constant 0 : i32
      %dma_wait3A_163 = arith.constant 0 : i32
      %dma_wait3A_164 = tpu.memref_slice %arg2[%dma_wait3A_162, %dma_wait3A_163] : memref<20000x16xf32, #tpu.memory_space<hbm>> -> memref<20000x16xf32, #tpu.memory_space<hbm>>
      tpu.wait_indirect_dma semaphore(%arg10 : memref<!tpu.dma_semaphore, #tpu.memory_space<semaphore_mem>>) src(%dma_wait3A_164 : memref<20000x16xf32, #tpu.memory_space<hbm>>) dst(%dma_wait3A_158 : memref<125x16xf32, #tpu.memory_space<vmem>>)
      %dma_wait3A_165 = arith.constant 0 : i32
      %dma_wait3A_166 = tpu.memref_slice %arg9[%mul3A_83, %dma_wait3A_165] : memref<5000x16xf32, #tpu.memory_space<vmem>> -> memref<125x16xf32, #tpu.memory_space<vmem>>
      %dma_wait3A_167 = arith.constant 0 : i32
      %dma_wait3A_168 = tpu.memref_slice %arg7[%add3A_79, %dma_wait3A_167] : memref<40x125xi32, #tpu.memory_space<vmem>> -> memref<1x125xi32, #tpu.memory_space<vmem>>
      %dma_wait3A_169 = tpu.memref_squeeze %dma_wait3A_168 : memref<1x125xi32, #tpu.memory_space<vmem>> -> memref<125xi32, #tpu.memory_space<vmem>>
      %dma_wait3A_170 = arith.constant 0 : i32
      %dma_wait3A_171 = arith.constant 0 : i32
      %dma_wait3A_172 = tpu.memref_slice %arg2[%dma_wait3A_170, %dma_wait3A_171] : memref<20000x16xf32, #tpu.memory_space<hbm>> -> memref<20000x16xf32, #tpu.memory_space<hbm>>
      tpu.wait_indirect_dma semaphore(%arg10 : memref<!tpu.dma_semaphore, #tpu.memory_space<semaphore_mem>>) src(%dma_wait3A_172 : memref<20000x16xf32, #tpu.memory_space<hbm>>) dst(%dma_wait3A_166 : memref<125x16xf32, #tpu.memory_space<vmem>>)
      %dma_wait3A_173 = arith.constant 0 : i32
      %dma_wait3A_174 = tpu.memref_slice %arg9[%mul3A_97, %dma_wait3A_173] : memref<5000x16xf32, #tpu.memory_space<vmem>> -> memref<125x16xf32, #tpu.memory_space<vmem>>
      %dma_wait3A_175 = arith.constant 0 : i32
      %dma_wait3A_176 = tpu.memref_slice %arg7[%add3A_93, %dma_wait3A_175] : memref<40x125xi32, #tpu.memory_space<vmem>> -> memref<1x125xi32, #tpu.memory_space<vmem>>
      %dma_wait3A_177 = tpu.memref_squeeze %dma_wait3A_176 : memref<1x125xi32, #tpu.memory_space<vmem>> -> memref<125xi32, #tpu.memory_space<vmem>>
      %dma_wait3A_178 = arith.constant 0 : i32
      %dma_wait3A_179 = arith.constant 0 : i32
      %dma_wait3A_180 = tpu.memref_slice %arg2[%dma_wait3A_178, %dma_wait3A_179] : memref<20000x16xf32, #tpu.memory_space<hbm>> -> memref<20000x16xf32, #tpu.memory_space<hbm>>
      tpu.wait_indirect_dma semaphore(%arg10 : memref<!tpu.dma_semaphore, #tpu.memory_space<semaphore_mem>>) src(%dma_wait3A_180 : memref<20000x16xf32, #tpu.memory_space<hbm>>) dst(%dma_wait3A_174 : memref<125x16xf32, #tpu.memory_space<vmem>>)
      %dma_wait3A_181 = arith.constant 0 : i32
      %dma_wait3A_182 = tpu.memref_slice %arg9[%mul3A_111, %dma_wait3A_181] : memref<5000x16xf32, #tpu.memory_space<vmem>> -> memref<125x16xf32, #tpu.memory_space<vmem>>
      %dma_wait3A_183 = arith.constant 0 : i32
      %dma_wait3A_184 = tpu.memref_slice %arg7[%add3A_107, %dma_wait3A_183] : memref<40x125xi32, #tpu.memory_space<vmem>> -> memref<1x125xi32, #tpu.memory_space<vmem>>
      %dma_wait3A_185 = tpu.memref_squeeze %dma_wait3A_184 : memref<1x125xi32, #tpu.memory_space<vmem>> -> memref<125xi32, #tpu.memory_space<vmem>>
      %dma_wait3A_186 = arith.constant 0 : i32
      %dma_wait3A_187 = arith.constant 0 : i32
      %dma_wait3A_188 = tpu.memref_slice %arg2[%dma_wait3A_186, %dma_wait3A_187] : memref<20000x16xf32, #tpu.memory_space<hbm>> -> memref<20000x16xf32, #tpu.memory_space<hbm>>
      tpu.wait_indirect_dma semaphore(%arg10 : memref<!tpu.dma_semaphore, #tpu.memory_space<semaphore_mem>>) src(%dma_wait3A_188 : memref<20000x16xf32, #tpu.memory_space<hbm>>) dst(%dma_wait3A_182 : memref<125x16xf32, #tpu.memory_space<vmem>>)
      %dma_wait3A_189 = arith.constant 0 : i32
      %dma_wait3A_190 = tpu.memref_slice %arg9[%mul3A_125, %dma_wait3A_189] : memref<5000x16xf32, #tpu.memory_space<vmem>> -> memref<125x16xf32, #tpu.memory_space<vmem>>
      %dma_wait3A_191 = arith.constant 0 : i32
      %dma_wait3A_192 = tpu.memref_slice %arg7[%add3A_121, %dma_wait3A_191] : memref<40x125xi32, #tpu.memory_space<vmem>> -> memref<1x125xi32, #tpu.memory_space<vmem>>
      %dma_wait3A_193 = tpu.memref_squeeze %dma_wait3A_192 : memref<1x125xi32, #tpu.memory_space<vmem>> -> memref<125xi32, #tpu.memory_space<vmem>>
      %dma_wait3A_194 = arith.constant 0 : i32
      %dma_wait3A_195 = arith.constant 0 : i32
      %dma_wait3A_196 = tpu.memref_slice %arg2[%dma_wait3A_194, %dma_wait3A_195] : memref<20000x16xf32, #tpu.memory_space<hbm>> -> memref<20000x16xf32, #tpu.memory_space<hbm>>
      tpu.wait_indirect_dma semaphore(%arg10 : memref<!tpu.dma_semaphore, #tpu.memory_space<semaphore_mem>>) src(%dma_wait3A_196 : memref<20000x16xf32, #tpu.memory_space<hbm>>) dst(%dma_wait3A_190 : memref<125x16xf32, #tpu.memory_space<vmem>>)
    }
    %scan3A_9 = arith.constant 5 : i32
    %mul3A_10 = arith.constant 5000 : i32
    %mul3A_11 = arith.muli %add3A, %mul3A_10 : i32
    "tpu.region"() ({
      %run_scoped3A = tpu.sem_alloc : memref<!tpu.dma_semaphore, #tpu.memory_space<semaphore_mem>>
      %dma_start3A = arith.constant 0 : i32
      %dma_start3A_20 = tpu.memref_slice %arg5[%mul3A_11, %dma_start3A] : memref<160000x16xf32, #tpu.memory_space<hbm>> -> memref<5000x16xf32, #tpu.memory_space<hbm>>
      %dma_start3A_21 = arith.constant 0 : i32
      %dma_start3A_22 = tpu.memref_slice %arg5[%mul3A_11, %dma_start3A_21] : memref<160000x16xf32, #tpu.memory_space<hbm>> -> memref<5000x16xf32, #tpu.memory_space<hbm>>
      tpu.enqueue_dma source(%arg9 : memref<5000x16xf32, #tpu.memory_space<vmem>>) target(%dma_start3A_22 : memref<5000x16xf32, #tpu.memory_space<hbm>>) target_semaphore(%run_scoped3A : memref<!tpu.dma_semaphore, #tpu.memory_space<semaphore_mem>>)
      %dma_wait3A = arith.constant 0 : i32
      %dma_wait3A_23 = tpu.memref_slice %arg5[%mul3A_11, %dma_wait3A] : memref<160000x16xf32, #tpu.memory_space<hbm>> -> memref<5000x16xf32, #tpu.memory_space<hbm>>
      %dma_wait3A_24 = arith.constant 0 : i32
      %dma_wait3A_25 = tpu.memref_slice %arg5[%mul3A_11, %dma_wait3A_24] : memref<160000x16xf32, #tpu.memory_space<hbm>> -> memref<5000x16xf32, #tpu.memory_space<hbm>>
      tpu.wait_dma2 semaphore(%run_scoped3A : memref<!tpu.dma_semaphore, #tpu.memory_space<semaphore_mem>>) src(%arg9 : memref<5000x16xf32, #tpu.memory_space<vmem>>) dst(%dma_wait3A_25 : memref<5000x16xf32, #tpu.memory_space<hbm>>)
      tpu.yield
    }) : () -> ()
    %scan3A_12 = arith.constant 0 : i32
    %scan3A_13 = arith.constant 0 : i32
    %scan3A_14 = arith.constant 5 : i32
    %scan3A_15 = arith.addi %scan3A_13, %scan3A_14 : i32
    %scan3A_16 = arith.constant 1 : i32
    scf.for %scan3A_20 = %scan3A_13 to %scan3A_15 step %scan3A_16  : i32 {
      %mul3A_21 = arith.constant 8 : i32
      %mul3A_22 = arith.muli %scan3A_20, %mul3A_21 : i32
      %add3A_23 = arith.constant 0 : i32
      %add3A_24 = arith.addi %mul3A_22, %add3A_23 : i32
      %add3A_25 = arith.constant 0 : i32
      %add3A_26 = arith.addi %mul3A_22, %add3A_25 : i32
      %mul3A_27 = arith.constant 125 : i32
      %mul3A_28 = arith.muli %add3A_26, %mul3A_27 : i32
      %dma_start3A = arith.constant 0 : i32
      %dma_start3A_29 = tpu.memref_slice %arg9[%mul3A_28, %dma_start3A] : memref<5000x16xf32, #tpu.memory_space<vmem>> -> memref<125x16xf32, #tpu.memory_space<vmem>>
      %dma_start3A_30 = arith.constant 0 : i32
      %dma_start3A_31 = tpu.memref_slice %arg8[%add3A_24, %dma_start3A_30] : memref<40x125xi32, #tpu.memory_space<vmem>> -> memref<1x125xi32, #tpu.memory_space<vmem>>
      %dma_start3A_32 = tpu.memref_squeeze %dma_start3A_31 : memref<1x125xi32, #tpu.memory_space<vmem>> -> memref<125xi32, #tpu.memory_space<vmem>>
      %dma_start3A_33 = arith.constant 0 : i32
      %dma_start3A_34 = arith.constant 0 : i32
      %dma_start3A_35 = tpu.memref_slice %arg2[%dma_start3A_33, %dma_start3A_34] : memref<20000x16xf32, #tpu.memory_space<hbm>> -> memref<20000x16xf32, #tpu.memory_space<hbm>>
      tpu.enqueue_indirect_dma source(%dma_start3A_35 : memref<20000x16xf32, #tpu.memory_space<hbm>>) target(%dma_start3A_29 : memref<125x16xf32, #tpu.memory_space<vmem>>) offsets(%dma_start3A_32 : memref<125xi32, #tpu.memory_space<vmem>>) semaphore(%arg10 : memref<!tpu.dma_semaphore, #tpu.memory_space<semaphore_mem>>)
      %add3A_36 = arith.constant 1 : i32
      %add3A_37 = arith.addi %mul3A_22, %add3A_36 : i32
      %add3A_38 = arith.constant 1 : i32
      %add3A_39 = arith.addi %mul3A_22, %add3A_38 : i32
      %mul3A_40 = arith.constant 125 : i32
      %mul3A_41 = arith.muli %add3A_39, %mul3A_40 : i32
      %dma_start3A_42 = arith.constant 0 : i32
      %dma_start3A_43 = tpu.memref_slice %arg9[%mul3A_41, %dma_start3A_42] : memref<5000x16xf32, #tpu.memory_space<vmem>> -> memref<125x16xf32, #tpu.memory_space<vmem>>
      %dma_start3A_44 = arith.constant 0 : i32
      %dma_start3A_45 = tpu.memref_slice %arg8[%add3A_37, %dma_start3A_44] : memref<40x125xi32, #tpu.memory_space<vmem>> -> memref<1x125xi32, #tpu.memory_space<vmem>>
      %dma_start3A_46 = tpu.memref_squeeze %dma_start3A_45 : memref<1x125xi32, #tpu.memory_space<vmem>> -> memref<125xi32, #tpu.memory_space<vmem>>
      %dma_start3A_47 = arith.constant 0 : i32
      %dma_start3A_48 = arith.constant 0 : i32
      %dma_start3A_49 = tpu.memref_slice %arg2[%dma_start3A_47, %dma_start3A_48] : memref<20000x16xf32, #tpu.memory_space<hbm>> -> memref<20000x16xf32, #tpu.memory_space<hbm>>
      tpu.enqueue_indirect_dma source(%dma_start3A_49 : memref<20000x16xf32, #tpu.memory_space<hbm>>) target(%dma_start3A_43 : memref<125x16xf32, #tpu.memory_space<vmem>>) offsets(%dma_start3A_46 : memref<125xi32, #tpu.memory_space<vmem>>) semaphore(%arg10 : memref<!tpu.dma_semaphore, #tpu.memory_space<semaphore_mem>>)
      %add3A_50 = arith.constant 2 : i32
      %add3A_51 = arith.addi %mul3A_22, %add3A_50 : i32
      %add3A_52 = arith.constant 2 : i32
      %add3A_53 = arith.addi %mul3A_22, %add3A_52 : i32
      %mul3A_54 = arith.constant 125 : i32
      %mul3A_55 = arith.muli %add3A_53, %mul3A_54 : i32
      %dma_start3A_56 = arith.constant 0 : i32
      %dma_start3A_57 = tpu.memref_slice %arg9[%mul3A_55, %dma_start3A_56] : memref<5000x16xf32, #tpu.memory_space<vmem>> -> memref<125x16xf32, #tpu.memory_space<vmem>>
      %dma_start3A_58 = arith.constant 0 : i32
      %dma_start3A_59 = tpu.memref_slice %arg8[%add3A_51, %dma_start3A_58] : memref<40x125xi32, #tpu.memory_space<vmem>> -> memref<1x125xi32, #tpu.memory_space<vmem>>
      %dma_start3A_60 = tpu.memref_squeeze %dma_start3A_59 : memref<1x125xi32, #tpu.memory_space<vmem>> -> memref<125xi32, #tpu.memory_space<vmem>>
      %dma_start3A_61 = arith.constant 0 : i32
      %dma_start3A_62 = arith.constant 0 : i32
      %dma_start3A_63 = tpu.memref_slice %arg2[%dma_start3A_61, %dma_start3A_62] : memref<20000x16xf32, #tpu.memory_space<hbm>> -> memref<20000x16xf32, #tpu.memory_space<hbm>>
      tpu.enqueue_indirect_dma source(%dma_start3A_63 : memref<20000x16xf32, #tpu.memory_space<hbm>>) target(%dma_start3A_57 : memref<125x16xf32, #tpu.memory_space<vmem>>) offsets(%dma_start3A_60 : memref<125xi32, #tpu.memory_space<vmem>>) semaphore(%arg10 : memref<!tpu.dma_semaphore, #tpu.memory_space<semaphore_mem>>)
      %add3A_64 = arith.constant 3 : i32
      %add3A_65 = arith.addi %mul3A_22, %add3A_64 : i32
      %add3A_66 = arith.constant 3 : i32
      %add3A_67 = arith.addi %mul3A_22, %add3A_66 : i32
      %mul3A_68 = arith.constant 125 : i32
      %mul3A_69 = arith.muli %add3A_67, %mul3A_68 : i32
      %dma_start3A_70 = arith.constant 0 : i32
      %dma_start3A_71 = tpu.memref_slice %arg9[%mul3A_69, %dma_start3A_70] : memref<5000x16xf32, #tpu.memory_space<vmem>> -> memref<125x16xf32, #tpu.memory_space<vmem>>
      %dma_start3A_72 = arith.constant 0 : i32
      %dma_start3A_73 = tpu.memref_slice %arg8[%add3A_65, %dma_start3A_72] : memref<40x125xi32, #tpu.memory_space<vmem>> -> memref<1x125xi32, #tpu.memory_space<vmem>>
      %dma_start3A_74 = tpu.memref_squeeze %dma_start3A_73 : memref<1x125xi32, #tpu.memory_space<vmem>> -> memref<125xi32, #tpu.memory_space<vmem>>
      %dma_start3A_75 = arith.constant 0 : i32
      %dma_start3A_76 = arith.constant 0 : i32
      %dma_start3A_77 = tpu.memref_slice %arg2[%dma_start3A_75, %dma_start3A_76] : memref<20000x16xf32, #tpu.memory_space<hbm>> -> memref<20000x16xf32, #tpu.memory_space<hbm>>
      tpu.enqueue_indirect_dma source(%dma_start3A_77 : memref<20000x16xf32, #tpu.memory_space<hbm>>) target(%dma_start3A_71 : memref<125x16xf32, #tpu.memory_space<vmem>>) offsets(%dma_start3A_74 : memref<125xi32, #tpu.memory_space<vmem>>) semaphore(%arg10 : memref<!tpu.dma_semaphore, #tpu.memory_space<semaphore_mem>>)
      %add3A_78 = arith.constant 4 : i32
      %add3A_79 = arith.addi %mul3A_22, %add3A_78 : i32
      %add3A_80 = arith.constant 4 : i32
      %add3A_81 = arith.addi %mul3A_22, %add3A_80 : i32
      %mul3A_82 = arith.constant 125 : i32
      %mul3A_83 = arith.muli %add3A_81, %mul3A_82 : i32
      %dma_start3A_84 = arith.constant 0 : i32
      %dma_start3A_85 = tpu.memref_slice %arg9[%mul3A_83, %dma_start3A_84] : memref<5000x16xf32, #tpu.memory_space<vmem>> -> memref<125x16xf32, #tpu.memory_space<vmem>>
      %dma_start3A_86 = arith.constant 0 : i32
      %dma_start3A_87 = tpu.memref_slice %arg8[%add3A_79, %dma_start3A_86] : memref<40x125xi32, #tpu.memory_space<vmem>> -> memref<1x125xi32, #tpu.memory_space<vmem>>
      %dma_start3A_88 = tpu.memref_squeeze %dma_start3A_87 : memref<1x125xi32, #tpu.memory_space<vmem>> -> memref<125xi32, #tpu.memory_space<vmem>>
      %dma_start3A_89 = arith.constant 0 : i32
      %dma_start3A_90 = arith.constant 0 : i32
      %dma_start3A_91 = tpu.memref_slice %arg2[%dma_start3A_89, %dma_start3A_90] : memref<20000x16xf32, #tpu.memory_space<hbm>> -> memref<20000x16xf32, #tpu.memory_space<hbm>>
      tpu.enqueue_indirect_dma source(%dma_start3A_91 : memref<20000x16xf32, #tpu.memory_space<hbm>>) target(%dma_start3A_85 : memref<125x16xf32, #tpu.memory_space<vmem>>) offsets(%dma_start3A_88 : memref<125xi32, #tpu.memory_space<vmem>>) semaphore(%arg10 : memref<!tpu.dma_semaphore, #tpu.memory_space<semaphore_mem>>)
      %add3A_92 = arith.constant 5 : i32
      %add3A_93 = arith.addi %mul3A_22, %add3A_92 : i32
      %add3A_94 = arith.constant 5 : i32
      %add3A_95 = arith.addi %mul3A_22, %add3A_94 : i32
      %mul3A_96 = arith.constant 125 : i32
      %mul3A_97 = arith.muli %add3A_95, %mul3A_96 : i32
      %dma_start3A_98 = arith.constant 0 : i32
      %dma_start3A_99 = tpu.memref_slice %arg9[%mul3A_97, %dma_start3A_98] : memref<5000x16xf32, #tpu.memory_space<vmem>> -> memref<125x16xf32, #tpu.memory_space<vmem>>
      %dma_start3A_100 = arith.constant 0 : i32
      %dma_start3A_101 = tpu.memref_slice %arg8[%add3A_93, %dma_start3A_100] : memref<40x125xi32, #tpu.memory_space<vmem>> -> memref<1x125xi32, #tpu.memory_space<vmem>>
      %dma_start3A_102 = tpu.memref_squeeze %dma_start3A_101 : memref<1x125xi32, #tpu.memory_space<vmem>> -> memref<125xi32, #tpu.memory_space<vmem>>
      %dma_start3A_103 = arith.constant 0 : i32
      %dma_start3A_104 = arith.constant 0 : i32
      %dma_start3A_105 = tpu.memref_slice %arg2[%dma_start3A_103, %dma_start3A_104] : memref<20000x16xf32, #tpu.memory_space<hbm>> -> memref<20000x16xf32, #tpu.memory_space<hbm>>
      tpu.enqueue_indirect_dma source(%dma_start3A_105 : memref<20000x16xf32, #tpu.memory_space<hbm>>) target(%dma_start3A_99 : memref<125x16xf32, #tpu.memory_space<vmem>>) offsets(%dma_start3A_102 : memref<125xi32, #tpu.memory_space<vmem>>) semaphore(%arg10 : memref<!tpu.dma_semaphore, #tpu.memory_space<semaphore_mem>>)
      %add3A_106 = arith.constant 6 : i32
      %add3A_107 = arith.addi %mul3A_22, %add3A_106 : i32
      %add3A_108 = arith.constant 6 : i32
      %add3A_109 = arith.addi %mul3A_22, %add3A_108 : i32
      %mul3A_110 = arith.constant 125 : i32
      %mul3A_111 = arith.muli %add3A_109, %mul3A_110 : i32
      %dma_start3A_112 = arith.constant 0 : i32
      %dma_start3A_113 = tpu.memref_slice %arg9[%mul3A_111, %dma_start3A_112] : memref<5000x16xf32, #tpu.memory_space<vmem>> -> memref<125x16xf32, #tpu.memory_space<vmem>>
      %dma_start3A_114 = arith.constant 0 : i32
      %dma_start3A_115 = tpu.memref_slice %arg8[%add3A_107, %dma_start3A_114] : memref<40x125xi32, #tpu.memory_space<vmem>> -> memref<1x125xi32, #tpu.memory_space<vmem>>
      %dma_start3A_116 = tpu.memref_squeeze %dma_start3A_115 : memref<1x125xi32, #tpu.memory_space<vmem>> -> memref<125xi32, #tpu.memory_space<vmem>>
      %dma_start3A_117 = arith.constant 0 : i32
      %dma_start3A_118 = arith.constant 0 : i32
      %dma_start3A_119 = tpu.memref_slice %arg2[%dma_start3A_117, %dma_start3A_118] : memref<20000x16xf32, #tpu.memory_space<hbm>> -> memref<20000x16xf32, #tpu.memory_space<hbm>>
      tpu.enqueue_indirect_dma source(%dma_start3A_119 : memref<20000x16xf32, #tpu.memory_space<hbm>>) target(%dma_start3A_113 : memref<125x16xf32, #tpu.memory_space<vmem>>) offsets(%dma_start3A_116 : memref<125xi32, #tpu.memory_space<vmem>>) semaphore(%arg10 : memref<!tpu.dma_semaphore, #tpu.memory_space<semaphore_mem>>)
      %add3A_120 = arith.constant 7 : i32
      %add3A_121 = arith.addi %mul3A_22, %add3A_120 : i32
      %add3A_122 = arith.constant 7 : i32
      %add3A_123 = arith.addi %mul3A_22, %add3A_122 : i32
      %mul3A_124 = arith.constant 125 : i32
      %mul3A_125 = arith.muli %add3A_123, %mul3A_124 : i32
      %dma_start3A_126 = arith.constant 0 : i32
      %dma_start3A_127 = tpu.memref_slice %arg9[%mul3A_125, %dma_start3A_126] : memref<5000x16xf32, #tpu.memory_space<vmem>> -> memref<125x16xf32, #tpu.memory_space<vmem>>
      %dma_start3A_128 = arith.constant 0 : i32
      %dma_start3A_129 = tpu.memref_slice %arg8[%add3A_121, %dma_start3A_128] : memref<40x125xi32, #tpu.memory_space<vmem>> -> memref<1x125xi32, #tpu.memory_space<vmem>>
      %dma_start3A_130 = tpu.memref_squeeze %dma_start3A_129 : memref<1x125xi32, #tpu.memory_space<vmem>> -> memref<125xi32, #tpu.memory_space<vmem>>
      %dma_start3A_131 = arith.constant 0 : i32
      %dma_start3A_132 = arith.constant 0 : i32
      %dma_start3A_133 = tpu.memref_slice %arg2[%dma_start3A_131, %dma_start3A_132] : memref<20000x16xf32, #tpu.memory_space<hbm>> -> memref<20000x16xf32, #tpu.memory_space<hbm>>
      tpu.enqueue_indirect_dma source(%dma_start3A_133 : memref<20000x16xf32, #tpu.memory_space<hbm>>) target(%dma_start3A_127 : memref<125x16xf32, #tpu.memory_space<vmem>>) offsets(%dma_start3A_130 : memref<125xi32, #tpu.memory_space<vmem>>) semaphore(%arg10 : memref<!tpu.dma_semaphore, #tpu.memory_space<semaphore_mem>>)
      %dma_wait3A = arith.constant 0 : i32
      %dma_wait3A_134 = tpu.memref_slice %arg9[%mul3A_28, %dma_wait3A] : memref<5000x16xf32, #tpu.memory_space<vmem>> -> memref<125x16xf32, #tpu.memory_space<vmem>>
      %dma_wait3A_135 = arith.constant 0 : i32
      %dma_wait3A_136 = tpu.memref_slice %arg8[%add3A_24, %dma_wait3A_135] : memref<40x125xi32, #tpu.memory_space<vmem>> -> memref<1x125xi32, #tpu.memory_space<vmem>>
      %dma_wait3A_137 = tpu.memref_squeeze %dma_wait3A_136 : memref<1x125xi32, #tpu.memory_space<vmem>> -> memref<125xi32, #tpu.memory_space<vmem>>
      %dma_wait3A_138 = arith.constant 0 : i32
      %dma_wait3A_139 = arith.constant 0 : i32
      %dma_wait3A_140 = tpu.memref_slice %arg2[%dma_wait3A_138, %dma_wait3A_139] : memref<20000x16xf32, #tpu.memory_space<hbm>> -> memref<20000x16xf32, #tpu.memory_space<hbm>>
      tpu.wait_indirect_dma semaphore(%arg10 : memref<!tpu.dma_semaphore, #tpu.memory_space<semaphore_mem>>) src(%dma_wait3A_140 : memref<20000x16xf32, #tpu.memory_space<hbm>>) dst(%dma_wait3A_134 : memref<125x16xf32, #tpu.memory_space<vmem>>)
      %dma_wait3A_141 = arith.constant 0 : i32
      %dma_wait3A_142 = tpu.memref_slice %arg9[%mul3A_41, %dma_wait3A_141] : memref<5000x16xf32, #tpu.memory_space<vmem>> -> memref<125x16xf32, #tpu.memory_space<vmem>>
      %dma_wait3A_143 = arith.constant 0 : i32
      %dma_wait3A_144 = tpu.memref_slice %arg8[%add3A_37, %dma_wait3A_143] : memref<40x125xi32, #tpu.memory_space<vmem>> -> memref<1x125xi32, #tpu.memory_space<vmem>>
      %dma_wait3A_145 = tpu.memref_squeeze %dma_wait3A_144 : memref<1x125xi32, #tpu.memory_space<vmem>> -> memref<125xi32, #tpu.memory_space<vmem>>
      %dma_wait3A_146 = arith.constant 0 : i32
      %dma_wait3A_147 = arith.constant 0 : i32
      %dma_wait3A_148 = tpu.memref_slice %arg2[%dma_wait3A_146, %dma_wait3A_147] : memref<20000x16xf32, #tpu.memory_space<hbm>> -> memref<20000x16xf32, #tpu.memory_space<hbm>>
      tpu.wait_indirect_dma semaphore(%arg10 : memref<!tpu.dma_semaphore, #tpu.memory_space<semaphore_mem>>) src(%dma_wait3A_148 : memref<20000x16xf32, #tpu.memory_space<hbm>>) dst(%dma_wait3A_142 : memref<125x16xf32, #tpu.memory_space<vmem>>)
      %dma_wait3A_149 = arith.constant 0 : i32
      %dma_wait3A_150 = tpu.memref_slice %arg9[%mul3A_55, %dma_wait3A_149] : memref<5000x16xf32, #tpu.memory_space<vmem>> -> memref<125x16xf32, #tpu.memory_space<vmem>>
      %dma_wait3A_151 = arith.constant 0 : i32
      %dma_wait3A_152 = tpu.memref_slice %arg8[%add3A_51, %dma_wait3A_151] : memref<40x125xi32, #tpu.memory_space<vmem>> -> memref<1x125xi32, #tpu.memory_space<vmem>>
      %dma_wait3A_153 = tpu.memref_squeeze %dma_wait3A_152 : memref<1x125xi32, #tpu.memory_space<vmem>> -> memref<125xi32, #tpu.memory_space<vmem>>
      %dma_wait3A_154 = arith.constant 0 : i32
      %dma_wait3A_155 = arith.constant 0 : i32
      %dma_wait3A_156 = tpu.memref_slice %arg2[%dma_wait3A_154, %dma_wait3A_155] : memref<20000x16xf32, #tpu.memory_space<hbm>> -> memref<20000x16xf32, #tpu.memory_space<hbm>>
      tpu.wait_indirect_dma semaphore(%arg10 : memref<!tpu.dma_semaphore, #tpu.memory_space<semaphore_mem>>) src(%dma_wait3A_156 : memref<20000x16xf32, #tpu.memory_space<hbm>>) dst(%dma_wait3A_150 : memref<125x16xf32, #tpu.memory_space<vmem>>)
      %dma_wait3A_157 = arith.constant 0 : i32
      %dma_wait3A_158 = tpu.memref_slice %arg9[%mul3A_69, %dma_wait3A_157] : memref<5000x16xf32, #tpu.memory_space<vmem>> -> memref<125x16xf32, #tpu.memory_space<vmem>>
      %dma_wait3A_159 = arith.constant 0 : i32
      %dma_wait3A_160 = tpu.memref_slice %arg8[%add3A_65, %dma_wait3A_159] : memref<40x125xi32, #tpu.memory_space<vmem>> -> memref<1x125xi32, #tpu.memory_space<vmem>>
      %dma_wait3A_161 = tpu.memref_squeeze %dma_wait3A_160 : memref<1x125xi32, #tpu.memory_space<vmem>> -> memref<125xi32, #tpu.memory_space<vmem>>
      %dma_wait3A_162 = arith.constant 0 : i32
      %dma_wait3A_163 = arith.constant 0 : i32
      %dma_wait3A_164 = tpu.memref_slice %arg2[%dma_wait3A_162, %dma_wait3A_163] : memref<20000x16xf32, #tpu.memory_space<hbm>> -> memref<20000x16xf32, #tpu.memory_space<hbm>>
      tpu.wait_indirect_dma semaphore(%arg10 : memref<!tpu.dma_semaphore, #tpu.memory_space<semaphore_mem>>) src(%dma_wait3A_164 : memref<20000x16xf32, #tpu.memory_space<hbm>>) dst(%dma_wait3A_158 : memref<125x16xf32, #tpu.memory_space<vmem>>)
      %dma_wait3A_165 = arith.constant 0 : i32
      %dma_wait3A_166 = tpu.memref_slice %arg9[%mul3A_83, %dma_wait3A_165] : memref<5000x16xf32, #tpu.memory_space<vmem>> -> memref<125x16xf32, #tpu.memory_space<vmem>>
      %dma_wait3A_167 = arith.constant 0 : i32
      %dma_wait3A_168 = tpu.memref_slice %arg8[%add3A_79, %dma_wait3A_167] : memref<40x125xi32, #tpu.memory_space<vmem>> -> memref<1x125xi32, #tpu.memory_space<vmem>>
      %dma_wait3A_169 = tpu.memref_squeeze %dma_wait3A_168 : memref<1x125xi32, #tpu.memory_space<vmem>> -> memref<125xi32, #tpu.memory_space<vmem>>
      %dma_wait3A_170 = arith.constant 0 : i32
      %dma_wait3A_171 = arith.constant 0 : i32
      %dma_wait3A_172 = tpu.memref_slice %arg2[%dma_wait3A_170, %dma_wait3A_171] : memref<20000x16xf32, #tpu.memory_space<hbm>> -> memref<20000x16xf32, #tpu.memory_space<hbm>>
      tpu.wait_indirect_dma semaphore(%arg10 : memref<!tpu.dma_semaphore, #tpu.memory_space<semaphore_mem>>) src(%dma_wait3A_172 : memref<20000x16xf32, #tpu.memory_space<hbm>>) dst(%dma_wait3A_166 : memref<125x16xf32, #tpu.memory_space<vmem>>)
      %dma_wait3A_173 = arith.constant 0 : i32
      %dma_wait3A_174 = tpu.memref_slice %arg9[%mul3A_97, %dma_wait3A_173] : memref<5000x16xf32, #tpu.memory_space<vmem>> -> memref<125x16xf32, #tpu.memory_space<vmem>>
      %dma_wait3A_175 = arith.constant 0 : i32
      %dma_wait3A_176 = tpu.memref_slice %arg8[%add3A_93, %dma_wait3A_175] : memref<40x125xi32, #tpu.memory_space<vmem>> -> memref<1x125xi32, #tpu.memory_space<vmem>>
      %dma_wait3A_177 = tpu.memref_squeeze %dma_wait3A_176 : memref<1x125xi32, #tpu.memory_space<vmem>> -> memref<125xi32, #tpu.memory_space<vmem>>
      %dma_wait3A_178 = arith.constant 0 : i32
      %dma_wait3A_179 = arith.constant 0 : i32
      %dma_wait3A_180 = tpu.memref_slice %arg2[%dma_wait3A_178, %dma_wait3A_179] : memref<20000x16xf32, #tpu.memory_space<hbm>> -> memref<20000x16xf32, #tpu.memory_space<hbm>>
      tpu.wait_indirect_dma semaphore(%arg10 : memref<!tpu.dma_semaphore, #tpu.memory_space<semaphore_mem>>) src(%dma_wait3A_180 : memref<20000x16xf32, #tpu.memory_space<hbm>>) dst(%dma_wait3A_174 : memref<125x16xf32, #tpu.memory_space<vmem>>)
      %dma_wait3A_181 = arith.constant 0 : i32
      %dma_wait3A_182 = tpu.memref_slice %arg9[%mul3A_111, %dma_wait3A_181] : memref<5000x16xf32, #tpu.memory_space<vmem>> -> memref<125x16xf32, #tpu.memory_space<vmem>>
      %dma_wait3A_183 = arith.constant 0 : i32
      %dma_wait3A_184 = tpu.memref_slice %arg8[%add3A_107, %dma_wait3A_183] : memref<40x125xi32, #tpu.memory_space<vmem>> -> memref<1x125xi32, #tpu.memory_space<vmem>>
      %dma_wait3A_185 = tpu.memref_squeeze %dma_wait3A_184 : memref<1x125xi32, #tpu.memory_space<vmem>> -> memref<125xi32, #tpu.memory_space<vmem>>
      %dma_wait3A_186 = arith.constant 0 : i32
      %dma_wait3A_187 = arith.constant 0 : i32
      %dma_wait3A_188 = tpu.memref_slice %arg2[%dma_wait3A_186, %dma_wait3A_187] : memref<20000x16xf32, #tpu.memory_space<hbm>> -> memref<20000x16xf32, #tpu.memory_space<hbm>>
      tpu.wait_indirect_dma semaphore(%arg10 : memref<!tpu.dma_semaphore, #tpu.memory_space<semaphore_mem>>) src(%dma_wait3A_188 : memref<20000x16xf32, #tpu.memory_space<hbm>>) dst(%dma_wait3A_182 : memref<125x16xf32, #tpu.memory_space<vmem>>)
      %dma_wait3A_189 = arith.constant 0 : i32
      %dma_wait3A_190 = tpu.memref_slice %arg9[%mul3A_125, %dma_wait3A_189] : memref<5000x16xf32, #tpu.memory_space<vmem>> -> memref<125x16xf32, #tpu.memory_space<vmem>>
      %dma_wait3A_191 = arith.constant 0 : i32
      %dma_wait3A_192 = tpu.memref_slice %arg8[%add3A_121, %dma_wait3A_191] : memref<40x125xi32, #tpu.memory_space<vmem>> -> memref<1x125xi32, #tpu.memory_space<vmem>>
      %dma_wait3A_193 = tpu.memref_squeeze %dma_wait3A_192 : memref<1x125xi32, #tpu.memory_space<vmem>> -> memref<125xi32, #tpu.memory_space<vmem>>
      %dma_wait3A_194 = arith.constant 0 : i32
      %dma_wait3A_195 = arith.constant 0 : i32
      %dma_wait3A_196 = tpu.memref_slice %arg2[%dma_wait3A_194, %dma_wait3A_195] : memref<20000x16xf32, #tpu.memory_space<hbm>> -> memref<20000x16xf32, #tpu.memory_space<hbm>>
      tpu.wait_indirect_dma semaphore(%arg10 : memref<!tpu.dma_semaphore, #tpu.memory_space<semaphore_mem>>) src(%dma_wait3A_196 : memref<20000x16xf32, #tpu.memory_space<hbm>>) dst(%dma_wait3A_190 : memref<125x16xf32, #tpu.memory_space<vmem>>)
    }
    %scan3A_17 = arith.constant 5 : i32
    %mul3A_18 = arith.constant 5000 : i32
    %mul3A_19 = arith.muli %add3A, %mul3A_18 : i32
    "tpu.region"() ({
      %run_scoped3A = tpu.sem_alloc : memref<!tpu.dma_semaphore, #tpu.memory_space<semaphore_mem>>
      %dma_start3A = arith.constant 0 : i32
      %dma_start3A_20 = tpu.memref_slice %arg6[%mul3A_19, %dma_start3A] : memref<160000x16xf32, #tpu.memory_space<hbm>> -> memref<5000x16xf32, #tpu.memory_space<hbm>>
      %dma_start3A_21 = arith.constant 0 : i32
      %dma_start3A_22 = tpu.memref_slice %arg6[%mul3A_19, %dma_start3A_21] : memref<160000x16xf32, #tpu.memory_space<hbm>> -> memref<5000x16xf32, #tpu.memory_space<hbm>>
      tpu.enqueue_dma source(%arg9 : memref<5000x16xf32, #tpu.memory_space<vmem>>) target(%dma_start3A_22 : memref<5000x16xf32, #tpu.memory_space<hbm>>) target_semaphore(%run_scoped3A : memref<!tpu.dma_semaphore, #tpu.memory_space<semaphore_mem>>)
      %dma_wait3A = arith.constant 0 : i32
      %dma_wait3A_23 = tpu.memref_slice %arg6[%mul3A_19, %dma_wait3A] : memref<160000x16xf32, #tpu.memory_space<hbm>> -> memref<5000x16xf32, #tpu.memory_space<hbm>>
      %dma_wait3A_24 = arith.constant 0 : i32
      %dma_wait3A_25 = tpu.memref_slice %arg6[%mul3A_19, %dma_wait3A_24] : memref<160000x16xf32, #tpu.memory_space<hbm>> -> memref<5000x16xf32, #tpu.memory_space<hbm>>
      tpu.wait_dma2 semaphore(%run_scoped3A : memref<!tpu.dma_semaphore, #tpu.memory_space<semaphore_mem>>) src(%arg9 : memref<5000x16xf32, #tpu.memory_space<vmem>>) dst(%dma_wait3A_25 : memref<5000x16xf32, #tpu.memory_space<hbm>>)
      tpu.yield
    }) : () -> ()
    return
  }
}

#map = affine_map<(d0, d1) -> (0, 0)>
#map1 = affine_map<(d0, d1) -> (0, 0, 0)>
module attributes {stable_mosaic.version = 14 : i64} {
  func.func @_scatter_tp(%arg0: i32, %arg1: i32, %arg2: memref<160000x32xf32, #tpu.memory_space<hbm>>, %arg3: memref<1280x125xi32, #tpu.memory_space<hbm>>, %arg4: memref<20000x32xf32, #tpu.memory_space<hbm>>, %arg5: memref<2x20000x32xf32, #tpu.memory_space<hbm>>, %arg6: memref<40x125xi32, #tpu.memory_space<vmem>>, %arg7: memref<8x125x32xf32, #tpu.memory_space<vmem>>, %arg8: memref<20000x32xf32, #tpu.memory_space<vmem_shared>>, %arg9: memref<!tpu.dma_semaphore, #tpu.memory_space<semaphore_mem>>) attributes {dimension_semantics = [#tpu.dimension_semantics<core_parallel>, #tpu.dimension_semantics<subcore_parallel>], iteration_bounds = array<i64: 2, 16>, scalar_prefetch = 0 : i64, scratch_operands = 4 : i64, tpu.core_type = #tpu.core_type<sc_vector_subcore>, window_params = [{transform_indices = #map}, {transform_indices = #map}, {transform_indices = #map}, {transform_indices = #map1}]} {
    %mul3A = arith.constant 2 : i32
    %mul3A_0 = arith.muli %arg1, %mul3A : i32
    %add3A = arith.addi %mul3A_0, %arg0 : i32
    %mul3A_1 = arith.constant 1250 : i32
    %mul3A_2 = arith.muli %arg1, %mul3A_1 : i32
    %mul3A_3 = arith.constant 1250 : i32
    %mul3A_4 = arith.muli %arg1, %mul3A_3 : i32
    "tpu.region"() ({
      %run_scoped3A = tpu.sem_alloc : memref<!tpu.dma_semaphore, #tpu.memory_space<semaphore_mem>>
      %dma_start3A = arith.constant 0 : i32
      %dma_start3A_17 = tpu.memref_slice %arg8[%mul3A_4, %dma_start3A] : memref<20000x32xf32, #tpu.memory_space<vmem_shared>> -> memref<1250x32xf32, #tpu.memory_space<vmem_shared>>
      %dma_start3A_18 = arith.constant 0 : i32
      %dma_start3A_19 = tpu.memref_slice %arg4[%mul3A_2, %dma_start3A_18] : memref<20000x32xf32, #tpu.memory_space<hbm>> -> memref<1250x32xf32, #tpu.memory_space<hbm>>
      tpu.enqueue_dma source(%dma_start3A_19 : memref<1250x32xf32, #tpu.memory_space<hbm>>) target(%dma_start3A_17 : memref<1250x32xf32, #tpu.memory_space<vmem_shared>>) target_semaphore(%run_scoped3A : memref<!tpu.dma_semaphore, #tpu.memory_space<semaphore_mem>>)
      %dma_wait3A = arith.constant 0 : i32
      %dma_wait3A_20 = tpu.memref_slice %arg8[%mul3A_4, %dma_wait3A] : memref<20000x32xf32, #tpu.memory_space<vmem_shared>> -> memref<1250x32xf32, #tpu.memory_space<vmem_shared>>
      %dma_wait3A_21 = arith.constant 0 : i32
      %dma_wait3A_22 = tpu.memref_slice %arg4[%mul3A_2, %dma_wait3A_21] : memref<20000x32xf32, #tpu.memory_space<hbm>> -> memref<1250x32xf32, #tpu.memory_space<hbm>>
      tpu.wait_dma2 semaphore(%run_scoped3A : memref<!tpu.dma_semaphore, #tpu.memory_space<semaphore_mem>>) src(%dma_wait3A_22 : memref<1250x32xf32, #tpu.memory_space<hbm>>) dst(%dma_wait3A_20 : memref<1250x32xf32, #tpu.memory_space<vmem_shared>>)
      tpu.yield
    }) : () -> ()
    %mul3A_5 = arith.constant 40 : i32
    %mul3A_6 = arith.muli %add3A, %mul3A_5 : i32
    "tpu.region"() ({
      %run_scoped3A = tpu.sem_alloc : memref<!tpu.dma_semaphore, #tpu.memory_space<semaphore_mem>>
      %dma_start3A = arith.constant 0 : i32
      %dma_start3A_17 = tpu.memref_slice %arg3[%mul3A_6, %dma_start3A] : memref<1280x125xi32, #tpu.memory_space<hbm>> -> memref<40x125xi32, #tpu.memory_space<hbm>>
      %dma_start3A_18 = arith.constant 0 : i32
      %dma_start3A_19 = tpu.memref_slice %arg3[%mul3A_6, %dma_start3A_18] : memref<1280x125xi32, #tpu.memory_space<hbm>> -> memref<40x125xi32, #tpu.memory_space<hbm>>
      tpu.enqueue_dma source(%dma_start3A_19 : memref<40x125xi32, #tpu.memory_space<hbm>>) target(%arg6 : memref<40x125xi32, #tpu.memory_space<vmem>>) target_semaphore(%run_scoped3A : memref<!tpu.dma_semaphore, #tpu.memory_space<semaphore_mem>>)
      %dma_wait3A = arith.constant 0 : i32
      %dma_wait3A_20 = tpu.memref_slice %arg3[%mul3A_6, %dma_wait3A] : memref<1280x125xi32, #tpu.memory_space<hbm>> -> memref<40x125xi32, #tpu.memory_space<hbm>>
      %dma_wait3A_21 = arith.constant 0 : i32
      %dma_wait3A_22 = tpu.memref_slice %arg3[%mul3A_6, %dma_wait3A_21] : memref<1280x125xi32, #tpu.memory_space<hbm>> -> memref<40x125xi32, #tpu.memory_space<hbm>>
      tpu.wait_dma2 semaphore(%run_scoped3A : memref<!tpu.dma_semaphore, #tpu.memory_space<semaphore_mem>>) src(%dma_wait3A_22 : memref<40x125xi32, #tpu.memory_space<hbm>>) dst(%arg6 : memref<40x125xi32, #tpu.memory_space<vmem>>)
      tpu.yield
    }) : () -> ()
    %barrier3A = arith.constant 0 : index
    tpu.barrier barrier_id(%barrier3A)
    %scan3A = arith.constant 0 : i32
    %scan3A_7 = arith.constant 0 : i32
    %scan3A_8 = arith.constant 5 : i32
    %scan3A_9 = arith.addi %scan3A_7, %scan3A_8 : i32
    %scan3A_10 = arith.constant 1 : i32
    scf.for %scan3A_17 = %scan3A_7 to %scan3A_9 step %scan3A_10  : i32 {
      %mul3A_18 = arith.constant 8 : i32
      %mul3A_19 = arith.muli %scan3A_17, %mul3A_18 : i32
      %mul3A_20 = arith.constant 40 : i32
      %mul3A_21 = arith.muli %add3A, %mul3A_20 : i32
      %add3A_22 = arith.addi %mul3A_21, %mul3A_19 : i32
      %add3A_23 = arith.constant 0 : i32
      %add3A_24 = arith.addi %add3A_22, %add3A_23 : i32
      %mul3A_25 = arith.constant 125 : i32
      %mul3A_26 = arith.muli %add3A_24, %mul3A_25 : i32
      %dma_start3A = arith.constant 0 : i32
      %dma_start3A_27 = arith.constant 0 : i32
      %dma_start3A_28 = arith.constant 0 : i32
      %dma_start3A_29 = tpu.memref_slice %arg7[%dma_start3A, %dma_start3A_27, %dma_start3A_28] : memref<8x125x32xf32, #tpu.memory_space<vmem>> -> memref<1x125x32xf32, #tpu.memory_space<vmem>>
      %dma_start3A_30 = tpu.memref_squeeze %dma_start3A_29 : memref<1x125x32xf32, #tpu.memory_space<vmem>> -> memref<125x32xf32, #tpu.memory_space<vmem>>
      %dma_start3A_31 = arith.constant 0 : i32
      %dma_start3A_32 = tpu.memref_slice %arg2[%mul3A_26, %dma_start3A_31] : memref<160000x32xf32, #tpu.memory_space<hbm>> -> memref<125x32xf32, #tpu.memory_space<hbm>>
      %dma_start3A_33 = arith.constant 0 : i32
      %dma_start3A_34 = arith.constant 0 : i32
      %dma_start3A_35 = tpu.memref_slice %arg7[%dma_start3A, %dma_start3A_33, %dma_start3A_34] : memref<8x125x32xf32, #tpu.memory_space<vmem>> -> memref<1x125x32xf32, #tpu.memory_space<vmem>>
      %dma_start3A_36 = tpu.memref_squeeze %dma_start3A_35 : memref<1x125x32xf32, #tpu.memory_space<vmem>> -> memref<125x32xf32, #tpu.memory_space<vmem>>
      %dma_start3A_37 = arith.constant 0 : i32
      %dma_start3A_38 = tpu.memref_slice %arg2[%mul3A_26, %dma_start3A_37] : memref<160000x32xf32, #tpu.memory_space<hbm>> -> memref<125x32xf32, #tpu.memory_space<hbm>>
      tpu.enqueue_dma source(%dma_start3A_38 : memref<125x32xf32, #tpu.memory_space<hbm>>) target(%dma_start3A_36 : memref<125x32xf32, #tpu.memory_space<vmem>>) target_semaphore(%arg9 : memref<!tpu.dma_semaphore, #tpu.memory_space<semaphore_mem>>)
      %mul3A_39 = arith.constant 40 : i32
      %mul3A_40 = arith.muli %add3A, %mul3A_39 : i32
      %add3A_41 = arith.addi %mul3A_40, %mul3A_19 : i32
      %add3A_42 = arith.constant 1 : i32
      %add3A_43 = arith.addi %add3A_41, %add3A_42 : i32
      %mul3A_44 = arith.constant 125 : i32
      %mul3A_45 = arith.muli %add3A_43, %mul3A_44 : i32
      %dma_start3A_46 = arith.constant 1 : i32
      %dma_start3A_47 = arith.constant 0 : i32
      %dma_start3A_48 = arith.constant 0 : i32
      %dma_start3A_49 = tpu.memref_slice %arg7[%dma_start3A_46, %dma_start3A_47, %dma_start3A_48] : memref<8x125x32xf32, #tpu.memory_space<vmem>> -> memref<1x125x32xf32, #tpu.memory_space<vmem>>
      %dma_start3A_50 = tpu.memref_squeeze %dma_start3A_49 : memref<1x125x32xf32, #tpu.memory_space<vmem>> -> memref<125x32xf32, #tpu.memory_space<vmem>>
      %dma_start3A_51 = arith.constant 0 : i32
      %dma_start3A_52 = tpu.memref_slice %arg2[%mul3A_45, %dma_start3A_51] : memref<160000x32xf32, #tpu.memory_space<hbm>> -> memref<125x32xf32, #tpu.memory_space<hbm>>
      %dma_start3A_53 = arith.constant 0 : i32
      %dma_start3A_54 = arith.constant 0 : i32
      %dma_start3A_55 = tpu.memref_slice %arg7[%dma_start3A_46, %dma_start3A_53, %dma_start3A_54] : memref<8x125x32xf32, #tpu.memory_space<vmem>> -> memref<1x125x32xf32, #tpu.memory_space<vmem>>
      %dma_start3A_56 = tpu.memref_squeeze %dma_start3A_55 : memref<1x125x32xf32, #tpu.memory_space<vmem>> -> memref<125x32xf32, #tpu.memory_space<vmem>>
      %dma_start3A_57 = arith.constant 0 : i32
      %dma_start3A_58 = tpu.memref_slice %arg2[%mul3A_45, %dma_start3A_57] : memref<160000x32xf32, #tpu.memory_space<hbm>> -> memref<125x32xf32, #tpu.memory_space<hbm>>
      tpu.enqueue_dma source(%dma_start3A_58 : memref<125x32xf32, #tpu.memory_space<hbm>>) target(%dma_start3A_56 : memref<125x32xf32, #tpu.memory_space<vmem>>) target_semaphore(%arg9 : memref<!tpu.dma_semaphore, #tpu.memory_space<semaphore_mem>>)
      %mul3A_59 = arith.constant 40 : i32
      %mul3A_60 = arith.muli %add3A, %mul3A_59 : i32
      %add3A_61 = arith.addi %mul3A_60, %mul3A_19 : i32
      %add3A_62 = arith.constant 2 : i32
      %add3A_63 = arith.addi %add3A_61, %add3A_62 : i32
      %mul3A_64 = arith.constant 125 : i32
      %mul3A_65 = arith.muli %add3A_63, %mul3A_64 : i32
      %dma_start3A_66 = arith.constant 2 : i32
      %dma_start3A_67 = arith.constant 0 : i32
      %dma_start3A_68 = arith.constant 0 : i32
      %dma_start3A_69 = tpu.memref_slice %arg7[%dma_start3A_66, %dma_start3A_67, %dma_start3A_68] : memref<8x125x32xf32, #tpu.memory_space<vmem>> -> memref<1x125x32xf32, #tpu.memory_space<vmem>>
      %dma_start3A_70 = tpu.memref_squeeze %dma_start3A_69 : memref<1x125x32xf32, #tpu.memory_space<vmem>> -> memref<125x32xf32, #tpu.memory_space<vmem>>
      %dma_start3A_71 = arith.constant 0 : i32
      %dma_start3A_72 = tpu.memref_slice %arg2[%mul3A_65, %dma_start3A_71] : memref<160000x32xf32, #tpu.memory_space<hbm>> -> memref<125x32xf32, #tpu.memory_space<hbm>>
      %dma_start3A_73 = arith.constant 0 : i32
      %dma_start3A_74 = arith.constant 0 : i32
      %dma_start3A_75 = tpu.memref_slice %arg7[%dma_start3A_66, %dma_start3A_73, %dma_start3A_74] : memref<8x125x32xf32, #tpu.memory_space<vmem>> -> memref<1x125x32xf32, #tpu.memory_space<vmem>>
      %dma_start3A_76 = tpu.memref_squeeze %dma_start3A_75 : memref<1x125x32xf32, #tpu.memory_space<vmem>> -> memref<125x32xf32, #tpu.memory_space<vmem>>
      %dma_start3A_77 = arith.constant 0 : i32
      %dma_start3A_78 = tpu.memref_slice %arg2[%mul3A_65, %dma_start3A_77] : memref<160000x32xf32, #tpu.memory_space<hbm>> -> memref<125x32xf32, #tpu.memory_space<hbm>>
      tpu.enqueue_dma source(%dma_start3A_78 : memref<125x32xf32, #tpu.memory_space<hbm>>) target(%dma_start3A_76 : memref<125x32xf32, #tpu.memory_space<vmem>>) target_semaphore(%arg9 : memref<!tpu.dma_semaphore, #tpu.memory_space<semaphore_mem>>)
      %mul3A_79 = arith.constant 40 : i32
      %mul3A_80 = arith.muli %add3A, %mul3A_79 : i32
      %add3A_81 = arith.addi %mul3A_80, %mul3A_19 : i32
      %add3A_82 = arith.constant 3 : i32
      %add3A_83 = arith.addi %add3A_81, %add3A_82 : i32
      %mul3A_84 = arith.constant 125 : i32
      %mul3A_85 = arith.muli %add3A_83, %mul3A_84 : i32
      %dma_start3A_86 = arith.constant 3 : i32
      %dma_start3A_87 = arith.constant 0 : i32
      %dma_start3A_88 = arith.constant 0 : i32
      %dma_start3A_89 = tpu.memref_slice %arg7[%dma_start3A_86, %dma_start3A_87, %dma_start3A_88] : memref<8x125x32xf32, #tpu.memory_space<vmem>> -> memref<1x125x32xf32, #tpu.memory_space<vmem>>
      %dma_start3A_90 = tpu.memref_squeeze %dma_start3A_89 : memref<1x125x32xf32, #tpu.memory_space<vmem>> -> memref<125x32xf32, #tpu.memory_space<vmem>>
      %dma_start3A_91 = arith.constant 0 : i32
      %dma_start3A_92 = tpu.memref_slice %arg2[%mul3A_85, %dma_start3A_91] : memref<160000x32xf32, #tpu.memory_space<hbm>> -> memref<125x32xf32, #tpu.memory_space<hbm>>
      %dma_start3A_93 = arith.constant 0 : i32
      %dma_start3A_94 = arith.constant 0 : i32
      %dma_start3A_95 = tpu.memref_slice %arg7[%dma_start3A_86, %dma_start3A_93, %dma_start3A_94] : memref<8x125x32xf32, #tpu.memory_space<vmem>> -> memref<1x125x32xf32, #tpu.memory_space<vmem>>
      %dma_start3A_96 = tpu.memref_squeeze %dma_start3A_95 : memref<1x125x32xf32, #tpu.memory_space<vmem>> -> memref<125x32xf32, #tpu.memory_space<vmem>>
      %dma_start3A_97 = arith.constant 0 : i32
      %dma_start3A_98 = tpu.memref_slice %arg2[%mul3A_85, %dma_start3A_97] : memref<160000x32xf32, #tpu.memory_space<hbm>> -> memref<125x32xf32, #tpu.memory_space<hbm>>
      tpu.enqueue_dma source(%dma_start3A_98 : memref<125x32xf32, #tpu.memory_space<hbm>>) target(%dma_start3A_96 : memref<125x32xf32, #tpu.memory_space<vmem>>) target_semaphore(%arg9 : memref<!tpu.dma_semaphore, #tpu.memory_space<semaphore_mem>>)
      %mul3A_99 = arith.constant 40 : i32
      %mul3A_100 = arith.muli %add3A, %mul3A_99 : i32
      %add3A_101 = arith.addi %mul3A_100, %mul3A_19 : i32
      %add3A_102 = arith.constant 4 : i32
      %add3A_103 = arith.addi %add3A_101, %add3A_102 : i32
      %mul3A_104 = arith.constant 125 : i32
      %mul3A_105 = arith.muli %add3A_103, %mul3A_104 : i32
      %dma_start3A_106 = arith.constant 4 : i32
      %dma_start3A_107 = arith.constant 0 : i32
      %dma_start3A_108 = arith.constant 0 : i32
      %dma_start3A_109 = tpu.memref_slice %arg7[%dma_start3A_106, %dma_start3A_107, %dma_start3A_108] : memref<8x125x32xf32, #tpu.memory_space<vmem>> -> memref<1x125x32xf32, #tpu.memory_space<vmem>>
      %dma_start3A_110 = tpu.memref_squeeze %dma_start3A_109 : memref<1x125x32xf32, #tpu.memory_space<vmem>> -> memref<125x32xf32, #tpu.memory_space<vmem>>
      %dma_start3A_111 = arith.constant 0 : i32
      %dma_start3A_112 = tpu.memref_slice %arg2[%mul3A_105, %dma_start3A_111] : memref<160000x32xf32, #tpu.memory_space<hbm>> -> memref<125x32xf32, #tpu.memory_space<hbm>>
      %dma_start3A_113 = arith.constant 0 : i32
      %dma_start3A_114 = arith.constant 0 : i32
      %dma_start3A_115 = tpu.memref_slice %arg7[%dma_start3A_106, %dma_start3A_113, %dma_start3A_114] : memref<8x125x32xf32, #tpu.memory_space<vmem>> -> memref<1x125x32xf32, #tpu.memory_space<vmem>>
      %dma_start3A_116 = tpu.memref_squeeze %dma_start3A_115 : memref<1x125x32xf32, #tpu.memory_space<vmem>> -> memref<125x32xf32, #tpu.memory_space<vmem>>
      %dma_start3A_117 = arith.constant 0 : i32
      %dma_start3A_118 = tpu.memref_slice %arg2[%mul3A_105, %dma_start3A_117] : memref<160000x32xf32, #tpu.memory_space<hbm>> -> memref<125x32xf32, #tpu.memory_space<hbm>>
      tpu.enqueue_dma source(%dma_start3A_118 : memref<125x32xf32, #tpu.memory_space<hbm>>) target(%dma_start3A_116 : memref<125x32xf32, #tpu.memory_space<vmem>>) target_semaphore(%arg9 : memref<!tpu.dma_semaphore, #tpu.memory_space<semaphore_mem>>)
      %mul3A_119 = arith.constant 40 : i32
      %mul3A_120 = arith.muli %add3A, %mul3A_119 : i32
      %add3A_121 = arith.addi %mul3A_120, %mul3A_19 : i32
      %add3A_122 = arith.constant 5 : i32
      %add3A_123 = arith.addi %add3A_121, %add3A_122 : i32
      %mul3A_124 = arith.constant 125 : i32
      %mul3A_125 = arith.muli %add3A_123, %mul3A_124 : i32
      %dma_start3A_126 = arith.constant 5 : i32
      %dma_start3A_127 = arith.constant 0 : i32
      %dma_start3A_128 = arith.constant 0 : i32
      %dma_start3A_129 = tpu.memref_slice %arg7[%dma_start3A_126, %dma_start3A_127, %dma_start3A_128] : memref<8x125x32xf32, #tpu.memory_space<vmem>> -> memref<1x125x32xf32, #tpu.memory_space<vmem>>
      %dma_start3A_130 = tpu.memref_squeeze %dma_start3A_129 : memref<1x125x32xf32, #tpu.memory_space<vmem>> -> memref<125x32xf32, #tpu.memory_space<vmem>>
      %dma_start3A_131 = arith.constant 0 : i32
      %dma_start3A_132 = tpu.memref_slice %arg2[%mul3A_125, %dma_start3A_131] : memref<160000x32xf32, #tpu.memory_space<hbm>> -> memref<125x32xf32, #tpu.memory_space<hbm>>
      %dma_start3A_133 = arith.constant 0 : i32
      %dma_start3A_134 = arith.constant 0 : i32
      %dma_start3A_135 = tpu.memref_slice %arg7[%dma_start3A_126, %dma_start3A_133, %dma_start3A_134] : memref<8x125x32xf32, #tpu.memory_space<vmem>> -> memref<1x125x32xf32, #tpu.memory_space<vmem>>
      %dma_start3A_136 = tpu.memref_squeeze %dma_start3A_135 : memref<1x125x32xf32, #tpu.memory_space<vmem>> -> memref<125x32xf32, #tpu.memory_space<vmem>>
      %dma_start3A_137 = arith.constant 0 : i32
      %dma_start3A_138 = tpu.memref_slice %arg2[%mul3A_125, %dma_start3A_137] : memref<160000x32xf32, #tpu.memory_space<hbm>> -> memref<125x32xf32, #tpu.memory_space<hbm>>
      tpu.enqueue_dma source(%dma_start3A_138 : memref<125x32xf32, #tpu.memory_space<hbm>>) target(%dma_start3A_136 : memref<125x32xf32, #tpu.memory_space<vmem>>) target_semaphore(%arg9 : memref<!tpu.dma_semaphore, #tpu.memory_space<semaphore_mem>>)
      %mul3A_139 = arith.constant 40 : i32
      %mul3A_140 = arith.muli %add3A, %mul3A_139 : i32
      %add3A_141 = arith.addi %mul3A_140, %mul3A_19 : i32
      %add3A_142 = arith.constant 6 : i32
      %add3A_143 = arith.addi %add3A_141, %add3A_142 : i32
      %mul3A_144 = arith.constant 125 : i32
      %mul3A_145 = arith.muli %add3A_143, %mul3A_144 : i32
      %dma_start3A_146 = arith.constant 6 : i32
      %dma_start3A_147 = arith.constant 0 : i32
      %dma_start3A_148 = arith.constant 0 : i32
      %dma_start3A_149 = tpu.memref_slice %arg7[%dma_start3A_146, %dma_start3A_147, %dma_start3A_148] : memref<8x125x32xf32, #tpu.memory_space<vmem>> -> memref<1x125x32xf32, #tpu.memory_space<vmem>>
      %dma_start3A_150 = tpu.memref_squeeze %dma_start3A_149 : memref<1x125x32xf32, #tpu.memory_space<vmem>> -> memref<125x32xf32, #tpu.memory_space<vmem>>
      %dma_start3A_151 = arith.constant 0 : i32
      %dma_start3A_152 = tpu.memref_slice %arg2[%mul3A_145, %dma_start3A_151] : memref<160000x32xf32, #tpu.memory_space<hbm>> -> memref<125x32xf32, #tpu.memory_space<hbm>>
      %dma_start3A_153 = arith.constant 0 : i32
      %dma_start3A_154 = arith.constant 0 : i32
      %dma_start3A_155 = tpu.memref_slice %arg7[%dma_start3A_146, %dma_start3A_153, %dma_start3A_154] : memref<8x125x32xf32, #tpu.memory_space<vmem>> -> memref<1x125x32xf32, #tpu.memory_space<vmem>>
      %dma_start3A_156 = tpu.memref_squeeze %dma_start3A_155 : memref<1x125x32xf32, #tpu.memory_space<vmem>> -> memref<125x32xf32, #tpu.memory_space<vmem>>
      %dma_start3A_157 = arith.constant 0 : i32
      %dma_start3A_158 = tpu.memref_slice %arg2[%mul3A_145, %dma_start3A_157] : memref<160000x32xf32, #tpu.memory_space<hbm>> -> memref<125x32xf32, #tpu.memory_space<hbm>>
      tpu.enqueue_dma source(%dma_start3A_158 : memref<125x32xf32, #tpu.memory_space<hbm>>) target(%dma_start3A_156 : memref<125x32xf32, #tpu.memory_space<vmem>>) target_semaphore(%arg9 : memref<!tpu.dma_semaphore, #tpu.memory_space<semaphore_mem>>)
      %mul3A_159 = arith.constant 40 : i32
      %mul3A_160 = arith.muli %add3A, %mul3A_159 : i32
      %add3A_161 = arith.addi %mul3A_160, %mul3A_19 : i32
      %add3A_162 = arith.constant 7 : i32
      %add3A_163 = arith.addi %add3A_161, %add3A_162 : i32
      %mul3A_164 = arith.constant 125 : i32
      %mul3A_165 = arith.muli %add3A_163, %mul3A_164 : i32
      %dma_start3A_166 = arith.constant 7 : i32
      %dma_start3A_167 = arith.constant 0 : i32
      %dma_start3A_168 = arith.constant 0 : i32
      %dma_start3A_169 = tpu.memref_slice %arg7[%dma_start3A_166, %dma_start3A_167, %dma_start3A_168] : memref<8x125x32xf32, #tpu.memory_space<vmem>> -> memref<1x125x32xf32, #tpu.memory_space<vmem>>
      %dma_start3A_170 = tpu.memref_squeeze %dma_start3A_169 : memref<1x125x32xf32, #tpu.memory_space<vmem>> -> memref<125x32xf32, #tpu.memory_space<vmem>>
      %dma_start3A_171 = arith.constant 0 : i32
      %dma_start3A_172 = tpu.memref_slice %arg2[%mul3A_165, %dma_start3A_171] : memref<160000x32xf32, #tpu.memory_space<hbm>> -> memref<125x32xf32, #tpu.memory_space<hbm>>
      %dma_start3A_173 = arith.constant 0 : i32
      %dma_start3A_174 = arith.constant 0 : i32
      %dma_start3A_175 = tpu.memref_slice %arg7[%dma_start3A_166, %dma_start3A_173, %dma_start3A_174] : memref<8x125x32xf32, #tpu.memory_space<vmem>> -> memref<1x125x32xf32, #tpu.memory_space<vmem>>
      %dma_start3A_176 = tpu.memref_squeeze %dma_start3A_175 : memref<1x125x32xf32, #tpu.memory_space<vmem>> -> memref<125x32xf32, #tpu.memory_space<vmem>>
      %dma_start3A_177 = arith.constant 0 : i32
      %dma_start3A_178 = tpu.memref_slice %arg2[%mul3A_165, %dma_start3A_177] : memref<160000x32xf32, #tpu.memory_space<hbm>> -> memref<125x32xf32, #tpu.memory_space<hbm>>
      tpu.enqueue_dma source(%dma_start3A_178 : memref<125x32xf32, #tpu.memory_space<hbm>>) target(%dma_start3A_176 : memref<125x32xf32, #tpu.memory_space<vmem>>) target_semaphore(%arg9 : memref<!tpu.dma_semaphore, #tpu.memory_space<semaphore_mem>>)
      %dma_wait3A = arith.constant 0 : i32
      %dma_wait3A_179 = arith.constant 0 : i32
      %dma_wait3A_180 = arith.constant 0 : i32
      %dma_wait3A_181 = tpu.memref_slice %arg7[%dma_wait3A, %dma_wait3A_179, %dma_wait3A_180] : memref<8x125x32xf32, #tpu.memory_space<vmem>> -> memref<1x125x32xf32, #tpu.memory_space<vmem>>
      %dma_wait3A_182 = tpu.memref_squeeze %dma_wait3A_181 : memref<1x125x32xf32, #tpu.memory_space<vmem>> -> memref<125x32xf32, #tpu.memory_space<vmem>>
      %dma_wait3A_183 = arith.constant 0 : i32
      %dma_wait3A_184 = tpu.memref_slice %arg2[%mul3A_26, %dma_wait3A_183] : memref<160000x32xf32, #tpu.memory_space<hbm>> -> memref<125x32xf32, #tpu.memory_space<hbm>>
      %dma_wait3A_185 = arith.constant 0 : i32
      %dma_wait3A_186 = arith.constant 0 : i32
      %dma_wait3A_187 = tpu.memref_slice %arg7[%dma_wait3A, %dma_wait3A_185, %dma_wait3A_186] : memref<8x125x32xf32, #tpu.memory_space<vmem>> -> memref<1x125x32xf32, #tpu.memory_space<vmem>>
      %dma_wait3A_188 = tpu.memref_squeeze %dma_wait3A_187 : memref<1x125x32xf32, #tpu.memory_space<vmem>> -> memref<125x32xf32, #tpu.memory_space<vmem>>
      %dma_wait3A_189 = arith.constant 0 : i32
      %dma_wait3A_190 = tpu.memref_slice %arg2[%mul3A_26, %dma_wait3A_189] : memref<160000x32xf32, #tpu.memory_space<hbm>> -> memref<125x32xf32, #tpu.memory_space<hbm>>
      tpu.wait_dma2 semaphore(%arg9 : memref<!tpu.dma_semaphore, #tpu.memory_space<semaphore_mem>>) src(%dma_wait3A_190 : memref<125x32xf32, #tpu.memory_space<hbm>>) dst(%dma_wait3A_188 : memref<125x32xf32, #tpu.memory_space<vmem>>)
      %dma_wait3A_191 = arith.constant 1 : i32
      %dma_wait3A_192 = arith.constant 0 : i32
      %dma_wait3A_193 = arith.constant 0 : i32
      %dma_wait3A_194 = tpu.memref_slice %arg7[%dma_wait3A_191, %dma_wait3A_192, %dma_wait3A_193] : memref<8x125x32xf32, #tpu.memory_space<vmem>> -> memref<1x125x32xf32, #tpu.memory_space<vmem>>
      %dma_wait3A_195 = tpu.memref_squeeze %dma_wait3A_194 : memref<1x125x32xf32, #tpu.memory_space<vmem>> -> memref<125x32xf32, #tpu.memory_space<vmem>>
      %dma_wait3A_196 = arith.constant 0 : i32
      %dma_wait3A_197 = tpu.memref_slice %arg2[%mul3A_45, %dma_wait3A_196] : memref<160000x32xf32, #tpu.memory_space<hbm>> -> memref<125x32xf32, #tpu.memory_space<hbm>>
      %dma_wait3A_198 = arith.constant 0 : i32
      %dma_wait3A_199 = arith.constant 0 : i32
      %dma_wait3A_200 = tpu.memref_slice %arg7[%dma_wait3A_191, %dma_wait3A_198, %dma_wait3A_199] : memref<8x125x32xf32, #tpu.memory_space<vmem>> -> memref<1x125x32xf32, #tpu.memory_space<vmem>>
      %dma_wait3A_201 = tpu.memref_squeeze %dma_wait3A_200 : memref<1x125x32xf32, #tpu.memory_space<vmem>> -> memref<125x32xf32, #tpu.memory_space<vmem>>
      %dma_wait3A_202 = arith.constant 0 : i32
      %dma_wait3A_203 = tpu.memref_slice %arg2[%mul3A_45, %dma_wait3A_202] : memref<160000x32xf32, #tpu.memory_space<hbm>> -> memref<125x32xf32, #tpu.memory_space<hbm>>
      tpu.wait_dma2 semaphore(%arg9 : memref<!tpu.dma_semaphore, #tpu.memory_space<semaphore_mem>>) src(%dma_wait3A_203 : memref<125x32xf32, #tpu.memory_space<hbm>>) dst(%dma_wait3A_201 : memref<125x32xf32, #tpu.memory_space<vmem>>)
      %dma_wait3A_204 = arith.constant 2 : i32
      %dma_wait3A_205 = arith.constant 0 : i32
      %dma_wait3A_206 = arith.constant 0 : i32
      %dma_wait3A_207 = tpu.memref_slice %arg7[%dma_wait3A_204, %dma_wait3A_205, %dma_wait3A_206] : memref<8x125x32xf32, #tpu.memory_space<vmem>> -> memref<1x125x32xf32, #tpu.memory_space<vmem>>
      %dma_wait3A_208 = tpu.memref_squeeze %dma_wait3A_207 : memref<1x125x32xf32, #tpu.memory_space<vmem>> -> memref<125x32xf32, #tpu.memory_space<vmem>>
      %dma_wait3A_209 = arith.constant 0 : i32
      %dma_wait3A_210 = tpu.memref_slice %arg2[%mul3A_65, %dma_wait3A_209] : memref<160000x32xf32, #tpu.memory_space<hbm>> -> memref<125x32xf32, #tpu.memory_space<hbm>>
      %dma_wait3A_211 = arith.constant 0 : i32
      %dma_wait3A_212 = arith.constant 0 : i32
      %dma_wait3A_213 = tpu.memref_slice %arg7[%dma_wait3A_204, %dma_wait3A_211, %dma_wait3A_212] : memref<8x125x32xf32, #tpu.memory_space<vmem>> -> memref<1x125x32xf32, #tpu.memory_space<vmem>>
      %dma_wait3A_214 = tpu.memref_squeeze %dma_wait3A_213 : memref<1x125x32xf32, #tpu.memory_space<vmem>> -> memref<125x32xf32, #tpu.memory_space<vmem>>
      %dma_wait3A_215 = arith.constant 0 : i32
      %dma_wait3A_216 = tpu.memref_slice %arg2[%mul3A_65, %dma_wait3A_215] : memref<160000x32xf32, #tpu.memory_space<hbm>> -> memref<125x32xf32, #tpu.memory_space<hbm>>
      tpu.wait_dma2 semaphore(%arg9 : memref<!tpu.dma_semaphore, #tpu.memory_space<semaphore_mem>>) src(%dma_wait3A_216 : memref<125x32xf32, #tpu.memory_space<hbm>>) dst(%dma_wait3A_214 : memref<125x32xf32, #tpu.memory_space<vmem>>)
      %dma_wait3A_217 = arith.constant 3 : i32
      %dma_wait3A_218 = arith.constant 0 : i32
      %dma_wait3A_219 = arith.constant 0 : i32
      %dma_wait3A_220 = tpu.memref_slice %arg7[%dma_wait3A_217, %dma_wait3A_218, %dma_wait3A_219] : memref<8x125x32xf32, #tpu.memory_space<vmem>> -> memref<1x125x32xf32, #tpu.memory_space<vmem>>
      %dma_wait3A_221 = tpu.memref_squeeze %dma_wait3A_220 : memref<1x125x32xf32, #tpu.memory_space<vmem>> -> memref<125x32xf32, #tpu.memory_space<vmem>>
      %dma_wait3A_222 = arith.constant 0 : i32
      %dma_wait3A_223 = tpu.memref_slice %arg2[%mul3A_85, %dma_wait3A_222] : memref<160000x32xf32, #tpu.memory_space<hbm>> -> memref<125x32xf32, #tpu.memory_space<hbm>>
      %dma_wait3A_224 = arith.constant 0 : i32
      %dma_wait3A_225 = arith.constant 0 : i32
      %dma_wait3A_226 = tpu.memref_slice %arg7[%dma_wait3A_217, %dma_wait3A_224, %dma_wait3A_225] : memref<8x125x32xf32, #tpu.memory_space<vmem>> -> memref<1x125x32xf32, #tpu.memory_space<vmem>>
      %dma_wait3A_227 = tpu.memref_squeeze %dma_wait3A_226 : memref<1x125x32xf32, #tpu.memory_space<vmem>> -> memref<125x32xf32, #tpu.memory_space<vmem>>
      %dma_wait3A_228 = arith.constant 0 : i32
      %dma_wait3A_229 = tpu.memref_slice %arg2[%mul3A_85, %dma_wait3A_228] : memref<160000x32xf32, #tpu.memory_space<hbm>> -> memref<125x32xf32, #tpu.memory_space<hbm>>
      tpu.wait_dma2 semaphore(%arg9 : memref<!tpu.dma_semaphore, #tpu.memory_space<semaphore_mem>>) src(%dma_wait3A_229 : memref<125x32xf32, #tpu.memory_space<hbm>>) dst(%dma_wait3A_227 : memref<125x32xf32, #tpu.memory_space<vmem>>)
      %dma_wait3A_230 = arith.constant 4 : i32
      %dma_wait3A_231 = arith.constant 0 : i32
      %dma_wait3A_232 = arith.constant 0 : i32
      %dma_wait3A_233 = tpu.memref_slice %arg7[%dma_wait3A_230, %dma_wait3A_231, %dma_wait3A_232] : memref<8x125x32xf32, #tpu.memory_space<vmem>> -> memref<1x125x32xf32, #tpu.memory_space<vmem>>
      %dma_wait3A_234 = tpu.memref_squeeze %dma_wait3A_233 : memref<1x125x32xf32, #tpu.memory_space<vmem>> -> memref<125x32xf32, #tpu.memory_space<vmem>>
      %dma_wait3A_235 = arith.constant 0 : i32
      %dma_wait3A_236 = tpu.memref_slice %arg2[%mul3A_105, %dma_wait3A_235] : memref<160000x32xf32, #tpu.memory_space<hbm>> -> memref<125x32xf32, #tpu.memory_space<hbm>>
      %dma_wait3A_237 = arith.constant 0 : i32
      %dma_wait3A_238 = arith.constant 0 : i32
      %dma_wait3A_239 = tpu.memref_slice %arg7[%dma_wait3A_230, %dma_wait3A_237, %dma_wait3A_238] : memref<8x125x32xf32, #tpu.memory_space<vmem>> -> memref<1x125x32xf32, #tpu.memory_space<vmem>>
      %dma_wait3A_240 = tpu.memref_squeeze %dma_wait3A_239 : memref<1x125x32xf32, #tpu.memory_space<vmem>> -> memref<125x32xf32, #tpu.memory_space<vmem>>
      %dma_wait3A_241 = arith.constant 0 : i32
      %dma_wait3A_242 = tpu.memref_slice %arg2[%mul3A_105, %dma_wait3A_241] : memref<160000x32xf32, #tpu.memory_space<hbm>> -> memref<125x32xf32, #tpu.memory_space<hbm>>
      tpu.wait_dma2 semaphore(%arg9 : memref<!tpu.dma_semaphore, #tpu.memory_space<semaphore_mem>>) src(%dma_wait3A_242 : memref<125x32xf32, #tpu.memory_space<hbm>>) dst(%dma_wait3A_240 : memref<125x32xf32, #tpu.memory_space<vmem>>)
      %dma_wait3A_243 = arith.constant 5 : i32
      %dma_wait3A_244 = arith.constant 0 : i32
      %dma_wait3A_245 = arith.constant 0 : i32
      %dma_wait3A_246 = tpu.memref_slice %arg7[%dma_wait3A_243, %dma_wait3A_244, %dma_wait3A_245] : memref<8x125x32xf32, #tpu.memory_space<vmem>> -> memref<1x125x32xf32, #tpu.memory_space<vmem>>
      %dma_wait3A_247 = tpu.memref_squeeze %dma_wait3A_246 : memref<1x125x32xf32, #tpu.memory_space<vmem>> -> memref<125x32xf32, #tpu.memory_space<vmem>>
      %dma_wait3A_248 = arith.constant 0 : i32
      %dma_wait3A_249 = tpu.memref_slice %arg2[%mul3A_125, %dma_wait3A_248] : memref<160000x32xf32, #tpu.memory_space<hbm>> -> memref<125x32xf32, #tpu.memory_space<hbm>>
      %dma_wait3A_250 = arith.constant 0 : i32
      %dma_wait3A_251 = arith.constant 0 : i32
      %dma_wait3A_252 = tpu.memref_slice %arg7[%dma_wait3A_243, %dma_wait3A_250, %dma_wait3A_251] : memref<8x125x32xf32, #tpu.memory_space<vmem>> -> memref<1x125x32xf32, #tpu.memory_space<vmem>>
      %dma_wait3A_253 = tpu.memref_squeeze %dma_wait3A_252 : memref<1x125x32xf32, #tpu.memory_space<vmem>> -> memref<125x32xf32, #tpu.memory_space<vmem>>
      %dma_wait3A_254 = arith.constant 0 : i32
      %dma_wait3A_255 = tpu.memref_slice %arg2[%mul3A_125, %dma_wait3A_254] : memref<160000x32xf32, #tpu.memory_space<hbm>> -> memref<125x32xf32, #tpu.memory_space<hbm>>
      tpu.wait_dma2 semaphore(%arg9 : memref<!tpu.dma_semaphore, #tpu.memory_space<semaphore_mem>>) src(%dma_wait3A_255 : memref<125x32xf32, #tpu.memory_space<hbm>>) dst(%dma_wait3A_253 : memref<125x32xf32, #tpu.memory_space<vmem>>)
      %dma_wait3A_256 = arith.constant 6 : i32
      %dma_wait3A_257 = arith.constant 0 : i32
      %dma_wait3A_258 = arith.constant 0 : i32
      %dma_wait3A_259 = tpu.memref_slice %arg7[%dma_wait3A_256, %dma_wait3A_257, %dma_wait3A_258] : memref<8x125x32xf32, #tpu.memory_space<vmem>> -> memref<1x125x32xf32, #tpu.memory_space<vmem>>
      %dma_wait3A_260 = tpu.memref_squeeze %dma_wait3A_259 : memref<1x125x32xf32, #tpu.memory_space<vmem>> -> memref<125x32xf32, #tpu.memory_space<vmem>>
      %dma_wait3A_261 = arith.constant 0 : i32
      %dma_wait3A_262 = tpu.memref_slice %arg2[%mul3A_145, %dma_wait3A_261] : memref<160000x32xf32, #tpu.memory_space<hbm>> -> memref<125x32xf32, #tpu.memory_space<hbm>>
      %dma_wait3A_263 = arith.constant 0 : i32
      %dma_wait3A_264 = arith.constant 0 : i32
      %dma_wait3A_265 = tpu.memref_slice %arg7[%dma_wait3A_256, %dma_wait3A_263, %dma_wait3A_264] : memref<8x125x32xf32, #tpu.memory_space<vmem>> -> memref<1x125x32xf32, #tpu.memory_space<vmem>>
      %dma_wait3A_266 = tpu.memref_squeeze %dma_wait3A_265 : memref<1x125x32xf32, #tpu.memory_space<vmem>> -> memref<125x32xf32, #tpu.memory_space<vmem>>
      %dma_wait3A_267 = arith.constant 0 : i32
      %dma_wait3A_268 = tpu.memref_slice %arg2[%mul3A_145, %dma_wait3A_267] : memref<160000x32xf32, #tpu.memory_space<hbm>> -> memref<125x32xf32, #tpu.memory_space<hbm>>
      tpu.wait_dma2 semaphore(%arg9 : memref<!tpu.dma_semaphore, #tpu.memory_space<semaphore_mem>>) src(%dma_wait3A_268 : memref<125x32xf32, #tpu.memory_space<hbm>>) dst(%dma_wait3A_266 : memref<125x32xf32, #tpu.memory_space<vmem>>)
      %dma_wait3A_269 = arith.constant 7 : i32
      %dma_wait3A_270 = arith.constant 0 : i32
      %dma_wait3A_271 = arith.constant 0 : i32
      %dma_wait3A_272 = tpu.memref_slice %arg7[%dma_wait3A_269, %dma_wait3A_270, %dma_wait3A_271] : memref<8x125x32xf32, #tpu.memory_space<vmem>> -> memref<1x125x32xf32, #tpu.memory_space<vmem>>
      %dma_wait3A_273 = tpu.memref_squeeze %dma_wait3A_272 : memref<1x125x32xf32, #tpu.memory_space<vmem>> -> memref<125x32xf32, #tpu.memory_space<vmem>>
      %dma_wait3A_274 = arith.constant 0 : i32
      %dma_wait3A_275 = tpu.memref_slice %arg2[%mul3A_165, %dma_wait3A_274] : memref<160000x32xf32, #tpu.memory_space<hbm>> -> memref<125x32xf32, #tpu.memory_space<hbm>>
      %dma_wait3A_276 = arith.constant 0 : i32
      %dma_wait3A_277 = arith.constant 0 : i32
      %dma_wait3A_278 = tpu.memref_slice %arg7[%dma_wait3A_269, %dma_wait3A_276, %dma_wait3A_277] : memref<8x125x32xf32, #tpu.memory_space<vmem>> -> memref<1x125x32xf32, #tpu.memory_space<vmem>>
      %dma_wait3A_279 = tpu.memref_squeeze %dma_wait3A_278 : memref<1x125x32xf32, #tpu.memory_space<vmem>> -> memref<125x32xf32, #tpu.memory_space<vmem>>
      %dma_wait3A_280 = arith.constant 0 : i32
      %dma_wait3A_281 = tpu.memref_slice %arg2[%mul3A_165, %dma_wait3A_280] : memref<160000x32xf32, #tpu.memory_space<hbm>> -> memref<125x32xf32, #tpu.memory_space<hbm>>
      tpu.wait_dma2 semaphore(%arg9 : memref<!tpu.dma_semaphore, #tpu.memory_space<semaphore_mem>>) src(%dma_wait3A_281 : memref<125x32xf32, #tpu.memory_space<hbm>>) dst(%dma_wait3A_279 : memref<125x32xf32, #tpu.memory_space<vmem>>)
      %add3A_282 = arith.constant 0 : i32
      %add3A_283 = arith.addi %mul3A_19, %add3A_282 : i32
      %run_scoped3A = arith.constant 0 : i32
      "tpu.region"() ({
        %run_scoped3A_305 = tpu.sem_alloc : memref<!tpu.dma_semaphore, #tpu.memory_space<semaphore_mem>>
        %dma_start3A_306 = arith.constant 0 : i32
        %dma_start3A_307 = arith.constant 0 : i32
        %dma_start3A_308 = tpu.memref_slice %arg7[%run_scoped3A, %dma_start3A_306, %dma_start3A_307] : memref<8x125x32xf32, #tpu.memory_space<vmem>> -> memref<1x125x32xf32, #tpu.memory_space<vmem>>
        %dma_start3A_309 = tpu.memref_squeeze %dma_start3A_308 : memref<1x125x32xf32, #tpu.memory_space<vmem>> -> memref<125x32xf32, #tpu.memory_space<vmem>>
        %dma_start3A_310 = arith.constant 0 : i32
        %dma_start3A_311 = tpu.memref_slice %arg6[%add3A_283, %dma_start3A_310] : memref<40x125xi32, #tpu.memory_space<vmem>> -> memref<1x125xi32, #tpu.memory_space<vmem>>
        %dma_start3A_312 = tpu.memref_squeeze %dma_start3A_311 : memref<1x125xi32, #tpu.memory_space<vmem>> -> memref<125xi32, #tpu.memory_space<vmem>>
        %dma_start3A_313 = arith.constant 0 : i32
        %dma_start3A_314 = arith.constant 0 : i32
        %dma_start3A_315 = tpu.memref_slice %arg8[%dma_start3A_313, %dma_start3A_314] : memref<20000x32xf32, #tpu.memory_space<vmem_shared>> -> memref<20000x32xf32, #tpu.memory_space<vmem_shared>>
        tpu.enqueue_indirect_dma source(%dma_start3A_309 : memref<125x32xf32, #tpu.memory_space<vmem>>) target(%dma_start3A_315 : memref<20000x32xf32, #tpu.memory_space<vmem_shared>>) offsets(%dma_start3A_312 : memref<125xi32, #tpu.memory_space<vmem>>) semaphore(%run_scoped3A_305 : memref<!tpu.dma_semaphore, #tpu.memory_space<semaphore_mem>>) {add = true}
        %dma_wait3A_316 = arith.constant 0 : i32
        %dma_wait3A_317 = arith.constant 0 : i32
        %dma_wait3A_318 = tpu.memref_slice %arg7[%run_scoped3A, %dma_wait3A_316, %dma_wait3A_317] : memref<8x125x32xf32, #tpu.memory_space<vmem>> -> memref<1x125x32xf32, #tpu.memory_space<vmem>>
        %dma_wait3A_319 = tpu.memref_squeeze %dma_wait3A_318 : memref<1x125x32xf32, #tpu.memory_space<vmem>> -> memref<125x32xf32, #tpu.memory_space<vmem>>
        %dma_wait3A_320 = arith.constant 0 : i32
        %dma_wait3A_321 = tpu.memref_slice %arg6[%add3A_283, %dma_wait3A_320] : memref<40x125xi32, #tpu.memory_space<vmem>> -> memref<1x125xi32, #tpu.memory_space<vmem>>
        %dma_wait3A_322 = tpu.memref_squeeze %dma_wait3A_321 : memref<1x125xi32, #tpu.memory_space<vmem>> -> memref<125xi32, #tpu.memory_space<vmem>>
        %dma_wait3A_323 = arith.constant 0 : i32
        %dma_wait3A_324 = arith.constant 0 : i32
        %dma_wait3A_325 = tpu.memref_slice %arg8[%dma_wait3A_323, %dma_wait3A_324] : memref<20000x32xf32, #tpu.memory_space<vmem_shared>> -> memref<20000x32xf32, #tpu.memory_space<vmem_shared>>
        tpu.wait_indirect_dma semaphore(%run_scoped3A_305 : memref<!tpu.dma_semaphore, #tpu.memory_space<semaphore_mem>>) src(%dma_wait3A_319 : memref<125x32xf32, #tpu.memory_space<vmem>>) dst(%dma_wait3A_325 : memref<20000x32xf32, #tpu.memory_space<vmem_shared>>)
        tpu.yield
      }) : () -> ()
      %add3A_284 = arith.constant 1 : i32
      %add3A_285 = arith.addi %mul3A_19, %add3A_284 : i32
      %run_scoped3A_286 = arith.constant 1 : i32
      "tpu.region"() ({
        %run_scoped3A_305 = tpu.sem_alloc : memref<!tpu.dma_semaphore, #tpu.memory_space<semaphore_mem>>
        %dma_start3A_306 = arith.constant 0 : i32
        %dma_start3A_307 = arith.constant 0 : i32
        %dma_start3A_308 = tpu.memref_slice %arg7[%run_scoped3A_286, %dma_start3A_306, %dma_start3A_307] : memref<8x125x32xf32, #tpu.memory_space<vmem>> -> memref<1x125x32xf32, #tpu.memory_space<vmem>>
        %dma_start3A_309 = tpu.memref_squeeze %dma_start3A_308 : memref<1x125x32xf32, #tpu.memory_space<vmem>> -> memref<125x32xf32, #tpu.memory_space<vmem>>
        %dma_start3A_310 = arith.constant 0 : i32
        %dma_start3A_311 = tpu.memref_slice %arg6[%add3A_285, %dma_start3A_310] : memref<40x125xi32, #tpu.memory_space<vmem>> -> memref<1x125xi32, #tpu.memory_space<vmem>>
        %dma_start3A_312 = tpu.memref_squeeze %dma_start3A_311 : memref<1x125xi32, #tpu.memory_space<vmem>> -> memref<125xi32, #tpu.memory_space<vmem>>
        %dma_start3A_313 = arith.constant 0 : i32
        %dma_start3A_314 = arith.constant 0 : i32
        %dma_start3A_315 = tpu.memref_slice %arg8[%dma_start3A_313, %dma_start3A_314] : memref<20000x32xf32, #tpu.memory_space<vmem_shared>> -> memref<20000x32xf32, #tpu.memory_space<vmem_shared>>
        tpu.enqueue_indirect_dma source(%dma_start3A_309 : memref<125x32xf32, #tpu.memory_space<vmem>>) target(%dma_start3A_315 : memref<20000x32xf32, #tpu.memory_space<vmem_shared>>) offsets(%dma_start3A_312 : memref<125xi32, #tpu.memory_space<vmem>>) semaphore(%run_scoped3A_305 : memref<!tpu.dma_semaphore, #tpu.memory_space<semaphore_mem>>) {add = true}
        %dma_wait3A_316 = arith.constant 0 : i32
        %dma_wait3A_317 = arith.constant 0 : i32
        %dma_wait3A_318 = tpu.memref_slice %arg7[%run_scoped3A_286, %dma_wait3A_316, %dma_wait3A_317] : memref<8x125x32xf32, #tpu.memory_space<vmem>> -> memref<1x125x32xf32, #tpu.memory_space<vmem>>
        %dma_wait3A_319 = tpu.memref_squeeze %dma_wait3A_318 : memref<1x125x32xf32, #tpu.memory_space<vmem>> -> memref<125x32xf32, #tpu.memory_space<vmem>>
        %dma_wait3A_320 = arith.constant 0 : i32
        %dma_wait3A_321 = tpu.memref_slice %arg6[%add3A_285, %dma_wait3A_320] : memref<40x125xi32, #tpu.memory_space<vmem>> -> memref<1x125xi32, #tpu.memory_space<vmem>>
        %dma_wait3A_322 = tpu.memref_squeeze %dma_wait3A_321 : memref<1x125xi32, #tpu.memory_space<vmem>> -> memref<125xi32, #tpu.memory_space<vmem>>
        %dma_wait3A_323 = arith.constant 0 : i32
        %dma_wait3A_324 = arith.constant 0 : i32
        %dma_wait3A_325 = tpu.memref_slice %arg8[%dma_wait3A_323, %dma_wait3A_324] : memref<20000x32xf32, #tpu.memory_space<vmem_shared>> -> memref<20000x32xf32, #tpu.memory_space<vmem_shared>>
        tpu.wait_indirect_dma semaphore(%run_scoped3A_305 : memref<!tpu.dma_semaphore, #tpu.memory_space<semaphore_mem>>) src(%dma_wait3A_319 : memref<125x32xf32, #tpu.memory_space<vmem>>) dst(%dma_wait3A_325 : memref<20000x32xf32, #tpu.memory_space<vmem_shared>>)
        tpu.yield
      }) : () -> ()
      %add3A_287 = arith.constant 2 : i32
      %add3A_288 = arith.addi %mul3A_19, %add3A_287 : i32
      %run_scoped3A_289 = arith.constant 2 : i32
      "tpu.region"() ({
        %run_scoped3A_305 = tpu.sem_alloc : memref<!tpu.dma_semaphore, #tpu.memory_space<semaphore_mem>>
        %dma_start3A_306 = arith.constant 0 : i32
        %dma_start3A_307 = arith.constant 0 : i32
        %dma_start3A_308 = tpu.memref_slice %arg7[%run_scoped3A_289, %dma_start3A_306, %dma_start3A_307] : memref<8x125x32xf32, #tpu.memory_space<vmem>> -> memref<1x125x32xf32, #tpu.memory_space<vmem>>
        %dma_start3A_309 = tpu.memref_squeeze %dma_start3A_308 : memref<1x125x32xf32, #tpu.memory_space<vmem>> -> memref<125x32xf32, #tpu.memory_space<vmem>>
        %dma_start3A_310 = arith.constant 0 : i32
        %dma_start3A_311 = tpu.memref_slice %arg6[%add3A_288, %dma_start3A_310] : memref<40x125xi32, #tpu.memory_space<vmem>> -> memref<1x125xi32, #tpu.memory_space<vmem>>
        %dma_start3A_312 = tpu.memref_squeeze %dma_start3A_311 : memref<1x125xi32, #tpu.memory_space<vmem>> -> memref<125xi32, #tpu.memory_space<vmem>>
        %dma_start3A_313 = arith.constant 0 : i32
        %dma_start3A_314 = arith.constant 0 : i32
        %dma_start3A_315 = tpu.memref_slice %arg8[%dma_start3A_313, %dma_start3A_314] : memref<20000x32xf32, #tpu.memory_space<vmem_shared>> -> memref<20000x32xf32, #tpu.memory_space<vmem_shared>>
        tpu.enqueue_indirect_dma source(%dma_start3A_309 : memref<125x32xf32, #tpu.memory_space<vmem>>) target(%dma_start3A_315 : memref<20000x32xf32, #tpu.memory_space<vmem_shared>>) offsets(%dma_start3A_312 : memref<125xi32, #tpu.memory_space<vmem>>) semaphore(%run_scoped3A_305 : memref<!tpu.dma_semaphore, #tpu.memory_space<semaphore_mem>>) {add = true}
        %dma_wait3A_316 = arith.constant 0 : i32
        %dma_wait3A_317 = arith.constant 0 : i32
        %dma_wait3A_318 = tpu.memref_slice %arg7[%run_scoped3A_289, %dma_wait3A_316, %dma_wait3A_317] : memref<8x125x32xf32, #tpu.memory_space<vmem>> -> memref<1x125x32xf32, #tpu.memory_space<vmem>>
        %dma_wait3A_319 = tpu.memref_squeeze %dma_wait3A_318 : memref<1x125x32xf32, #tpu.memory_space<vmem>> -> memref<125x32xf32, #tpu.memory_space<vmem>>
        %dma_wait3A_320 = arith.constant 0 : i32
        %dma_wait3A_321 = tpu.memref_slice %arg6[%add3A_288, %dma_wait3A_320] : memref<40x125xi32, #tpu.memory_space<vmem>> -> memref<1x125xi32, #tpu.memory_space<vmem>>
        %dma_wait3A_322 = tpu.memref_squeeze %dma_wait3A_321 : memref<1x125xi32, #tpu.memory_space<vmem>> -> memref<125xi32, #tpu.memory_space<vmem>>
        %dma_wait3A_323 = arith.constant 0 : i32
        %dma_wait3A_324 = arith.constant 0 : i32
        %dma_wait3A_325 = tpu.memref_slice %arg8[%dma_wait3A_323, %dma_wait3A_324] : memref<20000x32xf32, #tpu.memory_space<vmem_shared>> -> memref<20000x32xf32, #tpu.memory_space<vmem_shared>>
        tpu.wait_indirect_dma semaphore(%run_scoped3A_305 : memref<!tpu.dma_semaphore, #tpu.memory_space<semaphore_mem>>) src(%dma_wait3A_319 : memref<125x32xf32, #tpu.memory_space<vmem>>) dst(%dma_wait3A_325 : memref<20000x32xf32, #tpu.memory_space<vmem_shared>>)
        tpu.yield
      }) : () -> ()
      %add3A_290 = arith.constant 3 : i32
      %add3A_291 = arith.addi %mul3A_19, %add3A_290 : i32
      %run_scoped3A_292 = arith.constant 3 : i32
      "tpu.region"() ({
        %run_scoped3A_305 = tpu.sem_alloc : memref<!tpu.dma_semaphore, #tpu.memory_space<semaphore_mem>>
        %dma_start3A_306 = arith.constant 0 : i32
        %dma_start3A_307 = arith.constant 0 : i32
        %dma_start3A_308 = tpu.memref_slice %arg7[%run_scoped3A_292, %dma_start3A_306, %dma_start3A_307] : memref<8x125x32xf32, #tpu.memory_space<vmem>> -> memref<1x125x32xf32, #tpu.memory_space<vmem>>
        %dma_start3A_309 = tpu.memref_squeeze %dma_start3A_308 : memref<1x125x32xf32, #tpu.memory_space<vmem>> -> memref<125x32xf32, #tpu.memory_space<vmem>>
        %dma_start3A_310 = arith.constant 0 : i32
        %dma_start3A_311 = tpu.memref_slice %arg6[%add3A_291, %dma_start3A_310] : memref<40x125xi32, #tpu.memory_space<vmem>> -> memref<1x125xi32, #tpu.memory_space<vmem>>
        %dma_start3A_312 = tpu.memref_squeeze %dma_start3A_311 : memref<1x125xi32, #tpu.memory_space<vmem>> -> memref<125xi32, #tpu.memory_space<vmem>>
        %dma_start3A_313 = arith.constant 0 : i32
        %dma_start3A_314 = arith.constant 0 : i32
        %dma_start3A_315 = tpu.memref_slice %arg8[%dma_start3A_313, %dma_start3A_314] : memref<20000x32xf32, #tpu.memory_space<vmem_shared>> -> memref<20000x32xf32, #tpu.memory_space<vmem_shared>>
        tpu.enqueue_indirect_dma source(%dma_start3A_309 : memref<125x32xf32, #tpu.memory_space<vmem>>) target(%dma_start3A_315 : memref<20000x32xf32, #tpu.memory_space<vmem_shared>>) offsets(%dma_start3A_312 : memref<125xi32, #tpu.memory_space<vmem>>) semaphore(%run_scoped3A_305 : memref<!tpu.dma_semaphore, #tpu.memory_space<semaphore_mem>>) {add = true}
        %dma_wait3A_316 = arith.constant 0 : i32
        %dma_wait3A_317 = arith.constant 0 : i32
        %dma_wait3A_318 = tpu.memref_slice %arg7[%run_scoped3A_292, %dma_wait3A_316, %dma_wait3A_317] : memref<8x125x32xf32, #tpu.memory_space<vmem>> -> memref<1x125x32xf32, #tpu.memory_space<vmem>>
        %dma_wait3A_319 = tpu.memref_squeeze %dma_wait3A_318 : memref<1x125x32xf32, #tpu.memory_space<vmem>> -> memref<125x32xf32, #tpu.memory_space<vmem>>
        %dma_wait3A_320 = arith.constant 0 : i32
        %dma_wait3A_321 = tpu.memref_slice %arg6[%add3A_291, %dma_wait3A_320] : memref<40x125xi32, #tpu.memory_space<vmem>> -> memref<1x125xi32, #tpu.memory_space<vmem>>
        %dma_wait3A_322 = tpu.memref_squeeze %dma_wait3A_321 : memref<1x125xi32, #tpu.memory_space<vmem>> -> memref<125xi32, #tpu.memory_space<vmem>>
        %dma_wait3A_323 = arith.constant 0 : i32
        %dma_wait3A_324 = arith.constant 0 : i32
        %dma_wait3A_325 = tpu.memref_slice %arg8[%dma_wait3A_323, %dma_wait3A_324] : memref<20000x32xf32, #tpu.memory_space<vmem_shared>> -> memref<20000x32xf32, #tpu.memory_space<vmem_shared>>
        tpu.wait_indirect_dma semaphore(%run_scoped3A_305 : memref<!tpu.dma_semaphore, #tpu.memory_space<semaphore_mem>>) src(%dma_wait3A_319 : memref<125x32xf32, #tpu.memory_space<vmem>>) dst(%dma_wait3A_325 : memref<20000x32xf32, #tpu.memory_space<vmem_shared>>)
        tpu.yield
      }) : () -> ()
      %add3A_293 = arith.constant 4 : i32
      %add3A_294 = arith.addi %mul3A_19, %add3A_293 : i32
      %run_scoped3A_295 = arith.constant 4 : i32
      "tpu.region"() ({
        %run_scoped3A_305 = tpu.sem_alloc : memref<!tpu.dma_semaphore, #tpu.memory_space<semaphore_mem>>
        %dma_start3A_306 = arith.constant 0 : i32
        %dma_start3A_307 = arith.constant 0 : i32
        %dma_start3A_308 = tpu.memref_slice %arg7[%run_scoped3A_295, %dma_start3A_306, %dma_start3A_307] : memref<8x125x32xf32, #tpu.memory_space<vmem>> -> memref<1x125x32xf32, #tpu.memory_space<vmem>>
        %dma_start3A_309 = tpu.memref_squeeze %dma_start3A_308 : memref<1x125x32xf32, #tpu.memory_space<vmem>> -> memref<125x32xf32, #tpu.memory_space<vmem>>
        %dma_start3A_310 = arith.constant 0 : i32
        %dma_start3A_311 = tpu.memref_slice %arg6[%add3A_294, %dma_start3A_310] : memref<40x125xi32, #tpu.memory_space<vmem>> -> memref<1x125xi32, #tpu.memory_space<vmem>>
        %dma_start3A_312 = tpu.memref_squeeze %dma_start3A_311 : memref<1x125xi32, #tpu.memory_space<vmem>> -> memref<125xi32, #tpu.memory_space<vmem>>
        %dma_start3A_313 = arith.constant 0 : i32
        %dma_start3A_314 = arith.constant 0 : i32
        %dma_start3A_315 = tpu.memref_slice %arg8[%dma_start3A_313, %dma_start3A_314] : memref<20000x32xf32, #tpu.memory_space<vmem_shared>> -> memref<20000x32xf32, #tpu.memory_space<vmem_shared>>
        tpu.enqueue_indirect_dma source(%dma_start3A_309 : memref<125x32xf32, #tpu.memory_space<vmem>>) target(%dma_start3A_315 : memref<20000x32xf32, #tpu.memory_space<vmem_shared>>) offsets(%dma_start3A_312 : memref<125xi32, #tpu.memory_space<vmem>>) semaphore(%run_scoped3A_305 : memref<!tpu.dma_semaphore, #tpu.memory_space<semaphore_mem>>) {add = true}
        %dma_wait3A_316 = arith.constant 0 : i32
        %dma_wait3A_317 = arith.constant 0 : i32
        %dma_wait3A_318 = tpu.memref_slice %arg7[%run_scoped3A_295, %dma_wait3A_316, %dma_wait3A_317] : memref<8x125x32xf32, #tpu.memory_space<vmem>> -> memref<1x125x32xf32, #tpu.memory_space<vmem>>
        %dma_wait3A_319 = tpu.memref_squeeze %dma_wait3A_318 : memref<1x125x32xf32, #tpu.memory_space<vmem>> -> memref<125x32xf32, #tpu.memory_space<vmem>>
        %dma_wait3A_320 = arith.constant 0 : i32
        %dma_wait3A_321 = tpu.memref_slice %arg6[%add3A_294, %dma_wait3A_320] : memref<40x125xi32, #tpu.memory_space<vmem>> -> memref<1x125xi32, #tpu.memory_space<vmem>>
        %dma_wait3A_322 = tpu.memref_squeeze %dma_wait3A_321 : memref<1x125xi32, #tpu.memory_space<vmem>> -> memref<125xi32, #tpu.memory_space<vmem>>
        %dma_wait3A_323 = arith.constant 0 : i32
        %dma_wait3A_324 = arith.constant 0 : i32
        %dma_wait3A_325 = tpu.memref_slice %arg8[%dma_wait3A_323, %dma_wait3A_324] : memref<20000x32xf32, #tpu.memory_space<vmem_shared>> -> memref<20000x32xf32, #tpu.memory_space<vmem_shared>>
        tpu.wait_indirect_dma semaphore(%run_scoped3A_305 : memref<!tpu.dma_semaphore, #tpu.memory_space<semaphore_mem>>) src(%dma_wait3A_319 : memref<125x32xf32, #tpu.memory_space<vmem>>) dst(%dma_wait3A_325 : memref<20000x32xf32, #tpu.memory_space<vmem_shared>>)
        tpu.yield
      }) : () -> ()
      %add3A_296 = arith.constant 5 : i32
      %add3A_297 = arith.addi %mul3A_19, %add3A_296 : i32
      %run_scoped3A_298 = arith.constant 5 : i32
      "tpu.region"() ({
        %run_scoped3A_305 = tpu.sem_alloc : memref<!tpu.dma_semaphore, #tpu.memory_space<semaphore_mem>>
        %dma_start3A_306 = arith.constant 0 : i32
        %dma_start3A_307 = arith.constant 0 : i32
        %dma_start3A_308 = tpu.memref_slice %arg7[%run_scoped3A_298, %dma_start3A_306, %dma_start3A_307] : memref<8x125x32xf32, #tpu.memory_space<vmem>> -> memref<1x125x32xf32, #tpu.memory_space<vmem>>
        %dma_start3A_309 = tpu.memref_squeeze %dma_start3A_308 : memref<1x125x32xf32, #tpu.memory_space<vmem>> -> memref<125x32xf32, #tpu.memory_space<vmem>>
        %dma_start3A_310 = arith.constant 0 : i32
        %dma_start3A_311 = tpu.memref_slice %arg6[%add3A_297, %dma_start3A_310] : memref<40x125xi32, #tpu.memory_space<vmem>> -> memref<1x125xi32, #tpu.memory_space<vmem>>
        %dma_start3A_312 = tpu.memref_squeeze %dma_start3A_311 : memref<1x125xi32, #tpu.memory_space<vmem>> -> memref<125xi32, #tpu.memory_space<vmem>>
        %dma_start3A_313 = arith.constant 0 : i32
        %dma_start3A_314 = arith.constant 0 : i32
        %dma_start3A_315 = tpu.memref_slice %arg8[%dma_start3A_313, %dma_start3A_314] : memref<20000x32xf32, #tpu.memory_space<vmem_shared>> -> memref<20000x32xf32, #tpu.memory_space<vmem_shared>>
        tpu.enqueue_indirect_dma source(%dma_start3A_309 : memref<125x32xf32, #tpu.memory_space<vmem>>) target(%dma_start3A_315 : memref<20000x32xf32, #tpu.memory_space<vmem_shared>>) offsets(%dma_start3A_312 : memref<125xi32, #tpu.memory_space<vmem>>) semaphore(%run_scoped3A_305 : memref<!tpu.dma_semaphore, #tpu.memory_space<semaphore_mem>>) {add = true}
        %dma_wait3A_316 = arith.constant 0 : i32
        %dma_wait3A_317 = arith.constant 0 : i32
        %dma_wait3A_318 = tpu.memref_slice %arg7[%run_scoped3A_298, %dma_wait3A_316, %dma_wait3A_317] : memref<8x125x32xf32, #tpu.memory_space<vmem>> -> memref<1x125x32xf32, #tpu.memory_space<vmem>>
        %dma_wait3A_319 = tpu.memref_squeeze %dma_wait3A_318 : memref<1x125x32xf32, #tpu.memory_space<vmem>> -> memref<125x32xf32, #tpu.memory_space<vmem>>
        %dma_wait3A_320 = arith.constant 0 : i32
        %dma_wait3A_321 = tpu.memref_slice %arg6[%add3A_297, %dma_wait3A_320] : memref<40x125xi32, #tpu.memory_space<vmem>> -> memref<1x125xi32, #tpu.memory_space<vmem>>
        %dma_wait3A_322 = tpu.memref_squeeze %dma_wait3A_321 : memref<1x125xi32, #tpu.memory_space<vmem>> -> memref<125xi32, #tpu.memory_space<vmem>>
        %dma_wait3A_323 = arith.constant 0 : i32
        %dma_wait3A_324 = arith.constant 0 : i32
        %dma_wait3A_325 = tpu.memref_slice %arg8[%dma_wait3A_323, %dma_wait3A_324] : memref<20000x32xf32, #tpu.memory_space<vmem_shared>> -> memref<20000x32xf32, #tpu.memory_space<vmem_shared>>
        tpu.wait_indirect_dma semaphore(%run_scoped3A_305 : memref<!tpu.dma_semaphore, #tpu.memory_space<semaphore_mem>>) src(%dma_wait3A_319 : memref<125x32xf32, #tpu.memory_space<vmem>>) dst(%dma_wait3A_325 : memref<20000x32xf32, #tpu.memory_space<vmem_shared>>)
        tpu.yield
      }) : () -> ()
      %add3A_299 = arith.constant 6 : i32
      %add3A_300 = arith.addi %mul3A_19, %add3A_299 : i32
      %run_scoped3A_301 = arith.constant 6 : i32
      "tpu.region"() ({
        %run_scoped3A_305 = tpu.sem_alloc : memref<!tpu.dma_semaphore, #tpu.memory_space<semaphore_mem>>
        %dma_start3A_306 = arith.constant 0 : i32
        %dma_start3A_307 = arith.constant 0 : i32
        %dma_start3A_308 = tpu.memref_slice %arg7[%run_scoped3A_301, %dma_start3A_306, %dma_start3A_307] : memref<8x125x32xf32, #tpu.memory_space<vmem>> -> memref<1x125x32xf32, #tpu.memory_space<vmem>>
        %dma_start3A_309 = tpu.memref_squeeze %dma_start3A_308 : memref<1x125x32xf32, #tpu.memory_space<vmem>> -> memref<125x32xf32, #tpu.memory_space<vmem>>
        %dma_start3A_310 = arith.constant 0 : i32
        %dma_start3A_311 = tpu.memref_slice %arg6[%add3A_300, %dma_start3A_310] : memref<40x125xi32, #tpu.memory_space<vmem>> -> memref<1x125xi32, #tpu.memory_space<vmem>>
        %dma_start3A_312 = tpu.memref_squeeze %dma_start3A_311 : memref<1x125xi32, #tpu.memory_space<vmem>> -> memref<125xi32, #tpu.memory_space<vmem>>
        %dma_start3A_313 = arith.constant 0 : i32
        %dma_start3A_314 = arith.constant 0 : i32
        %dma_start3A_315 = tpu.memref_slice %arg8[%dma_start3A_313, %dma_start3A_314] : memref<20000x32xf32, #tpu.memory_space<vmem_shared>> -> memref<20000x32xf32, #tpu.memory_space<vmem_shared>>
        tpu.enqueue_indirect_dma source(%dma_start3A_309 : memref<125x32xf32, #tpu.memory_space<vmem>>) target(%dma_start3A_315 : memref<20000x32xf32, #tpu.memory_space<vmem_shared>>) offsets(%dma_start3A_312 : memref<125xi32, #tpu.memory_space<vmem>>) semaphore(%run_scoped3A_305 : memref<!tpu.dma_semaphore, #tpu.memory_space<semaphore_mem>>) {add = true}
        %dma_wait3A_316 = arith.constant 0 : i32
        %dma_wait3A_317 = arith.constant 0 : i32
        %dma_wait3A_318 = tpu.memref_slice %arg7[%run_scoped3A_301, %dma_wait3A_316, %dma_wait3A_317] : memref<8x125x32xf32, #tpu.memory_space<vmem>> -> memref<1x125x32xf32, #tpu.memory_space<vmem>>
        %dma_wait3A_319 = tpu.memref_squeeze %dma_wait3A_318 : memref<1x125x32xf32, #tpu.memory_space<vmem>> -> memref<125x32xf32, #tpu.memory_space<vmem>>
        %dma_wait3A_320 = arith.constant 0 : i32
        %dma_wait3A_321 = tpu.memref_slice %arg6[%add3A_300, %dma_wait3A_320] : memref<40x125xi32, #tpu.memory_space<vmem>> -> memref<1x125xi32, #tpu.memory_space<vmem>>
        %dma_wait3A_322 = tpu.memref_squeeze %dma_wait3A_321 : memref<1x125xi32, #tpu.memory_space<vmem>> -> memref<125xi32, #tpu.memory_space<vmem>>
        %dma_wait3A_323 = arith.constant 0 : i32
        %dma_wait3A_324 = arith.constant 0 : i32
        %dma_wait3A_325 = tpu.memref_slice %arg8[%dma_wait3A_323, %dma_wait3A_324] : memref<20000x32xf32, #tpu.memory_space<vmem_shared>> -> memref<20000x32xf32, #tpu.memory_space<vmem_shared>>
        tpu.wait_indirect_dma semaphore(%run_scoped3A_305 : memref<!tpu.dma_semaphore, #tpu.memory_space<semaphore_mem>>) src(%dma_wait3A_319 : memref<125x32xf32, #tpu.memory_space<vmem>>) dst(%dma_wait3A_325 : memref<20000x32xf32, #tpu.memory_space<vmem_shared>>)
        tpu.yield
      }) : () -> ()
      %add3A_302 = arith.constant 7 : i32
      %add3A_303 = arith.addi %mul3A_19, %add3A_302 : i32
      %run_scoped3A_304 = arith.constant 7 : i32
      "tpu.region"() ({
        %run_scoped3A_305 = tpu.sem_alloc : memref<!tpu.dma_semaphore, #tpu.memory_space<semaphore_mem>>
        %dma_start3A_306 = arith.constant 0 : i32
        %dma_start3A_307 = arith.constant 0 : i32
        %dma_start3A_308 = tpu.memref_slice %arg7[%run_scoped3A_304, %dma_start3A_306, %dma_start3A_307] : memref<8x125x32xf32, #tpu.memory_space<vmem>> -> memref<1x125x32xf32, #tpu.memory_space<vmem>>
        %dma_start3A_309 = tpu.memref_squeeze %dma_start3A_308 : memref<1x125x32xf32, #tpu.memory_space<vmem>> -> memref<125x32xf32, #tpu.memory_space<vmem>>
        %dma_start3A_310 = arith.constant 0 : i32
        %dma_start3A_311 = tpu.memref_slice %arg6[%add3A_303, %dma_start3A_310] : memref<40x125xi32, #tpu.memory_space<vmem>> -> memref<1x125xi32, #tpu.memory_space<vmem>>
        %dma_start3A_312 = tpu.memref_squeeze %dma_start3A_311 : memref<1x125xi32, #tpu.memory_space<vmem>> -> memref<125xi32, #tpu.memory_space<vmem>>
        %dma_start3A_313 = arith.constant 0 : i32
        %dma_start3A_314 = arith.constant 0 : i32
        %dma_start3A_315 = tpu.memref_slice %arg8[%dma_start3A_313, %dma_start3A_314] : memref<20000x32xf32, #tpu.memory_space<vmem_shared>> -> memref<20000x32xf32, #tpu.memory_space<vmem_shared>>
        tpu.enqueue_indirect_dma source(%dma_start3A_309 : memref<125x32xf32, #tpu.memory_space<vmem>>) target(%dma_start3A_315 : memref<20000x32xf32, #tpu.memory_space<vmem_shared>>) offsets(%dma_start3A_312 : memref<125xi32, #tpu.memory_space<vmem>>) semaphore(%run_scoped3A_305 : memref<!tpu.dma_semaphore, #tpu.memory_space<semaphore_mem>>) {add = true}
        %dma_wait3A_316 = arith.constant 0 : i32
        %dma_wait3A_317 = arith.constant 0 : i32
        %dma_wait3A_318 = tpu.memref_slice %arg7[%run_scoped3A_304, %dma_wait3A_316, %dma_wait3A_317] : memref<8x125x32xf32, #tpu.memory_space<vmem>> -> memref<1x125x32xf32, #tpu.memory_space<vmem>>
        %dma_wait3A_319 = tpu.memref_squeeze %dma_wait3A_318 : memref<1x125x32xf32, #tpu.memory_space<vmem>> -> memref<125x32xf32, #tpu.memory_space<vmem>>
        %dma_wait3A_320 = arith.constant 0 : i32
        %dma_wait3A_321 = tpu.memref_slice %arg6[%add3A_303, %dma_wait3A_320] : memref<40x125xi32, #tpu.memory_space<vmem>> -> memref<1x125xi32, #tpu.memory_space<vmem>>
        %dma_wait3A_322 = tpu.memref_squeeze %dma_wait3A_321 : memref<1x125xi32, #tpu.memory_space<vmem>> -> memref<125xi32, #tpu.memory_space<vmem>>
        %dma_wait3A_323 = arith.constant 0 : i32
        %dma_wait3A_324 = arith.constant 0 : i32
        %dma_wait3A_325 = tpu.memref_slice %arg8[%dma_wait3A_323, %dma_wait3A_324] : memref<20000x32xf32, #tpu.memory_space<vmem_shared>> -> memref<20000x32xf32, #tpu.memory_space<vmem_shared>>
        tpu.wait_indirect_dma semaphore(%run_scoped3A_305 : memref<!tpu.dma_semaphore, #tpu.memory_space<semaphore_mem>>) src(%dma_wait3A_319 : memref<125x32xf32, #tpu.memory_space<vmem>>) dst(%dma_wait3A_325 : memref<20000x32xf32, #tpu.memory_space<vmem_shared>>)
        tpu.yield
      }) : () -> ()
    }
    %scan3A_11 = arith.constant 5 : i32
    %barrier3A_12 = arith.constant 0 : index
    tpu.barrier barrier_id(%barrier3A_12)
    %mul3A_13 = arith.constant 1250 : i32
    %mul3A_14 = arith.muli %arg1, %mul3A_13 : i32
    %mul3A_15 = arith.constant 1250 : i32
    %mul3A_16 = arith.muli %arg1, %mul3A_15 : i32
    "tpu.region"() ({
      %run_scoped3A = tpu.sem_alloc : memref<!tpu.dma_semaphore, #tpu.memory_space<semaphore_mem>>
      %dma_start3A = arith.constant 0 : i32
      %dma_start3A_17 = tpu.memref_slice %arg5[%arg0, %mul3A_16, %dma_start3A] : memref<2x20000x32xf32, #tpu.memory_space<hbm>> -> memref<1x1250x32xf32, #tpu.memory_space<hbm>>
      %dma_start3A_18 = tpu.memref_squeeze %dma_start3A_17 : memref<1x1250x32xf32, #tpu.memory_space<hbm>> -> memref<1250x32xf32, #tpu.memory_space<hbm>>
      %dma_start3A_19 = arith.constant 0 : i32
      %dma_start3A_20 = tpu.memref_slice %arg8[%mul3A_14, %dma_start3A_19] : memref<20000x32xf32, #tpu.memory_space<vmem_shared>> -> memref<1250x32xf32, #tpu.memory_space<vmem_shared>>
      tpu.enqueue_dma source(%dma_start3A_20 : memref<1250x32xf32, #tpu.memory_space<vmem_shared>>) target(%dma_start3A_18 : memref<1250x32xf32, #tpu.memory_space<hbm>>) target_semaphore(%run_scoped3A : memref<!tpu.dma_semaphore, #tpu.memory_space<semaphore_mem>>)
      %dma_wait3A = arith.constant 0 : i32
      %dma_wait3A_21 = tpu.memref_slice %arg5[%arg0, %mul3A_16, %dma_wait3A] : memref<2x20000x32xf32, #tpu.memory_space<hbm>> -> memref<1x1250x32xf32, #tpu.memory_space<hbm>>
      %dma_wait3A_22 = tpu.memref_squeeze %dma_wait3A_21 : memref<1x1250x32xf32, #tpu.memory_space<hbm>> -> memref<1250x32xf32, #tpu.memory_space<hbm>>
      %dma_wait3A_23 = arith.constant 0 : i32
      %dma_wait3A_24 = tpu.memref_slice %arg8[%mul3A_14, %dma_wait3A_23] : memref<20000x32xf32, #tpu.memory_space<vmem_shared>> -> memref<1250x32xf32, #tpu.memory_space<vmem_shared>>
      tpu.wait_dma2 semaphore(%run_scoped3A : memref<!tpu.dma_semaphore, #tpu.memory_space<semaphore_mem>>) src(%dma_wait3A_24 : memref<1250x32xf32, #tpu.memory_space<vmem_shared>>) dst(%dma_wait3A_22 : memref<1250x32xf32, #tpu.memory_space<hbm>>)
      tpu.yield
    }) : () -> ()
    return
  }
}

module attributes {stable_mosaic.version = 14 : i64} {
  func.func @_edge_tp_body(%arg0: i32, %arg1: memref<64x1280xf32, #tpu.memory_space<vmem>>, %arg2: memref<160x128xf32, #tpu.memory_space<vmem>>, %arg3: memref<1x1280xf32, #tpu.memory_space<vmem>>, %arg4: memref<64x64xf32, #tpu.memory_space<vmem>>, %arg5: memref<64x1xf32, #tpu.memory_space<vmem>>, %arg6: memref<256x64xf32, #tpu.memory_space<vmem>>, %arg7: memref<256x1xf32, #tpu.memory_space<vmem>>, %arg8: memref<320x128xf32, #tpu.memory_space<vmem>>) attributes {dimension_semantics = [#tpu.dimension_semantics<parallel>], iteration_bounds = array<i64: 125>, scalar_prefetch = 0 : i64, scratch_operands = 0 : i64, tpu.core_type = #tpu.core_type<tc>, window_params = [{transform_indices = @transform_0, window_bounds = array<i64: 64, 1280>}, {transform_indices = @transform_1, window_bounds = array<i64: 160, 128>}, {transform_indices = @transform_2, window_bounds = array<i64: 1, 1280>}, {pipeline_mode = #tpu.pipeline_mode<synchronous>, transform_indices = @transform_3, window_bounds = array<i64: 64, 64>}, {pipeline_mode = #tpu.pipeline_mode<synchronous>, transform_indices = @transform_4, window_bounds = array<i64: 64, 1>}, {pipeline_mode = #tpu.pipeline_mode<synchronous>, transform_indices = @transform_5, window_bounds = array<i64: 256, 64>}, {pipeline_mode = #tpu.pipeline_mode<synchronous>, transform_indices = @transform_6, window_bounds = array<i64: 256, 1>}, {transform_indices = @transform_7, window_bounds = array<i64: 320, 128>}]} {
    %iota3A = tpu.iota {dimensions = array<i32: 0>} : vector<16x16xi32>
    %iota3A_0 = tpu.iota {dimensions = array<i32: 1>} : vector<16x16xi32>
    %add3A = arith.constant 0 : i32
    %add3A_1 = vector.broadcast %add3A : i32 to vector<16x16xi32>
    %add3A_2 = arith.addi %iota3A, %add3A_1 : vector<16x16xi32>
    %eq3A = arith.cmpi eq, %add3A_2, %iota3A_0 : vector<16x16xi32>
    %convert_element_type3A = arith.extui %eq3A : vector<16x16xi1> to vector<16x16xi32>
    %convert_element_type3A_3 = arith.sitofp %convert_element_type3A : vector<16x16xi32> to vector<16x16xf32>
    %get3A = arith.constant 0 : index
    %get3A_4 = arith.constant 0 : index
    %get3A_5 = vector.load %arg4[%get3A, %get3A_4] : memref<64x64xf32, #tpu.memory_space<vmem>>, vector<64x64xf32>
    %get3A_6 = arith.constant 0 : index
    %get3A_7 = arith.constant 0 : index
    %get3A_8 = vector.load %arg1[%get3A_6, %get3A_7] : memref<64x1280xf32, #tpu.memory_space<vmem>>, vector<64x1280xf32>
    %dot_general3A = arith.constant dense<0.000000e+00> : vector<64x1280xf32>
    %dot_general3A_9 = tpu.matmul %get3A_5, %get3A_8, %dot_general3A {dimension_numbers = #tpu.dot_dimension_numbers<[1], [0], [0], [1], [0, 0, 1, 1], [], []>, transpose_lhs_hint = false} : vector<64x64xf32>, vector<64x1280xf32>, vector<64x1280xf32> -> vector<64x1280xf32>
    %get3A_10 = arith.constant 0 : index
    %get3A_11 = arith.constant 0 : index
    %get3A_12 = vector.load %arg5[%get3A_10, %get3A_11] : memref<64x1xf32, #tpu.memory_space<vmem>>, vector<64x1xf32>
    %add3A_13 = vector.broadcast %get3A_12 : vector<64x1xf32> to vector<64x1280xf32>
    %add3A_14 = arith.addf %dot_general3A_9, %add3A_13 : vector<64x1280xf32>
    %max3A = arith.constant 0.000000e+00 : f32
    %max3A_15 = vector.broadcast %max3A : f32 to vector<64x1280xf32>
    %max3A_16 = arith.maximumf %add3A_14, %max3A_15 : vector<64x1280xf32>
    %get3A_17 = arith.constant 0 : index
    %get3A_18 = arith.constant 0 : index
    %get3A_19 = vector.load %arg6[%get3A_17, %get3A_18] : memref<256x64xf32, #tpu.memory_space<vmem>>, vector<256x64xf32>
    %dot_general3A_20 = arith.constant dense<0.000000e+00> : vector<256x1280xf32>
    %dot_general3A_21 = tpu.matmul %get3A_19, %max3A_16, %dot_general3A_20 {dimension_numbers = #tpu.dot_dimension_numbers<[1], [0], [0], [1], [0, 0, 1, 1], [], []>, transpose_lhs_hint = false} : vector<256x64xf32>, vector<64x1280xf32>, vector<256x1280xf32> -> vector<256x1280xf32>
    %get3A_22 = arith.constant 0 : index
    %get3A_23 = arith.constant 0 : index
    %get3A_24 = vector.load %arg7[%get3A_22, %get3A_23] : memref<256x1xf32, #tpu.memory_space<vmem>>, vector<256x1xf32>
    %add3A_25 = vector.broadcast %get3A_24 : vector<256x1xf32> to vector<256x1280xf32>
    %add3A_26 = arith.addf %dot_general3A_21, %add3A_25 : vector<256x1280xf32>
    %get3A_27 = arith.constant 0 : index
    %get3A_28 = arith.constant 0 : index
    %get3A_29 = vector.load %arg2[%get3A_27, %get3A_28] : memref<160x128xf32, #tpu.memory_space<vmem>>, vector<160x128xf32>
    %slice3A = vector.extract_strided_slice %get3A_29 {offsets = [0, 0], sizes = [160, 16], strides = [1, 1]} : vector<160x128xf32> to vector<160x16xf32>
    %dot_general3A_30 = arith.constant dense<0.000000e+00> : vector<16x160xf32>
    %dot_general3A_31 = tpu.matmul %convert_element_type3A_3, %slice3A, %dot_general3A_30 {dimension_numbers = #tpu.dot_dimension_numbers<[1], [1], [0], [0], [0, 0, 1, 0], [], []>, transpose_lhs_hint = false} : vector<16x16xf32>, vector<160x16xf32>, vector<16x160xf32> -> vector<16x160xf32>
    %slice3A_32 = vector.extract_strided_slice %get3A_29 {offsets = [0, 16], sizes = [160, 16], strides = [1, 1]} : vector<160x128xf32> to vector<160x16xf32>
    %dot_general3A_33 = arith.constant dense<0.000000e+00> : vector<16x160xf32>
    %dot_general3A_34 = tpu.matmul %convert_element_type3A_3, %slice3A_32, %dot_general3A_33 {dimension_numbers = #tpu.dot_dimension_numbers<[1], [1], [0], [0], [0, 0, 1, 0], [], []>, transpose_lhs_hint = false} : vector<16x16xf32>, vector<160x16xf32>, vector<16x160xf32> -> vector<16x160xf32>
    %slice3A_35 = vector.extract_strided_slice %get3A_29 {offsets = [0, 32], sizes = [160, 16], strides = [1, 1]} : vector<160x128xf32> to vector<160x16xf32>
    %dot_general3A_36 = arith.constant dense<0.000000e+00> : vector<16x160xf32>
    %dot_general3A_37 = tpu.matmul %convert_element_type3A_3, %slice3A_35, %dot_general3A_36 {dimension_numbers = #tpu.dot_dimension_numbers<[1], [1], [0], [0], [0, 0, 1, 0], [], []>, transpose_lhs_hint = false} : vector<16x16xf32>, vector<160x16xf32>, vector<16x160xf32> -> vector<16x160xf32>
    %slice3A_38 = vector.extract_strided_slice %get3A_29 {offsets = [0, 48], sizes = [160, 16], strides = [1, 1]} : vector<160x128xf32> to vector<160x16xf32>
    %dot_general3A_39 = arith.constant dense<0.000000e+00> : vector<16x160xf32>
    %dot_general3A_40 = tpu.matmul %convert_element_type3A_3, %slice3A_38, %dot_general3A_39 {dimension_numbers = #tpu.dot_dimension_numbers<[1], [1], [0], [0], [0, 0, 1, 0], [], []>, transpose_lhs_hint = false} : vector<16x16xf32>, vector<160x16xf32>, vector<16x160xf32> -> vector<16x160xf32>
    %slice3A_41 = vector.extract_strided_slice %get3A_29 {offsets = [0, 64], sizes = [160, 16], strides = [1, 1]} : vector<160x128xf32> to vector<160x16xf32>
    %dot_general3A_42 = arith.constant dense<0.000000e+00> : vector<16x160xf32>
    %dot_general3A_43 = tpu.matmul %convert_element_type3A_3, %slice3A_41, %dot_general3A_42 {dimension_numbers = #tpu.dot_dimension_numbers<[1], [1], [0], [0], [0, 0, 1, 0], [], []>, transpose_lhs_hint = false} : vector<16x16xf32>, vector<160x16xf32>, vector<16x160xf32> -> vector<16x160xf32>
    %slice3A_44 = vector.extract_strided_slice %get3A_29 {offsets = [0, 80], sizes = [160, 16], strides = [1, 1]} : vector<160x128xf32> to vector<160x16xf32>
    %dot_general3A_45 = arith.constant dense<0.000000e+00> : vector<16x160xf32>
    %dot_general3A_46 = tpu.matmul %convert_element_type3A_3, %slice3A_44, %dot_general3A_45 {dimension_numbers = #tpu.dot_dimension_numbers<[1], [1], [0], [0], [0, 0, 1, 0], [], []>, transpose_lhs_hint = false} : vector<16x16xf32>, vector<160x16xf32>, vector<16x160xf32> -> vector<16x160xf32>
    %slice3A_47 = vector.extract_strided_slice %get3A_29 {offsets = [0, 96], sizes = [160, 16], strides = [1, 1]} : vector<160x128xf32> to vector<160x16xf32>
    %dot_general3A_48 = arith.constant dense<0.000000e+00> : vector<16x160xf32>
    %dot_general3A_49 = tpu.matmul %convert_element_type3A_3, %slice3A_47, %dot_general3A_48 {dimension_numbers = #tpu.dot_dimension_numbers<[1], [1], [0], [0], [0, 0, 1, 0], [], []>, transpose_lhs_hint = false} : vector<16x16xf32>, vector<160x16xf32>, vector<16x160xf32> -> vector<16x160xf32>
    %slice3A_50 = vector.extract_strided_slice %get3A_29 {offsets = [0, 112], sizes = [160, 16], strides = [1, 1]} : vector<160x128xf32> to vector<160x16xf32>
    %dot_general3A_51 = arith.constant dense<0.000000e+00> : vector<16x160xf32>
    %dot_general3A_52 = tpu.matmul %convert_element_type3A_3, %slice3A_50, %dot_general3A_51 {dimension_numbers = #tpu.dot_dimension_numbers<[1], [1], [0], [0], [0, 0, 1, 0], [], []>, transpose_lhs_hint = false} : vector<16x16xf32>, vector<160x16xf32>, vector<16x160xf32> -> vector<16x160xf32>
    %concatenate3A = tpu.concatenate %dot_general3A_31, %dot_general3A_34, %dot_general3A_37, %dot_general3A_40, %dot_general3A_43, %dot_general3A_46, %dot_general3A_49, %dot_general3A_52 in 1 : vector<16x160xf32>, vector<16x160xf32>, vector<16x160xf32>, vector<16x160xf32>, vector<16x160xf32>, vector<16x160xf32>, vector<16x160xf32>, vector<16x160xf32> -> vector<16x1280xf32>
    %get3A_53 = arith.constant 0 : index
    %get3A_54 = arith.constant 0 : index
    %get3A_55 = vector.load %arg3[%get3A_53, %get3A_54] : memref<1x1280xf32, #tpu.memory_space<vmem>>, vector<1x1280xf32>
    %mul3A = arith.constant 2.500000e-01 : f32
    %mul3A_56 = vector.broadcast %mul3A : f32 to vector<1x1280xf32>
    %mul3A_57 = arith.mulf %mul3A_56, %get3A_55 : vector<1x1280xf32>
    %mul3A_58 = vector.broadcast %mul3A_57 : vector<1x1280xf32> to vector<16x1280xf32>
    %mul3A_59 = arith.mulf %concatenate3A, %mul3A_58 : vector<16x1280xf32>
    %slice3A_60 = vector.extract_strided_slice %mul3A_59 {offsets = [0, 0], sizes = [1, 1280], strides = [1, 1]} : vector<16x1280xf32> to vector<1x1280xf32>
    %slice3A_61 = vector.extract_strided_slice %add3A_26 {offsets = [0, 0], sizes = [16, 1280], strides = [1, 1]} : vector<256x1280xf32> to vector<16x1280xf32>
    %mul3A_62 = vector.broadcast %slice3A_60 : vector<1x1280xf32> to vector<16x1280xf32>
    %mul3A_63 = arith.mulf %mul3A_62, %slice3A_61 : vector<16x1280xf32>
    %slice3A_64 = vector.extract_strided_slice %mul3A_59 {offsets = [1, 0], sizes = [1, 1280], strides = [1, 1]} : vector<16x1280xf32> to vector<1x1280xf32>
    %slice3A_65 = vector.extract_strided_slice %add3A_26 {offsets = [16, 0], sizes = [16, 1280], strides = [1, 1]} : vector<256x1280xf32> to vector<16x1280xf32>
    %mul3A_66 = vector.broadcast %slice3A_64 : vector<1x1280xf32> to vector<16x1280xf32>
    %mul3A_67 = arith.mulf %mul3A_66, %slice3A_65 : vector<16x1280xf32>
    %add3A_68 = arith.addf %mul3A_63, %mul3A_67 : vector<16x1280xf32>
    %slice3A_69 = vector.extract_strided_slice %mul3A_59 {offsets = [2, 0], sizes = [1, 1280], strides = [1, 1]} : vector<16x1280xf32> to vector<1x1280xf32>
    %slice3A_70 = vector.extract_strided_slice %add3A_26 {offsets = [32, 0], sizes = [16, 1280], strides = [1, 1]} : vector<256x1280xf32> to vector<16x1280xf32>
    %mul3A_71 = vector.broadcast %slice3A_69 : vector<1x1280xf32> to vector<16x1280xf32>
    %mul3A_72 = arith.mulf %mul3A_71, %slice3A_70 : vector<16x1280xf32>
    %add3A_73 = arith.addf %add3A_68, %mul3A_72 : vector<16x1280xf32>
    %slice3A_74 = vector.extract_strided_slice %mul3A_59 {offsets = [3, 0], sizes = [1, 1280], strides = [1, 1]} : vector<16x1280xf32> to vector<1x1280xf32>
    %slice3A_75 = vector.extract_strided_slice %add3A_26 {offsets = [48, 0], sizes = [16, 1280], strides = [1, 1]} : vector<256x1280xf32> to vector<16x1280xf32>
    %mul3A_76 = vector.broadcast %slice3A_74 : vector<1x1280xf32> to vector<16x1280xf32>
    %mul3A_77 = arith.mulf %mul3A_76, %slice3A_75 : vector<16x1280xf32>
    %add3A_78 = arith.addf %add3A_73, %mul3A_77 : vector<16x1280xf32>
    %slice3A_79 = vector.extract_strided_slice %mul3A_59 {offsets = [4, 0], sizes = [1, 1280], strides = [1, 1]} : vector<16x1280xf32> to vector<1x1280xf32>
    %slice3A_80 = vector.extract_strided_slice %add3A_26 {offsets = [64, 0], sizes = [16, 1280], strides = [1, 1]} : vector<256x1280xf32> to vector<16x1280xf32>
    %mul3A_81 = vector.broadcast %slice3A_79 : vector<1x1280xf32> to vector<16x1280xf32>
    %mul3A_82 = arith.mulf %mul3A_81, %slice3A_80 : vector<16x1280xf32>
    %add3A_83 = arith.addf %add3A_78, %mul3A_82 : vector<16x1280xf32>
    %slice3A_84 = vector.extract_strided_slice %mul3A_59 {offsets = [5, 0], sizes = [1, 1280], strides = [1, 1]} : vector<16x1280xf32> to vector<1x1280xf32>
    %slice3A_85 = vector.extract_strided_slice %add3A_26 {offsets = [80, 0], sizes = [16, 1280], strides = [1, 1]} : vector<256x1280xf32> to vector<16x1280xf32>
    %mul3A_86 = vector.broadcast %slice3A_84 : vector<1x1280xf32> to vector<16x1280xf32>
    %mul3A_87 = arith.mulf %mul3A_86, %slice3A_85 : vector<16x1280xf32>
    %add3A_88 = arith.addf %add3A_83, %mul3A_87 : vector<16x1280xf32>
    %slice3A_89 = vector.extract_strided_slice %mul3A_59 {offsets = [6, 0], sizes = [1, 1280], strides = [1, 1]} : vector<16x1280xf32> to vector<1x1280xf32>
    %slice3A_90 = vector.extract_strided_slice %add3A_26 {offsets = [96, 0], sizes = [16, 1280], strides = [1, 1]} : vector<256x1280xf32> to vector<16x1280xf32>
    %mul3A_91 = vector.broadcast %slice3A_89 : vector<1x1280xf32> to vector<16x1280xf32>
    %mul3A_92 = arith.mulf %mul3A_91, %slice3A_90 : vector<16x1280xf32>
    %add3A_93 = arith.addf %add3A_88, %mul3A_92 : vector<16x1280xf32>
    %slice3A_94 = vector.extract_strided_slice %mul3A_59 {offsets = [7, 0], sizes = [1, 1280], strides = [1, 1]} : vector<16x1280xf32> to vector<1x1280xf32>
    %slice3A_95 = vector.extract_strided_slice %add3A_26 {offsets = [112, 0], sizes = [16, 1280], strides = [1, 1]} : vector<256x1280xf32> to vector<16x1280xf32>
    %mul3A_96 = vector.broadcast %slice3A_94 : vector<1x1280xf32> to vector<16x1280xf32>
    %mul3A_97 = arith.mulf %mul3A_96, %slice3A_95 : vector<16x1280xf32>
    %add3A_98 = arith.addf %add3A_93, %mul3A_97 : vector<16x1280xf32>
    %slice3A_99 = vector.extract_strided_slice %mul3A_59 {offsets = [8, 0], sizes = [1, 1280], strides = [1, 1]} : vector<16x1280xf32> to vector<1x1280xf32>
    %slice3A_100 = vector.extract_strided_slice %add3A_26 {offsets = [128, 0], sizes = [16, 1280], strides = [1, 1]} : vector<256x1280xf32> to vector<16x1280xf32>
    %mul3A_101 = vector.broadcast %slice3A_99 : vector<1x1280xf32> to vector<16x1280xf32>
    %mul3A_102 = arith.mulf %mul3A_101, %slice3A_100 : vector<16x1280xf32>
    %add3A_103 = arith.addf %add3A_98, %mul3A_102 : vector<16x1280xf32>
    %slice3A_104 = vector.extract_strided_slice %mul3A_59 {offsets = [9, 0], sizes = [1, 1280], strides = [1, 1]} : vector<16x1280xf32> to vector<1x1280xf32>
    %slice3A_105 = vector.extract_strided_slice %add3A_26 {offsets = [144, 0], sizes = [16, 1280], strides = [1, 1]} : vector<256x1280xf32> to vector<16x1280xf32>
    %mul3A_106 = vector.broadcast %slice3A_104 : vector<1x1280xf32> to vector<16x1280xf32>
    %mul3A_107 = arith.mulf %mul3A_106, %slice3A_105 : vector<16x1280xf32>
    %add3A_108 = arith.addf %add3A_103, %mul3A_107 : vector<16x1280xf32>
    %slice3A_109 = vector.extract_strided_slice %mul3A_59 {offsets = [10, 0], sizes = [1, 1280], strides = [1, 1]} : vector<16x1280xf32> to vector<1x1280xf32>
    %slice3A_110 = vector.extract_strided_slice %add3A_26 {offsets = [160, 0], sizes = [16, 1280], strides = [1, 1]} : vector<256x1280xf32> to vector<16x1280xf32>
    %mul3A_111 = vector.broadcast %slice3A_109 : vector<1x1280xf32> to vector<16x1280xf32>
    %mul3A_112 = arith.mulf %mul3A_111, %slice3A_110 : vector<16x1280xf32>
    %add3A_113 = arith.addf %add3A_108, %mul3A_112 : vector<16x1280xf32>
    %slice3A_114 = vector.extract_strided_slice %mul3A_59 {offsets = [11, 0], sizes = [1, 1280], strides = [1, 1]} : vector<16x1280xf32> to vector<1x1280xf32>
    %slice3A_115 = vector.extract_strided_slice %add3A_26 {offsets = [176, 0], sizes = [16, 1280], strides = [1, 1]} : vector<256x1280xf32> to vector<16x1280xf32>
    %mul3A_116 = vector.broadcast %slice3A_114 : vector<1x1280xf32> to vector<16x1280xf32>
    %mul3A_117 = arith.mulf %mul3A_116, %slice3A_115 : vector<16x1280xf32>
    %add3A_118 = arith.addf %add3A_113, %mul3A_117 : vector<16x1280xf32>
    %slice3A_119 = vector.extract_strided_slice %mul3A_59 {offsets = [12, 0], sizes = [1, 1280], strides = [1, 1]} : vector<16x1280xf32> to vector<1x1280xf32>
    %slice3A_120 = vector.extract_strided_slice %add3A_26 {offsets = [192, 0], sizes = [16, 1280], strides = [1, 1]} : vector<256x1280xf32> to vector<16x1280xf32>
    %mul3A_121 = vector.broadcast %slice3A_119 : vector<1x1280xf32> to vector<16x1280xf32>
    %mul3A_122 = arith.mulf %mul3A_121, %slice3A_120 : vector<16x1280xf32>
    %add3A_123 = arith.addf %add3A_118, %mul3A_122 : vector<16x1280xf32>
    %slice3A_124 = vector.extract_strided_slice %mul3A_59 {offsets = [13, 0], sizes = [1, 1280], strides = [1, 1]} : vector<16x1280xf32> to vector<1x1280xf32>
    %slice3A_125 = vector.extract_strided_slice %add3A_26 {offsets = [208, 0], sizes = [16, 1280], strides = [1, 1]} : vector<256x1280xf32> to vector<16x1280xf32>
    %mul3A_126 = vector.broadcast %slice3A_124 : vector<1x1280xf32> to vector<16x1280xf32>
    %mul3A_127 = arith.mulf %mul3A_126, %slice3A_125 : vector<16x1280xf32>
    %add3A_128 = arith.addf %add3A_123, %mul3A_127 : vector<16x1280xf32>
    %slice3A_129 = vector.extract_strided_slice %mul3A_59 {offsets = [14, 0], sizes = [1, 1280], strides = [1, 1]} : vector<16x1280xf32> to vector<1x1280xf32>
    %slice3A_130 = vector.extract_strided_slice %add3A_26 {offsets = [224, 0], sizes = [16, 1280], strides = [1, 1]} : vector<256x1280xf32> to vector<16x1280xf32>
    %mul3A_131 = vector.broadcast %slice3A_129 : vector<1x1280xf32> to vector<16x1280xf32>
    %mul3A_132 = arith.mulf %mul3A_131, %slice3A_130 : vector<16x1280xf32>
    %add3A_133 = arith.addf %add3A_128, %mul3A_132 : vector<16x1280xf32>
    %slice3A_134 = vector.extract_strided_slice %mul3A_59 {offsets = [15, 0], sizes = [1, 1280], strides = [1, 1]} : vector<16x1280xf32> to vector<1x1280xf32>
    %slice3A_135 = vector.extract_strided_slice %add3A_26 {offsets = [240, 0], sizes = [16, 1280], strides = [1, 1]} : vector<256x1280xf32> to vector<16x1280xf32>
    %mul3A_136 = vector.broadcast %slice3A_134 : vector<1x1280xf32> to vector<16x1280xf32>
    %mul3A_137 = arith.mulf %mul3A_136, %slice3A_135 : vector<16x1280xf32>
    %add3A_138 = arith.addf %add3A_133, %mul3A_137 : vector<16x1280xf32>
    %slice3A_139 = vector.extract_strided_slice %add3A_138 {offsets = [0, 0], sizes = [16, 320], strides = [1, 1]} : vector<16x1280xf32> to vector<16x320xf32>
    %dot_general3A_140 = arith.constant dense<0.000000e+00> : vector<320x16xf32>
    %dot_general3A_141 = tpu.matmul %slice3A_139, %convert_element_type3A_3, %dot_general3A_140 {dimension_numbers = #tpu.dot_dimension_numbers<[0], [0], [1], [1], [0, 1, 1, 1], [], []>, transpose_lhs_hint = false} : vector<16x320xf32>, vector<16x16xf32>, vector<320x16xf32> -> vector<320x16xf32>
    %broadcast_in_dim3A = arith.constant 1.000000e+00 : f32
    %broadcast_in_dim3A_142 = vector.broadcast %broadcast_in_dim3A : f32 to vector<320x1xf32>
    %broadcast_in_dim3A_143 = arith.constant 0.000000e+00 : f32
    %broadcast_in_dim3A_144 = vector.broadcast %broadcast_in_dim3A_143 : f32 to vector<320x15xf32>
    %concatenate3A_145 = tpu.concatenate %dot_general3A_141, %broadcast_in_dim3A_142, %broadcast_in_dim3A_144 in 1 : vector<320x16xf32>, vector<320x1xf32>, vector<320x15xf32> -> vector<320x32xf32>
    %slice3A_146 = vector.extract_strided_slice %add3A_138 {offsets = [0, 320], sizes = [16, 320], strides = [1, 1]} : vector<16x1280xf32> to vector<16x320xf32>
    %dot_general3A_147 = arith.constant dense<0.000000e+00> : vector<320x16xf32>
    %dot_general3A_148 = tpu.matmul %slice3A_146, %convert_element_type3A_3, %dot_general3A_147 {dimension_numbers = #tpu.dot_dimension_numbers<[0], [0], [1], [1], [0, 1, 1, 1], [], []>, transpose_lhs_hint = false} : vector<16x320xf32>, vector<16x16xf32>, vector<320x16xf32> -> vector<320x16xf32>
    %broadcast_in_dim3A_149 = arith.constant 1.000000e+00 : f32
    %broadcast_in_dim3A_150 = vector.broadcast %broadcast_in_dim3A_149 : f32 to vector<320x1xf32>
    %broadcast_in_dim3A_151 = arith.constant 0.000000e+00 : f32
    %broadcast_in_dim3A_152 = vector.broadcast %broadcast_in_dim3A_151 : f32 to vector<320x15xf32>
    %concatenate3A_153 = tpu.concatenate %dot_general3A_148, %broadcast_in_dim3A_150, %broadcast_in_dim3A_152 in 1 : vector<320x16xf32>, vector<320x1xf32>, vector<320x15xf32> -> vector<320x32xf32>
    %slice3A_154 = vector.extract_strided_slice %add3A_138 {offsets = [0, 640], sizes = [16, 320], strides = [1, 1]} : vector<16x1280xf32> to vector<16x320xf32>
    %dot_general3A_155 = arith.constant dense<0.000000e+00> : vector<320x16xf32>
    %dot_general3A_156 = tpu.matmul %slice3A_154, %convert_element_type3A_3, %dot_general3A_155 {dimension_numbers = #tpu.dot_dimension_numbers<[0], [0], [1], [1], [0, 1, 1, 1], [], []>, transpose_lhs_hint = false} : vector<16x320xf32>, vector<16x16xf32>, vector<320x16xf32> -> vector<320x16xf32>
    %broadcast_in_dim3A_157 = arith.constant 1.000000e+00 : f32
    %broadcast_in_dim3A_158 = vector.broadcast %broadcast_in_dim3A_157 : f32 to vector<320x1xf32>
    %broadcast_in_dim3A_159 = arith.constant 0.000000e+00 : f32
    %broadcast_in_dim3A_160 = vector.broadcast %broadcast_in_dim3A_159 : f32 to vector<320x15xf32>
    %concatenate3A_161 = tpu.concatenate %dot_general3A_156, %broadcast_in_dim3A_158, %broadcast_in_dim3A_160 in 1 : vector<320x16xf32>, vector<320x1xf32>, vector<320x15xf32> -> vector<320x32xf32>
    %slice3A_162 = vector.extract_strided_slice %add3A_138 {offsets = [0, 960], sizes = [16, 320], strides = [1, 1]} : vector<16x1280xf32> to vector<16x320xf32>
    %dot_general3A_163 = arith.constant dense<0.000000e+00> : vector<320x16xf32>
    %dot_general3A_164 = tpu.matmul %slice3A_162, %convert_element_type3A_3, %dot_general3A_163 {dimension_numbers = #tpu.dot_dimension_numbers<[0], [0], [1], [1], [0, 1, 1, 1], [], []>, transpose_lhs_hint = false} : vector<16x320xf32>, vector<16x16xf32>, vector<320x16xf32> -> vector<320x16xf32>
    %broadcast_in_dim3A_165 = arith.constant 1.000000e+00 : f32
    %broadcast_in_dim3A_166 = vector.broadcast %broadcast_in_dim3A_165 : f32 to vector<320x1xf32>
    %broadcast_in_dim3A_167 = arith.constant 0.000000e+00 : f32
    %broadcast_in_dim3A_168 = vector.broadcast %broadcast_in_dim3A_167 : f32 to vector<320x15xf32>
    %concatenate3A_169 = tpu.concatenate %dot_general3A_164, %broadcast_in_dim3A_166, %broadcast_in_dim3A_168 in 1 : vector<320x16xf32>, vector<320x1xf32>, vector<320x15xf32> -> vector<320x32xf32>
    %concatenate3A_170 = tpu.concatenate %concatenate3A_145, %concatenate3A_153, %concatenate3A_161, %concatenate3A_169 in 1 : vector<320x32xf32>, vector<320x32xf32>, vector<320x32xf32>, vector<320x32xf32> -> vector<320x128xf32>
    %swap3A = arith.constant 0 : index
    %swap3A_171 = arith.constant 0 : index
    %swap3A_172 = vector.load %arg8[%swap3A, %swap3A_171] : memref<320x128xf32, #tpu.memory_space<vmem>>, vector<320x128xf32>
    tpu.vector_store %arg8[%swap3A, %swap3A_171], %concatenate3A_170 {strides = array<i32>} : memref<320x128xf32, #tpu.memory_space<vmem>>, vector<320x128xf32>,
    return
  }
  func.func @transform_0(%arg0: i32) -> (i32, i32) {
    %c0_i32 = arith.constant 0 : i32
    %c0_i32_0 = arith.constant 0 : i32
    return %c0_i32, %arg0 : i32, i32
  }
  func.func @transform_1(%arg0: i32) -> (i32, i32) {
    %c0_i32 = arith.constant 0 : i32
    %c0_i32_0 = arith.constant 0 : i32
    return %arg0, %c0_i32 : i32, i32
  }
  func.func @transform_2(%arg0: i32) -> (i32, i32) {
    %c0_i32 = arith.constant 0 : i32
    %c0_i32_0 = arith.constant 0 : i32
    return %c0_i32, %arg0 : i32, i32
  }
  func.func @transform_3(%arg0: i32) -> (i32, i32) {
    %c0_i32 = arith.constant 0 : i32
    %c0_i32_0 = arith.constant 0 : i32
    %c0_i32_1 = arith.constant 0 : i32
    return %c0_i32, %c0_i32_0 : i32, i32
  }
  func.func @transform_4(%arg0: i32) -> (i32, i32) {
    %c0_i32 = arith.constant 0 : i32
    %c0_i32_0 = arith.constant 0 : i32
    %c0_i32_1 = arith.constant 0 : i32
    return %c0_i32, %c0_i32_0 : i32, i32
  }
  func.func @transform_5(%arg0: i32) -> (i32, i32) {
    %c0_i32 = arith.constant 0 : i32
    %c0_i32_0 = arith.constant 0 : i32
    %c0_i32_1 = arith.constant 0 : i32
    return %c0_i32, %c0_i32_0 : i32, i32
  }
  func.func @transform_6(%arg0: i32) -> (i32, i32) {
    %c0_i32 = arith.constant 0 : i32
    %c0_i32_0 = arith.constant 0 : i32
    %c0_i32_1 = arith.constant 0 : i32
    return %c0_i32, %c0_i32_0 : i32, i32
  }
  func.func @transform_7(%arg0: i32) -> (i32, i32) {
    %c0_i32 = arith.constant 0 : i32
    %c0_i32_0 = arith.constant 0 : i32
    return %arg0, %c0_i32 : i32, i32
  }
}

module attributes {stable_mosaic.version = 14 : i64} {
  func.func @_combine_bn_body(%arg0: memref<2x5000x128xf32, #tpu.memory_space<vmem>>, %arg1: memref<2500x128xf32, #tpu.memory_space<vmem>>, %arg2: memref<1x16xf32, #tpu.memory_space<vmem>>, %arg3: memref<1x16xf32, #tpu.memory_space<vmem>>, %arg4: memref<128x128xf32, #tpu.memory_space<vmem>>, %arg5: memref<128x128xf32, #tpu.memory_space<vmem>>, %arg6: memref<128x128xf32, #tpu.memory_space<vmem>>, %arg7: memref<128x16xf32, #tpu.memory_space<vmem>>, %arg8: memref<16x128xf32, #tpu.memory_space<vmem>>, %arg9: memref<128x64xf32, #tpu.memory_space<vmem>>, %arg10: memref<1x128xf32, #tpu.memory_space<vmem>>, %arg11: memref<2500x128xf32, #tpu.memory_space<vmem>>) attributes {dimension_semantics = [], scalar_prefetch = 0 : i64, scratch_operands = 0 : i64, tpu.core_type = #tpu.core_type<tc>} {
    %get3A = arith.constant 0 : index
    %get3A_0 = arith.constant 0 : index
    %get3A_1 = arith.constant 0 : index
    %get3A_2 = vector.load %arg0[%get3A, %get3A_0, %get3A_1] : memref<2x5000x128xf32, #tpu.memory_space<vmem>>, vector<1x5000x128xf32>
    %get3A_3 = vector.shape_cast %get3A_2 : vector<1x5000x128xf32> to vector<5000x128xf32>
    %get3A_4 = arith.constant 1 : index
    %get3A_5 = arith.constant 0 : index
    %get3A_6 = arith.constant 0 : index
    %get3A_7 = vector.load %arg0[%get3A_4, %get3A_5, %get3A_6] : memref<2x5000x128xf32, #tpu.memory_space<vmem>>, vector<1x5000x128xf32>
    %get3A_8 = vector.shape_cast %get3A_7 : vector<1x5000x128xf32> to vector<5000x128xf32>
    %add3A = arith.addf %get3A_3, %get3A_8 : vector<5000x128xf32>
    %get3A_9 = arith.constant 0 : index
    %get3A_10 = arith.constant 0 : index
    %get3A_11 = vector.load %arg4[%get3A_9, %get3A_10] : memref<128x128xf32, #tpu.memory_space<vmem>>, vector<128x128xf32>
    %dot_general3A = arith.constant dense<0.000000e+00> : vector<5000x128xf32>
    %dot_general3A_12 = tpu.matmul %add3A, %get3A_11, %dot_general3A {dimension_numbers = #tpu.dot_dimension_numbers<[1], [0], [0], [1], [0, 0, 1, 1], [], []>, transpose_lhs_hint = false} : vector<5000x128xf32>, vector<128x128xf32>, vector<5000x128xf32> -> vector<5000x128xf32>
    %get3A_13 = arith.constant 0 : index
    %get3A_14 = arith.constant 0 : index
    %get3A_15 = vector.load %arg10[%get3A_13, %get3A_14] : memref<1x128xf32, #tpu.memory_space<vmem>>, vector<1x128xf32>
    %get3A_16 = arith.constant 0 : index
    %get3A_17 = arith.constant 0 : index
    %get3A_18 = vector.load %arg1[%get3A_16, %get3A_17] : memref<2500x128xf32, #tpu.memory_space<vmem>>, vector<2500x128xf32>
    %get3A_19 = arith.constant 0 : index
    %get3A_20 = arith.constant 0 : index
    %get3A_21 = vector.load %arg5[%get3A_19, %get3A_20] : memref<128x128xf32, #tpu.memory_space<vmem>>, vector<128x128xf32>
    %dot_general3A_22 = arith.constant dense<0.000000e+00> : vector<2500x128xf32>
    %dot_general3A_23 = tpu.matmul %get3A_18, %get3A_21, %dot_general3A_22 {dimension_numbers = #tpu.dot_dimension_numbers<[1], [0], [0], [1], [0, 0, 1, 1], [], []>, transpose_lhs_hint = false} : vector<2500x128xf32>, vector<128x128xf32>, vector<2500x128xf32> -> vector<2500x128xf32>
    %get3A_24 = arith.constant 0 : index
    %get3A_25 = arith.constant 0 : index
    %get3A_26 = vector.load %arg1[%get3A_24, %get3A_25] : memref<2500x128xf32, #tpu.memory_space<vmem>>, vector<2500x128xf32>
    %get3A_27 = arith.constant 0 : index
    %get3A_28 = arith.constant 0 : index
    %get3A_29 = vector.load %arg6[%get3A_27, %get3A_28] : memref<128x128xf32, #tpu.memory_space<vmem>>, vector<128x128xf32>
    %dot_general3A_30 = arith.constant dense<0.000000e+00> : vector<2500x128xf32>
    %dot_general3A_31 = tpu.matmul %get3A_26, %get3A_29, %dot_general3A_30 {dimension_numbers = #tpu.dot_dimension_numbers<[1], [0], [0], [1], [0, 0, 1, 1], [], []>, transpose_lhs_hint = false} : vector<2500x128xf32>, vector<128x128xf32>, vector<2500x128xf32> -> vector<2500x128xf32>
    %stack3A = vector.shape_cast %dot_general3A_23 : vector<2500x128xf32> to vector<2500x1x128xf32>
    %stack3A_32 = vector.shape_cast %dot_general3A_31 : vector<2500x128xf32> to vector<2500x1x128xf32>
    %stack3A_33 = tpu.concatenate %stack3A, %stack3A_32 in 1 : vector<2500x1x128xf32>, vector<2500x1x128xf32> -> vector<2500x2x128xf32>
    %reshape3A = vector.shape_cast %stack3A_33 : vector<2500x2x128xf32> to vector<5000x128xf32>
    %mul3A = vector.broadcast %get3A_15 : vector<1x128xf32> to vector<5000x128xf32>
    %mul3A_34 = arith.mulf %add3A, %mul3A : vector<5000x128xf32>
    %max3A = arith.constant 1.000000e+00 : f32
    %max3A_35 = vector.broadcast %max3A : f32 to vector<5000x128xf32>
    %max3A_36 = arith.maximumf %dot_general3A_12, %max3A_35 : vector<5000x128xf32>
    %div3A = arith.divf %mul3A_34, %max3A_36 : vector<5000x128xf32>
    %add3A_37 = arith.addf %div3A, %reshape3A : vector<5000x128xf32>
    %reduce_sum3A = arith.constant dense<0.000000e+00> : vector<128xf32>
    %reduce_sum3A_38 = vector.multi_reduction <add>, %add3A_37, %reduce_sum3A [0] : vector<5000x128xf32> to vector<128xf32>
    %broadcast_in_dim3A = vector.shape_cast %reduce_sum3A_38 : vector<128xf32> to vector<1x128xf32>
    %get3A_39 = arith.constant 0 : index
    %get3A_40 = arith.constant 0 : index
    %get3A_41 = vector.load %arg7[%get3A_39, %get3A_40] : memref<128x16xf32, #tpu.memory_space<vmem>>, vector<128x16xf32>
    %dot_general3A_42 = arith.constant dense<0.000000e+00> : vector<1x16xf32>
    %dot_general3A_43 = tpu.matmul %broadcast_in_dim3A, %get3A_41, %dot_general3A_42 {dimension_numbers = #tpu.dot_dimension_numbers<[1], [0], [0], [1], [0, 0, 1, 1], [], []>, transpose_lhs_hint = false} : vector<1x128xf32>, vector<128x16xf32>, vector<1x16xf32> -> vector<1x16xf32>
    %div3A_44 = arith.constant 2.000000e+04 : f32
    %div3A_45 = vector.broadcast %div3A_44 : f32 to vector<1x16xf32>
    %div3A_46 = arith.divf %dot_general3A_43, %div3A_45 : vector<1x16xf32>
    %get3A_47 = arith.constant 0 : index
    %get3A_48 = arith.constant 0 : index
    %get3A_49 = vector.load %arg8[%get3A_47, %get3A_48] : memref<16x128xf32, #tpu.memory_space<vmem>>, vector<16x128xf32>
    %dot_general3A_50 = arith.constant dense<0.000000e+00> : vector<1x128xf32>
    %dot_general3A_51 = tpu.matmul %div3A_46, %get3A_49, %dot_general3A_50 {dimension_numbers = #tpu.dot_dimension_numbers<[1], [0], [0], [1], [0, 0, 1, 1], [], []>, transpose_lhs_hint = false} : vector<1x16xf32>, vector<16x128xf32>, vector<1x128xf32> -> vector<1x128xf32>
    %sub3A = vector.broadcast %dot_general3A_51 : vector<1x128xf32> to vector<5000x128xf32>
    %sub3A_52 = arith.subf %add3A_37, %sub3A : vector<5000x128xf32>
    %mul3A_53 = vector.broadcast %get3A_15 : vector<1x128xf32> to vector<5000x128xf32>
    %mul3A_54 = arith.mulf %sub3A_52, %mul3A_53 : vector<5000x128xf32>
    %mul3A_55 = arith.mulf %mul3A_54, %mul3A_54 : vector<5000x128xf32>
    %reduce_sum3A_56 = arith.constant dense<0.000000e+00> : vector<128xf32>
    %reduce_sum3A_57 = vector.multi_reduction <add>, %mul3A_55, %reduce_sum3A_56 [0] : vector<5000x128xf32> to vector<128xf32>
    %broadcast_in_dim3A_58 = vector.shape_cast %reduce_sum3A_57 : vector<128xf32> to vector<1x128xf32>
    %get3A_59 = arith.constant 0 : index
    %get3A_60 = arith.constant 0 : index
    %get3A_61 = vector.load %arg7[%get3A_59, %get3A_60] : memref<128x16xf32, #tpu.memory_space<vmem>>, vector<128x16xf32>
    %dot_general3A_62 = arith.constant dense<0.000000e+00> : vector<1x16xf32>
    %dot_general3A_63 = tpu.matmul %broadcast_in_dim3A_58, %get3A_61, %dot_general3A_62 {dimension_numbers = #tpu.dot_dimension_numbers<[1], [0], [0], [1], [0, 0, 1, 1], [], []>, transpose_lhs_hint = false} : vector<1x128xf32>, vector<128x16xf32>, vector<1x16xf32> -> vector<1x16xf32>
    %div3A_64 = arith.constant 2.000000e+04 : f32
    %div3A_65 = vector.broadcast %div3A_64 : f32 to vector<1x16xf32>
    %div3A_66 = arith.divf %dot_general3A_63, %div3A_65 : vector<1x16xf32>
    %add3A_67 = arith.constant 9.99999974E-6 : f32
    %add3A_68 = vector.broadcast %add3A_67 : f32 to vector<1x16xf32>
    %add3A_69 = arith.addf %div3A_66, %add3A_68 : vector<1x16xf32>
    %rsqrt3A = math.rsqrt %add3A_69 : vector<1x16xf32>
    %get3A_70 = arith.constant 0 : index
    %get3A_71 = arith.constant 0 : index
    %get3A_72 = vector.load %arg2[%get3A_70, %get3A_71] : memref<1x16xf32, #tpu.memory_space<vmem>>, vector<1x16xf32>
    %mul3A_73 = arith.mulf %rsqrt3A, %get3A_72 : vector<1x16xf32>
    %get3A_74 = arith.constant 0 : index
    %get3A_75 = arith.constant 0 : index
    %get3A_76 = vector.load %arg8[%get3A_74, %get3A_75] : memref<16x128xf32, #tpu.memory_space<vmem>>, vector<16x128xf32>
    %dot_general3A_77 = arith.constant dense<0.000000e+00> : vector<1x128xf32>
    %dot_general3A_78 = tpu.matmul %mul3A_73, %get3A_76, %dot_general3A_77 {dimension_numbers = #tpu.dot_dimension_numbers<[1], [0], [0], [1], [0, 0, 1, 1], [], []>, transpose_lhs_hint = false} : vector<1x16xf32>, vector<16x128xf32>, vector<1x128xf32> -> vector<1x128xf32>
    %get3A_79 = arith.constant 0 : index
    %get3A_80 = arith.constant 0 : index
    %get3A_81 = vector.load %arg3[%get3A_79, %get3A_80] : memref<1x16xf32, #tpu.memory_space<vmem>>, vector<1x16xf32>
    %get3A_82 = arith.constant 0 : index
    %get3A_83 = arith.constant 0 : index
    %get3A_84 = vector.load %arg8[%get3A_82, %get3A_83] : memref<16x128xf32, #tpu.memory_space<vmem>>, vector<16x128xf32>
    %dot_general3A_85 = arith.constant dense<0.000000e+00> : vector<1x128xf32>
    %dot_general3A_86 = tpu.matmul %get3A_81, %get3A_84, %dot_general3A_85 {dimension_numbers = #tpu.dot_dimension_numbers<[1], [0], [0], [1], [0, 0, 1, 1], [], []>, transpose_lhs_hint = false} : vector<1x16xf32>, vector<16x128xf32>, vector<1x128xf32> -> vector<1x128xf32>
    %mul3A_87 = vector.broadcast %dot_general3A_78 : vector<1x128xf32> to vector<5000x128xf32>
    %mul3A_88 = arith.mulf %mul3A_54, %mul3A_87 : vector<5000x128xf32>
    %add3A_89 = vector.broadcast %dot_general3A_86 : vector<1x128xf32> to vector<5000x128xf32>
    %add3A_90 = arith.addf %mul3A_88, %add3A_89 : vector<5000x128xf32>
    %reshape3A_91 = vector.shape_cast %add3A_90 : vector<5000x128xf32> to vector<2500x2x128xf32>
    %slice3A = vector.extract_strided_slice %reshape3A_91 {offsets = [0, 0, 0], sizes = [2500, 1, 128], strides = [1, 1, 1]} : vector<2500x2x128xf32> to vector<2500x1x128xf32>
    %squeeze3A = vector.shape_cast %slice3A : vector<2500x1x128xf32> to vector<2500x128xf32>
    %get3A_92 = arith.constant 0 : index
    %get3A_93 = arith.constant 0 : index
    %get3A_94 = vector.load %arg9[%get3A_92, %get3A_93] : memref<128x64xf32, #tpu.memory_space<vmem>>, vector<128x64xf32>
    %dot_general3A_95 = arith.constant dense<0.000000e+00> : vector<2500x64xf32>
    %dot_general3A_96 = tpu.matmul %squeeze3A, %get3A_94, %dot_general3A_95 {dimension_numbers = #tpu.dot_dimension_numbers<[1], [0], [0], [1], [0, 0, 1, 1], [], []>, transpose_lhs_hint = false} : vector<2500x128xf32>, vector<128x64xf32>, vector<2500x64xf32> -> vector<2500x64xf32>
    %slice3A_97 = vector.extract_strided_slice %reshape3A_91 {offsets = [0, 1, 0], sizes = [2500, 1, 128], strides = [1, 1, 1]} : vector<2500x2x128xf32> to vector<2500x1x128xf32>
    %squeeze3A_98 = vector.shape_cast %slice3A_97 : vector<2500x1x128xf32> to vector<2500x128xf32>
    %get3A_99 = arith.constant 0 : index
    %get3A_100 = arith.constant 0 : index
    %get3A_101 = vector.load %arg9[%get3A_99, %get3A_100] : memref<128x64xf32, #tpu.memory_space<vmem>>, vector<128x64xf32>
    %dot_general3A_102 = arith.constant dense<0.000000e+00> : vector<2500x64xf32>
    %dot_general3A_103 = tpu.matmul %squeeze3A_98, %get3A_101, %dot_general3A_102 {dimension_numbers = #tpu.dot_dimension_numbers<[1], [0], [0], [1], [0, 0, 1, 1], [], []>, transpose_lhs_hint = false} : vector<2500x128xf32>, vector<128x64xf32>, vector<2500x64xf32> -> vector<2500x64xf32>
    %concatenate3A = tpu.concatenate %dot_general3A_96, %dot_general3A_103 in 1 : vector<2500x64xf32>, vector<2500x64xf32> -> vector<2500x128xf32>
    %swap3A = arith.constant 0 : index
    %swap3A_104 = arith.constant 0 : index
    %swap3A_105 = vector.load %arg11[%swap3A, %swap3A_104] : memref<2500x128xf32, #tpu.memory_space<vmem>>, vector<2500x128xf32>
    tpu.vector_store %arg11[%swap3A, %swap3A_104], %concatenate3A {strides = array<i32>} : memref<2500x128xf32, #tpu.memory_space<vmem>>, vector<2500x128xf32>,
    return
  }
}

module attributes {stable_mosaic.version = 14 : i64} {
  func.func @_edge_update_body(%arg0: i32, %arg1: memref<64x1280xf32, #tpu.memory_space<vmem>>, %arg2: memref<160x128xf32, #tpu.memory_space<vmem>>, %arg3: memref<160x128xf32, #tpu.memory_space<vmem>>, %arg4: memref<16x64xf32, #tpu.memory_space<vmem>>, %arg5: memref<192x64xf32, #tpu.memory_space<vmem>>, %arg6: memref<64x1xf32, #tpu.memory_space<vmem>>, %arg7: memref<64x64xf32, #tpu.memory_space<vmem>>, %arg8: memref<64x1xf32, #tpu.memory_space<vmem>>, %arg9: memref<64x64xf32, #tpu.memory_space<vmem>>, %arg10: memref<64x1xf32, #tpu.memory_space<vmem>>, %arg11: memref<64x1xf32, #tpu.memory_space<vmem>>, %arg12: memref<64x1xf32, #tpu.memory_space<vmem>>, %arg13: memref<64x1280xf32, #tpu.memory_space<vmem>>) attributes {dimension_semantics = [#tpu.dimension_semantics<parallel>], iteration_bounds = array<i64: 125>, scalar_prefetch = 0 : i64, scratch_operands = 0 : i64, tpu.core_type = #tpu.core_type<tc>, window_params = [{transform_indices = @transform_0, window_bounds = array<i64: 64, 1280>}, {transform_indices = @transform_1, window_bounds = array<i64: 160, 128>}, {transform_indices = @transform_2, window_bounds = array<i64: 160, 128>}, {pipeline_mode = #tpu.pipeline_mode<synchronous>, transform_indices = @transform_3, window_bounds = array<i64: 16, 64>}, {pipeline_mode = #tpu.pipeline_mode<synchronous>, transform_indices = @transform_4, window_bounds = array<i64: 192, 64>}, {pipeline_mode = #tpu.pipeline_mode<synchronous>, transform_indices = @transform_5, window_bounds = array<i64: 64, 1>}, {pipeline_mode = #tpu.pipeline_mode<synchronous>, transform_indices = @transform_6, window_bounds = array<i64: 64, 64>}, {pipeline_mode = #tpu.pipeline_mode<synchronous>, transform_indices = @transform_7, window_bounds = array<i64: 64, 1>}, {pipeline_mode = #tpu.pipeline_mode<synchronous>, transform_indices = @transform_8, window_bounds = array<i64: 64, 64>}, {pipeline_mode = #tpu.pipeline_mode<synchronous>, transform_indices = @transform_9, window_bounds = array<i64: 64, 1>}, {pipeline_mode = #tpu.pipeline_mode<synchronous>, transform_indices = @transform_10, window_bounds = array<i64: 64, 1>}, {pipeline_mode = #tpu.pipeline_mode<synchronous>, transform_indices = @transform_11, window_bounds = array<i64: 64, 1>}, {transform_indices = @transform_12, window_bounds = array<i64: 64, 1280>}]} {
    %iota3A = tpu.iota {dimensions = array<i32: 0>} : vector<16x16xi32>
    %iota3A_0 = tpu.iota {dimensions = array<i32: 1>} : vector<16x16xi32>
    %add3A = arith.constant 0 : i32
    %add3A_1 = vector.broadcast %add3A : i32 to vector<16x16xi32>
    %add3A_2 = arith.addi %iota3A, %add3A_1 : vector<16x16xi32>
    %eq3A = arith.cmpi eq, %add3A_2, %iota3A_0 : vector<16x16xi32>
    %convert_element_type3A = arith.extui %eq3A : vector<16x16xi1> to vector<16x16xi32>
    %convert_element_type3A_3 = arith.sitofp %convert_element_type3A : vector<16x16xi32> to vector<16x16xf32>
    %get3A = arith.constant 0 : index
    %get3A_4 = arith.constant 0 : index
    %get3A_5 = vector.load %arg2[%get3A, %get3A_4] : memref<160x128xf32, #tpu.memory_space<vmem>>, vector<160x128xf32>
    %slice3A = vector.extract_strided_slice %get3A_5 {offsets = [0, 0], sizes = [160, 16], strides = [1, 1]} : vector<160x128xf32> to vector<160x16xf32>
    %dot_general3A = arith.constant dense<0.000000e+00> : vector<16x160xf32>
    %dot_general3A_6 = tpu.matmul %convert_element_type3A_3, %slice3A, %dot_general3A {dimension_numbers = #tpu.dot_dimension_numbers<[1], [1], [0], [0], [0, 0, 1, 0], [], []>, transpose_lhs_hint = false} : vector<16x16xf32>, vector<160x16xf32>, vector<16x160xf32> -> vector<16x160xf32>
    %slice3A_7 = vector.extract_strided_slice %get3A_5 {offsets = [0, 16], sizes = [160, 16], strides = [1, 1]} : vector<160x128xf32> to vector<160x16xf32>
    %dot_general3A_8 = arith.constant dense<0.000000e+00> : vector<16x160xf32>
    %dot_general3A_9 = tpu.matmul %convert_element_type3A_3, %slice3A_7, %dot_general3A_8 {dimension_numbers = #tpu.dot_dimension_numbers<[1], [1], [0], [0], [0, 0, 1, 0], [], []>, transpose_lhs_hint = false} : vector<16x16xf32>, vector<160x16xf32>, vector<16x160xf32> -> vector<16x160xf32>
    %slice3A_10 = vector.extract_strided_slice %get3A_5 {offsets = [0, 32], sizes = [160, 16], strides = [1, 1]} : vector<160x128xf32> to vector<160x16xf32>
    %dot_general3A_11 = arith.constant dense<0.000000e+00> : vector<16x160xf32>
    %dot_general3A_12 = tpu.matmul %convert_element_type3A_3, %slice3A_10, %dot_general3A_11 {dimension_numbers = #tpu.dot_dimension_numbers<[1], [1], [0], [0], [0, 0, 1, 0], [], []>, transpose_lhs_hint = false} : vector<16x16xf32>, vector<160x16xf32>, vector<16x160xf32> -> vector<16x160xf32>
    %slice3A_13 = vector.extract_strided_slice %get3A_5 {offsets = [0, 48], sizes = [160, 16], strides = [1, 1]} : vector<160x128xf32> to vector<160x16xf32>
    %dot_general3A_14 = arith.constant dense<0.000000e+00> : vector<16x160xf32>
    %dot_general3A_15 = tpu.matmul %convert_element_type3A_3, %slice3A_13, %dot_general3A_14 {dimension_numbers = #tpu.dot_dimension_numbers<[1], [1], [0], [0], [0, 0, 1, 0], [], []>, transpose_lhs_hint = false} : vector<16x16xf32>, vector<160x16xf32>, vector<16x160xf32> -> vector<16x160xf32>
    %slice3A_16 = vector.extract_strided_slice %get3A_5 {offsets = [0, 64], sizes = [160, 16], strides = [1, 1]} : vector<160x128xf32> to vector<160x16xf32>
    %dot_general3A_17 = arith.constant dense<0.000000e+00> : vector<16x160xf32>
    %dot_general3A_18 = tpu.matmul %convert_element_type3A_3, %slice3A_16, %dot_general3A_17 {dimension_numbers = #tpu.dot_dimension_numbers<[1], [1], [0], [0], [0, 0, 1, 0], [], []>, transpose_lhs_hint = false} : vector<16x16xf32>, vector<160x16xf32>, vector<16x160xf32> -> vector<16x160xf32>
    %slice3A_19 = vector.extract_strided_slice %get3A_5 {offsets = [0, 80], sizes = [160, 16], strides = [1, 1]} : vector<160x128xf32> to vector<160x16xf32>
    %dot_general3A_20 = arith.constant dense<0.000000e+00> : vector<16x160xf32>
    %dot_general3A_21 = tpu.matmul %convert_element_type3A_3, %slice3A_19, %dot_general3A_20 {dimension_numbers = #tpu.dot_dimension_numbers<[1], [1], [0], [0], [0, 0, 1, 0], [], []>, transpose_lhs_hint = false} : vector<16x16xf32>, vector<160x16xf32>, vector<16x160xf32> -> vector<16x160xf32>
    %slice3A_22 = vector.extract_strided_slice %get3A_5 {offsets = [0, 96], sizes = [160, 16], strides = [1, 1]} : vector<160x128xf32> to vector<160x16xf32>
    %dot_general3A_23 = arith.constant dense<0.000000e+00> : vector<16x160xf32>
    %dot_general3A_24 = tpu.matmul %convert_element_type3A_3, %slice3A_22, %dot_general3A_23 {dimension_numbers = #tpu.dot_dimension_numbers<[1], [1], [0], [0], [0, 0, 1, 0], [], []>, transpose_lhs_hint = false} : vector<16x16xf32>, vector<160x16xf32>, vector<16x160xf32> -> vector<16x160xf32>
    %slice3A_25 = vector.extract_strided_slice %get3A_5 {offsets = [0, 112], sizes = [160, 16], strides = [1, 1]} : vector<160x128xf32> to vector<160x16xf32>
    %dot_general3A_26 = arith.constant dense<0.000000e+00> : vector<16x160xf32>
    %dot_general3A_27 = tpu.matmul %convert_element_type3A_3, %slice3A_25, %dot_general3A_26 {dimension_numbers = #tpu.dot_dimension_numbers<[1], [1], [0], [0], [0, 0, 1, 0], [], []>, transpose_lhs_hint = false} : vector<16x16xf32>, vector<160x16xf32>, vector<16x160xf32> -> vector<16x160xf32>
    %concatenate3A = tpu.concatenate %dot_general3A_6, %dot_general3A_9, %dot_general3A_12, %dot_general3A_15, %dot_general3A_18, %dot_general3A_21, %dot_general3A_24, %dot_general3A_27 in 1 : vector<16x160xf32>, vector<16x160xf32>, vector<16x160xf32>, vector<16x160xf32>, vector<16x160xf32>, vector<16x160xf32>, vector<16x160xf32>, vector<16x160xf32> -> vector<16x1280xf32>
    %get3A_28 = arith.constant 0 : index
    %get3A_29 = arith.constant 0 : index
    %get3A_30 = vector.load %arg3[%get3A_28, %get3A_29] : memref<160x128xf32, #tpu.memory_space<vmem>>, vector<160x128xf32>
    %slice3A_31 = vector.extract_strided_slice %get3A_30 {offsets = [0, 0], sizes = [160, 16], strides = [1, 1]} : vector<160x128xf32> to vector<160x16xf32>
    %dot_general3A_32 = arith.constant dense<0.000000e+00> : vector<16x160xf32>
    %dot_general3A_33 = tpu.matmul %convert_element_type3A_3, %slice3A_31, %dot_general3A_32 {dimension_numbers = #tpu.dot_dimension_numbers<[1], [1], [0], [0], [0, 0, 1, 0], [], []>, transpose_lhs_hint = false} : vector<16x16xf32>, vector<160x16xf32>, vector<16x160xf32> -> vector<16x160xf32>
    %slice3A_34 = vector.extract_strided_slice %get3A_30 {offsets = [0, 16], sizes = [160, 16], strides = [1, 1]} : vector<160x128xf32> to vector<160x16xf32>
    %dot_general3A_35 = arith.constant dense<0.000000e+00> : vector<16x160xf32>
    %dot_general3A_36 = tpu.matmul %convert_element_type3A_3, %slice3A_34, %dot_general3A_35 {dimension_numbers = #tpu.dot_dimension_numbers<[1], [1], [0], [0], [0, 0, 1, 0], [], []>, transpose_lhs_hint = false} : vector<16x16xf32>, vector<160x16xf32>, vector<16x160xf32> -> vector<16x160xf32>
    %slice3A_37 = vector.extract_strided_slice %get3A_30 {offsets = [0, 32], sizes = [160, 16], strides = [1, 1]} : vector<160x128xf32> to vector<160x16xf32>
    %dot_general3A_38 = arith.constant dense<0.000000e+00> : vector<16x160xf32>
    %dot_general3A_39 = tpu.matmul %convert_element_type3A_3, %slice3A_37, %dot_general3A_38 {dimension_numbers = #tpu.dot_dimension_numbers<[1], [1], [0], [0], [0, 0, 1, 0], [], []>, transpose_lhs_hint = false} : vector<16x16xf32>, vector<160x16xf32>, vector<16x160xf32> -> vector<16x160xf32>
    %slice3A_40 = vector.extract_strided_slice %get3A_30 {offsets = [0, 48], sizes = [160, 16], strides = [1, 1]} : vector<160x128xf32> to vector<160x16xf32>
    %dot_general3A_41 = arith.constant dense<0.000000e+00> : vector<16x160xf32>
    %dot_general3A_42 = tpu.matmul %convert_element_type3A_3, %slice3A_40, %dot_general3A_41 {dimension_numbers = #tpu.dot_dimension_numbers<[1], [1], [0], [0], [0, 0, 1, 0], [], []>, transpose_lhs_hint = false} : vector<16x16xf32>, vector<160x16xf32>, vector<16x160xf32> -> vector<16x160xf32>
    %slice3A_43 = vector.extract_strided_slice %get3A_30 {offsets = [0, 64], sizes = [160, 16], strides = [1, 1]} : vector<160x128xf32> to vector<160x16xf32>
    %dot_general3A_44 = arith.constant dense<0.000000e+00> : vector<16x160xf32>
    %dot_general3A_45 = tpu.matmul %convert_element_type3A_3, %slice3A_43, %dot_general3A_44 {dimension_numbers = #tpu.dot_dimension_numbers<[1], [1], [0], [0], [0, 0, 1, 0], [], []>, transpose_lhs_hint = false} : vector<16x16xf32>, vector<160x16xf32>, vector<16x160xf32> -> vector<16x160xf32>
    %slice3A_46 = vector.extract_strided_slice %get3A_30 {offsets = [0, 80], sizes = [160, 16], strides = [1, 1]} : vector<160x128xf32> to vector<160x16xf32>
    %dot_general3A_47 = arith.constant dense<0.000000e+00> : vector<16x160xf32>
    %dot_general3A_48 = tpu.matmul %convert_element_type3A_3, %slice3A_46, %dot_general3A_47 {dimension_numbers = #tpu.dot_dimension_numbers<[1], [1], [0], [0], [0, 0, 1, 0], [], []>, transpose_lhs_hint = false} : vector<16x16xf32>, vector<160x16xf32>, vector<16x160xf32> -> vector<16x160xf32>
    %slice3A_49 = vector.extract_strided_slice %get3A_30 {offsets = [0, 96], sizes = [160, 16], strides = [1, 1]} : vector<160x128xf32> to vector<160x16xf32>
    %dot_general3A_50 = arith.constant dense<0.000000e+00> : vector<16x160xf32>
    %dot_general3A_51 = tpu.matmul %convert_element_type3A_3, %slice3A_49, %dot_general3A_50 {dimension_numbers = #tpu.dot_dimension_numbers<[1], [1], [0], [0], [0, 0, 1, 0], [], []>, transpose_lhs_hint = false} : vector<16x16xf32>, vector<160x16xf32>, vector<16x160xf32> -> vector<16x160xf32>
    %slice3A_52 = vector.extract_strided_slice %get3A_30 {offsets = [0, 112], sizes = [160, 16], strides = [1, 1]} : vector<160x128xf32> to vector<160x16xf32>
    %dot_general3A_53 = arith.constant dense<0.000000e+00> : vector<16x160xf32>
    %dot_general3A_54 = tpu.matmul %convert_element_type3A_3, %slice3A_52, %dot_general3A_53 {dimension_numbers = #tpu.dot_dimension_numbers<[1], [1], [0], [0], [0, 0, 1, 0], [], []>, transpose_lhs_hint = false} : vector<16x16xf32>, vector<160x16xf32>, vector<16x160xf32> -> vector<16x160xf32>
    %concatenate3A_55 = tpu.concatenate %dot_general3A_33, %dot_general3A_36, %dot_general3A_39, %dot_general3A_42, %dot_general3A_45, %dot_general3A_48, %dot_general3A_51, %dot_general3A_54 in 1 : vector<16x160xf32>, vector<16x160xf32>, vector<16x160xf32>, vector<16x160xf32>, vector<16x160xf32>, vector<16x160xf32>, vector<16x160xf32>, vector<16x160xf32> -> vector<16x1280xf32>
    %get3A_56 = arith.constant 0 : index
    %get3A_57 = arith.constant 0 : index
    %get3A_58 = vector.load %arg4[%get3A_56, %get3A_57] : memref<16x64xf32, #tpu.memory_space<vmem>>, vector<16x64xf32>
    %mul3A = arith.constant 2.500000e-01 : f32
    %mul3A_59 = vector.broadcast %mul3A : f32 to vector<16x64xf32>
    %mul3A_60 = arith.mulf %get3A_58, %mul3A_59 : vector<16x64xf32>
    %get3A_61 = arith.constant 0 : index
    %get3A_62 = arith.constant 0 : index
    %get3A_63 = vector.load %arg5[%get3A_61, %get3A_62] : memref<192x64xf32, #tpu.memory_space<vmem>>, vector<64x64xf32>
    %dot_general3A_64 = arith.constant dense<0.000000e+00> : vector<16x64xf32>
    %dot_general3A_65 = tpu.matmul %mul3A_60, %get3A_63, %dot_general3A_64 {dimension_numbers = #tpu.dot_dimension_numbers<[1], [0], [0], [1], [0, 0, 1, 1], [], []>, transpose_lhs_hint = false} : vector<16x64xf32>, vector<64x64xf32>, vector<16x64xf32> -> vector<16x64xf32>
    %transpose3A = tpu.transpose %dot_general3A_65, [1, 0] : vector<16x64xf32> -> vector<64x16xf32>
    %get3A_66 = arith.constant 64 : index
    %get3A_67 = arith.constant 0 : index
    %get3A_68 = vector.load %arg5[%get3A_66, %get3A_67] : memref<192x64xf32, #tpu.memory_space<vmem>>, vector<64x64xf32>
    %dot_general3A_69 = arith.constant dense<0.000000e+00> : vector<16x64xf32>
    %dot_general3A_70 = tpu.matmul %mul3A_60, %get3A_68, %dot_general3A_69 {dimension_numbers = #tpu.dot_dimension_numbers<[1], [0], [0], [1], [0, 0, 1, 1], [], []>, transpose_lhs_hint = false} : vector<16x64xf32>, vector<64x64xf32>, vector<16x64xf32> -> vector<16x64xf32>
    %transpose3A_71 = tpu.transpose %dot_general3A_70, [1, 0] : vector<16x64xf32> -> vector<64x16xf32>
    %dot_general3A_72 = arith.constant dense<0.000000e+00> : vector<64x1280xf32>
    %dot_general3A_73 = tpu.matmul %transpose3A, %concatenate3A, %dot_general3A_72 {dimension_numbers = #tpu.dot_dimension_numbers<[1], [0], [0], [1], [0, 0, 1, 1], [], []>, transpose_lhs_hint = false} : vector<64x16xf32>, vector<16x1280xf32>, vector<64x1280xf32> -> vector<64x1280xf32>
    %dot_general3A_74 = arith.constant dense<0.000000e+00> : vector<64x1280xf32>
    %dot_general3A_75 = tpu.matmul %transpose3A_71, %concatenate3A_55, %dot_general3A_74 {dimension_numbers = #tpu.dot_dimension_numbers<[1], [0], [0], [1], [0, 0, 1, 1], [], []>, transpose_lhs_hint = false} : vector<64x16xf32>, vector<16x1280xf32>, vector<64x1280xf32> -> vector<64x1280xf32>
    %add3A_76 = arith.addf %dot_general3A_73, %dot_general3A_75 : vector<64x1280xf32>
    %get3A_77 = arith.constant 128 : index
    %get3A_78 = arith.constant 0 : index
    %get3A_79 = vector.load %arg5[%get3A_77, %get3A_78] : memref<192x64xf32, #tpu.memory_space<vmem>>, vector<64x64xf32>
    %transpose3A_80 = tpu.transpose %get3A_79, [1, 0] : vector<64x64xf32> -> vector<64x64xf32>
    %get3A_81 = arith.constant 0 : index
    %get3A_82 = arith.constant 0 : index
    %get3A_83 = vector.load %arg1[%get3A_81, %get3A_82] : memref<64x1280xf32, #tpu.memory_space<vmem>>, vector<64x1280xf32>
    %dot_general3A_84 = arith.constant dense<0.000000e+00> : vector<64x1280xf32>
    %dot_general3A_85 = tpu.matmul %transpose3A_80, %get3A_83, %dot_general3A_84 {dimension_numbers = #tpu.dot_dimension_numbers<[1], [0], [0], [1], [0, 0, 1, 1], [], []>, transpose_lhs_hint = false} : vector<64x64xf32>, vector<64x1280xf32>, vector<64x1280xf32> -> vector<64x1280xf32>
    %add3A_86 = arith.addf %add3A_76, %dot_general3A_85 : vector<64x1280xf32>
    %get3A_87 = arith.constant 0 : index
    %get3A_88 = arith.constant 0 : index
    %get3A_89 = vector.load %arg6[%get3A_87, %get3A_88] : memref<64x1xf32, #tpu.memory_space<vmem>>, vector<64x1xf32>
    %add3A_90 = vector.broadcast %get3A_89 : vector<64x1xf32> to vector<64x1280xf32>
    %add3A_91 = arith.addf %add3A_86, %add3A_90 : vector<64x1280xf32>
    %max3A = arith.constant 0.000000e+00 : f32
    %max3A_92 = vector.broadcast %max3A : f32 to vector<64x1280xf32>
    %max3A_93 = arith.maximumf %add3A_91, %max3A_92 : vector<64x1280xf32>
    %get3A_94 = arith.constant 0 : index
    %get3A_95 = arith.constant 0 : index
    %get3A_96 = vector.load %arg7[%get3A_94, %get3A_95] : memref<64x64xf32, #tpu.memory_space<vmem>>, vector<64x64xf32>
    %dot_general3A_97 = arith.constant dense<0.000000e+00> : vector<64x1280xf32>
    %dot_general3A_98 = tpu.matmul %get3A_96, %max3A_93, %dot_general3A_97 {dimension_numbers = #tpu.dot_dimension_numbers<[1], [0], [0], [1], [0, 0, 1, 1], [], []>, transpose_lhs_hint = false} : vector<64x64xf32>, vector<64x1280xf32>, vector<64x1280xf32> -> vector<64x1280xf32>
    %get3A_99 = arith.constant 0 : index
    %get3A_100 = arith.constant 0 : index
    %get3A_101 = vector.load %arg8[%get3A_99, %get3A_100] : memref<64x1xf32, #tpu.memory_space<vmem>>, vector<64x1xf32>
    %add3A_102 = vector.broadcast %get3A_101 : vector<64x1xf32> to vector<64x1280xf32>
    %add3A_103 = arith.addf %dot_general3A_98, %add3A_102 : vector<64x1280xf32>
    %max3A_104 = arith.constant 0.000000e+00 : f32
    %max3A_105 = vector.broadcast %max3A_104 : f32 to vector<64x1280xf32>
    %max3A_106 = arith.maximumf %add3A_103, %max3A_105 : vector<64x1280xf32>
    %get3A_107 = arith.constant 0 : index
    %get3A_108 = arith.constant 0 : index
    %get3A_109 = vector.load %arg9[%get3A_107, %get3A_108] : memref<64x64xf32, #tpu.memory_space<vmem>>, vector<64x64xf32>
    %dot_general3A_110 = arith.constant dense<0.000000e+00> : vector<64x1280xf32>
    %dot_general3A_111 = tpu.matmul %get3A_109, %max3A_106, %dot_general3A_110 {dimension_numbers = #tpu.dot_dimension_numbers<[1], [0], [0], [1], [0, 0, 1, 1], [], []>, transpose_lhs_hint = false} : vector<64x64xf32>, vector<64x1280xf32>, vector<64x1280xf32> -> vector<64x1280xf32>
    %get3A_112 = arith.constant 0 : index
    %get3A_113 = arith.constant 0 : index
    %get3A_114 = vector.load %arg10[%get3A_112, %get3A_113] : memref<64x1xf32, #tpu.memory_space<vmem>>, vector<64x1xf32>
    %add3A_115 = vector.broadcast %get3A_114 : vector<64x1xf32> to vector<64x1280xf32>
    %add3A_116 = arith.addf %dot_general3A_111, %add3A_115 : vector<64x1280xf32>
    %get3A_117 = arith.constant 0 : index
    %get3A_118 = arith.constant 0 : index
    %get3A_119 = vector.load %arg1[%get3A_117, %get3A_118] : memref<64x1280xf32, #tpu.memory_space<vmem>>, vector<64x1280xf32>
    %add3A_120 = arith.addf %get3A_119, %add3A_116 : vector<64x1280xf32>
    %reduce_sum3A = arith.constant dense<0.000000e+00> : vector<1280xf32>
    %reduce_sum3A_121 = vector.multi_reduction <add>, %add3A_120, %reduce_sum3A [0] : vector<64x1280xf32> to vector<1280xf32>
    %broadcast_in_dim3A = vector.shape_cast %reduce_sum3A_121 : vector<1280xf32> to vector<1x1280xf32>
    %div3A = arith.constant 6.400000e+01 : f32
    %div3A_122 = vector.broadcast %div3A : f32 to vector<1x1280xf32>
    %div3A_123 = arith.divf %broadcast_in_dim3A, %div3A_122 : vector<1x1280xf32>
    %sub3A = vector.broadcast %div3A_123 : vector<1x1280xf32> to vector<64x1280xf32>
    %sub3A_124 = arith.subf %add3A_120, %sub3A : vector<64x1280xf32>
    %integer_pow3A = arith.mulf %sub3A_124, %sub3A_124 : vector<64x1280xf32>
    %reduce_sum3A_125 = arith.constant dense<0.000000e+00> : vector<1280xf32>
    %reduce_sum3A_126 = vector.multi_reduction <add>, %integer_pow3A, %reduce_sum3A_125 [0] : vector<64x1280xf32> to vector<1280xf32>
    %broadcast_in_dim3A_127 = vector.shape_cast %reduce_sum3A_126 : vector<1280xf32> to vector<1x1280xf32>
    %div3A_128 = arith.constant 6.400000e+01 : f32
    %div3A_129 = vector.broadcast %div3A_128 : f32 to vector<1x1280xf32>
    %div3A_130 = arith.divf %broadcast_in_dim3A_127, %div3A_129 : vector<1x1280xf32>
    %sub3A_131 = vector.broadcast %div3A_123 : vector<1x1280xf32> to vector<64x1280xf32>
    %sub3A_132 = arith.subf %add3A_120, %sub3A_131 : vector<64x1280xf32>
    %add3A_133 = arith.constant 9.99999974E-6 : f32
    %add3A_134 = vector.broadcast %add3A_133 : f32 to vector<1x1280xf32>
    %add3A_135 = arith.addf %div3A_130, %add3A_134 : vector<1x1280xf32>
    %rsqrt3A = math.rsqrt %add3A_135 : vector<1x1280xf32>
    %mul3A_136 = vector.broadcast %rsqrt3A : vector<1x1280xf32> to vector<64x1280xf32>
    %mul3A_137 = arith.mulf %sub3A_132, %mul3A_136 : vector<64x1280xf32>
    %get3A_138 = arith.constant 0 : index
    %get3A_139 = arith.constant 0 : index
    %get3A_140 = vector.load %arg11[%get3A_138, %get3A_139] : memref<64x1xf32, #tpu.memory_space<vmem>>, vector<64x1xf32>
    %mul3A_141 = vector.broadcast %get3A_140 : vector<64x1xf32> to vector<64x1280xf32>
    %mul3A_142 = arith.mulf %mul3A_137, %mul3A_141 : vector<64x1280xf32>
    %get3A_143 = arith.constant 0 : index
    %get3A_144 = arith.constant 0 : index
    %get3A_145 = vector.load %arg12[%get3A_143, %get3A_144] : memref<64x1xf32, #tpu.memory_space<vmem>>, vector<64x1xf32>
    %add3A_146 = vector.broadcast %get3A_145 : vector<64x1xf32> to vector<64x1280xf32>
    %add3A_147 = arith.addf %mul3A_142, %add3A_146 : vector<64x1280xf32>
    %swap3A = arith.constant 0 : index
    %swap3A_148 = arith.constant 0 : index
    %swap3A_149 = vector.load %arg13[%swap3A, %swap3A_148] : memref<64x1280xf32, #tpu.memory_space<vmem>>, vector<64x1280xf32>
    tpu.vector_store %arg13[%swap3A, %swap3A_148], %add3A_147 {strides = array<i32>} : memref<64x1280xf32, #tpu.memory_space<vmem>>, vector<64x1280xf32>,
    return
  }
  func.func @transform_0(%arg0: i32) -> (i32, i32) {
    %c0_i32 = arith.constant 0 : i32
    %c0_i32_0 = arith.constant 0 : i32
    return %c0_i32, %arg0 : i32, i32
  }
  func.func @transform_1(%arg0: i32) -> (i32, i32) {
    %c0_i32 = arith.constant 0 : i32
    %c0_i32_0 = arith.constant 0 : i32
    return %arg0, %c0_i32 : i32, i32
  }
  func.func @transform_2(%arg0: i32) -> (i32, i32) {
    %c0_i32 = arith.constant 0 : i32
    %c0_i32_0 = arith.constant 0 : i32
    return %arg0, %c0_i32 : i32, i32
  }
  func.func @transform_3(%arg0: i32) -> (i32, i32) {
    %c0_i32 = arith.constant 0 : i32
    %c0_i32_0 = arith.constant 0 : i32
    %c0_i32_1 = arith.constant 0 : i32
    return %c0_i32, %c0_i32_0 : i32, i32
  }
  func.func @transform_4(%arg0: i32) -> (i32, i32) {
    %c0_i32 = arith.constant 0 : i32
    %c0_i32_0 = arith.constant 0 : i32
    %c0_i32_1 = arith.constant 0 : i32
    return %c0_i32, %c0_i32_0 : i32, i32
  }
  func.func @transform_5(%arg0: i32) -> (i32, i32) {
    %c0_i32 = arith.constant 0 : i32
    %c0_i32_0 = arith.constant 0 : i32
    %c0_i32_1 = arith.constant 0 : i32
    return %c0_i32, %c0_i32_0 : i32, i32
  }
  func.func @transform_6(%arg0: i32) -> (i32, i32) {
    %c0_i32 = arith.constant 0 : i32
    %c0_i32_0 = arith.constant 0 : i32
    %c0_i32_1 = arith.constant 0 : i32
    return %c0_i32, %c0_i32_0 : i32, i32
  }
  func.func @transform_7(%arg0: i32) -> (i32, i32) {
    %c0_i32 = arith.constant 0 : i32
    %c0_i32_0 = arith.constant 0 : i32
    %c0_i32_1 = arith.constant 0 : i32
    return %c0_i32, %c0_i32_0 : i32, i32
  }
  func.func @transform_8(%arg0: i32) -> (i32, i32) {
    %c0_i32 = arith.constant 0 : i32
    %c0_i32_0 = arith.constant 0 : i32
    %c0_i32_1 = arith.constant 0 : i32
    return %c0_i32, %c0_i32_0 : i32, i32
  }
  func.func @transform_9(%arg0: i32) -> (i32, i32) {
    %c0_i32 = arith.constant 0 : i32
    %c0_i32_0 = arith.constant 0 : i32
    %c0_i32_1 = arith.constant 0 : i32
    return %c0_i32, %c0_i32_0 : i32, i32
  }
  func.func @transform_10(%arg0: i32) -> (i32, i32) {
    %c0_i32 = arith.constant 0 : i32
    %c0_i32_0 = arith.constant 0 : i32
    %c0_i32_1 = arith.constant 0 : i32
    return %c0_i32, %c0_i32_0 : i32, i32
  }
  func.func @transform_11(%arg0: i32) -> (i32, i32) {
    %c0_i32 = arith.constant 0 : i32
    %c0_i32_0 = arith.constant 0 : i32
    %c0_i32_1 = arith.constant 0 : i32
    return %c0_i32, %c0_i32_0 : i32, i32
  }
  func.func @transform_12(%arg0: i32) -> (i32, i32) {
    %c0_i32 = arith.constant 0 : i32
    %c0_i32_0 = arith.constant 0 : i32
    return %c0_i32, %arg0 : i32, i32
  }
}

</mosaic_0001>

<sc_bundles>
// kernel: kernel.11.cloned.1.call-start
scs
__scs_entry_jumppad:
0x0: {  	(pc) =	sbr.rel $0x88, $3  }
0x1: {  	(tag) =	ssettag $0x0;
	lr =	simm.s32 $0x1  }
0x2: {  	[smem:$0x3F8E] =	sst lr;
	_ =	strace $0xD0000000  }
0x3: {  	_ = 	snop  }
0x4: {  	_ = 	snop  }
0x5: {  	_ = 	snop  }
0x6: {  	_ = 	snop  }
0x7: {  	_ = 	snop  }
__scs_overlays_trampoline_lowered:
0x8: {  	[smem:$0x3F9D] =	sst s0  }
0x9: {  	[smem:$0x3F9E] =	sst s1  }
0xa: {  	[smem:$0x3F9F] =	sst s2  }
0xb: {  	[smem:$0x3FA0] =	sst s3  }
0xc: {  	[smem:$0x3FA1] =	sst s4  }
0xd: {  	[smem:$0x3FA2] =	sst s5  }
0xe: {  	[smem:$0x3FA3] =	sst s6  }
0xf: {  	[smem:$0x3FA4] =	sst s7  }
0x10: {  	[smem:$0x3FA5] =	sst s8  }
0x11: {  	[smem:$0x3FA6] =	sst s9;
	s0 =	simm.s32 @!p0 $0x0  }
0x12: {  	s1 =	sld [smem:$0x3F8C];
	s0 =	simm.s32 @p0 $0x1  }
0x13: {  	[smem:$0x3FA7] =	sst s0;
	s0 =	simm.s32 @!p1 $0x0  }
0x14: {  	s2 =	sld [smem:$0x3F8B];
	s0 =	simm.s32 @p1 $0x1  }
0x15: {  	[smem:$0x3FA8] =	sst s0;
	s0 =	simm.s32 @!p2 $0x0  }
0x16: {  	s3 =	sld [smem:$0x3FDB];
	s0 =	simm.s32 @p2 $0x1  }
0x17: {  	s4 =	simm.s32 $0x1BF5;
	[smem:$0x3FAA] =	sst s0  }
0x18: {  	s0 =	sld [smem:$0x3F8D];
	_ =	swait.ge [sflag:s4], $0x0  }
0x19: {  	s7 =	sld [smem:$0x3F8E]  }
0x1a: {  	s8 =	sadd.s32 $0xFFFFE003, lr  }
0x1b: {  	s9 =	sadd.s32 $0xFFFFFEF7, lr;
	s5 =	simm.s32 $0xFFFFFFFF;
	p2 =	slt.u32 s8, $0xFFFFF086  }
0x1c: {  	p1 =	slt.u32 s9, $0xF7A;
	s5 =	simm.s32 @!p2 $0x0  }
0x1d: {  	s5 =	simm.s32 @p1 $0x1;
	p0 =	seq.s32 s7, s2  }
0x1e: {  	s7 =	smul.u32 @!p0 $0xF7A, s2;
	p2 =	seq.s32 @!p0 s5, $0x0  }
0x1f: {  	s9 =	smul.u32 $0xF7A, s1;
	s8 =	simm.s32 @!p0 $0x1BF5;
	p2 =	por !p2, p0  }
0x20: {  	[sflag:s8] =	ssyncset.s32 @!p0 $0xFFFFF086;
	s6 =	sadd.s32 @!p0 s3, s7;
	s7 =	simm.s32 @!p0 $0x108  }
0x21: {  	s3 =	sadd.s32 s3, s9;
	s6 =	sadd.s32 @!p0 $0x88, s6;
	s7 =	simm.s32 @p2 $0x1082  }
0x22: {  	[simem:s7], [sflag:s8] =	dma.local @!p0 [hbm:s6], $0xF7A  }
0x23: {  	s9 =	sor.u32 $0xD0000000, s2;
	s6 =	simm.s32 $0x108;
	_ =	swait.ge @!p0 [sflag:s8], $0x0  }
0x24: {  	s3 =	sadd.s32 $0x88, s3;
	s6 =	simm.s32 @!p1 $0x1082;
	[sflag:s4] =	ssyncset.s32 $0xFFFFF086  }
0x25: {  	[simem:s6], [sflag:s4] =	dma.local [hbm:s3], $0xF7A  }
0x26: {  	[smem:$0x3F8E] =	sst s1;
	(tag) =	ssettag s2;
	_ =	strace s9  }
0x27: {  	s1 =	sld [smem:$0x3F9E]  }
0x28: {  	s2 =	sld [smem:$0x3F9F]  }
0x29: {  	s4 =	sld [smem:$0x3FA1]  }
0x2a: {  	p0 =	seq.s32 s5, $0x0;
	s5 =	sld [smem:$0x3FA2]  }
0x2b: {  	s6 =	sld [smem:$0x3FA3]  }
0x2c: {  	s7 =	sld [smem:$0x3FA4]  }
0x2d: {  	s3 =	simm.s32 $0x108;
	s8 =	sld [smem:$0x3FA5]  }
0x2e: {  	s3 =	simm.s32 @!p0 $0x1082;
	s9 =	sld [smem:$0x3FA6]  }
0x2f: {  	lr =	sadd.s32 s0, s3;
	s0 =	sld [smem:$0x3F9D]  }
0x30: {  	s3 =	sld [smem:$0x3FA0]  }
0x31: {  	[smem:$0x3FA9] =	sst s10  }
0x32: {  	s10 =	sld [smem:$0x3FA7];
	_ =	sdelay $0x3  }
0x33: {  	p0 =	seq.s32 s10, $0x1;
	s10 =	sld [smem:$0x3FA9];
	_ =	sdelay $0x3  }
0x34: {  	[smem:$0x3FA9] =	sst s10  }
0x35: {  	s10 =	sld [smem:$0x3FA8];
	_ =	sdelay $0x3  }
0x36: {  	p1 =	seq.s32 s10, $0x1;
	s10 =	sld [smem:$0x3FA9];
	_ =	sdelay $0x3  }
0x37: {  	[smem:$0x3FA9] =	sst s10  }
0x38: {  	s10 =	sld [smem:$0x3FAA]  }
0x39: {  	_ = 	snop;
	(pc) =	sbr.ind lr, $3  }
0x3a: {  	_ = 	snop  }
0x3b: {  	_ = 	snop  }
0x3c: {  	p2 =	seq.s32 s10, $0x1;
	s10 =	sld [smem:$0x3FA9]  }
0x3d: {  	_ =	shalt  }
0x3e: {  	_ =	shalt  }
0x3f: {  	_ =	shalt  }
0x40: {  	_ =	shalt  }
0x41: {  	_ =	shalt  }
0x42: {  	_ =	shalt  }
0x43: {  	_ =	shalt  }
0x44: {  	_ =	shalt  }
0x45: {  	_ =	shalt  }
0x46: {  	_ =	shalt  }
0x47: {  	_ =	shalt  }
0x48: {  	_ =	shalt  }
0x49: {  	_ =	shalt  }
0x4a: {  	_ =	shalt  }
0x4b: {  	_ =	shalt  }
0x4c: {  	_ =	shalt  }
0x4d: {  	_ =	shalt  }
0x4e: {  	_ =	shalt  }
0x4f: {  	_ =	shalt  }
0x50: {  	_ =	shalt  }
0x51: {  	_ =	shalt  }
0x52: {  	_ =	shalt  }
0x53: {  	_ =	shalt  }
0x54: {  	_ =	shalt  }
0x55: {  	_ =	shalt  }
0x56: {  	_ =	shalt  }
0x57: {  	_ =	shalt  }
0x58: {  	_ =	shalt  }
0x59: {  	_ =	shalt  }
0x5a: {  	_ =	shalt  }
0x5b: {  	_ =	shalt  }
0x5c: {  	_ =	shalt  }
0x5d: {  	_ =	shalt  }
0x5e: {  	_ =	shalt  }
0x5f: {  	_ =	shalt  }
0x60: {  	_ =	shalt  }
0x61: {  	_ =	shalt  }
0x62: {  	_ =	shalt  }
0x63: {  	_ =	shalt  }
0x64: {  	_ =	shalt  }
0x65: {  	_ =	shalt  }
0x66: {  	_ =	shalt  }
0x67: {  	_ =	shalt  }
0x68: {  	_ =	shalt  }
0x69: {  	_ =	shalt  }
0x6a: {  	_ =	shalt  }
0x6b: {  	_ =	shalt  }
0x6c: {  	_ =	shalt  }
0x6d: {  	_ =	shalt  }
0x6e: {  	_ =	shalt  }
0x6f: {  	_ =	shalt  }
0x70: {  	_ =	shalt  }
0x71: {  	_ =	shalt  }
0x72: {  	_ =	shalt  }
0x73: {  	_ =	shalt  }
0x74: {  	_ =	shalt  }
0x75: {  	_ =	shalt  }
0x76: {  	_ =	shalt  }
0x77: {  	_ =	shalt  }
0x78: {  	_ =	shalt  }
0x79: {  	_ =	shalt  }
0x7a: {  	_ =	shalt  }
0x7b: {  	_ =	shalt  }
0x7c: {  	_ =	shalt  }
0x7d: {  	_ =	shalt  }
0x7e: {  	_ =	shalt  }
0x7f: {  	_ =	shalt  }
0x80: {  	_ =	shalt  }
0x81: {  	_ =	shalt  }
0x82: {  	_ =	shalt  }
0x83: {  	_ =	shalt  }
0x84: {  	_ =	shalt  }
0x85: {  	_ =	shalt  }
0x86: {  	_ =	shalt  }
0x87: {  	_ =	shalt  }
.Lfunc_end0:
.L_simem_size_0:
called_computation.1_lowered:
.L_overlay_start_0:
0x88: {  	s2 =	sld [smem:$0x3FD9]  }
0x89: {  	s3 =	sld [smem:$0x3FFE];
	_ =	sdelay $0x1  }
0x8a: {  	s1 =	srdreg.scid  }
0x8b: {  	s0 =	sand.u32 $0x1, s1  }
0x8c: {  	s14 =	sshll.u32 s0, $0xA;
	s2 =	sadd.s32 s3, s2  }
0x8d: {  	s2 =	sadd.s32 s2, s14  }
0x8e: {  	[smem:$0x3FB5] =	sst s2  }
0x8f: {  	_ = 	snop  }
0x90: {  	s2 =	sld [smem:$0x3FD0];
	_ =	sdelay $0x2  }
0x91: {  	s15 =	simm.s32 $0xA;
	s4 =	simm.s32 $0x10  }
0x92: {  	[smem:s4], [sflag:s15] =	dma.local [hbm:s2], $0x1  }
0x93: {  	_ =	swait.eq [sflag:s15], $0x1  }
0x94: {  	[sflag:s15] =	ssyncset.done $0x0  }
0x95: {  	[sflag:s15] =	ssyncadd.s32 $0xFFFFFFFF  }
0x96: {  	s16 =	sld [smem:$0x11];
	(tm) =	ssettm $0x1  }
0x97: {  	s17 =	sld [smem:$0x3FFB];
	_ =	sdelay $0x3  }
0x98: {  	_ =	strace s17  }
0x99: {  	s3 =	sld [smem:$0x3FFC];
	_ =	sdelay $0x3  }
0x9a: {  	_ =	strace s3  }
0x9b: {  	s3 =	sld [smem:$0x3FFD];
	_ =	sdelay $0x3  }
0x9c: {  	_ =	strace s3  }
0x9d: {  	_ =	strace $0x8FFFFFFF  }
0x9e: {  	s18 =	sld [smem:$0x3FDB];
	_ =	sdelay $0x1  }
0x9f: {  	s19 =	simm.s32 $_scs_section_size  }
0xa0: {  	s5 =	simm.s32 $_size__tile_overlayer_lowered;
	s6 =	simm.s32 $_tile_overlayer_lowered  }
0xa1: {  	s22 =	simm.s32 $0x1BFF;
	s21 =	sshll.u32 s6, $0x1;
	s3 =	sadd.s32 s19, s18  }
0xa2: {  	s7 =	simm.s32 $0x0;
	s20 =	sshll.u32 s5, $0x1;
	s5 =	sadd.s32 s21, s3  }
0xa3: {  	[timem:s7], [sflag:s22] =	dma.local [hbm:s5], s20  }
0xa4: {  	_ =	swait.ge [sflag:s22], s20  }
0xa5: {  	s4 =	ssub.s32 $0x0, s20;
	[sflag:s22] =	ssyncset.done $0x0  }
0xa6: {  	[sflag:s22] =	ssyncadd.s32 s4;
	_ =	sdelay $0x1  }
0xa7: {  	s23 =	simm.s32 $0x1B8B  }
0xa8: {  	_ =	swait.ge [sflag:s23], $0x1  }
0xa9: {  	[sflag:s23] =	ssyncset.done $0x0  }
0xaa: {  	s25 =	simm.s32 $0x1B8E;
	s24 =	sld [smem:$0x3FFE];
	[sflag:s23] =	ssyncadd.s32 $0xFFFFFFFF  }
0xab: {  	s26 =	simm.s32 $execute0_lowered;
	[smem:$0x3FD2] =	sst s25  }
0xac: {  	s5 =	sshll.u32 s26, $0x1;
	_ =	strace $0x80000049;
	[dreg:$0x1] =	wrdreg $0xFFFFFFFF  }
0xad: {  	s28 =	simm.s32 $_size_execute0_lowered;
	s3 =	sadd.s32 s3, s5;
	[dreg:$0x0] =	wrdreg $0x0  }
0xae: {  	s5 =	sshll.u32 s28, $0x1;
	[dreg:$0x2] =	wrdreg s3  }
0xaf: {  	[dreg:$0x3] =	wrdreg s5  }
0xb0: {  	[dreg:$0x4] =	wrdreg $0xC0  }
0xb1: {  	_ =	task [dreg:s7], $0x5FFFF  }
0xb2: {  	[dreg:$0x1] =	wrdreg $0xFFFFFFFF  }
0xb3: {  	[dreg:$0x0] =	wrdreg $0x60  }
0xb4: {  	[dreg:$0x2] =	wrdreg s16  }
0xb5: {  	[dreg:$0x3] =	wrdreg s24  }
0xb6: {  	[dreg:$0x4] =	wrdreg $0x91000  }
0xb7: {  	[dreg:$0x5] =	wrdreg $0x9  }
0xb8: {  	_ =	task.clear_ibuf [dreg:s7], $0x6FFFF;
	_ =	strace $0x90000049  }
0xb9: {  	s29 =	simm.s32 $0x9;
	_ =	strace $0x8000004B  }
0xba: {  	_ =	swait.ge [sflag:s29], $0x1  }
0xbb: {  	[sflag:s29] =	ssyncadd.s32 $0xFFFFFFFF  }
0xbc: {  	_ =	strace $0x9000004B  }
0xbd: {  	_ =	sfence  }
0xbe: {  	s30 =	sld [smem:$0x0];
	_ =	sdelay $0x2  }
0xbf: {  	s31 =	sshll.u32 s1, $0xD;
	s1 =	sshrl.u32 s1, $0x2  }
0xc0: {  	s3 =	sand.u32 $0x4000, s31;
	s1 =	sadd.s32 s1, s30  }
0xc1: {  	s0 =	sor.u32 s3, s0;
	s1 =	sshll.u32 s1, $0x11  }
0xc2: {  	s0 =	sor.u32 s1, s0  }
0xc3: {  	s0 =	sadd.s32 $0x8F2B, s0  }
0xc4: {  	[sflag:s0] =	ssyncadd.remote.s32 $0x1  }
0xc5: {  	_ =	sfence.sel $0xFFFF  }
0xc6: {  	[dreg:$0x0] =	wrdreg $0xFFFFFFFF;
	(pc) =	sbr.abs _section_cstart, $3  }
0xc7: {  	[dreg:$0x1] =	wrdreg $0xFFFFFFFF  }
0xc8: {  	_ =	task.clear_ibuf [dreg:s7], $0x2FFFF;
	_ =	strace $0x9FFFFFFF  }
0xc9: {  	(tm) =	ssettm $0x7FFFFFFF  }
tec
execute0_lowered:
.L_overlay_start_1:
0x0: {  	(tag) =	ssettag $0x1  }
0x1: {  	s2 =	srdreg.scid;
	s1 =	rddreg [dreg:$0x0]  }
0x2: {  	s0 =	stileid.u32;
	s5 =	rddreg [dreg:$0x1]  }
0x3: {  	s3 =	rddreg [dreg:$0x2];
	s4 =	simm.s32 $0x0;
	s10 =	smul.u32 $0x9C40, s0  }
0x4: {  	s7 =	sand.u32 $0x1, s2;
	s14 =	sshll.u32 s0, $0x1;
	s16 =	smul.u32 $0x4E200, s0  }
0x5: {  	[smem:$0x7FF] =	sst s4;
	s2 =	sor.u32 s7, s14;
	s8 =	smul.u32 $0x9C400, s7  }
0x6: {  	s11 =	ssub.s32 $0x2, s7;
	s14 =	sshll.u32 s0, $0x6;
	s17 =	smul.u32 $0x4E20, s7  }
0x7: {  	s6 =	smul.u32 $0x280, s2;
	s2 =	rddreg [dreg:$0x3];
	_ =	strace $0x8000004A  }
0x8: {  	s15 =	sshrl.u32 s10, $0x3;
	s12 =	sshrl.u32 s11, $0x1;
	s13 =	sadd.s32 s10, s3  }
0x9: {  	s8 =	sadd.s32 s10, s8;
	s11 =	ssub.s32 s11, s12;
	s10 =	sadd.s32 s17, s10  }
0xa: {  	s17 =	simm.s32 $0x5280;
	s9 =	sadd.s32 s6, s5;
	s6 =	sadd.s32 s15, s5  }
0xb: {  	s8 =	sshrl.u32 s8, $0x3;
	s15 =	smul.u32 $0x27100, s7;
	[dreg:$0x4] =	wrdreg s10  }
0xc: {  	s8 =	sadd.s32 s8, s5;
	s5 =	sadd.s32 $0xE200, s6;
	s6 =	sor.u32 $0x1C02, s14  }
0xd: {  	s7 =	sadd.s32 $0x9200, s9;
	s9 =	smax.u32 s11, $0x1;
	s11 =	sshrl.u32 s13, $0x3  }
0xe: {  	s13 =	simm.s32 $0x1400;
	s14 =	simm.s32 $0x23A0;
	s8 =	sadd.s32 $0x21C00, s8  }
0xf: {  	s12 =	sadd.s32 s15, s16;
	s15 =	simm.s32 $0x3340;
	s16 =	simm.s32 $0x42E0  }
0x10: {  	s18 =	sadd.s32 $0x6D60, s12;
	s20 =	sadd.s32 $0x5DC0, s12;
	s22 =	sadd.s32 $0x4E20, s12  }
0x11: {  	s24 =	sadd.s32 $0x3E80, s12;
	s26 =	sadd.s32 $0x2EE0, s12;
	s19 =	sshrl.u32 s18, $0x3  }
0x12: {  	s29 =	sadd.s32 $0x1F40, s12;
	s21 =	sshrl.u32 s20, $0x3;
	[dreg:$0x5] =	wrdreg s19  }
0x13: {  	s31 =	sadd.s32 $0xFA0, s12;
	s23 =	sshrl.u32 s22, $0x3;
	[dreg:$0x6] =	wrdreg s21  }
0x14: {  	s12 =	simm.s32 $0x2;
	s25 =	sshrl.u32 s24, $0x3;
	[dreg:$0x7] =	wrdreg s23  }
0x15: {  	s28 =	sshrl.u32 s26, $0x3;
	s30 =	sshrl.u32 s29, $0x3;
	[dreg:$0x8] =	wrdreg s25  }
0x16: {  	s10 =	sshrl.u32 s31, $0x3;
	s18 =	simm.s32 $0x6220;
	[dreg:$0x9] =	wrdreg s28  }
0x17: {  	s20 =	simm.s32 $0x8160;
	s22 =	simm.s32 $0x7D;
	[dreg:$0xa] =	wrdreg s30  }
0x18: {  	s19 =	simm.s32 $0x71C0;
	s21 =	simm.s32 $0x1;
	s23 =	simm.s32 $0x0  }
.LBB2_1:
0x19: {  	[spmem:s11], [sflag:s6] =	dma.local [hbm:s5], $0x1388  }
0x1a: {  	_ =	swait.ge [sflag:s12], $0x1388  }
0x1b: {  	[sflag:s12] =	ssyncset.done $0x0  }
0x1c: {  	[sflag:s12] =	ssyncadd.s32 $0xFFFFEC78  }
0x1d: {  	[tilespmem:s4], [sflag:$0x2] =	stream.linear.gather [hbm4b:s7+s4], $0x1400, $0x38;
	[tilespmem:$0x12D40] =	vst v63  }
0x1e: {  	_ =	swait.ge [sflag:s12], $0x1400  }
0x1f: {  	[sflag:s12] =	ssyncset.done $0x0  }
0x20: {  	[sflag:s12] =	ssyncadd.s32 $0xFFFFEC00  }
0x21: {  	[bflag:$0x0] =	sbarrier.arrive $0xFFFF  }
0x22: {  	s24 =	rddreg [dreg:$0x4]  }
0x23: {  	s24 =	sadd.s32 s1, s24  }
0x24: {  	[tilespmem:s13], [sflag:$0x1] =	stream.linear.gather [hbm4b:s24+s4], $0xFA0, $0x38;
	[tilespmem:$0x12D40] =	vst v63  }
0x25: {  	s31 =	sadd.s32 s1, s10;
	s25 =	rddreg [dreg:$0xa]  }
0x26: {  	[tilespmem:s14], [sflag:$0x1] =	stream.linear.gather [hbm4b:s31+s4], $0xFA0, $0x38;
	[tilespmem:$0x12D40] =	vst v63  }
0x27: {  	s26 =	rddreg [dreg:$0x9];
	s25 =	sadd.s32 s1, s25  }
0x28: {  	[tilespmem:s15], [sflag:$0x1] =	stream.linear.gather [hbm4b:s25+s4], $0xFA0, $0x38;
	[tilespmem:$0x12D40] =	vst v63  }
0x29: {  	s28 =	rddreg [dreg:$0x8];
	s30 =	sadd.s32 s1, s26  }
0x2a: {  	[tilespmem:s16], [sflag:$0x1] =	stream.linear.gather [hbm4b:s30+s4], $0xFA0, $0x38;
	[tilespmem:$0x12D40] =	vst v63  }
0x2b: {  	s31 =	rddreg [dreg:$0x7];
	s25 =	sadd.s32 s1, s28  }
0x2c: {  	[tilespmem:s17], [sflag:$0x1] =	stream.linear.gather [hbm4b:s25+s4], $0xFA0, $0x38;
	[tilespmem:$0x12D40] =	vst v63  }
0x2d: {  	s28 =	rddreg [dreg:$0x6];
	s30 =	sadd.s32 s1, s31  }
0x2e: {  	[tilespmem:s18], [sflag:$0x1] =	stream.linear.gather [hbm4b:s30+s4], $0xFA0, $0x38;
	[tilespmem:$0x12D40] =	vst v63  }
0x2f: {  	s31 =	rddreg [dreg:$0x5];
	s25 =	sadd.s32 s1, s28  }
0x30: {  	[tilespmem:s19], [sflag:$0x1] =	stream.linear.gather [hbm4b:s25+s4], $0xFA0, $0x38;
	[tilespmem:$0x12D40] =	vst v63  }
0x31: {  	s26 =	sadd.s32 s1, s31  }
0x32: {  	[tilespmem:s20], [sflag:$0x1] =	stream.linear.gather [hbm4b:s26+s4], $0xFA0, $0x38;
	[tilespmem:$0x12D40] =	vst v63  }
0x33: {  	_ =	swait.ge [sflag:s21], $0xFA0  }
0x34: {  	[sflag:s21] =	ssyncset.done $0x0  }
0x35: {  	[sflag:s21] =	ssyncadd.s32 $0xFFFFF060  }
0x36: {  	_ =	swait.ge [sflag:s21], $0xFA0  }
0x37: {  	[sflag:s21] =	ssyncset.done $0x0  }
0x38: {  	[sflag:s21] =	ssyncadd.s32 $0xFFFFF060  }
0x39: {  	_ =	swait.ge [sflag:s21], $0xFA0  }
0x3a: {  	[sflag:s21] =	ssyncset.done $0x0  }
0x3b: {  	[sflag:s21] =	ssyncadd.s32 $0xFFFFF060  }
0x3c: {  	_ =	swait.ge [sflag:s21], $0xFA0  }
0x3d: {  	[sflag:s21] =	ssyncset.done $0x0  }
0x3e: {  	[sflag:s21] =	ssyncadd.s32 $0xFFFFF060  }
0x3f: {  	_ =	swait.ge [sflag:s21], $0xFA0  }
0x40: {  	[sflag:s21] =	ssyncset.done $0x0  }
0x41: {  	[sflag:s21] =	ssyncadd.s32 $0xFFFFF060  }
0x42: {  	_ =	swait.ge [sflag:s21], $0xFA0  }
0x43: {  	[sflag:s21] =	ssyncset.done $0x0  }
0x44: {  	[sflag:s21] =	ssyncadd.s32 $0xFFFFF060  }
0x45: {  	_ =	swait.ge [sflag:s21], $0xFA0  }
0x46: {  	[sflag:s21] =	ssyncset.done $0x0  }
0x47: {  	[sflag:s21] =	ssyncadd.s32 $0xFFFFF060  }
0x48: {  	_ =	swait.ge [sflag:s21], $0xFA0  }
0x49: {  	[sflag:s21] =	ssyncset.done $0x0  }
0x4a: {  	s28 =	simm.s32 $0x0;
	[sflag:s21] =	ssyncadd.s32 $0xFFFFF060  }
0x4b: {  	[spmem:s3] =	stream.indirect.scatter.add.f32 [tilespmem:s13], [sflag:$0x2], $0x20, s28, s22, $0xb8;
	[tilespmem:$0x12D40] =	vst v63  }
0x4c: {  	_ =	swait.ge [sflag:s12], $0xFA0  }
0x4d: {  	[sflag:s12] =	ssyncset.done $0x0  }
0x4e: {  	s30 =	simm.s32 $0x80;
	[sflag:s12] =	ssyncadd.s32 $0xFFFFF060  }
0x4f: {  	[spmem:s3] =	stream.indirect.scatter.add.f32 [tilespmem:s14], [sflag:$0x2], $0x20, s30, s22, $0xb8;
	[tilespmem:$0x12D40] =	vst v63  }
0x50: {  	_ =	swait.ge [sflag:s12], $0xFA0  }
0x51: {  	[sflag:s12] =	ssyncset.done $0x0  }
0x52: {  	s31 =	simm.s32 $0x100;
	[sflag:s12] =	ssyncadd.s32 $0xFFFFF060  }
0x53: {  	[spmem:s3] =	stream.indirect.scatter.add.f32 [tilespmem:s15], [sflag:$0x2], $0x20, s31, s22, $0xb8;
	[tilespmem:$0x12D40] =	vst v63  }
0x54: {  	_ =	swait.ge [sflag:s12], $0xFA0  }
0x55: {  	[sflag:s12] =	ssyncset.done $0x0  }
0x56: {  	s25 =	simm.s32 $0x180;
	[sflag:s12] =	ssyncadd.s32 $0xFFFFF060  }
0x57: {  	[spmem:s3] =	stream.indirect.scatter.add.f32 [tilespmem:s16], [sflag:$0x2], $0x20, s25, s22, $0xb8;
	[tilespmem:$0x12D40] =	vst v63  }
0x58: {  	_ =	swait.ge [sflag:s12], $0xFA0  }
0x59: {  	[sflag:s12] =	ssyncset.done $0x0  }
0x5a: {  	s26 =	simm.s32 $0x200;
	[sflag:s12] =	ssyncadd.s32 $0xFFFFF060  }
0x5b: {  	[spmem:s3] =	stream.indirect.scatter.add.f32 [tilespmem:s17], [sflag:$0x2], $0x20, s26, s22, $0xb8;
	[tilespmem:$0x12D40] =	vst v63  }
0x5c: {  	_ =	swait.ge [sflag:s12], $0xFA0  }
0x5d: {  	[sflag:s12] =	ssyncset.done $0x0  }
0x5e: {  	s28 =	simm.s32 $0x280;
	[sflag:s12] =	ssyncadd.s32 $0xFFFFF060  }
0x5f: {  	[spmem:s3] =	stream.indirect.scatter.add.f32 [tilespmem:s18], [sflag:$0x2], $0x20, s28, s22, $0xb8;
	[tilespmem:$0x12D40] =	vst v63  }
0x60: {  	_ =	swait.ge [sflag:s12], $0xFA0  }
0x61: {  	[sflag:s12] =	ssyncset.done $0x0  }
0x62: {  	s30 =	simm.s32 $0x300;
	[sflag:s12] =	ssyncadd.s32 $0xFFFFF060  }
0x63: {  	[spmem:s3] =	stream.indirect.scatter.add.f32 [tilespmem:s19], [sflag:$0x2], $0x20, s30, s22, $0xb8;
	[tilespmem:$0x12D40] =	vst v63  }
0x64: {  	_ =	swait.ge [sflag:s12], $0xFA0  }
0x65: {  	[sflag:s12] =	ssyncset.done $0x0  }
0x66: {  	s31 =	simm.s32 $0x380;
	[sflag:s12] =	ssyncadd.s32 $0xFFFFF060  }
0x67: {  	[spmem:s3] =	stream.indirect.scatter.add.f32 [tilespmem:s20], [sflag:$0x2], $0x20, s31, s22, $0xb8;
	[tilespmem:$0x12D40] =	vst v63  }
0x68: {  	s24 =	simm.s32 $0x1000;
	s25 =	simm.s32 $0x2000;
	_ =	swait.ge [sflag:s12], $0xFA0  }
0x69: {  	s26 =	smov.u32 s1;
	s29 =	rddreg [dreg:$0x4];
	[sflag:s12] =	ssyncset.done $0x0  }
.LBB2_2:
0x6a: {  	s26 =	sadd.s32 $0xFA0, s26  }
0x6b: {  	[sflag:s12] =	ssyncadd.s32 $0xFFFFF060;
	s29 =	sadd.s32 s26, s29  }
0x6c: {  	[tilespmem:s13], [sflag:$0x1] =	stream.linear.gather [hbm4b:s29+s4], $0xFA0, $0x38;
	[tilespmem:$0x12D40] =	vst v63  }
0x6d: {  	s30 =	rddreg [dreg:$0xa];
	s29 =	sadd.s32 s26, s10  }
0x6e: {  	[tilespmem:s14], [sflag:$0x1] =	stream.linear.gather [hbm4b:s29+s4], $0xFA0, $0x38;
	[tilespmem:$0x12D40] =	vst v63  }
0x6f: {  	s31 =	rddreg [dreg:$0x9];
	s29 =	sadd.s32 s26, s30  }
0x70: {  	[tilespmem:s15], [sflag:$0x1] =	stream.linear.gather [hbm4b:s29+s4], $0xFA0, $0x38;
	[tilespmem:$0x12D40] =	vst v63  }
0x71: {  	s30 =	rddreg [dreg:$0x8];
	s29 =	sadd.s32 s26, s31  }
0x72: {  	[tilespmem:s16], [sflag:$0x1] =	stream.linear.gather [hbm4b:s29+s4], $0xFA0, $0x38;
	[tilespmem:$0x12D40] =	vst v63  }
0x73: {  	s31 =	rddreg [dreg:$0x7];
	s29 =	sadd.s32 s26, s30  }
0x74: {  	[tilespmem:s17], [sflag:$0x1] =	stream.linear.gather [hbm4b:s29+s4], $0xFA0, $0x38;
	[tilespmem:$0x12D40] =	vst v63  }
0x75: {  	s30 =	rddreg [dreg:$0x6];
	s29 =	sadd.s32 s26, s31  }
0x76: {  	[tilespmem:s18], [sflag:$0x1] =	stream.linear.gather [hbm4b:s29+s4], $0xFA0, $0x38;
	[tilespmem:$0x12D40] =	vst v63  }
0x77: {  	s31 =	rddreg [dreg:$0x5];
	s29 =	sadd.s32 s26, s30  }
0x78: {  	[tilespmem:s19], [sflag:$0x1] =	stream.linear.gather [hbm4b:s29+s4], $0xFA0, $0x38;
	[tilespmem:$0x12D40] =	vst v63  }
0x79: {  	s29 =	sadd.s32 s26, s31  }
0x7a: {  	[tilespmem:s20], [sflag:$0x1] =	stream.linear.gather [hbm4b:s29+s4], $0xFA0, $0x38;
	[tilespmem:$0x12D40] =	vst v63  }
0x7b: {  	_ =	swait.ge [sflag:s21], $0xFA0  }
0x7c: {  	[sflag:s21] =	ssyncset.done $0x0  }
0x7d: {  	[sflag:s21] =	ssyncadd.s32 $0xFFFFF060  }
0x7e: {  	_ =	swait.ge [sflag:s21], $0xFA0  }
0x7f: {  	[sflag:s21] =	ssyncset.done $0x0  }
0x80: {  	[sflag:s21] =	ssyncadd.s32 $0xFFFFF060  }
0x81: {  	_ =	swait.ge [sflag:s21], $0xFA0  }
0x82: {  	[sflag:s21] =	ssyncset.done $0x0  }
0x83: {  	[sflag:s21] =	ssyncadd.s32 $0xFFFFF060  }
0x84: {  	_ =	swait.ge [sflag:s21], $0xFA0  }
0x85: {  	[sflag:s21] =	ssyncset.done $0x0  }
0x86: {  	[sflag:s21] =	ssyncadd.s32 $0xFFFFF060  }
0x87: {  	_ =	swait.ge [sflag:s21], $0xFA0  }
0x88: {  	[sflag:s21] =	ssyncset.done $0x0  }
0x89: {  	[sflag:s21] =	ssyncadd.s32 $0xFFFFF060  }
0x8a: {  	_ =	swait.ge [sflag:s21], $0xFA0  }
0x8b: {  	[sflag:s21] =	ssyncset.done $0x0  }
0x8c: {  	[sflag:s21] =	ssyncadd.s32 $0xFFFFF060  }
0x8d: {  	_ =	swait.ge [sflag:s21], $0xFA0  }
0x8e: {  	[sflag:s21] =	ssyncset.done $0x0  }
0x8f: {  	[sflag:s21] =	ssyncadd.s32 $0xFFFFF060  }
0x90: {  	_ =	swait.ge [sflag:s21], $0xFA0  }
0x91: {  	[sflag:s21] =	ssyncset.done $0x0  }
0x92: {  	s29 =	sshra.s32 s24, $0x2;
	[sflag:s21] =	ssyncadd.s32 $0xFFFFF060  }
0x93: {  	[spmem:s3] =	stream.indirect.scatter.add.f32 [tilespmem:s13], [sflag:$0x2], $0x20, s29, s22, $0xb8;
	[tilespmem:$0x12D40] =	vst v63  }
0x94: {  	_ =	swait.ge [sflag:s12], $0xFA0  }
0x95: {  	[sflag:s12] =	ssyncset.done $0x0  }
0x96: {  	s31 =	sadd.s32 $0x80, s29;
	[sflag:s12] =	ssyncadd.s32 $0xFFFFF060  }
0x97: {  	[spmem:s3] =	stream.indirect.scatter.add.f32 [tilespmem:s14], [sflag:$0x2], $0x20, s31, s22, $0xb8;
	[tilespmem:$0x12D40] =	vst v63  }
0x98: {  	_ =	swait.ge [sflag:s12], $0xFA0  }
0x99: {  	[sflag:s12] =	ssyncset.done $0x0  }
0x9a: {  	s30 =	sadd.s32 $0x100, s29;
	[sflag:s12] =	ssyncadd.s32 $0xFFFFF060  }
0x9b: {  	[spmem:s3] =	stream.indirect.scatter.add.f32 [tilespmem:s15], [sflag:$0x2], $0x20, s30, s22, $0xb8;
	[tilespmem:$0x12D40] =	vst v63  }
0x9c: {  	_ =	swait.ge [sflag:s12], $0xFA0  }
0x9d: {  	[sflag:s12] =	ssyncset.done $0x0  }
0x9e: {  	s31 =	sadd.s32 $0x180, s29;
	[sflag:s12] =	ssyncadd.s32 $0xFFFFF060  }
0x9f: {  	[spmem:s3] =	stream.indirect.scatter.add.f32 [tilespmem:s16], [sflag:$0x2], $0x20, s31, s22, $0xb8;
	[tilespmem:$0x12D40] =	vst v63  }
0xa0: {  	_ =	swait.ge [sflag:s12], $0xFA0  }
0xa1: {  	[sflag:s12] =	ssyncset.done $0x0  }
0xa2: {  	s30 =	sadd.s32 $0x200, s29;
	[sflag:s12] =	ssyncadd.s32 $0xFFFFF060  }
0xa3: {  	[spmem:s3] =	stream.indirect.scatter.add.f32 [tilespmem:s17], [sflag:$0x2], $0x20, s30, s22, $0xb8;
	[tilespmem:$0x12D40] =	vst v63  }
0xa4: {  	_ =	swait.ge [sflag:s12], $0xFA0  }
0xa5: {  	[sflag:s12] =	ssyncset.done $0x0  }
0xa6: {  	s31 =	sadd.s32 $0x280, s29;
	[sflag:s12] =	ssyncadd.s32 $0xFFFFF060  }
0xa7: {  	[spmem:s3] =	stream.indirect.scatter.add.f32 [tilespmem:s18], [sflag:$0x2], $0x20, s31, s22, $0xb8;
	[tilespmem:$0x12D40] =	vst v63  }
0xa8: {  	_ =	swait.ge [sflag:s12], $0xFA0  }
0xa9: {  	[sflag:s12] =	ssyncset.done $0x0  }
0xaa: {  	s30 =	sadd.s32 $0x300, s29;
	[sflag:s12] =	ssyncadd.s32 $0xFFFFF060  }
0xab: {  	[spmem:s3] =	stream.indirect.scatter.add.f32 [tilespmem:s19], [sflag:$0x2], $0x20, s30, s22, $0xb8;
	[tilespmem:$0x12D40] =	vst v63  }
0xac: {  	p0 =	sne.s32 s25, $0x4000;
	_ =	swait.ge [sflag:s12], $0xFA0  }
.Ltmp0:
0xad: {  	[sflag:s12] =	ssyncset.done $0x0;
	(pc) =	sbr.rel @p0 .LBB2_2-.Ltmp0, $4  }
0xae: {  	s31 =	sadd.s32 $0x380, s29;
	[sflag:s12] =	ssyncadd.s32 $0xFFFFF060  }
0xaf: {  	[spmem:s3] =	stream.indirect.scatter.add.f32 [tilespmem:s20], [sflag:$0x2], $0x20, s31, s22, $0xb8;
	[tilespmem:$0x12D40] =	vst v63  }
0xb0: {  	s28 =	smov.u32 s25;
	s25 =	sadd.s32 $0x1000, s25;
	_ =	swait.ge [sflag:s12], $0xFA0  }
0xb1: {  	s24 =	smov.u32 s28;
	s29 =	rddreg [dreg:$0x4];
	[sflag:s12] =	ssyncset.done $0x0  }
0xb2: {  	s25 =	sadd.s32 $0xFA0, s26  }
0xb3: {  	[sflag:s12] =	ssyncadd.s32 $0xFFFFF060;
	s26 =	sadd.s32 s25, s29  }
0xb4: {  	[tilespmem:s13], [sflag:$0x1] =	stream.linear.gather [hbm4b:s26+s4], $0xFA0, $0x38;
	[tilespmem:$0x12D40] =	vst v63  }
0xb5: {  	s28 =	rddreg [dreg:$0xa];
	s30 =	sadd.s32 s25, s10  }
0xb6: {  	[tilespmem:s14], [sflag:$0x1] =	stream.linear.gather [hbm4b:s30+s4], $0xFA0, $0x38;
	[tilespmem:$0x12D40] =	vst v63  }
0xb7: {  	s31 =	rddreg [dreg:$0x9];
	s30 =	sadd.s32 s25, s28  }
0xb8: {  	[tilespmem:s15], [sflag:$0x1] =	stream.linear.gather [hbm4b:s30+s4], $0xFA0, $0x38;
	[tilespmem:$0x12D40] =	vst v63  }
0xb9: {  	s31 =	sadd.s32 s25, s31;
	s28 =	rddreg [dreg:$0x8]  }
0xba: {  	[tilespmem:s16], [sflag:$0x1] =	stream.linear.gather [hbm4b:s31+s4], $0xFA0, $0x38;
	[tilespmem:$0x12D40] =	vst v63  }
0xbb: {  	s30 =	rddreg [dreg:$0x7];
	s31 =	sadd.s32 s25, s28  }
0xbc: {  	[tilespmem:s17], [sflag:$0x1] =	stream.linear.gather [hbm4b:s31+s4], $0xFA0, $0x38;
	[tilespmem:$0x12D40] =	vst v63  }
0xbd: {  	s30 =	sadd.s32 s25, s30;
	s28 =	rddreg [dreg:$0x6]  }
0xbe: {  	[tilespmem:s18], [sflag:$0x1] =	stream.linear.gather [hbm4b:s30+s4], $0xFA0, $0x38;
	[tilespmem:$0x12D40] =	vst v63  }
0xbf: {  	s31 =	rddreg [dreg:$0x5];
	s30 =	sadd.s32 s25, s28  }
0xc0: {  	[tilespmem:s19], [sflag:$0x1] =	stream.linear.gather [hbm4b:s30+s4], $0xFA0, $0x38;
	[tilespmem:$0x12D40] =	vst v63  }
0xc1: {  	s25 =	sadd.s32 s25, s31  }
0xc2: {  	[tilespmem:s20], [sflag:$0x1] =	stream.linear.gather [hbm4b:s25+s4], $0xFA0, $0x38;
	[tilespmem:$0x12D40] =	vst v63  }
0xc3: {  	_ =	swait.ge [sflag:s21], $0xFA0  }
0xc4: {  	[sflag:s21] =	ssyncset.done $0x0  }
0xc5: {  	[sflag:s21] =	ssyncadd.s32 $0xFFFFF060  }
0xc6: {  	_ =	swait.ge [sflag:s21], $0xFA0  }
0xc7: {  	[sflag:s21] =	ssyncset.done $0x0  }
0xc8: {  	[sflag:s21] =	ssyncadd.s32 $0xFFFFF060  }
0xc9: {  	_ =	swait.ge [sflag:s21], $0xFA0  }
0xca: {  	[sflag:s21] =	ssyncset.done $0x0  }
0xcb: {  	[sflag:s21] =	ssyncadd.s32 $0xFFFFF060  }
0xcc: {  	_ =	swait.ge [sflag:s21], $0xFA0  }
0xcd: {  	[sflag:s21] =	ssyncset.done $0x0  }
0xce: {  	[sflag:s21] =	ssyncadd.s32 $0xFFFFF060  }
0xcf: {  	_ =	swait.ge [sflag:s21], $0xFA0  }
0xd0: {  	[sflag:s21] =	ssyncset.done $0x0  }
0xd1: {  	[sflag:s21] =	ssyncadd.s32 $0xFFFFF060  }
0xd2: {  	_ =	swait.ge [sflag:s21], $0xFA0  }
0xd3: {  	[sflag:s21] =	ssyncset.done $0x0  }
0xd4: {  	[sflag:s21] =	ssyncadd.s32 $0xFFFFF060  }
0xd5: {  	_ =	swait.ge [sflag:s21], $0xFA0  }
0xd6: {  	[sflag:s21] =	ssyncset.done $0x0  }
0xd7: {  	[sflag:s21] =	ssyncadd.s32 $0xFFFFF060  }
0xd8: {  	_ =	swait.ge [sflag:s21], $0xFA0  }
0xd9: {  	[sflag:s21] =	ssyncset.done $0x0  }
0xda: {  	s24 =	sshra.s32 s24, $0x2;
	[sflag:s21] =	ssyncadd.s32 $0xFFFFF060  }
0xdb: {  	[spmem:s3] =	stream.indirect.scatter.add.f32 [tilespmem:s13], [sflag:$0x2], $0x20, s24, s22, $0xb8;
	[tilespmem:$0x12D40] =	vst v63  }
0xdc: {  	_ =	swait.ge [sflag:s12], $0xFA0  }
0xdd: {  	[sflag:s12] =	ssyncset.done $0x0  }
0xde: {  	s31 =	sadd.s32 $0x80, s24;
	[sflag:s12] =	ssyncadd.s32 $0xFFFFF060  }
0xdf: {  	[spmem:s3] =	stream.indirect.scatter.add.f32 [tilespmem:s14], [sflag:$0x2], $0x20, s31, s22, $0xb8;
	[tilespmem:$0x12D40] =	vst v63  }
0xe0: {  	_ =	swait.ge [sflag:s12], $0xFA0  }
0xe1: {  	[sflag:s12] =	ssyncset.done $0x0  }
0xe2: {  	s26 =	sadd.s32 $0x100, s24;
	[sflag:s12] =	ssyncadd.s32 $0xFFFFF060  }
0xe3: {  	[spmem:s3] =	stream.indirect.scatter.add.f32 [tilespmem:s15], [sflag:$0x2], $0x20, s26, s22, $0xb8;
	[tilespmem:$0x12D40] =	vst v63  }
0xe4: {  	_ =	swait.ge [sflag:s12], $0xFA0  }
0xe5: {  	[sflag:s12] =	ssyncset.done $0x0  }
0xe6: {  	s28 =	sadd.s32 $0x180, s24;
	[sflag:s12] =	ssyncadd.s32 $0xFFFFF060  }
0xe7: {  	[spmem:s3] =	stream.indirect.scatter.add.f32 [tilespmem:s16], [sflag:$0x2], $0x20, s28, s22, $0xb8;
	[tilespmem:$0x12D40] =	vst v63  }
0xe8: {  	_ =	swait.ge [sflag:s12], $0xFA0  }
0xe9: {  	[sflag:s12] =	ssyncset.done $0x0  }
0xea: {  	s29 =	sadd.s32 $0x200, s24;
	[sflag:s12] =	ssyncadd.s32 $0xFFFFF060  }
0xeb: {  	[spmem:s3] =	stream.indirect.scatter.add.f32 [tilespmem:s17], [sflag:$0x2], $0x20, s29, s22, $0xb8;
	[tilespmem:$0x12D40] =	vst v63  }
0xec: {  	_ =	swait.ge [sflag:s12], $0xFA0  }
0xed: {  	[sflag:s12] =	ssyncset.done $0x0  }
0xee: {  	s30 =	sadd.s32 $0x280, s24;
	[sflag:s12] =	ssyncadd.s32 $0xFFFFF060  }
0xef: {  	[spmem:s3] =	stream.indirect.scatter.add.f32 [tilespmem:s18], [sflag:$0x2], $0x20, s30, s22, $0xb8;
	[tilespmem:$0x12D40] =	vst v63  }
0xf0: {  	_ =	swait.ge [sflag:s12], $0xFA0  }
0xf1: {  	[sflag:s12] =	ssyncset.done $0x0  }
0xf2: {  	s31 =	sadd.s32 $0x300, s24;
	[sflag:s12] =	ssyncadd.s32 $0xFFFFF060  }
0xf3: {  	[spmem:s3] =	stream.indirect.scatter.add.f32 [tilespmem:s19], [sflag:$0x2], $0x20, s31, s22, $0xb8;
	[tilespmem:$0x12D40] =	vst v63  }
0xf4: {  	_ =	swait.ge [sflag:s12], $0xFA0  }
0xf5: {  	[sflag:s12] =	ssyncset.done $0x0  }
0xf6: {  	s24 =	sadd.s32 $0x380, s24;
	[sflag:s12] =	ssyncadd.s32 $0xFFFFF060  }
0xf7: {  	[spmem:s3] =	stream.indirect.scatter.add.f32 [tilespmem:s20], [sflag:$0x2], $0x20, s24, s22, $0xb8;
	[tilespmem:$0x12D40] =	vst v63  }
0xf8: {  	_ =	swait.ge [sflag:s12], $0xFA0  }
0xf9: {  	s23 =	sadd.s32 $0x1, s23;
	[sflag:s12] =	ssyncset.done $0x0  }
0xfa: {  	p0 =	sne.s32 s23, s9;
	[sflag:s12] =	ssyncadd.s32 $0xFFFFF060  }
.Ltmp1:
0xfb: {  	[bflag:$0x0] =	sbarrier.arrive $0xFFFF;
	(pc) =	sbr.rel @p0 .LBB2_1-.Ltmp1, $4  }
0xfc: {  	[hbm:s8], [sflag:s6] =	dma.local [spmem:s11], $0x1388  }
0xfd: {  	_ =	swait.ge [sflag:s12], $0x1388  }
0xfe: {  	[sflag:s12] =	ssyncset.done $0x0  }
0xff: {  	[sflag:s12] =	ssyncadd.s32 $0xFFFFEC78  }
0x100: {  	_ =	sfence.sel $0x180000  }
0x101: {  	[bflag:$0x0] =	sbarrier.arrive $0xFFFF  }
0x102: {  	p0 =	sne.s32 s0, $0x0;
	_ =	strace $0x9000004A  }
0x103: {  	s0 =	sadd.s32 @!p0 $0x100000, s2;
	[bflag:$0x2] =	sbarrier.arrive $0xFFFF  }
0x104: {  	[sflag:s0] =	ssyncadd.tile.s32 @!p0 $0x1;
	_ =	shalt  }
.Lfunc_end2:
_tile_overlayer_lowered:
.L_overlay_start_2:
0x105: {  	(tag) =	ssettag $0x2  }
0x106: {  	s0 =	rddreg [dreg:$0x0];
	s2 =	stileid.u32  }
0x107: {  	s1 =	rddreg [dreg:$0x1];
	p0 =	sne.s32 s2, $0x0  }
0x108: {  	s3 =	rddreg [dreg:$0x2];
	[bflag:$0x3] =	sbarrier.arrive $0xFFFF;
	s2 =	simm.s32 @!p0 $0x1C02  }
0x109: {  	[timem:s3], [sflag:s2] =	dma.local @!p0 [hbm:s0], s1  }
0x10a: {  	s0 =	simm.s32 @!p0 $0x2  }
0x10b: {  	_ =	swait.ge @!p0 [sflag:s0], s1  }
0x10c: {  	s1 =	ssub.s32 @!p0 $0x0, s1;
	[sflag:s0] =	ssyncset.done @!p0 $0x0  }
0x10d: {  	[sflag:s0] =	ssyncadd.s32 @!p0 s1  }
0x10e: {  	[bflag:$0x3] =	sbarrier.arrive $0xFFFF  }
0x10f: {  	_ =	shalt  }

// kernel: kernel.14.cloned.1.call-start
scs
__scs_entry_jumppad:
0x0: {  	(pc) =	sbr.rel $0x88, $3  }
0x1: {  	(tag) =	ssettag $0x0;
	lr =	simm.s32 $0x1  }
0x2: {  	[smem:$0x3F8E] =	sst lr;
	_ =	strace $0xD0000000  }
0x3: {  	_ = 	snop  }
0x4: {  	_ = 	snop  }
0x5: {  	_ = 	snop  }
0x6: {  	_ = 	snop  }
0x7: {  	_ = 	snop  }
__scs_overlays_trampoline_lowered:
0x8: {  	[smem:$0x3F9D] =	sst s0  }
0x9: {  	[smem:$0x3F9E] =	sst s1  }
0xa: {  	[smem:$0x3F9F] =	sst s2  }
0xb: {  	[smem:$0x3FA0] =	sst s3  }
0xc: {  	[smem:$0x3FA1] =	sst s4  }
0xd: {  	[smem:$0x3FA2] =	sst s5  }
0xe: {  	[smem:$0x3FA3] =	sst s6  }
0xf: {  	[smem:$0x3FA4] =	sst s7  }
0x10: {  	[smem:$0x3FA5] =	sst s8  }
0x11: {  	[smem:$0x3FA6] =	sst s9;
	s0 =	simm.s32 @!p0 $0x0  }
0x12: {  	s1 =	sld [smem:$0x3F8C];
	s0 =	simm.s32 @p0 $0x1  }
0x13: {  	[smem:$0x3FA7] =	sst s0;
	s0 =	simm.s32 @!p1 $0x0  }
0x14: {  	s2 =	sld [smem:$0x3F8B];
	s0 =	simm.s32 @p1 $0x1  }
0x15: {  	[smem:$0x3FA8] =	sst s0;
	s0 =	simm.s32 @!p2 $0x0  }
0x16: {  	s3 =	sld [smem:$0x3FDB];
	s0 =	simm.s32 @p2 $0x1  }
0x17: {  	s4 =	simm.s32 $0x1BF5;
	[smem:$0x3FAA] =	sst s0  }
0x18: {  	s0 =	sld [smem:$0x3F8D];
	_ =	swait.ge [sflag:s4], $0x0  }
0x19: {  	s7 =	sld [smem:$0x3F8E]  }
0x1a: {  	s8 =	sadd.s32 $0xFFFFE003, lr  }
0x1b: {  	s9 =	sadd.s32 $0xFFFFFEF7, lr;
	s5 =	simm.s32 $0xFFFFFFFF;
	p2 =	slt.u32 s8, $0xFFFFF086  }
0x1c: {  	p1 =	slt.u32 s9, $0xF7A;
	s5 =	simm.s32 @!p2 $0x0  }
0x1d: {  	s5 =	simm.s32 @p1 $0x1;
	p0 =	seq.s32 s7, s2  }
0x1e: {  	s7 =	smul.u32 @!p0 $0xF7A, s2;
	p2 =	seq.s32 @!p0 s5, $0x0  }
0x1f: {  	s9 =	smul.u32 $0xF7A, s1;
	s8 =	simm.s32 @!p0 $0x1BF5;
	p2 =	por !p2, p0  }
0x20: {  	[sflag:s8] =	ssyncset.s32 @!p0 $0xFFFFF086;
	s6 =	sadd.s32 @!p0 s3, s7;
	s7 =	simm.s32 @!p0 $0x108  }
0x21: {  	s3 =	sadd.s32 s3, s9;
	s6 =	sadd.s32 @!p0 $0x88, s6;
	s7 =	simm.s32 @p2 $0x1082  }
0x22: {  	[simem:s7], [sflag:s8] =	dma.local @!p0 [hbm:s6], $0xF7A  }
0x23: {  	s9 =	sor.u32 $0xD0000000, s2;
	s6 =	simm.s32 $0x108;
	_ =	swait.ge @!p0 [sflag:s8], $0x0  }
0x24: {  	s3 =	sadd.s32 $0x88, s3;
	s6 =	simm.s32 @!p1 $0x1082;
	[sflag:s4] =	ssyncset.s32 $0xFFFFF086  }
0x25: {  	[simem:s6], [sflag:s4] =	dma.local [hbm:s3], $0xF7A  }
0x26: {  	[smem:$0x3F8E] =	sst s1;
	(tag) =	ssettag s2;
	_ =	strace s9  }
0x27: {  	s1 =	sld [smem:$0x3F9E]  }
0x28: {  	s2 =	sld [smem:$0x3F9F]  }
0x29: {  	s4 =	sld [smem:$0x3FA1]  }
0x2a: {  	p0 =	seq.s32 s5, $0x0;
	s5 =	sld [smem:$0x3FA2]  }
0x2b: {  	s6 =	sld [smem:$0x3FA3]  }
0x2c: {  	s7 =	sld [smem:$0x3FA4]  }
0x2d: {  	s3 =	simm.s32 $0x108;
	s8 =	sld [smem:$0x3FA5]  }
0x2e: {  	s3 =	simm.s32 @!p0 $0x1082;
	s9 =	sld [smem:$0x3FA6]  }
0x2f: {  	lr =	sadd.s32 s0, s3;
	s0 =	sld [smem:$0x3F9D]  }
0x30: {  	s3 =	sld [smem:$0x3FA0]  }
0x31: {  	[smem:$0x3FA9] =	sst s10  }
0x32: {  	s10 =	sld [smem:$0x3FA7];
	_ =	sdelay $0x3  }
0x33: {  	p0 =	seq.s32 s10, $0x1;
	s10 =	sld [smem:$0x3FA9];
	_ =	sdelay $0x3  }
0x34: {  	[smem:$0x3FA9] =	sst s10  }
0x35: {  	s10 =	sld [smem:$0x3FA8];
	_ =	sdelay $0x3  }
0x36: {  	p1 =	seq.s32 s10, $0x1;
	s10 =	sld [smem:$0x3FA9];
	_ =	sdelay $0x3  }
0x37: {  	[smem:$0x3FA9] =	sst s10  }
0x38: {  	s10 =	sld [smem:$0x3FAA]  }
0x39: {  	_ = 	snop;
	(pc) =	sbr.ind lr, $3  }
0x3a: {  	_ = 	snop  }
0x3b: {  	_ = 	snop  }
0x3c: {  	p2 =	seq.s32 s10, $0x1;
	s10 =	sld [smem:$0x3FA9]  }
0x3d: {  	_ =	shalt  }
0x3e: {  	_ =	shalt  }
0x3f: {  	_ =	shalt  }
0x40: {  	_ =	shalt  }
0x41: {  	_ =	shalt  }
0x42: {  	_ =	shalt  }
0x43: {  	_ =	shalt  }
0x44: {  	_ =	shalt  }
0x45: {  	_ =	shalt  }
0x46: {  	_ =	shalt  }
0x47: {  	_ =	shalt  }
0x48: {  	_ =	shalt  }
0x49: {  	_ =	shalt  }
0x4a: {  	_ =	shalt  }
0x4b: {  	_ =	shalt  }
0x4c: {  	_ =	shalt  }
0x4d: {  	_ =	shalt  }
0x4e: {  	_ =	shalt  }
0x4f: {  	_ =	shalt  }
0x50: {  	_ =	shalt  }
0x51: {  	_ =	shalt  }
0x52: {  	_ =	shalt  }
0x53: {  	_ =	shalt  }
0x54: {  	_ =	shalt  }
0x55: {  	_ =	shalt  }
0x56: {  	_ =	shalt  }
0x57: {  	_ =	shalt  }
0x58: {  	_ =	shalt  }
0x59: {  	_ =	shalt  }
0x5a: {  	_ =	shalt  }
0x5b: {  	_ =	shalt  }
0x5c: {  	_ =	shalt  }
0x5d: {  	_ =	shalt  }
0x5e: {  	_ =	shalt  }
0x5f: {  	_ =	shalt  }
0x60: {  	_ =	shalt  }
0x61: {  	_ =	shalt  }
0x62: {  	_ =	shalt  }
0x63: {  	_ =	shalt  }
0x64: {  	_ =	shalt  }
0x65: {  	_ =	shalt  }
0x66: {  	_ =	shalt  }
0x67: {  	_ =	shalt  }
0x68: {  	_ =	shalt  }
0x69: {  	_ =	shalt  }
0x6a: {  	_ =	shalt  }
0x6b: {  	_ =	shalt  }
0x6c: {  	_ =	shalt  }
0x6d: {  	_ =	shalt  }
0x6e: {  	_ =	shalt  }
0x6f: {  	_ =	shalt  }
0x70: {  	_ =	shalt  }
0x71: {  	_ =	shalt  }
0x72: {  	_ =	shalt  }
0x73: {  	_ =	shalt  }
0x74: {  	_ =	shalt  }
0x75: {  	_ =	shalt  }
0x76: {  	_ =	shalt  }
0x77: {  	_ =	shalt  }
0x78: {  	_ =	shalt  }
0x79: {  	_ =	shalt  }
0x7a: {  	_ =	shalt  }
0x7b: {  	_ =	shalt  }
0x7c: {  	_ =	shalt  }
0x7d: {  	_ =	shalt  }
0x7e: {  	_ =	shalt  }
0x7f: {  	_ =	shalt  }
0x80: {  	_ =	shalt  }
0x81: {  	_ =	shalt  }
0x82: {  	_ =	shalt  }
0x83: {  	_ =	shalt  }
0x84: {  	_ =	shalt  }
0x85: {  	_ =	shalt  }
0x86: {  	_ =	shalt  }
0x87: {  	_ =	shalt  }
.Lfunc_end0:
.L_simem_size_0:
called_computation.2_lowered:
.L_overlay_start_0:
0x88: {  	s2 =	sld [smem:$0x3FD9]  }
0x89: {  	s3 =	sld [smem:$0x3FFE];
	_ =	sdelay $0x1  }
0x8a: {  	s1 =	srdreg.scid  }
0x8b: {  	s0 =	sand.u32 $0x1, s1  }
0x8c: {  	s14 =	sshll.u32 s0, $0xA;
	s2 =	sadd.s32 s3, s2  }
0x8d: {  	s2 =	sadd.s32 s2, s14  }
0x8e: {  	[smem:$0x3FB5] =	sst s2  }
0x8f: {  	_ = 	snop  }
0x90: {  	s2 =	sld [smem:$0x3FD0];
	_ =	sdelay $0x2  }
0x91: {  	s15 =	simm.s32 $0xA;
	s4 =	simm.s32 $0x10  }
0x92: {  	[smem:s4], [sflag:s15] =	dma.local [hbm:s2], $0x1  }
0x93: {  	_ =	swait.eq [sflag:s15], $0x1  }
0x94: {  	[sflag:s15] =	ssyncset.done $0x0  }
0x95: {  	[sflag:s15] =	ssyncadd.s32 $0xFFFFFFFF  }
0x96: {  	s16 =	sld [smem:$0x11];
	(tm) =	ssettm $0x1  }
0x97: {  	s17 =	sld [smem:$0x3FFB];
	_ =	sdelay $0x3  }
0x98: {  	_ =	strace s17  }
0x99: {  	s3 =	sld [smem:$0x3FFC];
	_ =	sdelay $0x3  }
0x9a: {  	_ =	strace s3  }
0x9b: {  	s3 =	sld [smem:$0x3FFD];
	_ =	sdelay $0x3  }
0x9c: {  	_ =	strace s3  }
0x9d: {  	_ =	strace $0x8FFFFFFF  }
0x9e: {  	s18 =	sld [smem:$0x3FDB];
	_ =	sdelay $0x1  }
0x9f: {  	s19 =	simm.s32 $_scs_section_size  }
0xa0: {  	s5 =	simm.s32 $_size__tile_overlayer_lowered;
	s6 =	simm.s32 $_tile_overlayer_lowered  }
0xa1: {  	s22 =	simm.s32 $0x1BFF;
	s21 =	sshll.u32 s6, $0x1;
	s3 =	sadd.s32 s19, s18  }
0xa2: {  	s7 =	simm.s32 $0x0;
	s20 =	sshll.u32 s5, $0x1;
	s5 =	sadd.s32 s21, s3  }
0xa3: {  	[timem:s7], [sflag:s22] =	dma.local [hbm:s5], s20  }
0xa4: {  	_ =	swait.ge [sflag:s22], s20  }
0xa5: {  	s4 =	ssub.s32 $0x0, s20;
	[sflag:s22] =	ssyncset.done $0x0  }
0xa6: {  	[sflag:s22] =	ssyncadd.s32 s4;
	_ =	sdelay $0x1  }
0xa7: {  	s23 =	simm.s32 $0x1B8B  }
0xa8: {  	_ =	swait.ge [sflag:s23], $0x1  }
0xa9: {  	[sflag:s23] =	ssyncset.done $0x0  }
0xaa: {  	s25 =	simm.s32 $0x1B8E;
	s24 =	sld [smem:$0x3FFE];
	[sflag:s23] =	ssyncadd.s32 $0xFFFFFFFF  }
0xab: {  	s26 =	simm.s32 $execute0_lowered;
	[smem:$0x3FD2] =	sst s25  }
0xac: {  	s5 =	sshll.u32 s26, $0x1;
	_ =	strace $0x8000004C;
	[dreg:$0x1] =	wrdreg $0xFFFFFFFF  }
0xad: {  	s28 =	simm.s32 $_size_execute0_lowered;
	s3 =	sadd.s32 s3, s5;
	[dreg:$0x0] =	wrdreg $0x0  }
0xae: {  	s5 =	sshll.u32 s28, $0x1;
	[dreg:$0x2] =	wrdreg s3  }
0xaf: {  	[dreg:$0x3] =	wrdreg s5  }
0xb0: {  	[dreg:$0x4] =	wrdreg $0xC0  }
0xb1: {  	_ =	task [dreg:s7], $0x5FFFF  }
0xb2: {  	[dreg:$0x1] =	wrdreg $0xFFFFFFFF  }
0xb3: {  	[dreg:$0x0] =	wrdreg $0x60  }
0xb4: {  	[dreg:$0x2] =	wrdreg s24  }
0xb5: {  	[dreg:$0x3] =	wrdreg s16  }
0xb6: {  	[dreg:$0x4] =	wrdreg $0x9  }
0xb7: {  	_ =	task.clear_ibuf [dreg:s7], $0x5FFFF;
	_ =	strace $0x9000004C  }
0xb8: {  	s29 =	simm.s32 $0x9;
	_ =	strace $0x8000004E  }
0xb9: {  	_ =	swait.ge [sflag:s29], $0x1  }
0xba: {  	[sflag:s29] =	ssyncadd.s32 $0xFFFFFFFF  }
0xbb: {  	_ =	strace $0x9000004E  }
0xbc: {  	_ =	sfence  }
0xbd: {  	s30 =	sld [smem:$0x0];
	_ =	sdelay $0x2  }
0xbe: {  	s31 =	sshll.u32 s1, $0xD;
	s1 =	sshrl.u32 s1, $0x2  }
0xbf: {  	s3 =	sand.u32 $0x4000, s31;
	s1 =	sadd.s32 s1, s30  }
0xc0: {  	s0 =	sor.u32 s3, s0;
	s1 =	sshll.u32 s1, $0x11  }
0xc1: {  	s0 =	sor.u32 s1, s0  }
0xc2: {  	s0 =	sadd.s32 $0x8F2B, s0  }
0xc3: {  	[sflag:s0] =	ssyncadd.remote.s32 $0x1  }
0xc4: {  	_ =	sfence.sel $0xFFFF  }
0xc5: {  	[dreg:$0x0] =	wrdreg $0xFFFFFFFF;
	(pc) =	sbr.abs _section_cstart, $3  }
0xc6: {  	[dreg:$0x1] =	wrdreg $0xFFFFFFFF  }
0xc7: {  	_ =	task.clear_ibuf [dreg:s7], $0x2FFFF;
	_ =	strace $0x9FFFFFFF  }
0xc8: {  	(tm) =	ssettm $0x7FFFFFFF  }
0xc9: {  	_ =	shalt  }
tec
execute0_lowered:
.L_overlay_start_1:
0x0: {  	(tag) =	ssettag $0x1  }
0x1: {  	s0 =	srdreg.scid;
	s1 =	stileid.u32  }
0x2: {  	s4 =	rddreg [dreg:$0x1];
	s0 =	sand.u32 $0x1, s0;
	s2 =	sshll.u32 s1, $0x1  }
0x3: {  	s1 =	rddreg [dreg:$0x0];
	s3 =	sor.u32 s0, s2;
	s2 =	simm.s32 $0x0  }
0x4: {  	s24 =	simm.s32 $0x80;
	[smem:$0x7FF] =	sst s2  }
0x5: {  	s25 =	simm.s32 $0x100;
	_ =	strace $0x8000004D;
	[dreg:$0x7] =	wrdreg s24  }
0x6: {  	s26 =	simm.s32 $0x180;
	[dreg:$0x8] =	wrdreg s25  }
0x7: {  	s7 =	simm.s32 $0x380;
	[dreg:$0x9] =	wrdreg s26  }
0x8: {  	s8 =	simm.s32 $0x400;
	[dreg:$0xd] =	wrdreg s7  }
0x9: {  	s9 =	simm.s32 $0x480;
	[dreg:$0xe] =	wrdreg s8  }
0xa: {  	s10 =	simm.s32 $0x500;
	[dreg:$0xf] =	wrdreg s9  }
0xb: {  	s11 =	simm.s32 $0x580;
	[dreg:$0x10] =	wrdreg s10  }
0xc: {  	s12 =	simm.s32 $0x600;
	[dreg:$0x11] =	wrdreg s11  }
0xd: {  	s13 =	simm.s32 $0x680;
	[dreg:$0x12] =	wrdreg s12  }
0xe: {  	s14 =	simm.s32 $0x700;
	[dreg:$0x13] =	wrdreg s13  }
0xf: {  	s15 =	simm.s32 $0x780;
	[dreg:$0x14] =	wrdreg s14  }
0x10: {  	s16 =	simm.s32 $0x800;
	[dreg:$0x15] =	wrdreg s15  }
0x11: {  	s17 =	simm.s32 $0x880;
	[dreg:$0x16] =	wrdreg s16  }
0x12: {  	s18 =	simm.s32 $0x900;
	[dreg:$0x17] =	wrdreg s17  }
0x13: {  	s19 =	simm.s32 $0x980;
	[dreg:$0x18] =	wrdreg s18  }
0x14: {  	s20 =	simm.s32 $0xA00;
	[dreg:$0x19] =	wrdreg s19  }
0x15: {  	s21 =	simm.s32 $0xA80;
	[dreg:$0x1a] =	wrdreg s20  }
0x16: {  	[dreg:$0x1b] =	wrdreg s21;
	s24 =	simm.s32 $0xC00  }
0x17: {  	s25 =	simm.s32 $0xC80;
	[dreg:$0x1e] =	wrdreg s24  }
0x18: {  	s26 =	simm.s32 $0xD00;
	[dreg:$0x1f] =	wrdreg s25  }
0x19: {  	s7 =	simm.s32 $0xF00;
	[smem:$0x7C9] =	sst s26  }
0x1a: {  	s8 =	simm.s32 $0xF80;
	[smem:$0x7CD] =	sst s7  }
0x1b: {  	s9 =	simm.s32 $0x1000;
	[smem:$0x7CE] =	sst s8  }
0x1c: {  	s10 =	simm.s32 $0x1080;
	[smem:$0x7CF] =	sst s9  }
0x1d: {  	s11 =	simm.s32 $0x1100;
	[smem:$0x7D0] =	sst s10  }
0x1e: {  	s12 =	simm.s32 $0x1180;
	[smem:$0x7D1] =	sst s11  }
0x1f: {  	s13 =	simm.s32 $0x1200;
	[smem:$0x7D2] =	sst s12  }
0x20: {  	s14 =	simm.s32 $0x1280;
	[smem:$0x7D3] =	sst s13  }
0x21: {  	s15 =	simm.s32 $0x1300;
	[smem:$0x7D4] =	sst s14  }
0x22: {  	s16 =	simm.s32 $0x1380;
	[smem:$0x7D5] =	sst s15  }
0x23: {  	s17 =	simm.s32 $0x1480;
	[smem:$0x7D6] =	sst s16  }
0x24: {  	s18 =	simm.s32 $0x1500;
	[smem:$0x7D7] =	sst s17  }
0x25: {  	s5 =	smul.u32 $0x280, s3;
	s19 =	simm.s32 $0x1580;
	[smem:$0x7D8] =	sst s18  }
0x26: {  	s3 =	smul.u32 $0x2710, s3;
	s20 =	simm.s32 $0x1600;
	[smem:$0x7D9] =	sst s19  }
0x27: {  	s21 =	simm.s32 $0x1680;
	[smem:$0x7DA] =	sst s20  }
0x28: {  	s22 =	sadd.s32 s3, s1;
	s3 =	sadd.s32 s4, s3;
	[smem:$0x7DB] =	sst s21  }
0x29: {  	s4 =	simm.s32 $0x200;
	[dreg:$0x5] =	wrdreg s3  }
0x2a: {  	s24 =	simm.s32 $0x1800;
	[dreg:$0xa] =	wrdreg s4  }
0x2b: {  	s25 =	simm.s32 $0x1880;
	[smem:$0x7DE] =	sst s24  }
0x2c: {  	s26 =	simm.s32 $0x1900;
	[smem:$0x7DF] =	sst s25  }
0x2d: {  	s7 =	simm.s32 $0x1B00;
	[smem:$0x7E0] =	sst s26  }
0x2e: {  	s8 =	simm.s32 $0x1B80;
	[smem:$0x7E4] =	sst s7  }
0x2f: {  	s9 =	simm.s32 $0x1C00;
	[smem:$0x7E5] =	sst s8  }
0x30: {  	s10 =	simm.s32 $0x1C80;
	[smem:$0x7E6] =	sst s9  }
0x31: {  	s12 =	simm.s32 $0x1D00;
	[smem:$0x7E7] =	sst s10  }
0x32: {  	s13 =	simm.s32 $0x1D80;
	[smem:$0x7E8] =	sst s12  }
0x33: {  	s15 =	simm.s32 $0x1E00;
	[smem:$0x7E9] =	sst s13  }
0x34: {  	s16 =	simm.s32 $0x1E80;
	[smem:$0x7EA] =	sst s15  }
0x35: {  	s31 =	simm.s32 $0x2800;
	s17 =	simm.s32 $0x1F00;
	[smem:$0x7EB] =	sst s16  }
0x36: {  	s29 =	simm.s32 $0x6E50;
	s18 =	simm.s32 $0x1F80;
	[smem:$0x7EC] =	sst s17  }
0x37: {  	s30 =	simm.s32 $0x7620;
	s19 =	simm.s32 $0x2000;
	[smem:$0x7ED] =	sst s18  }
0x38: {  	s28 =	simm.s32 $0x7DF0;
	s20 =	simm.s32 $0x2080;
	[smem:$0x7EE] =	sst s19  }
0x39: {  	s5 =	sadd.s32 s5, s1;
	s21 =	simm.s32 $0x2100;
	[smem:$0x7EF] =	sst s20  }
0x3a: {  	p0 =	por $0x0, $0x0;
	s6 =	sadd.s32 $0x4200, s5;
	[smem:$0x7F0] =	sst s21  }
0x3b: {  	s0 =	ssub.s32 $0x2, s0;
	s5 =	sadd.s32 $0x48E00, s5;
	[dreg:$0x3] =	wrdreg s6  }
0x3c: {  	s11 =	sshrl.u32 s0, $0x1;
	s23 =	sadd.s32 $0x4DE00, s22;
	[dreg:$0x4] =	wrdreg s5  }
0x3d: {  	s22 =	simm.s32 $0xB00;
	s4 =	simm.s32 $0xD80;
	[dreg:$0x6] =	wrdreg s23  }
0x3e: {  	s0 =	ssub.s32 s0, s11;
	s3 =	simm.s32 $0x2;
	[dreg:$0x1c] =	wrdreg s22  }
0x3f: {  	s24 =	simm.s32 $0x2280;
	s25 =	simm.s32 $0x2300;
	[smem:$0x7CA] =	sst s4  }
0x40: {  	s26 =	simm.s32 $0x2380;
	s7 =	simm.s32 $0x1;
	[smem:$0x7F3] =	sst s24  }
0x41: {  	s8 =	simm.s32 $0x2400;
	s9 =	simm.s32 $0x2480;
	[smem:$0x7F4] =	sst s25  }
0x42: {  	s10 =	simm.s32 $0x2500;
	s11 =	simm.s32 $0x2580;
	[smem:$0x7F5] =	sst s26  }
0x43: {  	s12 =	simm.s32 $0x2600;
	s13 =	simm.s32 $0x2680;
	[smem:$0x7F6] =	sst s8  }
0x44: {  	s15 =	simm.s32 $0x2700;
	s21 =	simm.s32 $0xA500;
	[smem:$0x7F7] =	sst s9  }
0x45: {  	s20 =	simm.s32 $0xC440;
	s19 =	simm.s32 $0xCC10;
	[smem:$0x7F8] =	sst s10  }
0x46: {  	s17 =	simm.s32 $0xD3E0;
	s18 =	simm.s32 $0xDBB0;
	[smem:$0x7F9] =	sst s11  }
0x47: {  	s16 =	simm.s32 $0xE380;
	s5 =	simm.s32 $0x280;
	[smem:$0x7FA] =	sst s12  }
0x48: {  	s6 =	simm.s32 $0x300;
	s23 =	simm.s32 $0xB80;
	[smem:$0x7FB] =	sst s13  }
0x49: {  	s22 =	simm.s32 $0x1700;
	s4 =	simm.s32 $0x1980;
	[smem:$0x7FC] =	sst s15  }
0x4a: {  	s14 =	smax.u32 s0, $0x1;
	s26 =	simm.s32 $0x6680;
	[dreg:$0xb] =	wrdreg s5  }
0x4b: {  	s25 =	simm.s32 $0xACD0;
	s15 =	simm.s32 $0xEB50;
	[dreg:$0xc] =	wrdreg s6  }
0x4c: {  	s13 =	simm.s32 $0xFAF0;
	s12 =	simm.s32 $0x102C0;
	[dreg:$0x1d] =	wrdreg s23  }
0x4d: {  	s11 =	simm.s32 $0x10A90;
	s9 =	simm.s32 $0x11260;
	[smem:$0x7DC] =	sst s22  }
0x4e: {  	s10 =	simm.s32 $0x11A30;
	s8 =	simm.s32 $0x12200;
	[smem:$0x7E1] =	sst s4  }
0x4f: {  	s0 =	simm.s32 $0x129D0;
	s5 =	simm.s32 $0xE00;
	s24 =	rddreg [dreg:$0x3]  }
0x50: {  	s6 =	simm.s32 $0xE80;
	s23 =	simm.s32 $0x1780;
	[smem:$0x7CB] =	sst s5  }
0x51: {  	s22 =	simm.s32 $0x2180;
	s4 =	simm.s32 $0x85C0;
	[smem:$0x7CC] =	sst s6  }
0x52: {  	p1 =	sne.s32 s14, $0x1;
	[smem:$0x7DD] =	sst s23;
	s5 =	simm.s32 $0x1A00  }
.Ltmp0:
0x53: {  	s6 =	simm.s32 $0x1A80;
	[smem:$0x7F1] =	sst s22;
	(pc) =	sbr.rel @!p1 .LBB2_5-.Ltmp0, $4  }
0x54: {  	s23 =	simm.s32 $0x2200;
	s22 =	simm.s32 $0xBC70;
	[smem:$0x7E2] =	sst s5  }
0x55: {  	[smem:$0x7E3] =	sst s6;
	s5 =	sadd.s32 $0x9200, s1;
	s6 =	simm.s32 $0x7D  }
0x56: {  	[smem:$0x7F2] =	sst s23;
	s23 =	simm.s32 $0x2780;
	s1 =	simm.s32 $0xB4A0  }
0x57: {  	[smem:$0x7FD] =	sst s23;
	s23 =	sadd.s32 $0xFFFFFFFF, s14;
	s14 =	simm.s32 $0xF320  }
0x58: {  	[tilespmem:s2], [sflag:$0x2] =	stream.linear.gather [hbm4b:s24+s2], $0x1400, $0x38;
	[tilespmem:$0x16080] =	vst v63  }
0x59: {  	_ =	swait.ge [sflag:s3], $0x1400  }
0x5a: {  	[sflag:s3] =	ssyncset.done $0x0  }
0x5b: {  	s0 =	simm.s32 $0x1400;
	s24 =	rddreg [dreg:$0x4];
	[sflag:s3] =	ssyncadd.s32 $0xFFFFEC00  }
0x5c: {  	[tilespmem:s0], [sflag:$0x2] =	stream.linear.gather [hbm4b:s24+s2], $0x1400, $0x38;
	[tilespmem:$0x16080] =	vst v63  }
0x5d: {  	_ =	swait.ge [sflag:s3], $0x1400  }
0x5e: {  	[sflag:s3] =	ssyncset.done $0x0  }
0x5f: {  	s24 =	rddreg [dreg:$0x7];
	[sflag:s3] =	ssyncadd.s32 $0xFFFFEC00  }
0x60: {  	[tilespmem:s31], [sflag:$0x1] =	stream.indirect.gather [hbm4b:s5+s6], $0x10, s2, s6, $0xb8;
	[tilespmem:$0x16080] =	vst v63  }
0x61: {  	s0 =	simm.s32 $0x2FD0;
	[smem:$0x7C8] =	sst s23  }
0x62: {  	[tilespmem:s0], [sflag:$0x1] =	stream.indirect.gather [hbm4b:s5+s6], $0x10, s24, s6, $0xb8;
	[tilespmem:$0x16080] =	vst v63  }
0x63: {  	s23 =	rddreg [dreg:$0x8];
	s0 =	simm.s32 $0x37A0  }
0x64: {  	[tilespmem:s0], [sflag:$0x1] =	stream.indirect.gather [hbm4b:s5+s6], $0x10, s23, s6, $0xb8;
	[tilespmem:$0x16080] =	vst v63  }
0x65: {  	s24 =	rddreg [dreg:$0x9];
	s0 =	simm.s32 $0x3F70  }
0x66: {  	[tilespmem:s0], [sflag:$0x1] =	stream.indirect.gather [hbm4b:s5+s6], $0x10, s24, s6, $0xb8;
	[tilespmem:$0x16080] =	vst v63  }
0x67: {  	s23 =	rddreg [dreg:$0xa];
	s0 =	simm.s32 $0x4740  }
0x68: {  	[tilespmem:s0], [sflag:$0x1] =	stream.indirect.gather [hbm4b:s5+s6], $0x10, s23, s6, $0xb8;
	[tilespmem:$0x16080] =	vst v63  }
0x69: {  	s24 =	rddreg [dreg:$0xb];
	s0 =	simm.s32 $0x4F10  }
0x6a: {  	[tilespmem:s0], [sflag:$0x1] =	stream.indirect.gather [hbm4b:s5+s6], $0x10, s24, s6, $0xb8;
	[tilespmem:$0x16080] =	vst v63  }
0x6b: {  	s23 =	rddreg [dreg:$0xc];
	s0 =	simm.s32 $0x56E0  }
0x6c: {  	[tilespmem:s0], [sflag:$0x1] =	stream.indirect.gather [hbm4b:s5+s6], $0x10, s23, s6, $0xb8;
	[tilespmem:$0x16080] =	vst v63  }
0x6d: {  	s24 =	rddreg [dreg:$0xd];
	s23 =	simm.s32 $0x5EB0  }
0x6e: {  	[tilespmem:s23], [sflag:$0x1] =	stream.indirect.gather [hbm4b:s5+s6], $0x10, s24, s6, $0xb8;
	[tilespmem:$0x16080] =	vst v63  }
0x6f: {  	_ =	swait.ge [sflag:s7], $0x7D0  }
0x70: {  	[sflag:s7] =	ssyncset.done $0x0  }
0x71: {  	[sflag:s7] =	ssyncadd.s32 $0xFFFFF830  }
0x72: {  	_ =	swait.ge [sflag:s7], $0x7D0  }
0x73: {  	[sflag:s7] =	ssyncset.done $0x0  }
0x74: {  	[sflag:s7] =	ssyncadd.s32 $0xFFFFF830  }
0x75: {  	_ =	swait.ge [sflag:s7], $0x7D0  }
0x76: {  	[sflag:s7] =	ssyncset.done $0x0  }
0x77: {  	[sflag:s7] =	ssyncadd.s32 $0xFFFFF830  }
0x78: {  	_ =	swait.ge [sflag:s7], $0x7D0  }
0x79: {  	[sflag:s7] =	ssyncset.done $0x0  }
0x7a: {  	[sflag:s7] =	ssyncadd.s32 $0xFFFFF830  }
0x7b: {  	_ =	swait.ge [sflag:s7], $0x7D0  }
0x7c: {  	[sflag:s7] =	ssyncset.done $0x0  }
0x7d: {  	[sflag:s7] =	ssyncadd.s32 $0xFFFFF830  }
0x7e: {  	_ =	swait.ge [sflag:s7], $0x7D0  }
0x7f: {  	[sflag:s7] =	ssyncset.done $0x0  }
0x80: {  	[sflag:s7] =	ssyncadd.s32 $0xFFFFF830  }
0x81: {  	_ =	swait.ge [sflag:s7], $0x7D0  }
0x82: {  	[sflag:s7] =	ssyncset.done $0x0  }
0x83: {  	[sflag:s7] =	ssyncadd.s32 $0xFFFFF830  }
0x84: {  	_ =	swait.ge [sflag:s7], $0x7D0  }
0x85: {  	[sflag:s7] =	ssyncset.done $0x0  }
0x86: {  	s0 =	rddreg [dreg:$0xe];
	[sflag:s7] =	ssyncadd.s32 $0xFFFFF830  }
0x87: {  	[tilespmem:s26], [sflag:$0x1] =	stream.indirect.gather [hbm4b:s5+s6], $0x10, s0, s6, $0xb8;
	[tilespmem:$0x16080] =	vst v63  }
0x88: {  	s24 =	rddreg [dreg:$0xf]  }
0x89: {  	[tilespmem:s29], [sflag:$0x1] =	stream.indirect.gather [hbm4b:s5+s6], $0x10, s24, s6, $0xb8;
	[tilespmem:$0x16080] =	vst v63  }
0x8a: {  	s0 =	rddreg [dreg:$0x10]  }
0x8b: {  	[tilespmem:s30], [sflag:$0x1] =	stream.indirect.gather [hbm4b:s5+s6], $0x10, s0, s6, $0xb8;
	[tilespmem:$0x16080] =	vst v63  }
0x8c: {  	s24 =	rddreg [dreg:$0x11]  }
0x8d: {  	[tilespmem:s28], [sflag:$0x1] =	stream.indirect.gather [hbm4b:s5+s6], $0x10, s24, s6, $0xb8;
	[tilespmem:$0x16080] =	vst v63  }
0x8e: {  	s0 =	rddreg [dreg:$0x12]  }
0x8f: {  	[tilespmem:s4], [sflag:$0x1] =	stream.indirect.gather [hbm4b:s5+s6], $0x10, s0, s6, $0xb8;
	[tilespmem:$0x16080] =	vst v63  }
0x90: {  	s24 =	rddreg [dreg:$0x13];
	s0 =	simm.s32 $0x8D90  }
0x91: {  	[tilespmem:s0], [sflag:$0x1] =	stream.indirect.gather [hbm4b:s5+s6], $0x10, s24, s6, $0xb8;
	[tilespmem:$0x16080] =	vst v63  }
0x92: {  	s23 =	rddreg [dreg:$0x14];
	s0 =	simm.s32 $0x9560  }
0x93: {  	[tilespmem:s0], [sflag:$0x1] =	stream.indirect.gather [hbm4b:s5+s6], $0x10, s23, s6, $0xb8;
	[tilespmem:$0x16080] =	vst v63  }
0x94: {  	s24 =	rddreg [dreg:$0x15];
	s23 =	simm.s32 $0x9D30  }
0x95: {  	[tilespmem:s23], [sflag:$0x1] =	stream.indirect.gather [hbm4b:s5+s6], $0x10, s24, s6, $0xb8;
	[tilespmem:$0x16080] =	vst v63  }
0x96: {  	_ =	swait.ge [sflag:s7], $0x7D0  }
0x97: {  	[sflag:s7] =	ssyncset.done $0x0  }
0x98: {  	[sflag:s7] =	ssyncadd.s32 $0xFFFFF830  }
0x99: {  	_ =	swait.ge [sflag:s7], $0x7D0  }
0x9a: {  	[sflag:s7] =	ssyncset.done $0x0  }
0x9b: {  	[sflag:s7] =	ssyncadd.s32 $0xFFFFF830  }
0x9c: {  	_ =	swait.ge [sflag:s7], $0x7D0  }
0x9d: {  	[sflag:s7] =	ssyncset.done $0x0  }
0x9e: {  	[sflag:s7] =	ssyncadd.s32 $0xFFFFF830  }
0x9f: {  	_ =	swait.ge [sflag:s7], $0x7D0  }
0xa0: {  	[sflag:s7] =	ssyncset.done $0x0  }
0xa1: {  	[sflag:s7] =	ssyncadd.s32 $0xFFFFF830  }
0xa2: {  	_ =	swait.ge [sflag:s7], $0x7D0  }
0xa3: {  	[sflag:s7] =	ssyncset.done $0x0  }
0xa4: {  	[sflag:s7] =	ssyncadd.s32 $0xFFFFF830  }
0xa5: {  	_ =	swait.ge [sflag:s7], $0x7D0  }
0xa6: {  	[sflag:s7] =	ssyncset.done $0x0  }
0xa7: {  	[sflag:s7] =	ssyncadd.s32 $0xFFFFF830  }
0xa8: {  	_ =	swait.ge [sflag:s7], $0x7D0  }
0xa9: {  	[sflag:s7] =	ssyncset.done $0x0  }
0xaa: {  	[sflag:s7] =	ssyncadd.s32 $0xFFFFF830  }
0xab: {  	_ =	swait.ge [sflag:s7], $0x7D0  }
0xac: {  	[sflag:s7] =	ssyncset.done $0x0  }
0xad: {  	s24 =	rddreg [dreg:$0x16];
	[sflag:s7] =	ssyncadd.s32 $0xFFFFF830  }
0xae: {  	[tilespmem:s21], [sflag:$0x1] =	stream.indirect.gather [hbm4b:s5+s6], $0x10, s24, s6, $0xb8;
	[tilespmem:$0x16080] =	vst v63  }
0xaf: {  	s0 =	rddreg [dreg:$0x17]  }
0xb0: {  	[tilespmem:s25], [sflag:$0x1] =	stream.indirect.gather [hbm4b:s5+s6], $0x10, s0, s6, $0xb8;
	[tilespmem:$0x16080] =	vst v63  }
0xb1: {  	s23 =	rddreg [dreg:$0x18]  }
0xb2: {  	[tilespmem:s1], [sflag:$0x1] =	stream.indirect.gather [hbm4b:s5+s6], $0x10, s23, s6, $0xb8;
	[tilespmem:$0x16080] =	vst v63  }
0xb3: {  	s0 =	rddreg [dreg:$0x19]  }
0xb4: {  	[tilespmem:s22], [sflag:$0x1] =	stream.indirect.gather [hbm4b:s5+s6], $0x10, s0, s6, $0xb8;
	[tilespmem:$0x16080] =	vst v63  }
0xb5: {  	s23 =	rddreg [dreg:$0x1a]  }
0xb6: {  	[tilespmem:s20], [sflag:$0x1] =	stream.indirect.gather [hbm4b:s5+s6], $0x10, s23, s6, $0xb8;
	[tilespmem:$0x16080] =	vst v63  }
0xb7: {  	s0 =	rddreg [dreg:$0x1b]  }
0xb8: {  	[tilespmem:s19], [sflag:$0x1] =	stream.indirect.gather [hbm4b:s5+s6], $0x10, s0, s6, $0xb8;
	[tilespmem:$0x16080] =	vst v63  }
0xb9: {  	s23 =	rddreg [dreg:$0x1c]  }
0xba: {  	[tilespmem:s17], [sflag:$0x1] =	stream.indirect.gather [hbm4b:s5+s6], $0x10, s23, s6, $0xb8;
	[tilespmem:$0x16080] =	vst v63  }
0xbb: {  	s0 =	rddreg [dreg:$0x1d]  }
0xbc: {  	[tilespmem:s18], [sflag:$0x1] =	stream.indirect.gather [hbm4b:s5+s6], $0x10, s0, s6, $0xb8;
	[tilespmem:$0x16080] =	vst v63  }
0xbd: {  	_ =	swait.ge [sflag:s7], $0x7D0  }
0xbe: {  	[sflag:s7] =	ssyncset.done $0x0  }
0xbf: {  	[sflag:s7] =	ssyncadd.s32 $0xFFFFF830  }
0xc0: {  	_ =	swait.ge [sflag:s7], $0x7D0  }
0xc1: {  	[sflag:s7] =	ssyncset.done $0x0  }
0xc2: {  	[sflag:s7] =	ssyncadd.s32 $0xFFFFF830  }
0xc3: {  	_ =	swait.ge [sflag:s7], $0x7D0  }
0xc4: {  	[sflag:s7] =	ssyncset.done $0x0  }
0xc5: {  	[sflag:s7] =	ssyncadd.s32 $0xFFFFF830  }
0xc6: {  	_ =	swait.ge [sflag:s7], $0x7D0  }
0xc7: {  	[sflag:s7] =	ssyncset.done $0x0  }
0xc8: {  	[sflag:s7] =	ssyncadd.s32 $0xFFFFF830  }
0xc9: {  	_ =	swait.ge [sflag:s7], $0x7D0  }
0xca: {  	[sflag:s7] =	ssyncset.done $0x0  }
0xcb: {  	[sflag:s7] =	ssyncadd.s32 $0xFFFFF830  }
0xcc: {  	_ =	swait.ge [sflag:s7], $0x7D0  }
0xcd: {  	[sflag:s7] =	ssyncset.done $0x0  }
0xce: {  	[sflag:s7] =	ssyncadd.s32 $0xFFFFF830  }
0xcf: {  	_ =	swait.ge [sflag:s7], $0x7D0  }
0xd0: {  	[sflag:s7] =	ssyncset.done $0x0  }
0xd1: {  	[sflag:s7] =	ssyncadd.s32 $0xFFFFF830  }
0xd2: {  	_ =	swait.ge [sflag:s7], $0x7D0  }
0xd3: {  	s24 =	rddreg [dreg:$0x1e];
	[sflag:s7] =	ssyncset.done $0x0  }
0xd4: {  	s0 =	rddreg [dreg:$0x1f];
	[sflag:s7] =	ssyncadd.s32 $0xFFFFF830  }
0xd5: {  	[tilespmem:s16], [sflag:$0x1] =	stream.indirect.gather [hbm4b:s5+s6], $0x10, s24, s6, $0xb8;
	[tilespmem:$0x16080] =	vst v63  }
0xd6: {  	s23 =	sld [smem:$0x7C9]  }
0xd7: {  	[tilespmem:s15], [sflag:$0x1] =	stream.indirect.gather [hbm4b:s5+s6], $0x10, s0, s6, $0xb8;
	[tilespmem:$0x16080] =	vst v63  }
0xd8: {  	s0 =	sld [smem:$0x7CA]  }
0xd9: {  	[tilespmem:s14], [sflag:$0x1] =	stream.indirect.gather [hbm4b:s5+s6], $0x10, s23, s6, $0xb8;
	[tilespmem:$0x16080] =	vst v63  }
0xda: {  	s23 =	sld [smem:$0x7CB]  }
0xdb: {  	[tilespmem:s13], [sflag:$0x1] =	stream.indirect.gather [hbm4b:s5+s6], $0x10, s0, s6, $0xb8;
	[tilespmem:$0x16080] =	vst v63  }
0xdc: {  	s0 =	sld [smem:$0x7CC]  }
0xdd: {  	[tilespmem:s12], [sflag:$0x1] =	stream.indirect.gather [hbm4b:s5+s6], $0x10, s23, s6, $0xb8;
	[tilespmem:$0x16080] =	vst v63  }
0xde: {  	s23 =	sld [smem:$0x7CD]  }
0xdf: {  	[tilespmem:s11], [sflag:$0x1] =	stream.indirect.gather [hbm4b:s5+s6], $0x10, s0, s6, $0xb8;
	[tilespmem:$0x16080] =	vst v63  }
0xe0: {  	s0 =	sld [smem:$0x7CE]  }
0xe1: {  	[tilespmem:s9], [sflag:$0x1] =	stream.indirect.gather [hbm4b:s5+s6], $0x10, s23, s6, $0xb8;
	[tilespmem:$0x16080] =	vst v63  }
0xe2: {  	_ = 	snop  }
0xe3: {  	[tilespmem:s10], [sflag:$0x1] =	stream.indirect.gather [hbm4b:s5+s6], $0x10, s0, s6, $0xb8;
	[tilespmem:$0x16080] =	vst v63  }
0xe4: {  	_ =	swait.ge [sflag:s7], $0x7D0  }
0xe5: {  	[sflag:s7] =	ssyncset.done $0x0  }
0xe6: {  	[sflag:s7] =	ssyncadd.s32 $0xFFFFF830  }
0xe7: {  	_ =	swait.ge [sflag:s7], $0x7D0  }
0xe8: {  	[sflag:s7] =	ssyncset.done $0x0  }
0xe9: {  	[sflag:s7] =	ssyncadd.s32 $0xFFFFF830  }
0xea: {  	_ =	swait.ge [sflag:s7], $0x7D0  }
0xeb: {  	[sflag:s7] =	ssyncset.done $0x0  }
0xec: {  	[sflag:s7] =	ssyncadd.s32 $0xFFFFF830  }
0xed: {  	_ =	swait.ge [sflag:s7], $0x7D0  }
0xee: {  	[sflag:s7] =	ssyncset.done $0x0  }
0xef: {  	[sflag:s7] =	ssyncadd.s32 $0xFFFFF830  }
0xf0: {  	_ =	swait.ge [sflag:s7], $0x7D0  }
0xf1: {  	[sflag:s7] =	ssyncset.done $0x0  }
0xf2: {  	[sflag:s7] =	ssyncadd.s32 $0xFFFFF830  }
0xf3: {  	_ =	swait.ge [sflag:s7], $0x7D0  }
0xf4: {  	[sflag:s7] =	ssyncset.done $0x0  }
0xf5: {  	[sflag:s7] =	ssyncadd.s32 $0xFFFFF830  }
0xf6: {  	_ =	swait.ge [sflag:s7], $0x7D0  }
0xf7: {  	[sflag:s7] =	ssyncset.done $0x0  }
0xf8: {  	[sflag:s7] =	ssyncadd.s32 $0xFFFFF830  }
0xf9: {  	_ =	swait.ge [sflag:s7], $0x7D0  }
0xfa: {  	s0 =	sld [smem:$0x7CF]  }
0xfb: {  	[sflag:s7] =	ssyncset.done $0x0  }
0xfc: {  	s24 =	sld [smem:$0x7D0];
	[sflag:s7] =	ssyncadd.s32 $0xFFFFF830  }
0xfd: {  	[tilespmem:s8], [sflag:$0x1] =	stream.indirect.gather [hbm4b:s5+s6], $0x10, s0, s6, $0xb8;
	[tilespmem:$0x16080] =	vst v63  }
0xfe: {  	s23 =	sld [smem:$0x7D1];
	s0 =	simm.s32 $0x129D0  }
0xff: {  	[tilespmem:s0], [sflag:$0x1] =	stream.indirect.gather [hbm4b:s5+s6], $0x10, s24, s6, $0xb8;
	[tilespmem:$0x16080] =	vst v63  }
0x100: {  	s24 =	sld [smem:$0x7D2];
	s0 =	simm.s32 $0x131A0  }
0x101: {  	[tilespmem:s0], [sflag:$0x1] =	stream.indirect.gather [hbm4b:s5+s6], $0x10, s23, s6, $0xb8;
	[tilespmem:$0x16080] =	vst v63  }
0x102: {  	s23 =	sld [smem:$0x7D3];
	s0 =	simm.s32 $0x13970  }
0x103: {  	[tilespmem:s0], [sflag:$0x1] =	stream.indirect.gather [hbm4b:s5+s6], $0x10, s24, s6, $0xb8;
	[tilespmem:$0x16080] =	vst v63  }
0x104: {  	s24 =	sld [smem:$0x7D4];
	s0 =	simm.s32 $0x14140  }
0x105: {  	[tilespmem:s0], [sflag:$0x1] =	stream.indirect.gather [hbm4b:s5+s6], $0x10, s23, s6, $0xb8;
	[tilespmem:$0x16080] =	vst v63  }
0x106: {  	s23 =	sld [smem:$0x7D5];
	s0 =	simm.s32 $0x14910  }
0x107: {  	[tilespmem:s0], [sflag:$0x1] =	stream.indirect.gather [hbm4b:s5+s6], $0x10, s24, s6, $0xb8;
	[tilespmem:$0x16080] =	vst v63  }
0x108: {  	s24 =	sld [smem:$0x7D6];
	s0 =	simm.s32 $0x150E0  }
0x109: {  	[tilespmem:s0], [sflag:$0x1] =	stream.indirect.gather [hbm4b:s5+s6], $0x10, s23, s6, $0xb8;
	[tilespmem:$0x16080] =	vst v63  }
0x10a: {  	s23 =	simm.s32 $0x158B0  }
0x10b: {  	[tilespmem:s23], [sflag:$0x1] =	stream.indirect.gather [hbm4b:s5+s6], $0x10, s24, s6, $0xb8;
	[tilespmem:$0x16080] =	vst v63  }
0x10c: {  	_ =	swait.ge [sflag:s7], $0x7D0  }
0x10d: {  	[sflag:s7] =	ssyncset.done $0x0  }
0x10e: {  	[sflag:s7] =	ssyncadd.s32 $0xFFFFF830  }
0x10f: {  	_ =	swait.ge [sflag:s7], $0x7D0  }
0x110: {  	[sflag:s7] =	ssyncset.done $0x0  }
0x111: {  	[sflag:s7] =	ssyncadd.s32 $0xFFFFF830  }
0x112: {  	_ =	swait.ge [sflag:s7], $0x7D0  }
0x113: {  	[sflag:s7] =	ssyncset.done $0x0  }
0x114: {  	[sflag:s7] =	ssyncadd.s32 $0xFFFFF830  }
0x115: {  	_ =	swait.ge [sflag:s7], $0x7D0  }
0x116: {  	[sflag:s7] =	ssyncset.done $0x0  }
0x117: {  	[sflag:s7] =	ssyncadd.s32 $0xFFFFF830  }
0x118: {  	_ =	swait.ge [sflag:s7], $0x7D0  }
0x119: {  	[sflag:s7] =	ssyncset.done $0x0  }
0x11a: {  	[sflag:s7] =	ssyncadd.s32 $0xFFFFF830  }
0x11b: {  	_ =	swait.ge [sflag:s7], $0x7D0  }
0x11c: {  	[sflag:s7] =	ssyncset.done $0x0  }
0x11d: {  	[sflag:s7] =	ssyncadd.s32 $0xFFFFF830  }
0x11e: {  	_ =	swait.ge [sflag:s7], $0x7D0  }
0x11f: {  	[sflag:s7] =	ssyncset.done $0x0  }
0x120: {  	[sflag:s7] =	ssyncadd.s32 $0xFFFFF830  }
0x121: {  	_ =	swait.ge [sflag:s7], $0x7D0  }
0x122: {  	[sflag:s7] =	ssyncset.done $0x0  }
0x123: {  	s0 =	rddreg [dreg:$0x5];
	[sflag:s7] =	ssyncadd.s32 $0xFFFFF830  }
0x124: {  	[hbm4b:s0+s2] =	stream.linear.scatter [tilespmem:s31], [sflag:$0x2], $0x13880, $0x38;
	[tilespmem:$0x16080] =	vst v63  }
0x125: {  	_ =	swait.ge [sflag:s3], $0x13880  }
0x126: {  	[sflag:s3] =	ssyncset.done $0x0  }
0x127: {  	s24 =	simm.s32 $0x1400;
	s23 =	sld [smem:$0x7D7];
	[sflag:s3] =	ssyncadd.s32 $0xFFFEC780  }
0x128: {  	[tilespmem:s31], [sflag:$0x1] =	stream.indirect.gather [hbm4b:s5+s6], $0x10, s24, s6, $0xb8;
	[tilespmem:$0x16080] =	vst v63  }
0x129: {  	s0 =	simm.s32 $0x2FD0;
	s24 =	sld [smem:$0x7D8]  }
0x12a: {  	[tilespmem:s0], [sflag:$0x1] =	stream.indirect.gather [hbm4b:s5+s6], $0x10, s23, s6, $0xb8;
	[tilespmem:$0x16080] =	vst v63  }
0x12b: {  	s23 =	sld [smem:$0x7D9];
	s0 =	simm.s32 $0x37A0  }
0x12c: {  	[tilespmem:s0], [sflag:$0x1] =	stream.indirect.gather [hbm4b:s5+s6], $0x10, s24, s6, $0xb8;
	[tilespmem:$0x16080] =	vst v63  }
0x12d: {  	s24 =	sld [smem:$0x7DA];
	s0 =	simm.s32 $0x3F70  }
0x12e: {  	[tilespmem:s0], [sflag:$0x1] =	stream.indirect.gather [hbm4b:s5+s6], $0x10, s23, s6, $0xb8;
	[tilespmem:$0x16080] =	vst v63  }
0x12f: {  	s23 =	sld [smem:$0x7DB];
	s0 =	simm.s32 $0x4740  }
0x130: {  	[tilespmem:s0], [sflag:$0x1] =	stream.indirect.gather [hbm4b:s5+s6], $0x10, s24, s6, $0xb8;
	[tilespmem:$0x16080] =	vst v63  }
0x131: {  	s24 =	sld [smem:$0x7DC];
	s0 =	simm.s32 $0x4F10  }
0x132: {  	[tilespmem:s0], [sflag:$0x1] =	stream.indirect.gather [hbm4b:s5+s6], $0x10, s23, s6, $0xb8;
	[tilespmem:$0x16080] =	vst v63  }
0x133: {  	s23 =	sld [smem:$0x7DD];
	s0 =	simm.s32 $0x56E0  }
0x134: {  	[tilespmem:s0], [sflag:$0x1] =	stream.indirect.gather [hbm4b:s5+s6], $0x10, s24, s6, $0xb8;
	[tilespmem:$0x16080] =	vst v63  }
0x135: {  	s24 =	simm.s32 $0x5EB0  }
0x136: {  	[tilespmem:s24], [sflag:$0x1] =	stream.indirect.gather [hbm4b:s5+s6], $0x10, s23, s6, $0xb8;
	[tilespmem:$0x16080] =	vst v63  }
0x137: {  	_ =	swait.ge [sflag:s7], $0x7D0  }
0x138: {  	[sflag:s7] =	ssyncset.done $0x0  }
0x139: {  	[sflag:s7] =	ssyncadd.s32 $0xFFFFF830  }
0x13a: {  	_ =	swait.ge [sflag:s7], $0x7D0  }
0x13b: {  	[sflag:s7] =	ssyncset.done $0x0  }
0x13c: {  	[sflag:s7] =	ssyncadd.s32 $0xFFFFF830  }
0x13d: {  	_ =	swait.ge [sflag:s7], $0x7D0  }
0x13e: {  	[sflag:s7] =	ssyncset.done $0x0  }
0x13f: {  	[sflag:s7] =	ssyncadd.s32 $0xFFFFF830  }
0x140: {  	_ =	swait.ge [sflag:s7], $0x7D0  }
0x141: {  	[sflag:s7] =	ssyncset.done $0x0  }
0x142: {  	[sflag:s7] =	ssyncadd.s32 $0xFFFFF830  }
0x143: {  	_ =	swait.ge [sflag:s7], $0x7D0  }
0x144: {  	[sflag:s7] =	ssyncset.done $0x0  }
0x145: {  	[sflag:s7] =	ssyncadd.s32 $0xFFFFF830  }
0x146: {  	_ =	swait.ge [sflag:s7], $0x7D0  }
0x147: {  	[sflag:s7] =	ssyncset.done $0x0  }
0x148: {  	[sflag:s7] =	ssyncadd.s32 $0xFFFFF830  }
0x149: {  	_ =	swait.ge [sflag:s7], $0x7D0  }
0x14a: {  	[sflag:s7] =	ssyncset.done $0x0  }
0x14b: {  	[sflag:s7] =	ssyncadd.s32 $0xFFFFF830  }
0x14c: {  	_ =	swait.ge [sflag:s7], $0x7D0  }
0x14d: {  	s24 =	sld [smem:$0x7DE]  }
0x14e: {  	[sflag:s7] =	ssyncset.done $0x0  }
0x14f: {  	s0 =	sld [smem:$0x7DF];
	[sflag:s7] =	ssyncadd.s32 $0xFFFFF830  }
0x150: {  	[tilespmem:s26], [sflag:$0x1] =	stream.indirect.gather [hbm4b:s5+s6], $0x10, s24, s6, $0xb8;
	[tilespmem:$0x16080] =	vst v63  }
0x151: {  	s26 =	sld [smem:$0x7E0]  }
0x152: {  	[tilespmem:s29], [sflag:$0x1] =	stream.indirect.gather [hbm4b:s5+s6], $0x10, s0, s6, $0xb8;
	[tilespmem:$0x16080] =	vst v63  }
0x153: {  	s29 =	sld [smem:$0x7E1]  }
0x154: {  	[tilespmem:s30], [sflag:$0x1] =	stream.indirect.gather [hbm4b:s5+s6], $0x10, s26, s6, $0xb8;
	[tilespmem:$0x16080] =	vst v63  }
0x155: {  	s0 =	sld [smem:$0x7E2]  }
0x156: {  	[tilespmem:s28], [sflag:$0x1] =	stream.indirect.gather [hbm4b:s5+s6], $0x10, s29, s6, $0xb8;
	[tilespmem:$0x16080] =	vst v63  }
0x157: {  	s26 =	sld [smem:$0x7E3]  }
0x158: {  	[tilespmem:s4], [sflag:$0x1] =	stream.indirect.gather [hbm4b:s5+s6], $0x10, s0, s6, $0xb8;
	[tilespmem:$0x16080] =	vst v63  }
0x159: {  	s28 =	sld [smem:$0x7E4];
	s29 =	simm.s32 $0x8D90  }
0x15a: {  	[tilespmem:s29], [sflag:$0x1] =	stream.indirect.gather [hbm4b:s5+s6], $0x10, s26, s6, $0xb8;
	[tilespmem:$0x16080] =	vst v63  }
0x15b: {  	s30 =	sld [smem:$0x7E5];
	s4 =	simm.s32 $0x9560  }
0x15c: {  	[tilespmem:s4], [sflag:$0x1] =	stream.indirect.gather [hbm4b:s5+s6], $0x10, s28, s6, $0xb8;
	[tilespmem:$0x16080] =	vst v63  }
0x15d: {  	s26 =	simm.s32 $0x9D30  }
0x15e: {  	[tilespmem:s26], [sflag:$0x1] =	stream.indirect.gather [hbm4b:s5+s6], $0x10, s30, s6, $0xb8;
	[tilespmem:$0x16080] =	vst v63  }
0x15f: {  	_ =	swait.ge [sflag:s7], $0x7D0  }
0x160: {  	[sflag:s7] =	ssyncset.done $0x0  }
0x161: {  	[sflag:s7] =	ssyncadd.s32 $0xFFFFF830  }
0x162: {  	_ =	swait.ge [sflag:s7], $0x7D0  }
0x163: {  	[sflag:s7] =	ssyncset.done $0x0  }
0x164: {  	[sflag:s7] =	ssyncadd.s32 $0xFFFFF830  }
0x165: {  	_ =	swait.ge [sflag:s7], $0x7D0  }
0x166: {  	[sflag:s7] =	ssyncset.done $0x0  }
0x167: {  	[sflag:s7] =	ssyncadd.s32 $0xFFFFF830  }
0x168: {  	_ =	swait.ge [sflag:s7], $0x7D0  }
0x169: {  	[sflag:s7] =	ssyncset.done $0x0  }
0x16a: {  	[sflag:s7] =	ssyncadd.s32 $0xFFFFF830  }
0x16b: {  	_ =	swait.ge [sflag:s7], $0x7D0  }
0x16c: {  	[sflag:s7] =	ssyncset.done $0x0  }
0x16d: {  	[sflag:s7] =	ssyncadd.s32 $0xFFFFF830  }
0x16e: {  	_ =	swait.ge [sflag:s7], $0x7D0  }
0x16f: {  	[sflag:s7] =	ssyncset.done $0x0  }
0x170: {  	[sflag:s7] =	ssyncadd.s32 $0xFFFFF830  }
0x171: {  	_ =	swait.ge [sflag:s7], $0x7D0  }
0x172: {  	[sflag:s7] =	ssyncset.done $0x0  }
0x173: {  	[sflag:s7] =	ssyncadd.s32 $0xFFFFF830  }
0x174: {  	_ =	swait.ge [sflag:s7], $0x7D0  }
0x175: {  	s28 =	sld [smem:$0x7E6]  }
0x176: {  	[sflag:s7] =	ssyncset.done $0x0  }
0x177: {  	s29 =	sld [smem:$0x7E7];
	[sflag:s7] =	ssyncadd.s32 $0xFFFFF830  }
0x178: {  	[tilespmem:s21], [sflag:$0x1] =	stream.indirect.gather [hbm4b:s5+s6], $0x10, s28, s6, $0xb8;
	[tilespmem:$0x16080] =	vst v63  }
0x179: {  	s30 =	sld [smem:$0x7E8]  }
0x17a: {  	[tilespmem:s25], [sflag:$0x1] =	stream.indirect.gather [hbm4b:s5+s6], $0x10, s29, s6, $0xb8;
	[tilespmem:$0x16080] =	vst v63  }
0x17b: {  	s0 =	sld [smem:$0x7E9]  }
0x17c: {  	[tilespmem:s1], [sflag:$0x1] =	stream.indirect.gather [hbm4b:s5+s6], $0x10, s30, s6, $0xb8;
	[tilespmem:$0x16080] =	vst v63  }
0x17d: {  	s4 =	sld [smem:$0x7EA]  }
0x17e: {  	[tilespmem:s22], [sflag:$0x1] =	stream.indirect.gather [hbm4b:s5+s6], $0x10, s0, s6, $0xb8;
	[tilespmem:$0x16080] =	vst v63  }
0x17f: {  	s21 =	sld [smem:$0x7EB]  }
0x180: {  	[tilespmem:s20], [sflag:$0x1] =	stream.indirect.gather [hbm4b:s5+s6], $0x10, s4, s6, $0xb8;
	[tilespmem:$0x16080] =	vst v63  }
0x181: {  	s22 =	sld [smem:$0x7EC]  }
0x182: {  	[tilespmem:s19], [sflag:$0x1] =	stream.indirect.gather [hbm4b:s5+s6], $0x10, s21, s6, $0xb8;
	[tilespmem:$0x16080] =	vst v63  }
0x183: {  	s25 =	sld [smem:$0x7ED]  }
0x184: {  	[tilespmem:s17], [sflag:$0x1] =	stream.indirect.gather [hbm4b:s5+s6], $0x10, s22, s6, $0xb8;
	[tilespmem:$0x16080] =	vst v63  }
0x185: {  	_ = 	snop  }
0x186: {  	[tilespmem:s18], [sflag:$0x1] =	stream.indirect.gather [hbm4b:s5+s6], $0x10, s25, s6, $0xb8;
	[tilespmem:$0x16080] =	vst v63  }
0x187: {  	_ =	swait.ge [sflag:s7], $0x7D0  }
0x188: {  	[sflag:s7] =	ssyncset.done $0x0  }
0x189: {  	[sflag:s7] =	ssyncadd.s32 $0xFFFFF830  }
0x18a: {  	_ =	swait.ge [sflag:s7], $0x7D0  }
0x18b: {  	[sflag:s7] =	ssyncset.done $0x0  }
0x18c: {  	[sflag:s7] =	ssyncadd.s32 $0xFFFFF830  }
0x18d: {  	_ =	swait.ge [sflag:s7], $0x7D0  }
0x18e: {  	[sflag:s7] =	ssyncset.done $0x0  }
0x18f: {  	[sflag:s7] =	ssyncadd.s32 $0xFFFFF830  }
0x190: {  	_ =	swait.ge [sflag:s7], $0x7D0  }
0x191: {  	[sflag:s7] =	ssyncset.done $0x0  }
0x192: {  	[sflag:s7] =	ssyncadd.s32 $0xFFFFF830  }
0x193: {  	_ =	swait.ge [sflag:s7], $0x7D0  }
0x194: {  	[sflag:s7] =	ssyncset.done $0x0  }
0x195: {  	[sflag:s7] =	ssyncadd.s32 $0xFFFFF830  }
0x196: {  	_ =	swait.ge [sflag:s7], $0x7D0  }
0x197: {  	[sflag:s7] =	ssyncset.done $0x0  }
0x198: {  	[sflag:s7] =	ssyncadd.s32 $0xFFFFF830  }
0x199: {  	_ =	swait.ge [sflag:s7], $0x7D0  }
0x19a: {  	[sflag:s7] =	ssyncset.done $0x0  }
0x19b: {  	[sflag:s7] =	ssyncadd.s32 $0xFFFFF830  }
0x19c: {  	_ =	swait.ge [sflag:s7], $0x7D0  }
0x19d: {  	s26 =	sld [smem:$0x7EE]  }
0x19e: {  	[sflag:s7] =	ssyncset.done $0x0  }
0x19f: {  	s28 =	sld [smem:$0x7EF];
	[sflag:s7] =	ssyncadd.s32 $0xFFFFF830  }
0x1a0: {  	[tilespmem:s16], [sflag:$0x1] =	stream.indirect.gather [hbm4b:s5+s6], $0x10, s26, s6, $0xb8;
	[tilespmem:$0x16080] =	vst v63  }
0x1a1: {  	s29 =	sld [smem:$0x7F0]  }
0x1a2: {  	[tilespmem:s15], [sflag:$0x1] =	stream.indirect.gather [hbm4b:s5+s6], $0x10, s28, s6, $0xb8;
	[tilespmem:$0x16080] =	vst v63  }
0x1a3: {  	s30 =	sld [smem:$0x7F1]  }
0x1a4: {  	[tilespmem:s14], [sflag:$0x1] =	stream.indirect.gather [hbm4b:s5+s6], $0x10, s29, s6, $0xb8;
	[tilespmem:$0x16080] =	vst v63  }
0x1a5: {  	s0 =	sld [smem:$0x7F2]  }
0x1a6: {  	[tilespmem:s13], [sflag:$0x1] =	stream.indirect.gather [hbm4b:s5+s6], $0x10, s30, s6, $0xb8;
	[tilespmem:$0x16080] =	vst v63  }
0x1a7: {  	s1 =	sld [smem:$0x7F3]  }
0x1a8: {  	[tilespmem:s12], [sflag:$0x1] =	stream.indirect.gather [hbm4b:s5+s6], $0x10, s0, s6, $0xb8;
	[tilespmem:$0x16080] =	vst v63  }
0x1a9: {  	s4 =	sld [smem:$0x7F4]  }
0x1aa: {  	[tilespmem:s11], [sflag:$0x1] =	stream.indirect.gather [hbm4b:s5+s6], $0x10, s1, s6, $0xb8;
	[tilespmem:$0x16080] =	vst v63  }
0x1ab: {  	s11 =	sld [smem:$0x7F5]  }
0x1ac: {  	[tilespmem:s9], [sflag:$0x1] =	stream.indirect.gather [hbm4b:s5+s6], $0x10, s4, s6, $0xb8;
	[tilespmem:$0x16080] =	vst v63  }
0x1ad: {  	_ = 	snop  }
0x1ae: {  	[tilespmem:s10], [sflag:$0x1] =	stream.indirect.gather [hbm4b:s5+s6], $0x10, s11, s6, $0xb8;
	[tilespmem:$0x16080] =	vst v63  }
0x1af: {  	_ =	swait.ge [sflag:s7], $0x7D0  }
0x1b0: {  	[sflag:s7] =	ssyncset.done $0x0  }
0x1b1: {  	[sflag:s7] =	ssyncadd.s32 $0xFFFFF830  }
0x1b2: {  	_ =	swait.ge [sflag:s7], $0x7D0  }
0x1b3: {  	[sflag:s7] =	ssyncset.done $0x0  }
0x1b4: {  	[sflag:s7] =	ssyncadd.s32 $0xFFFFF830  }
0x1b5: {  	_ =	swait.ge [sflag:s7], $0x7D0  }
0x1b6: {  	[sflag:s7] =	ssyncset.done $0x0  }
0x1b7: {  	[sflag:s7] =	ssyncadd.s32 $0xFFFFF830  }
0x1b8: {  	_ =	swait.ge [sflag:s7], $0x7D0  }
0x1b9: {  	[sflag:s7] =	ssyncset.done $0x0  }
0x1ba: {  	[sflag:s7] =	ssyncadd.s32 $0xFFFFF830  }
0x1bb: {  	_ =	swait.ge [sflag:s7], $0x7D0  }
0x1bc: {  	[sflag:s7] =	ssyncset.done $0x0  }
0x1bd: {  	[sflag:s7] =	ssyncadd.s32 $0xFFFFF830  }
0x1be: {  	_ =	swait.ge [sflag:s7], $0x7D0  }
0x1bf: {  	[sflag:s7] =	ssyncset.done $0x0  }
0x1c0: {  	[sflag:s7] =	ssyncadd.s32 $0xFFFFF830  }
0x1c1: {  	_ =	swait.ge [sflag:s7], $0x7D0  }
0x1c2: {  	[sflag:s7] =	ssyncset.done $0x0  }
0x1c3: {  	[sflag:s7] =	ssyncadd.s32 $0xFFFFF830  }
0x1c4: {  	_ =	swait.ge [sflag:s7], $0x7D0  }
0x1c5: {  	s12 =	sld [smem:$0x7F6]  }
0x1c6: {  	[sflag:s7] =	ssyncset.done $0x0  }
0x1c7: {  	s13 =	sld [smem:$0x7F7];
	[sflag:s7] =	ssyncadd.s32 $0xFFFFF830  }
0x1c8: {  	[tilespmem:s8], [sflag:$0x1] =	stream.indirect.gather [hbm4b:s5+s6], $0x10, s12, s6, $0xb8;
	[tilespmem:$0x16080] =	vst v63  }
0x1c9: {  	s15 =	simm.s32 $0x129D0;
	s14 =	sld [smem:$0x7F8]  }
0x1ca: {  	[tilespmem:s15], [sflag:$0x1] =	stream.indirect.gather [hbm4b:s5+s6], $0x10, s13, s6, $0xb8;
	[tilespmem:$0x16080] =	vst v63  }
0x1cb: {  	s17 =	simm.s32 $0x131A0;
	s16 =	sld [smem:$0x7F9]  }
0x1cc: {  	[tilespmem:s17], [sflag:$0x1] =	stream.indirect.gather [hbm4b:s5+s6], $0x10, s14, s6, $0xb8;
	[tilespmem:$0x16080] =	vst v63  }
0x1cd: {  	s19 =	simm.s32 $0x13970;
	s18 =	sld [smem:$0x7FA]  }
0x1ce: {  	[tilespmem:s19], [sflag:$0x1] =	stream.indirect.gather [hbm4b:s5+s6], $0x10, s16, s6, $0xb8;
	[tilespmem:$0x16080] =	vst v63  }
0x1cf: {  	s21 =	simm.s32 $0x14140;
	s20 =	sld [smem:$0x7FB]  }
0x1d0: {  	[tilespmem:s21], [sflag:$0x1] =	stream.indirect.gather [hbm4b:s5+s6], $0x10, s18, s6, $0xb8;
	[tilespmem:$0x16080] =	vst v63  }
0x1d1: {  	s25 =	simm.s32 $0x14910;
	s22 =	sld [smem:$0x7FC]  }
0x1d2: {  	[tilespmem:s25], [sflag:$0x1] =	stream.indirect.gather [hbm4b:s5+s6], $0x10, s20, s6, $0xb8;
	[tilespmem:$0x16080] =	vst v63  }
0x1d3: {  	s28 =	simm.s32 $0x150E0;
	s26 =	sld [smem:$0x7FD]  }
0x1d4: {  	[tilespmem:s28], [sflag:$0x1] =	stream.indirect.gather [hbm4b:s5+s6], $0x10, s22, s6, $0xb8;
	[tilespmem:$0x16080] =	vst v63  }
0x1d5: {  	s29 =	simm.s32 $0x158B0  }
0x1d6: {  	[tilespmem:s29], [sflag:$0x1] =	stream.indirect.gather [hbm4b:s5+s6], $0x10, s26, s6, $0xb8;
	[tilespmem:$0x16080] =	vst v63  }
0x1d7: {  	_ =	swait.ge [sflag:s7], $0x7D0  }
0x1d8: {  	[sflag:s7] =	ssyncset.done $0x0  }
0x1d9: {  	[sflag:s7] =	ssyncadd.s32 $0xFFFFF830  }
0x1da: {  	_ =	swait.ge [sflag:s7], $0x7D0  }
0x1db: {  	[sflag:s7] =	ssyncset.done $0x0  }
0x1dc: {  	[sflag:s7] =	ssyncadd.s32 $0xFFFFF830  }
0x1dd: {  	_ =	swait.ge [sflag:s7], $0x7D0  }
0x1de: {  	[sflag:s7] =	ssyncset.done $0x0  }
0x1df: {  	[sflag:s7] =	ssyncadd.s32 $0xFFFFF830  }
0x1e0: {  	_ =	swait.ge [sflag:s7], $0x7D0  }
0x1e1: {  	[sflag:s7] =	ssyncset.done $0x0  }
0x1e2: {  	[sflag:s7] =	ssyncadd.s32 $0xFFFFF830  }
0x1e3: {  	_ =	swait.ge [sflag:s7], $0x7D0  }
0x1e4: {  	[sflag:s7] =	ssyncset.done $0x0  }
0x1e5: {  	[sflag:s7] =	ssyncadd.s32 $0xFFFFF830  }
0x1e6: {  	_ =	swait.ge [sflag:s7], $0x7D0  }
0x1e7: {  	[sflag:s7] =	ssyncset.done $0x0  }
0x1e8: {  	[sflag:s7] =	ssyncadd.s32 $0xFFFFF830  }
0x1e9: {  	_ =	swait.ge [sflag:s7], $0x7D0  }
0x1ea: {  	[sflag:s7] =	ssyncset.done $0x0  }
0x1eb: {  	[sflag:s7] =	ssyncadd.s32 $0xFFFFF830  }
0x1ec: {  	_ =	swait.ge [sflag:s7], $0x7D0  }
0x1ed: {  	[sflag:s7] =	ssyncset.done $0x0  }
0x1ee: {  	s30 =	rddreg [dreg:$0x6];
	[sflag:s7] =	ssyncadd.s32 $0xFFFFF830  }
0x1ef: {  	[hbm4b:s30+s2] =	stream.linear.scatter [tilespmem:s31], [sflag:$0x2], $0x13880, $0x38;
	[tilespmem:$0x16080] =	vst v63  }
0x1f0: {  	s31 =	sld [smem:$0x7C8];
	_ =	sdelay $0x2  }
0x1f1: {  	p1 =	sne.s32 s31, $0x1  }
.Ltmp1:
0x1f2: {  	_ = 	snop;
	(pc) =	sbr.rel @!p1 .LBB2_6-.Ltmp1, $3  }
0x1f3: {  	_ =	sdelay $0x1  }
0x1f4: {  	p0 =	por $0x1, $0x1;
	_ =	swait.ge [sflag:s3], $0x13880  }
0x1f5: {  	s24 =	rddreg [dreg:$0x3];
	[sflag:s3] =	ssyncset.done $0x0;
	s23 =	sadd.s32 $0xFFFFFFFF, s31  }
0x1f6: {  	s8 =	simm.s32 $0x1400;
	s9 =	simm.s32 $0x2FD0  }
0x1f7: {  	s10 =	simm.s32 $0x37A0;
	s11 =	simm.s32 $0x3F70;
	s12 =	simm.s32 $0x4740  }
0x1f8: {  	s13 =	simm.s32 $0x4F10;
	s14 =	simm.s32 $0x56E0;
	s15 =	simm.s32 $0x5EB0  }
0x1f9: {  	s16 =	simm.s32 $0x8D90;
	s17 =	simm.s32 $0x9560;
	s18 =	simm.s32 $0x9D30  }
0x1fa: {  	s4 =	simm.s32 $0x10A90;
	s31 =	simm.s32 $0x11260;
	s28 =	simm.s32 $0x11A30  }
0x1fb: {  	s30 =	simm.s32 $0x12200;
	s29 =	simm.s32 $0x129D0;
	s19 =	simm.s32 $0x131A0  }
0x1fc: {  	s20 =	simm.s32 $0x13970;
	s21 =	simm.s32 $0x14140;
	s22 =	simm.s32 $0x14910  }
.LBB2_3:
0x1fd: {  	[sflag:s3] =	ssyncadd.s32 $0xFFFEC780  }
0x1fe: {  	[tilespmem:s2], [sflag:$0x2] =	stream.linear.gather [hbm4b:s24+s2], $0x1400, $0x38;
	[tilespmem:$0x16080] =	vst v63  }
0x1ff: {  	_ =	swait.ge [sflag:s3], $0x1400  }
0x200: {  	[sflag:s3] =	ssyncset.done $0x0  }
0x201: {  	s25 =	rddreg [dreg:$0x4];
	[sflag:s3] =	ssyncadd.s32 $0xFFFFEC00  }
0x202: {  	[tilespmem:s8], [sflag:$0x2] =	stream.linear.gather [hbm4b:s25+s2], $0x1400, $0x38;
	[tilespmem:$0x16080] =	vst v63  }
0x203: {  	_ =	swait.ge [sflag:s3], $0x1400  }
0x204: {  	[sflag:s3] =	ssyncset.done $0x0  }
0x205: {  	s0 =	simm.s32 $0x2800;
	[sflag:s3] =	ssyncadd.s32 $0xFFFFEC00  }
0x206: {  	[tilespmem:s0], [sflag:$0x1] =	stream.indirect.gather [hbm4b:s5+s6], $0x10, s2, s6, $0xb8;
	[tilespmem:$0x16080] =	vst v63  }
0x207: {  	s26 =	rddreg [dreg:$0x7]  }
0x208: {  	[tilespmem:s9], [sflag:$0x1] =	stream.indirect.gather [hbm4b:s5+s6], $0x10, s26, s6, $0xb8;
	[tilespmem:$0x16080] =	vst v63  }
0x209: {  	s25 =	rddreg [dreg:$0x8]  }
0x20a: {  	[tilespmem:s10], [sflag:$0x1] =	stream.indirect.gather [hbm4b:s5+s6], $0x10, s25, s6, $0xb8;
	[tilespmem:$0x16080] =	vst v63  }
0x20b: {  	s1 =	rddreg [dreg:$0x9]  }
0x20c: {  	[tilespmem:s11], [sflag:$0x1] =	stream.indirect.gather [hbm4b:s5+s6], $0x10, s1, s6, $0xb8;
	[tilespmem:$0x16080] =	vst v63  }
0x20d: {  	s2 =	rddreg [dreg:$0xa]  }
0x20e: {  	[tilespmem:s12], [sflag:$0x1] =	stream.indirect.gather [hbm4b:s5+s6], $0x10, s2, s6, $0xb8;
	[tilespmem:$0x16080] =	vst v63  }
0x20f: {  	s3 =	rddreg [dreg:$0xb]  }
0x210: {  	[tilespmem:s13], [sflag:$0x1] =	stream.indirect.gather [hbm4b:s5+s6], $0x10, s3, s6, $0xb8;
	[tilespmem:$0x16080] =	vst v63  }
0x211: {  	s26 =	rddreg [dreg:$0xc]  }
0x212: {  	[tilespmem:s14], [sflag:$0x1] =	stream.indirect.gather [hbm4b:s5+s6], $0x10, s26, s6, $0xb8;
	[tilespmem:$0x16080] =	vst v63  }
0x213: {  	s0 =	rddreg [dreg:$0xd]  }
0x214: {  	[tilespmem:s15], [sflag:$0x1] =	stream.indirect.gather [hbm4b:s5+s6], $0x10, s0, s6, $0xb8;
	[tilespmem:$0x16080] =	vst v63  }
0x215: {  	_ =	swait.ge [sflag:s7], $0x7D0  }
0x216: {  	[sflag:s7] =	ssyncset.done $0x0  }
0x217: {  	[sflag:s7] =	ssyncadd.s32 $0xFFFFF830  }
0x218: {  	_ =	swait.ge [sflag:s7], $0x7D0  }
0x219: {  	[sflag:s7] =	ssyncset.done $0x0  }
0x21a: {  	[sflag:s7] =	ssyncadd.s32 $0xFFFFF830  }
0x21b: {  	_ =	swait.ge [sflag:s7], $0x7D0  }
0x21c: {  	[sflag:s7] =	ssyncset.done $0x0  }
0x21d: {  	[sflag:s7] =	ssyncadd.s32 $0xFFFFF830  }
0x21e: {  	_ =	swait.ge [sflag:s7], $0x7D0  }
0x21f: {  	[sflag:s7] =	ssyncset.done $0x0  }
0x220: {  	[sflag:s7] =	ssyncadd.s32 $0xFFFFF830  }
0x221: {  	_ =	swait.ge [sflag:s7], $0x7D0  }
0x222: {  	[sflag:s7] =	ssyncset.done $0x0  }
0x223: {  	[sflag:s7] =	ssyncadd.s32 $0xFFFFF830  }
0x224: {  	_ =	swait.ge [sflag:s7], $0x7D0  }
0x225: {  	[sflag:s7] =	ssyncset.done $0x0  }
0x226: {  	[sflag:s7] =	ssyncadd.s32 $0xFFFFF830  }
0x227: {  	_ =	swait.ge [sflag:s7], $0x7D0  }
0x228: {  	[sflag:s7] =	ssyncset.done $0x0  }
0x229: {  	[sflag:s7] =	ssyncadd.s32 $0xFFFFF830  }
0x22a: {  	_ =	swait.ge [sflag:s7], $0x7D0  }
0x22b: {  	[sflag:s7] =	ssyncset.done $0x0  }
0x22c: {  	s3 =	simm.s32 $0x6680;
	s1 =	rddreg [dreg:$0xe];
	[sflag:s7] =	ssyncadd.s32 $0xFFFFF830  }
0x22d: {  	[tilespmem:s3], [sflag:$0x1] =	stream.indirect.gather [hbm4b:s5+s6], $0x10, s1, s6, $0xb8;
	[tilespmem:$0x16080] =	vst v63  }
0x22e: {  	s2 =	rddreg [dreg:$0xf];
	s1 =	simm.s32 $0x6E50  }
0x22f: {  	[tilespmem:s1], [sflag:$0x1] =	stream.indirect.gather [hbm4b:s5+s6], $0x10, s2, s6, $0xb8;
	[tilespmem:$0x16080] =	vst v63  }
0x230: {  	s26 =	rddreg [dreg:$0x10];
	s3 =	simm.s32 $0x7620  }
0x231: {  	[tilespmem:s3], [sflag:$0x1] =	stream.indirect.gather [hbm4b:s5+s6], $0x10, s26, s6, $0xb8;
	[tilespmem:$0x16080] =	vst v63  }
0x232: {  	s2 =	rddreg [dreg:$0x11];
	s1 =	simm.s32 $0x7DF0  }
0x233: {  	[tilespmem:s1], [sflag:$0x1] =	stream.indirect.gather [hbm4b:s5+s6], $0x10, s2, s6, $0xb8;
	[tilespmem:$0x16080] =	vst v63  }
0x234: {  	s26 =	rddreg [dreg:$0x12];
	s3 =	simm.s32 $0x85C0  }
0x235: {  	[tilespmem:s3], [sflag:$0x1] =	stream.indirect.gather [hbm4b:s5+s6], $0x10, s26, s6, $0xb8;
	[tilespmem:$0x16080] =	vst v63  }
0x236: {  	s2 =	rddreg [dreg:$0x13]  }
0x237: {  	[tilespmem:s16], [sflag:$0x1] =	stream.indirect.gather [hbm4b:s5+s6], $0x10, s2, s6, $0xb8;
	[tilespmem:$0x16080] =	vst v63  }
0x238: {  	s26 =	rddreg [dreg:$0x14]  }
0x239: {  	[tilespmem:s17], [sflag:$0x1] =	stream.indirect.gather [hbm4b:s5+s6], $0x10, s26, s6, $0xb8;
	[tilespmem:$0x16080] =	vst v63  }
0x23a: {  	s0 =	rddreg [dreg:$0x15]  }
0x23b: {  	[tilespmem:s18], [sflag:$0x1] =	stream.indirect.gather [hbm4b:s5+s6], $0x10, s0, s6, $0xb8;
	[tilespmem:$0x16080] =	vst v63  }
0x23c: {  	_ =	swait.ge [sflag:s7], $0x7D0  }
0x23d: {  	[sflag:s7] =	ssyncset.done $0x0  }
0x23e: {  	[sflag:s7] =	ssyncadd.s32 $0xFFFFF830  }
0x23f: {  	_ =	swait.ge [sflag:s7], $0x7D0  }
0x240: {  	[sflag:s7] =	ssyncset.done $0x0  }
0x241: {  	[sflag:s7] =	ssyncadd.s32 $0xFFFFF830  }
0x242: {  	_ =	swait.ge [sflag:s7], $0x7D0  }
0x243: {  	[sflag:s7] =	ssyncset.done $0x0  }
0x244: {  	[sflag:s7] =	ssyncadd.s32 $0xFFFFF830  }
0x245: {  	_ =	swait.ge [sflag:s7], $0x7D0  }
0x246: {  	[sflag:s7] =	ssyncset.done $0x0  }
0x247: {  	[sflag:s7] =	ssyncadd.s32 $0xFFFFF830  }
0x248: {  	_ =	swait.ge [sflag:s7], $0x7D0  }
0x249: {  	[sflag:s7] =	ssyncset.done $0x0  }
0x24a: {  	[sflag:s7] =	ssyncadd.s32 $0xFFFFF830  }
0x24b: {  	_ =	swait.ge [sflag:s7], $0x7D0  }
0x24c: {  	[sflag:s7] =	ssyncset.done $0x0  }
0x24d: {  	[sflag:s7] =	ssyncadd.s32 $0xFFFFF830  }
0x24e: {  	_ =	swait.ge [sflag:s7], $0x7D0  }
0x24f: {  	[sflag:s7] =	ssyncset.done $0x0  }
0x250: {  	[sflag:s7] =	ssyncadd.s32 $0xFFFFF830  }
0x251: {  	_ =	swait.ge [sflag:s7], $0x7D0  }
0x252: {  	[sflag:s7] =	ssyncset.done $0x0  }
0x253: {  	s3 =	simm.s32 $0xA500;
	s1 =	rddreg [dreg:$0x16];
	[sflag:s7] =	ssyncadd.s32 $0xFFFFF830  }
0x254: {  	[tilespmem:s3], [sflag:$0x1] =	stream.indirect.gather [hbm4b:s5+s6], $0x10, s1, s6, $0xb8;
	[tilespmem:$0x16080] =	vst v63  }
0x255: {  	s2 =	rddreg [dreg:$0x17];
	s1 =	simm.s32 $0xACD0  }
0x256: {  	[tilespmem:s1], [sflag:$0x1] =	stream.indirect.gather [hbm4b:s5+s6], $0x10, s2, s6, $0xb8;
	[tilespmem:$0x16080] =	vst v63  }
0x257: {  	s26 =	rddreg [dreg:$0x18];
	s3 =	simm.s32 $0xB4A0  }
0x258: {  	[tilespmem:s3], [sflag:$0x1] =	stream.indirect.gather [hbm4b:s5+s6], $0x10, s26, s6, $0xb8;
	[tilespmem:$0x16080] =	vst v63  }
0x259: {  	s2 =	rddreg [dreg:$0x19];
	s1 =	simm.s32 $0xBC70  }
0x25a: {  	[tilespmem:s1], [sflag:$0x1] =	stream.indirect.gather [hbm4b:s5+s6], $0x10, s2, s6, $0xb8;
	[tilespmem:$0x16080] =	vst v63  }
0x25b: {  	s26 =	rddreg [dreg:$0x1a];
	s3 =	simm.s32 $0xC440  }
0x25c: {  	[tilespmem:s3], [sflag:$0x1] =	stream.indirect.gather [hbm4b:s5+s6], $0x10, s26, s6, $0xb8;
	[tilespmem:$0x16080] =	vst v63  }
0x25d: {  	s2 =	rddreg [dreg:$0x1b];
	s1 =	simm.s32 $0xCC10  }
0x25e: {  	[tilespmem:s1], [sflag:$0x1] =	stream.indirect.gather [hbm4b:s5+s6], $0x10, s2, s6, $0xb8;
	[tilespmem:$0x16080] =	vst v63  }
0x25f: {  	s26 =	rddreg [dreg:$0x1c];
	s3 =	simm.s32 $0xD3E0  }
0x260: {  	[tilespmem:s3], [sflag:$0x1] =	stream.indirect.gather [hbm4b:s5+s6], $0x10, s26, s6, $0xb8;
	[tilespmem:$0x16080] =	vst v63  }
0x261: {  	s2 =	rddreg [dreg:$0x1d];
	s26 =	simm.s32 $0xDBB0  }
0x262: {  	[tilespmem:s26], [sflag:$0x1] =	stream.indirect.gather [hbm4b:s5+s6], $0x10, s2, s6, $0xb8;
	[tilespmem:$0x16080] =	vst v63  }
0x263: {  	_ =	swait.ge [sflag:s7], $0x7D0  }
0x264: {  	[sflag:s7] =	ssyncset.done $0x0  }
0x265: {  	[sflag:s7] =	ssyncadd.s32 $0xFFFFF830  }
0x266: {  	_ =	swait.ge [sflag:s7], $0x7D0  }
0x267: {  	[sflag:s7] =	ssyncset.done $0x0  }
0x268: {  	[sflag:s7] =	ssyncadd.s32 $0xFFFFF830  }
0x269: {  	_ =	swait.ge [sflag:s7], $0x7D0  }
0x26a: {  	[sflag:s7] =	ssyncset.done $0x0  }
0x26b: {  	[sflag:s7] =	ssyncadd.s32 $0xFFFFF830  }
0x26c: {  	_ =	swait.ge [sflag:s7], $0x7D0  }
0x26d: {  	[sflag:s7] =	ssyncset.done $0x0  }
0x26e: {  	[sflag:s7] =	ssyncadd.s32 $0xFFFFF830  }
0x26f: {  	_ =	swait.ge [sflag:s7], $0x7D0  }
0x270: {  	[sflag:s7] =	ssyncset.done $0x0  }
0x271: {  	[sflag:s7] =	ssyncadd.s32 $0xFFFFF830  }
0x272: {  	_ =	swait.ge [sflag:s7], $0x7D0  }
0x273: {  	[sflag:s7] =	ssyncset.done $0x0  }
0x274: {  	[sflag:s7] =	ssyncadd.s32 $0xFFFFF830  }
0x275: {  	_ =	swait.ge [sflag:s7], $0x7D0  }
0x276: {  	[sflag:s7] =	ssyncset.done $0x0  }
0x277: {  	[sflag:s7] =	ssyncadd.s32 $0xFFFFF830  }
0x278: {  	_ =	swait.ge [sflag:s7], $0x7D0  }
0x279: {  	s1 =	rddreg [dreg:$0x1e];
	[sflag:s7] =	ssyncset.done $0x0  }
0x27a: {  	s3 =	simm.s32 $0xE380;
	s2 =	rddreg [dreg:$0x1f];
	[sflag:s7] =	ssyncadd.s32 $0xFFFFF830  }
0x27b: {  	[tilespmem:s3], [sflag:$0x1] =	stream.indirect.gather [hbm4b:s5+s6], $0x10, s1, s6, $0xb8;
	[tilespmem:$0x16080] =	vst v63  }
0x27c: {  	s26 =	sld [smem:$0x7C9];
	s1 =	simm.s32 $0xEB50  }
0x27d: {  	[tilespmem:s1], [sflag:$0x1] =	stream.indirect.gather [hbm4b:s5+s6], $0x10, s2, s6, $0xb8;
	[tilespmem:$0x16080] =	vst v63  }
0x27e: {  	s3 =	simm.s32 $0xF320;
	s2 =	sld [smem:$0x7CA]  }
0x27f: {  	[tilespmem:s3], [sflag:$0x1] =	stream.indirect.gather [hbm4b:s5+s6], $0x10, s26, s6, $0xb8;
	[tilespmem:$0x16080] =	vst v63  }
0x280: {  	s24 =	sld [smem:$0x7CB];
	s3 =	simm.s32 $0xFAF0  }
0x281: {  	[tilespmem:s3], [sflag:$0x1] =	stream.indirect.gather [hbm4b:s5+s6], $0x10, s2, s6, $0xb8;
	[tilespmem:$0x16080] =	vst v63  }
0x282: {  	s26 =	sld [smem:$0x7CC];
	s2 =	simm.s32 $0x102C0  }
0x283: {  	[tilespmem:s2], [sflag:$0x1] =	stream.indirect.gather [hbm4b:s5+s6], $0x10, s24, s6, $0xb8;
	[tilespmem:$0x16080] =	vst v63  }
0x284: {  	s24 =	sld [smem:$0x7CD]  }
0x285: {  	[tilespmem:s4], [sflag:$0x1] =	stream.indirect.gather [hbm4b:s5+s6], $0x10, s26, s6, $0xb8;
	[tilespmem:$0x16080] =	vst v63  }
0x286: {  	s26 =	sld [smem:$0x7CE]  }
0x287: {  	[tilespmem:s31], [sflag:$0x1] =	stream.indirect.gather [hbm4b:s5+s6], $0x10, s24, s6, $0xb8;
	[tilespmem:$0x16080] =	vst v63  }
0x288: {  	_ = 	snop  }
0x289: {  	[tilespmem:s28], [sflag:$0x1] =	stream.indirect.gather [hbm4b:s5+s6], $0x10, s26, s6, $0xb8;
	[tilespmem:$0x16080] =	vst v63  }
0x28a: {  	_ =	swait.ge [sflag:s7], $0x7D0  }
0x28b: {  	[sflag:s7] =	ssyncset.done $0x0  }
0x28c: {  	[sflag:s7] =	ssyncadd.s32 $0xFFFFF830  }
0x28d: {  	_ =	swait.ge [sflag:s7], $0x7D0  }
0x28e: {  	[sflag:s7] =	ssyncset.done $0x0  }
0x28f: {  	[sflag:s7] =	ssyncadd.s32 $0xFFFFF830  }
0x290: {  	_ =	swait.ge [sflag:s7], $0x7D0  }
0x291: {  	[sflag:s7] =	ssyncset.done $0x0  }
0x292: {  	[sflag:s7] =	ssyncadd.s32 $0xFFFFF830  }
0x293: {  	_ =	swait.ge [sflag:s7], $0x7D0  }
0x294: {  	[sflag:s7] =	ssyncset.done $0x0  }
0x295: {  	[sflag:s7] =	ssyncadd.s32 $0xFFFFF830  }
0x296: {  	_ =	swait.ge [sflag:s7], $0x7D0  }
0x297: {  	[sflag:s7] =	ssyncset.done $0x0  }
0x298: {  	[sflag:s7] =	ssyncadd.s32 $0xFFFFF830  }
0x299: {  	_ =	swait.ge [sflag:s7], $0x7D0  }
0x29a: {  	[sflag:s7] =	ssyncset.done $0x0  }
0x29b: {  	[sflag:s7] =	ssyncadd.s32 $0xFFFFF830  }
0x29c: {  	_ =	swait.ge [sflag:s7], $0x7D0  }
0x29d: {  	[sflag:s7] =	ssyncset.done $0x0  }
0x29e: {  	[sflag:s7] =	ssyncadd.s32 $0xFFFFF830  }
0x29f: {  	_ =	swait.ge [sflag:s7], $0x7D0  }
0x2a0: {  	s25 =	sld [smem:$0x7CF]  }
0x2a1: {  	[sflag:s7] =	ssyncset.done $0x0  }
0x2a2: {  	s26 =	sld [smem:$0x7D0];
	[sflag:s7] =	ssyncadd.s32 $0xFFFFF830  }
0x2a3: {  	[tilespmem:s30], [sflag:$0x1] =	stream.indirect.gather [hbm4b:s5+s6], $0x10, s25, s6, $0xb8;
	[tilespmem:$0x16080] =	vst v63  }
0x2a4: {  	s24 =	sld [smem:$0x7D1]  }
0x2a5: {  	[tilespmem:s29], [sflag:$0x1] =	stream.indirect.gather [hbm4b:s5+s6], $0x10, s26, s6, $0xb8;
	[tilespmem:$0x16080] =	vst v63  }
0x2a6: {  	s26 =	sld [smem:$0x7D2]  }
0x2a7: {  	[tilespmem:s19], [sflag:$0x1] =	stream.indirect.gather [hbm4b:s5+s6], $0x10, s24, s6, $0xb8;
	[tilespmem:$0x16080] =	vst v63  }
0x2a8: {  	s24 =	sld [smem:$0x7D3]  }
0x2a9: {  	[tilespmem:s20], [sflag:$0x1] =	stream.indirect.gather [hbm4b:s5+s6], $0x10, s26, s6, $0xb8;
	[tilespmem:$0x16080] =	vst v63  }
0x2aa: {  	s26 =	sld [smem:$0x7D4]  }
0x2ab: {  	[tilespmem:s21], [sflag:$0x1] =	stream.indirect.gather [hbm4b:s5+s6], $0x10, s24, s6, $0xb8;
	[tilespmem:$0x16080] =	vst v63  }
0x2ac: {  	s24 =	sld [smem:$0x7D5]  }
0x2ad: {  	[tilespmem:s22], [sflag:$0x1] =	stream.indirect.gather [hbm4b:s5+s6], $0x10, s26, s6, $0xb8;
	[tilespmem:$0x16080] =	vst v63  }
0x2ae: {  	s25 =	sld [smem:$0x7D6];
	s26 =	simm.s32 $0x150E0  }
0x2af: {  	[tilespmem:s26], [sflag:$0x1] =	stream.indirect.gather [hbm4b:s5+s6], $0x10, s24, s6, $0xb8;
	[tilespmem:$0x16080] =	vst v63  }
0x2b0: {  	s26 =	simm.s32 $0x158B0  }
0x2b1: {  	[tilespmem:s26], [sflag:$0x1] =	stream.indirect.gather [hbm4b:s5+s6], $0x10, s25, s6, $0xb8;
	[tilespmem:$0x16080] =	vst v63  }
0x2b2: {  	_ =	swait.ge [sflag:s7], $0x7D0  }
0x2b3: {  	[sflag:s7] =	ssyncset.done $0x0  }
0x2b4: {  	[sflag:s7] =	ssyncadd.s32 $0xFFFFF830  }
0x2b5: {  	_ =	swait.ge [sflag:s7], $0x7D0  }
0x2b6: {  	[sflag:s7] =	ssyncset.done $0x0  }
0x2b7: {  	[sflag:s7] =	ssyncadd.s32 $0xFFFFF830  }
0x2b8: {  	_ =	swait.ge [sflag:s7], $0x7D0  }
0x2b9: {  	[sflag:s7] =	ssyncset.done $0x0  }
0x2ba: {  	[sflag:s7] =	ssyncadd.s32 $0xFFFFF830  }
0x2bb: {  	_ =	swait.ge [sflag:s7], $0x7D0  }
0x2bc: {  	[sflag:s7] =	ssyncset.done $0x0  }
0x2bd: {  	[sflag:s7] =	ssyncadd.s32 $0xFFFFF830  }
0x2be: {  	_ =	swait.ge [sflag:s7], $0x7D0  }
0x2bf: {  	[sflag:s7] =	ssyncset.done $0x0  }
0x2c0: {  	[sflag:s7] =	ssyncadd.s32 $0xFFFFF830  }
0x2c1: {  	_ =	swait.ge [sflag:s7], $0x7D0  }
0x2c2: {  	[sflag:s7] =	ssyncset.done $0x0  }
0x2c3: {  	[sflag:s7] =	ssyncadd.s32 $0xFFFFF830  }
0x2c4: {  	_ =	swait.ge [sflag:s7], $0x7D0  }
0x2c5: {  	[sflag:s7] =	ssyncset.done $0x0  }
0x2c6: {  	[sflag:s7] =	ssyncadd.s32 $0xFFFFF830  }
0x2c7: {  	_ =	swait.ge [sflag:s7], $0x7D0  }
0x2c8: {  	s0 =	simm.s32 $0x2;
	s1 =	simm.s32 $0x0;
	[sflag:s7] =	ssyncset.done $0x0  }
0x2c9: {  	s25 =	simm.s32 $0x2800;
	s24 =	rddreg [dreg:$0x5];
	[sflag:s7] =	ssyncadd.s32 $0xFFFFF830  }
0x2ca: {  	[hbm4b:s24+s1] =	stream.linear.scatter [tilespmem:s25], [sflag:$0x2], $0x13880, $0x38;
	[tilespmem:$0x16080] =	vst v63  }
0x2cb: {  	_ =	swait.ge [sflag:s0], $0x13880  }
0x2cc: {  	[sflag:s0] =	ssyncset.done $0x0  }
0x2cd: {  	s1 =	sld [smem:$0x7D7];
	[sflag:s0] =	ssyncadd.s32 $0xFFFEC780  }
0x2ce: {  	[tilespmem:s25], [sflag:$0x1] =	stream.indirect.gather [hbm4b:s5+s6], $0x10, s8, s6, $0xb8;
	[tilespmem:$0x16080] =	vst v63  }
0x2cf: {  	s25 =	sld [smem:$0x7D8]  }
0x2d0: {  	[tilespmem:s9], [sflag:$0x1] =	stream.indirect.gather [hbm4b:s5+s6], $0x10, s1, s6, $0xb8;
	[tilespmem:$0x16080] =	vst v63  }
0x2d1: {  	s1 =	sld [smem:$0x7D9]  }
0x2d2: {  	[tilespmem:s10], [sflag:$0x1] =	stream.indirect.gather [hbm4b:s5+s6], $0x10, s25, s6, $0xb8;
	[tilespmem:$0x16080] =	vst v63  }
0x2d3: {  	s25 =	sld [smem:$0x7DA]  }
0x2d4: {  	[tilespmem:s11], [sflag:$0x1] =	stream.indirect.gather [hbm4b:s5+s6], $0x10, s1, s6, $0xb8;
	[tilespmem:$0x16080] =	vst v63  }
0x2d5: {  	s1 =	sld [smem:$0x7DB]  }
0x2d6: {  	[tilespmem:s12], [sflag:$0x1] =	stream.indirect.gather [hbm4b:s5+s6], $0x10, s25, s6, $0xb8;
	[tilespmem:$0x16080] =	vst v63  }
0x2d7: {  	s25 =	sld [smem:$0x7DC]  }
0x2d8: {  	[tilespmem:s13], [sflag:$0x1] =	stream.indirect.gather [hbm4b:s5+s6], $0x10, s1, s6, $0xb8;
	[tilespmem:$0x16080] =	vst v63  }
0x2d9: {  	s1 =	sld [smem:$0x7DD]  }
0x2da: {  	[tilespmem:s14], [sflag:$0x1] =	stream.indirect.gather [hbm4b:s5+s6], $0x10, s25, s6, $0xb8;
	[tilespmem:$0x16080] =	vst v63  }
0x2db: {  	_ = 	snop  }
0x2dc: {  	[tilespmem:s15], [sflag:$0x1] =	stream.indirect.gather [hbm4b:s5+s6], $0x10, s1, s6, $0xb8;
	[tilespmem:$0x16080] =	vst v63  }
0x2dd: {  	_ =	swait.ge [sflag:s7], $0x7D0  }
0x2de: {  	[sflag:s7] =	ssyncset.done $0x0  }
0x2df: {  	[sflag:s7] =	ssyncadd.s32 $0xFFFFF830  }
0x2e0: {  	_ =	swait.ge [sflag:s7], $0x7D0  }
0x2e1: {  	[sflag:s7] =	ssyncset.done $0x0  }
0x2e2: {  	[sflag:s7] =	ssyncadd.s32 $0xFFFFF830  }
0x2e3: {  	_ =	swait.ge [sflag:s7], $0x7D0  }
0x2e4: {  	[sflag:s7] =	ssyncset.done $0x0  }
0x2e5: {  	[sflag:s7] =	ssyncadd.s32 $0xFFFFF830  }
0x2e6: {  	_ =	swait.ge [sflag:s7], $0x7D0  }
0x2e7: {  	[sflag:s7] =	ssyncset.done $0x0  }
0x2e8: {  	[sflag:s7] =	ssyncadd.s32 $0xFFFFF830  }
0x2e9: {  	_ =	swait.ge [sflag:s7], $0x7D0  }
0x2ea: {  	[sflag:s7] =	ssyncset.done $0x0  }
0x2eb: {  	[sflag:s7] =	ssyncadd.s32 $0xFFFFF830  }
0x2ec: {  	_ =	swait.ge [sflag:s7], $0x7D0  }
0x2ed: {  	[sflag:s7] =	ssyncset.done $0x0  }
0x2ee: {  	[sflag:s7] =	ssyncadd.s32 $0xFFFFF830  }
0x2ef: {  	_ =	swait.ge [sflag:s7], $0x7D0  }
0x2f0: {  	[sflag:s7] =	ssyncset.done $0x0  }
0x2f1: {  	[sflag:s7] =	ssyncadd.s32 $0xFFFFF830  }
0x2f2: {  	_ =	swait.ge [sflag:s7], $0x7D0  }
0x2f3: {  	s24 =	sld [smem:$0x7DE]  }
0x2f4: {  	[sflag:s7] =	ssyncset.done $0x0  }
0x2f5: {  	s1 =	simm.s32 $0x6680;
	s25 =	sld [smem:$0x7DF];
	[sflag:s7] =	ssyncadd.s32 $0xFFFFF830  }
0x2f6: {  	[tilespmem:s1], [sflag:$0x1] =	stream.indirect.gather [hbm4b:s5+s6], $0x10, s24, s6, $0xb8;
	[tilespmem:$0x16080] =	vst v63  }
0x2f7: {  	s24 =	sld [smem:$0x7E0];
	s1 =	simm.s32 $0x6E50  }
0x2f8: {  	[tilespmem:s1], [sflag:$0x1] =	stream.indirect.gather [hbm4b:s5+s6], $0x10, s25, s6, $0xb8;
	[tilespmem:$0x16080] =	vst v63  }
0x2f9: {  	s25 =	sld [smem:$0x7E1];
	s1 =	simm.s32 $0x7620  }
0x2fa: {  	[tilespmem:s1], [sflag:$0x1] =	stream.indirect.gather [hbm4b:s5+s6], $0x10, s24, s6, $0xb8;
	[tilespmem:$0x16080] =	vst v63  }
0x2fb: {  	s24 =	sld [smem:$0x7E2];
	s1 =	simm.s32 $0x7DF0  }
0x2fc: {  	[tilespmem:s1], [sflag:$0x1] =	stream.indirect.gather [hbm4b:s5+s6], $0x10, s25, s6, $0xb8;
	[tilespmem:$0x16080] =	vst v63  }
0x2fd: {  	s25 =	sld [smem:$0x7E3];
	s1 =	simm.s32 $0x85C0  }
0x2fe: {  	[tilespmem:s1], [sflag:$0x1] =	stream.indirect.gather [hbm4b:s5+s6], $0x10, s24, s6, $0xb8;
	[tilespmem:$0x16080] =	vst v63  }
0x2ff: {  	s24 =	sld [smem:$0x7E4]  }
0x300: {  	[tilespmem:s16], [sflag:$0x1] =	stream.indirect.gather [hbm4b:s5+s6], $0x10, s25, s6, $0xb8;
	[tilespmem:$0x16080] =	vst v63  }
0x301: {  	s1 =	sld [smem:$0x7E5]  }
0x302: {  	[tilespmem:s17], [sflag:$0x1] =	stream.indirect.gather [hbm4b:s5+s6], $0x10, s24, s6, $0xb8;
	[tilespmem:$0x16080] =	vst v63  }
0x303: {  	_ = 	snop  }
0x304: {  	[tilespmem:s18], [sflag:$0x1] =	stream.indirect.gather [hbm4b:s5+s6], $0x10, s1, s6, $0xb8;
	[tilespmem:$0x16080] =	vst v63  }
0x305: {  	_ =	swait.ge [sflag:s7], $0x7D0  }
0x306: {  	[sflag:s7] =	ssyncset.done $0x0  }
0x307: {  	[sflag:s7] =	ssyncadd.s32 $0xFFFFF830  }
0x308: {  	_ =	swait.ge [sflag:s7], $0x7D0  }
0x309: {  	[sflag:s7] =	ssyncset.done $0x0  }
0x30a: {  	[sflag:s7] =	ssyncadd.s32 $0xFFFFF830  }
0x30b: {  	_ =	swait.ge [sflag:s7], $0x7D0  }
0x30c: {  	[sflag:s7] =	ssyncset.done $0x0  }
0x30d: {  	[sflag:s7] =	ssyncadd.s32 $0xFFFFF830  }
0x30e: {  	_ =	swait.ge [sflag:s7], $0x7D0  }
0x30f: {  	[sflag:s7] =	ssyncset.done $0x0  }
0x310: {  	[sflag:s7] =	ssyncadd.s32 $0xFFFFF830  }
0x311: {  	_ =	swait.ge [sflag:s7], $0x7D0  }
0x312: {  	[sflag:s7] =	ssyncset.done $0x0  }
0x313: {  	[sflag:s7] =	ssyncadd.s32 $0xFFFFF830  }
0x314: {  	_ =	swait.ge [sflag:s7], $0x7D0  }
0x315: {  	[sflag:s7] =	ssyncset.done $0x0  }
0x316: {  	[sflag:s7] =	ssyncadd.s32 $0xFFFFF830  }
0x317: {  	_ =	swait.ge [sflag:s7], $0x7D0  }
0x318: {  	[sflag:s7] =	ssyncset.done $0x0  }
0x319: {  	[sflag:s7] =	ssyncadd.s32 $0xFFFFF830  }
0x31a: {  	_ =	swait.ge [sflag:s7], $0x7D0  }
0x31b: {  	s24 =	sld [smem:$0x7E6]  }
0x31c: {  	[sflag:s7] =	ssyncset.done $0x0  }
0x31d: {  	s1 =	simm.s32 $0xA500;
	s25 =	sld [smem:$0x7E7];
	[sflag:s7] =	ssyncadd.s32 $0xFFFFF830  }
0x31e: {  	[tilespmem:s1], [sflag:$0x1] =	stream.indirect.gather [hbm4b:s5+s6], $0x10, s24, s6, $0xb8;
	[tilespmem:$0x16080] =	vst v63  }
0x31f: {  	s24 =	sld [smem:$0x7E8];
	s1 =	simm.s32 $0xACD0  }
0x320: {  	[tilespmem:s1], [sflag:$0x1] =	stream.indirect.gather [hbm4b:s5+s6], $0x10, s25, s6, $0xb8;
	[tilespmem:$0x16080] =	vst v63  }
0x321: {  	s25 =	sld [smem:$0x7E9];
	s1 =	simm.s32 $0xB4A0  }
0x322: {  	[tilespmem:s1], [sflag:$0x1] =	stream.indirect.gather [hbm4b:s5+s6], $0x10, s24, s6, $0xb8;
	[tilespmem:$0x16080] =	vst v63  }
0x323: {  	s24 =	sld [smem:$0x7EA];
	s1 =	simm.s32 $0xBC70  }
0x324: {  	[tilespmem:s1], [sflag:$0x1] =	stream.indirect.gather [hbm4b:s5+s6], $0x10, s25, s6, $0xb8;
	[tilespmem:$0x16080] =	vst v63  }
0x325: {  	s25 =	sld [smem:$0x7EB];
	s1 =	simm.s32 $0xC440  }
0x326: {  	[tilespmem:s1], [sflag:$0x1] =	stream.indirect.gather [hbm4b:s5+s6], $0x10, s24, s6, $0xb8;
	[tilespmem:$0x16080] =	vst v63  }
0x327: {  	s24 =	sld [smem:$0x7EC];
	s1 =	simm.s32 $0xCC10  }
0x328: {  	[tilespmem:s1], [sflag:$0x1] =	stream.indirect.gather [hbm4b:s5+s6], $0x10, s25, s6, $0xb8;
	[tilespmem:$0x16080] =	vst v63  }
0x329: {  	s25 =	sld [smem:$0x7ED];
	s1 =	simm.s32 $0xD3E0  }
0x32a: {  	[tilespmem:s1], [sflag:$0x1] =	stream.indirect.gather [hbm4b:s5+s6], $0x10, s24, s6, $0xb8;
	[tilespmem:$0x16080] =	vst v63  }
0x32b: {  	s24 =	simm.s32 $0xDBB0  }
0x32c: {  	[tilespmem:s24], [sflag:$0x1] =	stream.indirect.gather [hbm4b:s5+s6], $0x10, s25, s6, $0xb8;
	[tilespmem:$0x16080] =	vst v63  }
0x32d: {  	_ =	swait.ge [sflag:s7], $0x7D0  }
0x32e: {  	[sflag:s7] =	ssyncset.done $0x0  }
0x32f: {  	[sflag:s7] =	ssyncadd.s32 $0xFFFFF830  }
0x330: {  	_ =	swait.ge [sflag:s7], $0x7D0  }
0x331: {  	[sflag:s7] =	ssyncset.done $0x0  }
0x332: {  	[sflag:s7] =	ssyncadd.s32 $0xFFFFF830  }
0x333: {  	_ =	swait.ge [sflag:s7], $0x7D0  }
0x334: {  	[sflag:s7] =	ssyncset.done $0x0  }
0x335: {  	[sflag:s7] =	ssyncadd.s32 $0xFFFFF830  }
0x336: {  	_ =	swait.ge [sflag:s7], $0x7D0  }
0x337: {  	[sflag:s7] =	ssyncset.done $0x0  }
0x338: {  	[sflag:s7] =	ssyncadd.s32 $0xFFFFF830  }
0x339: {  	_ =	swait.ge [sflag:s7], $0x7D0  }
0x33a: {  	[sflag:s7] =	ssyncset.done $0x0  }
0x33b: {  	[sflag:s7] =	ssyncadd.s32 $0xFFFFF830  }
0x33c: {  	_ =	swait.ge [sflag:s7], $0x7D0  }
0x33d: {  	[sflag:s7] =	ssyncset.done $0x0  }
0x33e: {  	[sflag:s7] =	ssyncadd.s32 $0xFFFFF830  }
0x33f: {  	_ =	swait.ge [sflag:s7], $0x7D0  }
0x340: {  	[sflag:s7] =	ssyncset.done $0x0  }
0x341: {  	[sflag:s7] =	ssyncadd.s32 $0xFFFFF830  }
0x342: {  	_ =	swait.ge [sflag:s7], $0x7D0  }
0x343: {  	s24 =	sld [smem:$0x7EE]  }
0x344: {  	[sflag:s7] =	ssyncset.done $0x0  }
0x345: {  	s1 =	simm.s32 $0xE380;
	s25 =	sld [smem:$0x7EF];
	[sflag:s7] =	ssyncadd.s32 $0xFFFFF830  }
0x346: {  	[tilespmem:s1], [sflag:$0x1] =	stream.indirect.gather [hbm4b:s5+s6], $0x10, s24, s6, $0xb8;
	[tilespmem:$0x16080] =	vst v63  }
0x347: {  	s24 =	sld [smem:$0x7F0];
	s1 =	simm.s32 $0xEB50  }
0x348: {  	[tilespmem:s1], [sflag:$0x1] =	stream.indirect.gather [hbm4b:s5+s6], $0x10, s25, s6, $0xb8;
	[tilespmem:$0x16080] =	vst v63  }
0x349: {  	s25 =	sld [smem:$0x7F1];
	s1 =	simm.s32 $0xF320  }
0x34a: {  	[tilespmem:s1], [sflag:$0x1] =	stream.indirect.gather [hbm4b:s5+s6], $0x10, s24, s6, $0xb8;
	[tilespmem:$0x16080] =	vst v63  }
0x34b: {  	s24 =	sld [smem:$0x7F2]  }
0x34c: {  	[tilespmem:s3], [sflag:$0x1] =	stream.indirect.gather [hbm4b:s5+s6], $0x10, s25, s6, $0xb8;
	[tilespmem:$0x16080] =	vst v63  }
0x34d: {  	s1 =	sld [smem:$0x7F3]  }
0x34e: {  	[tilespmem:s2], [sflag:$0x1] =	stream.indirect.gather [hbm4b:s5+s6], $0x10, s24, s6, $0xb8;
	[tilespmem:$0x16080] =	vst v63  }
0x34f: {  	s24 =	sld [smem:$0x7F4]  }
0x350: {  	[tilespmem:s4], [sflag:$0x1] =	stream.indirect.gather [hbm4b:s5+s6], $0x10, s1, s6, $0xb8;
	[tilespmem:$0x16080] =	vst v63  }
0x351: {  	s1 =	sld [smem:$0x7F5]  }
0x352: {  	[tilespmem:s31], [sflag:$0x1] =	stream.indirect.gather [hbm4b:s5+s6], $0x10, s24, s6, $0xb8;
	[tilespmem:$0x16080] =	vst v63  }
0x353: {  	_ = 	snop  }
0x354: {  	[tilespmem:s28], [sflag:$0x1] =	stream.indirect.gather [hbm4b:s5+s6], $0x10, s1, s6, $0xb8;
	[tilespmem:$0x16080] =	vst v63  }
0x355: {  	_ =	swait.ge [sflag:s7], $0x7D0  }
0x356: {  	[sflag:s7] =	ssyncset.done $0x0  }
0x357: {  	[sflag:s7] =	ssyncadd.s32 $0xFFFFF830  }
0x358: {  	_ =	swait.ge [sflag:s7], $0x7D0  }
0x359: {  	[sflag:s7] =	ssyncset.done $0x0  }
0x35a: {  	[sflag:s7] =	ssyncadd.s32 $0xFFFFF830  }
0x35b: {  	_ =	swait.ge [sflag:s7], $0x7D0  }
0x35c: {  	[sflag:s7] =	ssyncset.done $0x0  }
0x35d: {  	[sflag:s7] =	ssyncadd.s32 $0xFFFFF830  }
0x35e: {  	_ =	swait.ge [sflag:s7], $0x7D0  }
0x35f: {  	[sflag:s7] =	ssyncset.done $0x0  }
0x360: {  	[sflag:s7] =	ssyncadd.s32 $0xFFFFF830  }
0x361: {  	_ =	swait.ge [sflag:s7], $0x7D0  }
0x362: {  	[sflag:s7] =	ssyncset.done $0x0  }
0x363: {  	[sflag:s7] =	ssyncadd.s32 $0xFFFFF830  }
0x364: {  	_ =	swait.ge [sflag:s7], $0x7D0  }
0x365: {  	[sflag:s7] =	ssyncset.done $0x0  }
0x366: {  	[sflag:s7] =	ssyncadd.s32 $0xFFFFF830  }
0x367: {  	_ =	swait.ge [sflag:s7], $0x7D0  }
0x368: {  	[sflag:s7] =	ssyncset.done $0x0  }
0x369: {  	[sflag:s7] =	ssyncadd.s32 $0xFFFFF830  }
0x36a: {  	_ =	swait.ge [sflag:s7], $0x7D0  }
0x36b: {  	s25 =	sld [smem:$0x7F6]  }
0x36c: {  	[sflag:s7] =	ssyncset.done $0x0  }
0x36d: {  	s1 =	sld [smem:$0x7F7];
	[sflag:s7] =	ssyncadd.s32 $0xFFFFF830  }
0x36e: {  	[tilespmem:s30], [sflag:$0x1] =	stream.indirect.gather [hbm4b:s5+s6], $0x10, s25, s6, $0xb8;
	[tilespmem:$0x16080] =	vst v63  }
0x36f: {  	s24 =	sld [smem:$0x7F8]  }
0x370: {  	[tilespmem:s29], [sflag:$0x1] =	stream.indirect.gather [hbm4b:s5+s6], $0x10, s1, s6, $0xb8;
	[tilespmem:$0x16080] =	vst v63  }
0x371: {  	s1 =	sld [smem:$0x7F9]  }
0x372: {  	[tilespmem:s19], [sflag:$0x1] =	stream.indirect.gather [hbm4b:s5+s6], $0x10, s24, s6, $0xb8;
	[tilespmem:$0x16080] =	vst v63  }
0x373: {  	s24 =	sld [smem:$0x7FA]  }
0x374: {  	[tilespmem:s20], [sflag:$0x1] =	stream.indirect.gather [hbm4b:s5+s6], $0x10, s1, s6, $0xb8;
	[tilespmem:$0x16080] =	vst v63  }
0x375: {  	s1 =	sld [smem:$0x7FB]  }
0x376: {  	[tilespmem:s21], [sflag:$0x1] =	stream.indirect.gather [hbm4b:s5+s6], $0x10, s24, s6, $0xb8;
	[tilespmem:$0x16080] =	vst v63  }
0x377: {  	s24 =	sld [smem:$0x7FC]  }
0x378: {  	[tilespmem:s22], [sflag:$0x1] =	stream.indirect.gather [hbm4b:s5+s6], $0x10, s1, s6, $0xb8;
	[tilespmem:$0x16080] =	vst v63  }
0x379: {  	s25 =	sld [smem:$0x7FD];
	s1 =	simm.s32 $0x150E0  }
0x37a: {  	[tilespmem:s1], [sflag:$0x1] =	stream.indirect.gather [hbm4b:s5+s6], $0x10, s24, s6, $0xb8;
	[tilespmem:$0x16080] =	vst v63  }
0x37b: {  	_ = 	snop  }
0x37c: {  	[tilespmem:s26], [sflag:$0x1] =	stream.indirect.gather [hbm4b:s5+s6], $0x10, s25, s6, $0xb8;
	[tilespmem:$0x16080] =	vst v63  }
0x37d: {  	_ =	swait.ge [sflag:s7], $0x7D0  }
0x37e: {  	[sflag:s7] =	ssyncset.done $0x0  }
0x37f: {  	[sflag:s7] =	ssyncadd.s32 $0xFFFFF830  }
0x380: {  	_ =	swait.ge [sflag:s7], $0x7D0  }
0x381: {  	[sflag:s7] =	ssyncset.done $0x0  }
0x382: {  	[sflag:s7] =	ssyncadd.s32 $0xFFFFF830  }
0x383: {  	_ =	swait.ge [sflag:s7], $0x7D0  }
0x384: {  	[sflag:s7] =	ssyncset.done $0x0  }
0x385: {  	[sflag:s7] =	ssyncadd.s32 $0xFFFFF830  }
0x386: {  	_ =	swait.ge [sflag:s7], $0x7D0  }
0x387: {  	[sflag:s7] =	ssyncset.done $0x0  }
0x388: {  	[sflag:s7] =	ssyncadd.s32 $0xFFFFF830  }
0x389: {  	_ =	swait.ge [sflag:s7], $0x7D0  }
0x38a: {  	[sflag:s7] =	ssyncset.done $0x0  }
0x38b: {  	[sflag:s7] =	ssyncadd.s32 $0xFFFFF830  }
0x38c: {  	_ =	swait.ge [sflag:s7], $0x7D0  }
0x38d: {  	[sflag:s7] =	ssyncset.done $0x0  }
0x38e: {  	[sflag:s7] =	ssyncadd.s32 $0xFFFFF830  }
0x38f: {  	_ =	swait.ge [sflag:s7], $0x7D0  }
0x390: {  	[sflag:s7] =	ssyncset.done $0x0  }
0x391: {  	[sflag:s7] =	ssyncadd.s32 $0xFFFFF830  }
0x392: {  	p1 =	sne.s32 s23, $0x1;
	s0 =	simm.s32 $0x2800;
	_ =	swait.ge [sflag:s7], $0x7D0  }
.Ltmp2:
0x393: {  	s3 =	simm.s32 $0x2;
	[sflag:s7] =	ssyncset.done $0x0;
	(pc) =	sbr.rel @p1 .LBB2_3-.Ltmp2, $4  }
0x394: {  	s2 =	simm.s32 $0x0;
	s26 =	rddreg [dreg:$0x6];
	[sflag:s7] =	ssyncadd.s32 $0xFFFFF830  }
0x395: {  	[hbm4b:s26+s2] =	stream.linear.scatter [tilespmem:s0], [sflag:$0x2], $0x13880, $0x38;
	[tilespmem:$0x16080] =	vst v63  }
0x396: {  	_ =	swait.ge [sflag:s3], $0x13880  }
0x397: {  	s23 =	sadd.s32 $0xFFFFFFFF, s23;
	s24 =	rddreg [dreg:$0x3];
	[sflag:s3] =	ssyncset.done $0x0  }
0x398: {  	s0 =	simm.s32 $0x129D0;
	s8 =	simm.s32 $0x12200;
	s9 =	simm.s32 $0x11260  }
0x399: {  	s10 =	simm.s32 $0x11A30;
	s11 =	simm.s32 $0x10A90;
	s12 =	simm.s32 $0x102C0  }
0x39a: {  	s13 =	simm.s32 $0xFAF0;
	s14 =	simm.s32 $0xF320;
	s15 =	simm.s32 $0xEB50  }
0x39b: {  	s16 =	simm.s32 $0xE380;
	s17 =	simm.s32 $0xD3E0;
	s18 =	simm.s32 $0xDBB0  }
0x39c: {  	s19 =	simm.s32 $0xCC10;
	s20 =	simm.s32 $0xC440;
	s21 =	simm.s32 $0xA500  }
0x39d: {  	s22 =	simm.s32 $0xBC70;
	s1 =	simm.s32 $0xB4A0;
	s25 =	simm.s32 $0xACD0  }
0x39e: {  	s26 =	simm.s32 $0x6680;
	s29 =	simm.s32 $0x6E50;
	s30 =	simm.s32 $0x7620  }
0x39f: {  	s28 =	simm.s32 $0x7DF0;
	s4 =	simm.s32 $0x85C0;
	s31 =	simm.s32 $0x2800  }
.LBB2_5:
0x3a0: {  	[sflag:s3] =	ssyncadd.s32 @p0 $0xFFFEC780  }
0x3a1: {  	[tilespmem:s2], [sflag:$0x2] =	stream.linear.gather [hbm4b:s24+s2], $0x1400, $0x38;
	[tilespmem:$0x16080] =	vst v63  }
0x3a2: {  	_ =	swait.ge [sflag:s3], $0x1400  }
0x3a3: {  	[sflag:s3] =	ssyncset.done $0x0  }
0x3a4: {  	s24 =	simm.s32 $0x1400;
	s23 =	rddreg [dreg:$0x4];
	[sflag:s3] =	ssyncadd.s32 $0xFFFFEC00  }
0x3a5: {  	[tilespmem:s24], [sflag:$0x2] =	stream.linear.gather [hbm4b:s23+s2], $0x1400, $0x38;
	[tilespmem:$0x16080] =	vst v63  }
0x3a6: {  	_ =	swait.ge [sflag:s3], $0x1400  }
0x3a7: {  	[sflag:s3] =	ssyncset.done $0x0  }
0x3a8: {  	[sflag:s3] =	ssyncadd.s32 $0xFFFFEC00  }
0x3a9: {  	[tilespmem:s31], [sflag:$0x1] =	stream.indirect.gather [hbm4b:s5+s6], $0x10, s2, s6, $0xb8;
	[tilespmem:$0x16080] =	vst v63  }
0x3aa: {  	s23 =	rddreg [dreg:$0x7];
	s31 =	simm.s32 $0x2FD0  }
0x3ab: {  	[tilespmem:s31], [sflag:$0x1] =	stream.indirect.gather [hbm4b:s5+s6], $0x10, s23, s6, $0xb8;
	[tilespmem:$0x16080] =	vst v63  }
0x3ac: {  	s24 =	rddreg [dreg:$0x8];
	s31 =	simm.s32 $0x37A0  }
0x3ad: {  	[tilespmem:s31], [sflag:$0x1] =	stream.indirect.gather [hbm4b:s5+s6], $0x10, s24, s6, $0xb8;
	[tilespmem:$0x16080] =	vst v63  }
0x3ae: {  	s23 =	rddreg [dreg:$0x9];
	s31 =	simm.s32 $0x3F70  }
0x3af: {  	[tilespmem:s31], [sflag:$0x1] =	stream.indirect.gather [hbm4b:s5+s6], $0x10, s23, s6, $0xb8;
	[tilespmem:$0x16080] =	vst v63  }
0x3b0: {  	s24 =	rddreg [dreg:$0xa];
	s31 =	simm.s32 $0x4740  }
0x3b1: {  	[tilespmem:s31], [sflag:$0x1] =	stream.indirect.gather [hbm4b:s5+s6], $0x10, s24, s6, $0xb8;
	[tilespmem:$0x16080] =	vst v63  }
0x3b2: {  	s23 =	rddreg [dreg:$0xb];
	s31 =	simm.s32 $0x4F10  }
0x3b3: {  	[tilespmem:s31], [sflag:$0x1] =	stream.indirect.gather [hbm4b:s5+s6], $0x10, s23, s6, $0xb8;
	[tilespmem:$0x16080] =	vst v63  }
0x3b4: {  	s24 =	rddreg [dreg:$0xc];
	s31 =	simm.s32 $0x56E0  }
0x3b5: {  	[tilespmem:s31], [sflag:$0x1] =	stream.indirect.gather [hbm4b:s5+s6], $0x10, s24, s6, $0xb8;
	[tilespmem:$0x16080] =	vst v63  }
0x3b6: {  	s23 =	rddreg [dreg:$0xd];
	s31 =	simm.s32 $0x5EB0  }
0x3b7: {  	[tilespmem:s31], [sflag:$0x1] =	stream.indirect.gather [hbm4b:s5+s6], $0x10, s23, s6, $0xb8;
	[tilespmem:$0x16080] =	vst v63  }
0x3b8: {  	_ =	swait.ge [sflag:s7], $0x7D0  }
0x3b9: {  	[sflag:s7] =	ssyncset.done $0x0  }
0x3ba: {  	[sflag:s7] =	ssyncadd.s32 $0xFFFFF830  }
0x3bb: {  	_ =	swait.ge [sflag:s7], $0x7D0  }
0x3bc: {  	[sflag:s7] =	ssyncset.done $0x0  }
0x3bd: {  	[sflag:s7] =	ssyncadd.s32 $0xFFFFF830  }
0x3be: {  	_ =	swait.ge [sflag:s7], $0x7D0  }
0x3bf: {  	[sflag:s7] =	ssyncset.done $0x0  }
0x3c0: {  	[sflag:s7] =	ssyncadd.s32 $0xFFFFF830  }
0x3c1: {  	_ =	swait.ge [sflag:s7], $0x7D0  }
0x3c2: {  	[sflag:s7] =	ssyncset.done $0x0  }
0x3c3: {  	[sflag:s7] =	ssyncadd.s32 $0xFFFFF830  }
0x3c4: {  	_ =	swait.ge [sflag:s7], $0x7D0  }
0x3c5: {  	[sflag:s7] =	ssyncset.done $0x0  }
0x3c6: {  	[sflag:s7] =	ssyncadd.s32 $0xFFFFF830  }
0x3c7: {  	_ =	swait.ge [sflag:s7], $0x7D0  }
0x3c8: {  	[sflag:s7] =	ssyncset.done $0x0  }
0x3c9: {  	[sflag:s7] =	ssyncadd.s32 $0xFFFFF830  }
0x3ca: {  	_ =	swait.ge [sflag:s7], $0x7D0  }
0x3cb: {  	[sflag:s7] =	ssyncset.done $0x0  }
0x3cc: {  	[sflag:s7] =	ssyncadd.s32 $0xFFFFF830  }
0x3cd: {  	_ =	swait.ge [sflag:s7], $0x7D0  }
0x3ce: {  	[sflag:s7] =	ssyncset.done $0x0  }
0x3cf: {  	s23 =	rddreg [dreg:$0xe];
	[sflag:s7] =	ssyncadd.s32 $0xFFFFF830  }
0x3d0: {  	[tilespmem:s26], [sflag:$0x1] =	stream.indirect.gather [hbm4b:s5+s6], $0x10, s23, s6, $0xb8;
	[tilespmem:$0x16080] =	vst v63  }
0x3d1: {  	s24 =	rddreg [dreg:$0xf]  }
0x3d2: {  	[tilespmem:s29], [sflag:$0x1] =	stream.indirect.gather [hbm4b:s5+s6], $0x10, s24, s6, $0xb8;
	[tilespmem:$0x16080] =	vst v63  }
0x3d3: {  	s26 =	rddreg [dreg:$0x10]  }
0x3d4: {  	[tilespmem:s30], [sflag:$0x1] =	stream.indirect.gather [hbm4b:s5+s6], $0x10, s26, s6, $0xb8;
	[tilespmem:$0x16080] =	vst v63  }
0x3d5: {  	s29 =	rddreg [dreg:$0x11]  }
0x3d6: {  	[tilespmem:s28], [sflag:$0x1] =	stream.indirect.gather [hbm4b:s5+s6], $0x10, s29, s6, $0xb8;
	[tilespmem:$0x16080] =	vst v63  }
0x3d7: {  	s26 =	rddreg [dreg:$0x12]  }
0x3d8: {  	[tilespmem:s4], [sflag:$0x1] =	stream.indirect.gather [hbm4b:s5+s6], $0x10, s26, s6, $0xb8;
	[tilespmem:$0x16080] =	vst v63  }
0x3d9: {  	s30 =	simm.s32 $0x8D90;
	s28 =	rddreg [dreg:$0x13]  }
0x3da: {  	[tilespmem:s30], [sflag:$0x1] =	stream.indirect.gather [hbm4b:s5+s6], $0x10, s28, s6, $0xb8;
	[tilespmem:$0x16080] =	vst v63  }
0x3db: {  	s29 =	rddreg [dreg:$0x14];
	s28 =	simm.s32 $0x9560  }
0x3dc: {  	[tilespmem:s28], [sflag:$0x1] =	stream.indirect.gather [hbm4b:s5+s6], $0x10, s29, s6, $0xb8;
	[tilespmem:$0x16080] =	vst v63  }
0x3dd: {  	s26 =	rddreg [dreg:$0x15];
	s29 =	simm.s32 $0x9D30  }
0x3de: {  	[tilespmem:s29], [sflag:$0x1] =	stream.indirect.gather [hbm4b:s5+s6], $0x10, s26, s6, $0xb8;
	[tilespmem:$0x16080] =	vst v63  }
0x3df: {  	_ =	swait.ge [sflag:s7], $0x7D0  }
0x3e0: {  	[sflag:s7] =	ssyncset.done $0x0  }
0x3e1: {  	[sflag:s7] =	ssyncadd.s32 $0xFFFFF830  }
0x3e2: {  	_ =	swait.ge [sflag:s7], $0x7D0  }
0x3e3: {  	[sflag:s7] =	ssyncset.done $0x0  }
0x3e4: {  	[sflag:s7] =	ssyncadd.s32 $0xFFFFF830  }
0x3e5: {  	_ =	swait.ge [sflag:s7], $0x7D0  }
0x3e6: {  	[sflag:s7] =	ssyncset.done $0x0  }
0x3e7: {  	[sflag:s7] =	ssyncadd.s32 $0xFFFFF830  }
0x3e8: {  	_ =	swait.ge [sflag:s7], $0x7D0  }
0x3e9: {  	[sflag:s7] =	ssyncset.done $0x0  }
0x3ea: {  	[sflag:s7] =	ssyncadd.s32 $0xFFFFF830  }
0x3eb: {  	_ =	swait.ge [sflag:s7], $0x7D0  }
0x3ec: {  	[sflag:s7] =	ssyncset.done $0x0  }
0x3ed: {  	[sflag:s7] =	ssyncadd.s32 $0xFFFFF830  }
0x3ee: {  	_ =	swait.ge [sflag:s7], $0x7D0  }
0x3ef: {  	[sflag:s7] =	ssyncset.done $0x0  }
0x3f0: {  	[sflag:s7] =	ssyncadd.s32 $0xFFFFF830  }
0x3f1: {  	_ =	swait.ge [sflag:s7], $0x7D0  }
0x3f2: {  	[sflag:s7] =	ssyncset.done $0x0  }
0x3f3: {  	[sflag:s7] =	ssyncadd.s32 $0xFFFFF830  }
0x3f4: {  	_ =	swait.ge [sflag:s7], $0x7D0  }
0x3f5: {  	[sflag:s7] =	ssyncset.done $0x0  }
0x3f6: {  	s30 =	rddreg [dreg:$0x16];
	[sflag:s7] =	ssyncadd.s32 $0xFFFFF830  }
0x3f7: {  	[tilespmem:s21], [sflag:$0x1] =	stream.indirect.gather [hbm4b:s5+s6], $0x10, s30, s6, $0xb8;
	[tilespmem:$0x16080] =	vst v63  }
0x3f8: {  	s4 =	rddreg [dreg:$0x17]  }
0x3f9: {  	[tilespmem:s25], [sflag:$0x1] =	stream.indirect.gather [hbm4b:s5+s6], $0x10, s4, s6, $0xb8;
	[tilespmem:$0x16080] =	vst v63  }
0x3fa: {  	s21 =	rddreg [dreg:$0x18]  }
0x3fb: {  	[tilespmem:s1], [sflag:$0x1] =	stream.indirect.gather [hbm4b:s5+s6], $0x10, s21, s6, $0xb8;
	[tilespmem:$0x16080] =	vst v63  }
0x3fc: {  	s25 =	rddreg [dreg:$0x19]  }
0x3fd: {  	[tilespmem:s22], [sflag:$0x1] =	stream.indirect.gather [hbm4b:s5+s6], $0x10, s25, s6, $0xb8;
	[tilespmem:$0x16080] =	vst v63  }
0x3fe: {  	s26 =	rddreg [dreg:$0x1a]  }
0x3ff: {  	[tilespmem:s20], [sflag:$0x1] =	stream.indirect.gather [hbm4b:s5+s6], $0x10, s26, s6, $0xb8;
	[tilespmem:$0x16080] =	vst v63  }
0x400: {  	s28 =	rddreg [dreg:$0x1b]  }
0x401: {  	[tilespmem:s19], [sflag:$0x1] =	stream.indirect.gather [hbm4b:s5+s6], $0x10, s28, s6, $0xb8;
	[tilespmem:$0x16080] =	vst v63  }
0x402: {  	s29 =	rddreg [dreg:$0x1c]  }
0x403: {  	[tilespmem:s17], [sflag:$0x1] =	stream.indirect.gather [hbm4b:s5+s6], $0x10, s29, s6, $0xb8;
	[tilespmem:$0x16080] =	vst v63  }
0x404: {  	s30 =	rddreg [dreg:$0x1d]  }
0x405: {  	[tilespmem:s18], [sflag:$0x1] =	stream.indirect.gather [hbm4b:s5+s6], $0x10, s30, s6, $0xb8;
	[tilespmem:$0x16080] =	vst v63  }
0x406: {  	_ =	swait.ge [sflag:s7], $0x7D0  }
0x407: {  	[sflag:s7] =	ssyncset.done $0x0  }
0x408: {  	[sflag:s7] =	ssyncadd.s32 $0xFFFFF830  }
0x409: {  	_ =	swait.ge [sflag:s7], $0x7D0  }
0x40a: {  	[sflag:s7] =	ssyncset.done $0x0  }
0x40b: {  	[sflag:s7] =	ssyncadd.s32 $0xFFFFF830  }
0x40c: {  	_ =	swait.ge [sflag:s7], $0x7D0  }
0x40d: {  	[sflag:s7] =	ssyncset.done $0x0  }
0x40e: {  	[sflag:s7] =	ssyncadd.s32 $0xFFFFF830  }
0x40f: {  	_ =	swait.ge [sflag:s7], $0x7D0  }
0x410: {  	[sflag:s7] =	ssyncset.done $0x0  }
0x411: {  	[sflag:s7] =	ssyncadd.s32 $0xFFFFF830  }
0x412: {  	_ =	swait.ge [sflag:s7], $0x7D0  }
0x413: {  	[sflag:s7] =	ssyncset.done $0x0  }
0x414: {  	[sflag:s7] =	ssyncadd.s32 $0xFFFFF830  }
0x415: {  	_ =	swait.ge [sflag:s7], $0x7D0  }
0x416: {  	[sflag:s7] =	ssyncset.done $0x0  }
0x417: {  	[sflag:s7] =	ssyncadd.s32 $0xFFFFF830  }
0x418: {  	_ =	swait.ge [sflag:s7], $0x7D0  }
0x419: {  	[sflag:s7] =	ssyncset.done $0x0  }
0x41a: {  	[sflag:s7] =	ssyncadd.s32 $0xFFFFF830  }
0x41b: {  	_ =	swait.ge [sflag:s7], $0x7D0  }
0x41c: {  	s1 =	rddreg [dreg:$0x1e];
	[sflag:s7] =	ssyncset.done $0x0  }
0x41d: {  	s4 =	rddreg [dreg:$0x1f];
	[sflag:s7] =	ssyncadd.s32 $0xFFFFF830  }
0x41e: {  	[tilespmem:s16], [sflag:$0x1] =	stream.indirect.gather [hbm4b:s5+s6], $0x10, s1, s6, $0xb8;
	[tilespmem:$0x16080] =	vst v63  }
0x41f: {  	s17 =	sld [smem:$0x7C9]  }
0x420: {  	[tilespmem:s15], [sflag:$0x1] =	stream.indirect.gather [hbm4b:s5+s6], $0x10, s4, s6, $0xb8;
	[tilespmem:$0x16080] =	vst v63  }
0x421: {  	s18 =	sld [smem:$0x7CA]  }
0x422: {  	[tilespmem:s14], [sflag:$0x1] =	stream.indirect.gather [hbm4b:s5+s6], $0x10, s17, s6, $0xb8;
	[tilespmem:$0x16080] =	vst v63  }
0x423: {  	s19 =	sld [smem:$0x7CB]  }
0x424: {  	[tilespmem:s13], [sflag:$0x1] =	stream.indirect.gather [hbm4b:s5+s6], $0x10, s18, s6, $0xb8;
	[tilespmem:$0x16080] =	vst v63  }
0x425: {  	s20 =	sld [smem:$0x7CC]  }
0x426: {  	[tilespmem:s12], [sflag:$0x1] =	stream.indirect.gather [hbm4b:s5+s6], $0x10, s19, s6, $0xb8;
	[tilespmem:$0x16080] =	vst v63  }
0x427: {  	s21 =	sld [smem:$0x7CD]  }
0x428: {  	[tilespmem:s11], [sflag:$0x1] =	stream.indirect.gather [hbm4b:s5+s6], $0x10, s20, s6, $0xb8;
	[tilespmem:$0x16080] =	vst v63  }
0x429: {  	s22 =	sld [smem:$0x7CE]  }
0x42a: {  	[tilespmem:s9], [sflag:$0x1] =	stream.indirect.gather [hbm4b:s5+s6], $0x10, s21, s6, $0xb8;
	[tilespmem:$0x16080] =	vst v63  }
0x42b: {  	_ = 	snop  }
0x42c: {  	[tilespmem:s10], [sflag:$0x1] =	stream.indirect.gather [hbm4b:s5+s6], $0x10, s22, s6, $0xb8;
	[tilespmem:$0x16080] =	vst v63  }
0x42d: {  	_ =	swait.ge [sflag:s7], $0x7D0  }
0x42e: {  	[sflag:s7] =	ssyncset.done $0x0  }
0x42f: {  	[sflag:s7] =	ssyncadd.s32 $0xFFFFF830  }
0x430: {  	_ =	swait.ge [sflag:s7], $0x7D0  }
0x431: {  	[sflag:s7] =	ssyncset.done $0x0  }
0x432: {  	[sflag:s7] =	ssyncadd.s32 $0xFFFFF830  }
0x433: {  	_ =	swait.ge [sflag:s7], $0x7D0  }
0x434: {  	[sflag:s7] =	ssyncset.done $0x0  }
0x435: {  	[sflag:s7] =	ssyncadd.s32 $0xFFFFF830  }
0x436: {  	_ =	swait.ge [sflag:s7], $0x7D0  }
0x437: {  	[sflag:s7] =	ssyncset.done $0x0  }
0x438: {  	[sflag:s7] =	ssyncadd.s32 $0xFFFFF830  }
0x439: {  	_ =	swait.ge [sflag:s7], $0x7D0  }
0x43a: {  	[sflag:s7] =	ssyncset.done $0x0  }
0x43b: {  	[sflag:s7] =	ssyncadd.s32 $0xFFFFF830  }
0x43c: {  	_ =	swait.ge [sflag:s7], $0x7D0  }
0x43d: {  	[sflag:s7] =	ssyncset.done $0x0  }
0x43e: {  	[sflag:s7] =	ssyncadd.s32 $0xFFFFF830  }
0x43f: {  	_ =	swait.ge [sflag:s7], $0x7D0  }
0x440: {  	[sflag:s7] =	ssyncset.done $0x0  }
0x441: {  	[sflag:s7] =	ssyncadd.s32 $0xFFFFF830  }
0x442: {  	_ =	swait.ge [sflag:s7], $0x7D0  }
0x443: {  	s24 =	sld [smem:$0x7CF]  }
0x444: {  	[sflag:s7] =	ssyncset.done $0x0  }
0x445: {  	s25 =	sld [smem:$0x7D0];
	[sflag:s7] =	ssyncadd.s32 $0xFFFFF830  }
0x446: {  	[tilespmem:s8], [sflag:$0x1] =	stream.indirect.gather [hbm4b:s5+s6], $0x10, s24, s6, $0xb8;
	[tilespmem:$0x16080] =	vst v63  }
0x447: {  	s26 =	sld [smem:$0x7D1]  }
0x448: {  	[tilespmem:s0], [sflag:$0x1] =	stream.indirect.gather [hbm4b:s5+s6], $0x10, s25, s6, $0xb8;
	[tilespmem:$0x16080] =	vst v63  }
0x449: {  	s28 =	sld [smem:$0x7D2];
	s25 =	simm.s32 $0x131A0  }
0x44a: {  	[tilespmem:s25], [sflag:$0x1] =	stream.indirect.gather [hbm4b:s5+s6], $0x10, s26, s6, $0xb8;
	[tilespmem:$0x16080] =	vst v63  }
0x44b: {  	s13 =	simm.s32 $0x13970;
	s29 =	sld [smem:$0x7D3]  }
0x44c: {  	[tilespmem:s13], [sflag:$0x1] =	stream.indirect.gather [hbm4b:s5+s6], $0x10, s28, s6, $0xb8;
	[tilespmem:$0x16080] =	vst v63  }
0x44d: {  	s30 =	simm.s32 $0x14140;
	s0 =	sld [smem:$0x7D4]  }
0x44e: {  	[tilespmem:s30], [sflag:$0x1] =	stream.indirect.gather [hbm4b:s5+s6], $0x10, s29, s6, $0xb8;
	[tilespmem:$0x16080] =	vst v63  }
0x44f: {  	s14 =	sld [smem:$0x7D5];
	s29 =	simm.s32 $0x14910  }
0x450: {  	[tilespmem:s29], [sflag:$0x1] =	stream.indirect.gather [hbm4b:s5+s6], $0x10, s0, s6, $0xb8;
	[tilespmem:$0x16080] =	vst v63  }
0x451: {  	s16 =	sld [smem:$0x7D6];
	s26 =	simm.s32 $0x150E0  }
0x452: {  	[tilespmem:s26], [sflag:$0x1] =	stream.indirect.gather [hbm4b:s5+s6], $0x10, s14, s6, $0xb8;
	[tilespmem:$0x16080] =	vst v63  }
0x453: {  	s28 =	simm.s32 $0x158B0  }
0x454: {  	[tilespmem:s28], [sflag:$0x1] =	stream.indirect.gather [hbm4b:s5+s6], $0x10, s16, s6, $0xb8;
	[tilespmem:$0x16080] =	vst v63  }
0x455: {  	_ =	swait.ge [sflag:s7], $0x7D0  }
0x456: {  	[sflag:s7] =	ssyncset.done $0x0  }
0x457: {  	[sflag:s7] =	ssyncadd.s32 $0xFFFFF830  }
0x458: {  	_ =	swait.ge [sflag:s7], $0x7D0  }
0x459: {  	[sflag:s7] =	ssyncset.done $0x0  }
0x45a: {  	[sflag:s7] =	ssyncadd.s32 $0xFFFFF830  }
0x45b: {  	_ =	swait.ge [sflag:s7], $0x7D0  }
0x45c: {  	[sflag:s7] =	ssyncset.done $0x0  }
0x45d: {  	[sflag:s7] =	ssyncadd.s32 $0xFFFFF830  }
0x45e: {  	_ =	swait.ge [sflag:s7], $0x7D0  }
0x45f: {  	[sflag:s7] =	ssyncset.done $0x0  }
0x460: {  	[sflag:s7] =	ssyncadd.s32 $0xFFFFF830  }
0x461: {  	_ =	swait.ge [sflag:s7], $0x7D0  }
0x462: {  	[sflag:s7] =	ssyncset.done $0x0  }
0x463: {  	[sflag:s7] =	ssyncadd.s32 $0xFFFFF830  }
0x464: {  	_ =	swait.ge [sflag:s7], $0x7D0  }
0x465: {  	[sflag:s7] =	ssyncset.done $0x0  }
0x466: {  	[sflag:s7] =	ssyncadd.s32 $0xFFFFF830  }
0x467: {  	_ =	swait.ge [sflag:s7], $0x7D0  }
0x468: {  	[sflag:s7] =	ssyncset.done $0x0  }
0x469: {  	[sflag:s7] =	ssyncadd.s32 $0xFFFFF830  }
0x46a: {  	_ =	swait.ge [sflag:s7], $0x7D0  }
0x46b: {  	[sflag:s7] =	ssyncset.done $0x0  }
0x46c: {  	s10 =	simm.s32 $0x2800;
	s14 =	rddreg [dreg:$0x5];
	[sflag:s7] =	ssyncadd.s32 $0xFFFFF830  }
0x46d: {  	[hbm4b:s14+s2] =	stream.linear.scatter [tilespmem:s10], [sflag:$0x2], $0x13880, $0x38;
	[tilespmem:$0x16080] =	vst v63  }
0x46e: {  	_ =	swait.ge [sflag:s3], $0x13880  }
0x46f: {  	[sflag:s3] =	ssyncset.done $0x0  }
0x470: {  	s16 =	simm.s32 $0x1400;
	s23 =	sld [smem:$0x7D7];
	[sflag:s3] =	ssyncadd.s32 $0xFFFEC780  }
0x471: {  	[tilespmem:s10], [sflag:$0x1] =	stream.indirect.gather [hbm4b:s5+s6], $0x10, s16, s6, $0xb8;
	[tilespmem:$0x16080] =	vst v63  }
0x472: {  	s24 =	simm.s32 $0x2FD0;
	s14 =	sld [smem:$0x7D8]  }
0x473: {  	[tilespmem:s24], [sflag:$0x1] =	stream.indirect.gather [hbm4b:s5+s6], $0x10, s23, s6, $0xb8;
	[tilespmem:$0x16080] =	vst v63  }
0x474: {  	s16 =	sld [smem:$0x7D9];
	s24 =	simm.s32 $0x37A0  }
0x475: {  	[tilespmem:s24], [sflag:$0x1] =	stream.indirect.gather [hbm4b:s5+s6], $0x10, s14, s6, $0xb8;
	[tilespmem:$0x16080] =	vst v63  }
0x476: {  	s14 =	sld [smem:$0x7DA];
	s24 =	simm.s32 $0x3F70  }
0x477: {  	[tilespmem:s24], [sflag:$0x1] =	stream.indirect.gather [hbm4b:s5+s6], $0x10, s16, s6, $0xb8;
	[tilespmem:$0x16080] =	vst v63  }
0x478: {  	s16 =	sld [smem:$0x7DB];
	s24 =	simm.s32 $0x4740  }
0x479: {  	[tilespmem:s24], [sflag:$0x1] =	stream.indirect.gather [hbm4b:s5+s6], $0x10, s14, s6, $0xb8;
	[tilespmem:$0x16080] =	vst v63  }
0x47a: {  	s14 =	sld [smem:$0x7DC];
	s24 =	simm.s32 $0x4F10  }
0x47b: {  	[tilespmem:s24], [sflag:$0x1] =	stream.indirect.gather [hbm4b:s5+s6], $0x10, s16, s6, $0xb8;
	[tilespmem:$0x16080] =	vst v63  }
0x47c: {  	s16 =	sld [smem:$0x7DD];
	s24 =	simm.s32 $0x56E0  }
0x47d: {  	[tilespmem:s24], [sflag:$0x1] =	stream.indirect.gather [hbm4b:s5+s6], $0x10, s14, s6, $0xb8;
	[tilespmem:$0x16080] =	vst v63  }
0x47e: {  	s31 =	simm.s32 $0x5EB0  }
0x47f: {  	[tilespmem:s31], [sflag:$0x1] =	stream.indirect.gather [hbm4b:s5+s6], $0x10, s16, s6, $0xb8;
	[tilespmem:$0x16080] =	vst v63  }
0x480: {  	_ =	swait.ge [sflag:s7], $0x7D0  }
0x481: {  	[sflag:s7] =	ssyncset.done $0x0  }
0x482: {  	[sflag:s7] =	ssyncadd.s32 $0xFFFFF830  }
0x483: {  	_ =	swait.ge [sflag:s7], $0x7D0  }
0x484: {  	[sflag:s7] =	ssyncset.done $0x0  }
0x485: {  	[sflag:s7] =	ssyncadd.s32 $0xFFFFF830  }
0x486: {  	_ =	swait.ge [sflag:s7], $0x7D0  }
0x487: {  	[sflag:s7] =	ssyncset.done $0x0  }
0x488: {  	[sflag:s7] =	ssyncadd.s32 $0xFFFFF830  }
0x489: {  	_ =	swait.ge [sflag:s7], $0x7D0  }
0x48a: {  	[sflag:s7] =	ssyncset.done $0x0  }
0x48b: {  	[sflag:s7] =	ssyncadd.s32 $0xFFFFF830  }
0x48c: {  	_ =	swait.ge [sflag:s7], $0x7D0  }
0x48d: {  	[sflag:s7] =	ssyncset.done $0x0  }
0x48e: {  	[sflag:s7] =	ssyncadd.s32 $0xFFFFF830  }
0x48f: {  	_ =	swait.ge [sflag:s7], $0x7D0  }
0x490: {  	[sflag:s7] =	ssyncset.done $0x0  }
0x491: {  	[sflag:s7] =	ssyncadd.s32 $0xFFFFF830  }
0x492: {  	_ =	swait.ge [sflag:s7], $0x7D0  }
0x493: {  	[sflag:s7] =	ssyncset.done $0x0  }
0x494: {  	[sflag:s7] =	ssyncadd.s32 $0xFFFFF830  }
0x495: {  	_ =	swait.ge [sflag:s7], $0x7D0  }
0x496: {  	s24 =	sld [smem:$0x7DE]  }
0x497: {  	[sflag:s7] =	ssyncset.done $0x0  }
0x498: {  	s0 =	simm.s32 $0x6680;
	s31 =	sld [smem:$0x7DF];
	[sflag:s7] =	ssyncadd.s32 $0xFFFFF830  }
0x499: {  	[tilespmem:s0], [sflag:$0x1] =	stream.indirect.gather [hbm4b:s5+s6], $0x10, s24, s6, $0xb8;
	[tilespmem:$0x16080] =	vst v63  }
0x49a: {  	s8 =	simm.s32 $0x6E50;
	s23 =	sld [smem:$0x7E0]  }
0x49b: {  	[tilespmem:s8], [sflag:$0x1] =	stream.indirect.gather [hbm4b:s5+s6], $0x10, s31, s6, $0xb8;
	[tilespmem:$0x16080] =	vst v63  }
0x49c: {  	s1 =	simm.s32 $0x7620;
	s24 =	sld [smem:$0x7E1]  }
0x49d: {  	[tilespmem:s1], [sflag:$0x1] =	stream.indirect.gather [hbm4b:s5+s6], $0x10, s23, s6, $0xb8;
	[tilespmem:$0x16080] =	vst v63  }
0x49e: {  	s9 =	simm.s32 $0x7DF0;
	s31 =	sld [smem:$0x7E2]  }
0x49f: {  	[tilespmem:s9], [sflag:$0x1] =	stream.indirect.gather [hbm4b:s5+s6], $0x10, s24, s6, $0xb8;
	[tilespmem:$0x16080] =	vst v63  }
0x4a0: {  	s4 =	simm.s32 $0x85C0;
	s1 =	sld [smem:$0x7E3]  }
0x4a1: {  	[tilespmem:s4], [sflag:$0x1] =	stream.indirect.gather [hbm4b:s5+s6], $0x10, s31, s6, $0xb8;
	[tilespmem:$0x16080] =	vst v63  }
0x4a2: {  	s14 =	simm.s32 $0x8D90;
	s9 =	sld [smem:$0x7E4]  }
0x4a3: {  	[tilespmem:s14], [sflag:$0x1] =	stream.indirect.gather [hbm4b:s5+s6], $0x10, s1, s6, $0xb8;
	[tilespmem:$0x16080] =	vst v63  }
0x4a4: {  	s16 =	sld [smem:$0x7E5];
	s23 =	simm.s32 $0x9560  }
0x4a5: {  	[tilespmem:s23], [sflag:$0x1] =	stream.indirect.gather [hbm4b:s5+s6], $0x10, s9, s6, $0xb8;
	[tilespmem:$0x16080] =	vst v63  }
0x4a6: {  	s24 =	simm.s32 $0x9D30  }
0x4a7: {  	[tilespmem:s24], [sflag:$0x1] =	stream.indirect.gather [hbm4b:s5+s6], $0x10, s16, s6, $0xb8;
	[tilespmem:$0x16080] =	vst v63  }
0x4a8: {  	_ =	swait.ge [sflag:s7], $0x7D0  }
0x4a9: {  	[sflag:s7] =	ssyncset.done $0x0  }
0x4aa: {  	[sflag:s7] =	ssyncadd.s32 $0xFFFFF830  }
0x4ab: {  	_ =	swait.ge [sflag:s7], $0x7D0  }
0x4ac: {  	[sflag:s7] =	ssyncset.done $0x0  }
0x4ad: {  	[sflag:s7] =	ssyncadd.s32 $0xFFFFF830  }
0x4ae: {  	_ =	swait.ge [sflag:s7], $0x7D0  }
0x4af: {  	[sflag:s7] =	ssyncset.done $0x0  }
0x4b0: {  	[sflag:s7] =	ssyncadd.s32 $0xFFFFF830  }
0x4b1: {  	_ =	swait.ge [sflag:s7], $0x7D0  }
0x4b2: {  	[sflag:s7] =	ssyncset.done $0x0  }
0x4b3: {  	[sflag:s7] =	ssyncadd.s32 $0xFFFFF830  }
0x4b4: {  	_ =	swait.ge [sflag:s7], $0x7D0  }
0x4b5: {  	[sflag:s7] =	ssyncset.done $0x0  }
0x4b6: {  	[sflag:s7] =	ssyncadd.s32 $0xFFFFF830  }
0x4b7: {  	_ =	swait.ge [sflag:s7], $0x7D0  }
0x4b8: {  	[sflag:s7] =	ssyncset.done $0x0  }
0x4b9: {  	[sflag:s7] =	ssyncadd.s32 $0xFFFFF830  }
0x4ba: {  	_ =	swait.ge [sflag:s7], $0x7D0  }
0x4bb: {  	[sflag:s7] =	ssyncset.done $0x0  }
0x4bc: {  	[sflag:s7] =	ssyncadd.s32 $0xFFFFF830  }
0x4bd: {  	_ =	swait.ge [sflag:s7], $0x7D0  }
0x4be: {  	s31 =	sld [smem:$0x7E6]  }
0x4bf: {  	[sflag:s7] =	ssyncset.done $0x0  }
0x4c0: {  	s11 =	simm.s32 $0xA500;
	s1 =	sld [smem:$0x7E7];
	[sflag:s7] =	ssyncadd.s32 $0xFFFFF830  }
0x4c1: {  	[tilespmem:s11], [sflag:$0x1] =	stream.indirect.gather [hbm4b:s5+s6], $0x10, s31, s6, $0xb8;
	[tilespmem:$0x16080] =	vst v63  }
0x4c2: {  	s12 =	simm.s32 $0xACD0;
	s4 =	sld [smem:$0x7E8]  }
0x4c3: {  	[tilespmem:s12], [sflag:$0x1] =	stream.indirect.gather [hbm4b:s5+s6], $0x10, s1, s6, $0xb8;
	[tilespmem:$0x16080] =	vst v63  }
0x4c4: {  	s22 =	simm.s32 $0xB4A0;
	s9 =	sld [smem:$0x7E9]  }
0x4c5: {  	[tilespmem:s22], [sflag:$0x1] =	stream.indirect.gather [hbm4b:s5+s6], $0x10, s4, s6, $0xb8;
	[tilespmem:$0x16080] =	vst v63  }
0x4c6: {  	s21 =	simm.s32 $0xBC70;
	s11 =	sld [smem:$0x7EA]  }
0x4c7: {  	[tilespmem:s21], [sflag:$0x1] =	stream.indirect.gather [hbm4b:s5+s6], $0x10, s9, s6, $0xb8;
	[tilespmem:$0x16080] =	vst v63  }
0x4c8: {  	s20 =	simm.s32 $0xC440;
	s12 =	sld [smem:$0x7EB]  }
0x4c9: {  	[tilespmem:s20], [sflag:$0x1] =	stream.indirect.gather [hbm4b:s5+s6], $0x10, s11, s6, $0xb8;
	[tilespmem:$0x16080] =	vst v63  }
0x4ca: {  	s19 =	simm.s32 $0xCC10;
	s14 =	sld [smem:$0x7EC]  }
0x4cb: {  	[tilespmem:s19], [sflag:$0x1] =	stream.indirect.gather [hbm4b:s5+s6], $0x10, s12, s6, $0xb8;
	[tilespmem:$0x16080] =	vst v63  }
0x4cc: {  	s17 =	simm.s32 $0xD3E0;
	s16 =	sld [smem:$0x7ED]  }
0x4cd: {  	[tilespmem:s17], [sflag:$0x1] =	stream.indirect.gather [hbm4b:s5+s6], $0x10, s14, s6, $0xb8;
	[tilespmem:$0x16080] =	vst v63  }
0x4ce: {  	s18 =	simm.s32 $0xDBB0  }
0x4cf: {  	[tilespmem:s18], [sflag:$0x1] =	stream.indirect.gather [hbm4b:s5+s6], $0x10, s16, s6, $0xb8;
	[tilespmem:$0x16080] =	vst v63  }
0x4d0: {  	_ =	swait.ge [sflag:s7], $0x7D0  }
0x4d1: {  	[sflag:s7] =	ssyncset.done $0x0  }
0x4d2: {  	[sflag:s7] =	ssyncadd.s32 $0xFFFFF830  }
0x4d3: {  	_ =	swait.ge [sflag:s7], $0x7D0  }
0x4d4: {  	[sflag:s7] =	ssyncset.done $0x0  }
0x4d5: {  	[sflag:s7] =	ssyncadd.s32 $0xFFFFF830  }
0x4d6: {  	_ =	swait.ge [sflag:s7], $0x7D0  }
0x4d7: {  	[sflag:s7] =	ssyncset.done $0x0  }
0x4d8: {  	[sflag:s7] =	ssyncadd.s32 $0xFFFFF830  }
0x4d9: {  	_ =	swait.ge [sflag:s7], $0x7D0  }
0x4da: {  	[sflag:s7] =	ssyncset.done $0x0  }
0x4db: {  	[sflag:s7] =	ssyncadd.s32 $0xFFFFF830  }
0x4dc: {  	_ =	swait.ge [sflag:s7], $0x7D0  }
0x4dd: {  	[sflag:s7] =	ssyncset.done $0x0  }
0x4de: {  	[sflag:s7] =	ssyncadd.s32 $0xFFFFF830  }
0x4df: {  	_ =	swait.ge [sflag:s7], $0x7D0  }
0x4e0: {  	[sflag:s7] =	ssyncset.done $0x0  }
0x4e1: {  	[sflag:s7] =	ssyncadd.s32 $0xFFFFF830  }
0x4e2: {  	_ =	swait.ge [sflag:s7], $0x7D0  }
0x4e3: {  	[sflag:s7] =	ssyncset.done $0x0  }
0x4e4: {  	[sflag:s7] =	ssyncadd.s32 $0xFFFFF830  }
0x4e5: {  	_ =	swait.ge [sflag:s7], $0x7D0  }
0x4e6: {  	s18 =	sld [smem:$0x7EE]  }
0x4e7: {  	[sflag:s7] =	ssyncset.done $0x0  }
0x4e8: {  	s15 =	simm.s32 $0xE380;
	s19 =	sld [smem:$0x7EF];
	[sflag:s7] =	ssyncadd.s32 $0xFFFFF830  }
0x4e9: {  	[tilespmem:s15], [sflag:$0x1] =	stream.indirect.gather [hbm4b:s5+s6], $0x10, s18, s6, $0xb8;
	[tilespmem:$0x16080] =	vst v63  }
0x4ea: {  	s21 =	simm.s32 $0xEB50;
	s20 =	sld [smem:$0x7F0]  }
0x4eb: {  	[tilespmem:s21], [sflag:$0x1] =	stream.indirect.gather [hbm4b:s5+s6], $0x10, s19, s6, $0xb8;
	[tilespmem:$0x16080] =	vst v63  }
0x4ec: {  	s23 =	simm.s32 $0xF320;
	s22 =	sld [smem:$0x7F1]  }
0x4ed: {  	[tilespmem:s23], [sflag:$0x1] =	stream.indirect.gather [hbm4b:s5+s6], $0x10, s20, s6, $0xb8;
	[tilespmem:$0x16080] =	vst v63  }
0x4ee: {  	s31 =	simm.s32 $0xFAF0;
	s24 =	sld [smem:$0x7F2]  }
0x4ef: {  	[tilespmem:s31], [sflag:$0x1] =	stream.indirect.gather [hbm4b:s5+s6], $0x10, s22, s6, $0xb8;
	[tilespmem:$0x16080] =	vst v63  }
0x4f0: {  	s9 =	simm.s32 $0x102C0;
	s8 =	sld [smem:$0x7F3]  }
0x4f1: {  	[tilespmem:s9], [sflag:$0x1] =	stream.indirect.gather [hbm4b:s5+s6], $0x10, s24, s6, $0xb8;
	[tilespmem:$0x16080] =	vst v63  }
0x4f2: {  	s12 =	simm.s32 $0x10A90;
	s11 =	sld [smem:$0x7F4]  }
0x4f3: {  	[tilespmem:s12], [sflag:$0x1] =	stream.indirect.gather [hbm4b:s5+s6], $0x10, s8, s6, $0xb8;
	[tilespmem:$0x16080] =	vst v63  }
0x4f4: {  	s14 =	sld [smem:$0x7F5];
	s15 =	simm.s32 $0x11260  }
0x4f5: {  	[tilespmem:s15], [sflag:$0x1] =	stream.indirect.gather [hbm4b:s5+s6], $0x10, s11, s6, $0xb8;
	[tilespmem:$0x16080] =	vst v63  }
0x4f6: {  	s16 =	simm.s32 $0x11A30  }
0x4f7: {  	[tilespmem:s16], [sflag:$0x1] =	stream.indirect.gather [hbm4b:s5+s6], $0x10, s14, s6, $0xb8;
	[tilespmem:$0x16080] =	vst v63  }
0x4f8: {  	_ =	swait.ge [sflag:s7], $0x7D0  }
0x4f9: {  	[sflag:s7] =	ssyncset.done $0x0  }
0x4fa: {  	[sflag:s7] =	ssyncadd.s32 $0xFFFFF830  }
0x4fb: {  	_ =	swait.ge [sflag:s7], $0x7D0  }
0x4fc: {  	[sflag:s7] =	ssyncset.done $0x0  }
0x4fd: {  	[sflag:s7] =	ssyncadd.s32 $0xFFFFF830  }
0x4fe: {  	_ =	swait.ge [sflag:s7], $0x7D0  }
0x4ff: {  	[sflag:s7] =	ssyncset.done $0x0  }
0x500: {  	[sflag:s7] =	ssyncadd.s32 $0xFFFFF830  }
0x501: {  	_ =	swait.ge [sflag:s7], $0x7D0  }
0x502: {  	[sflag:s7] =	ssyncset.done $0x0  }
0x503: {  	[sflag:s7] =	ssyncadd.s32 $0xFFFFF830  }
0x504: {  	_ =	swait.ge [sflag:s7], $0x7D0  }
0x505: {  	[sflag:s7] =	ssyncset.done $0x0  }
0x506: {  	[sflag:s7] =	ssyncadd.s32 $0xFFFFF830  }
0x507: {  	_ =	swait.ge [sflag:s7], $0x7D0  }
0x508: {  	[sflag:s7] =	ssyncset.done $0x0  }
0x509: {  	[sflag:s7] =	ssyncadd.s32 $0xFFFFF830  }
0x50a: {  	_ =	swait.ge [sflag:s7], $0x7D0  }
0x50b: {  	[sflag:s7] =	ssyncset.done $0x0  }
0x50c: {  	[sflag:s7] =	ssyncadd.s32 $0xFFFFF830  }
0x50d: {  	_ =	swait.ge [sflag:s7], $0x7D0  }
0x50e: {  	s17 =	sld [smem:$0x7F6]  }
0x50f: {  	[sflag:s7] =	ssyncset.done $0x0  }
0x510: {  	s19 =	simm.s32 $0x12200;
	s18 =	sld [smem:$0x7F7];
	[sflag:s7] =	ssyncadd.s32 $0xFFFFF830  }
0x511: {  	[tilespmem:s19], [sflag:$0x1] =	stream.indirect.gather [hbm4b:s5+s6], $0x10, s17, s6, $0xb8;
	[tilespmem:$0x16080] =	vst v63  }
0x512: {  	s21 =	simm.s32 $0x129D0;
	s20 =	sld [smem:$0x7F8]  }
0x513: {  	[tilespmem:s21], [sflag:$0x1] =	stream.indirect.gather [hbm4b:s5+s6], $0x10, s18, s6, $0xb8;
	[tilespmem:$0x16080] =	vst v63  }
0x514: {  	s22 =	sld [smem:$0x7F9]  }
0x515: {  	[tilespmem:s25], [sflag:$0x1] =	stream.indirect.gather [hbm4b:s5+s6], $0x10, s20, s6, $0xb8;
	[tilespmem:$0x16080] =	vst v63  }
0x516: {  	s23 =	sld [smem:$0x7FA]  }
0x517: {  	[tilespmem:s13], [sflag:$0x1] =	stream.indirect.gather [hbm4b:s5+s6], $0x10, s22, s6, $0xb8;
	[tilespmem:$0x16080] =	vst v63  }
0x518: {  	s24 =	sld [smem:$0x7FB]  }
0x519: {  	[tilespmem:s30], [sflag:$0x1] =	stream.indirect.gather [hbm4b:s5+s6], $0x10, s23, s6, $0xb8;
	[tilespmem:$0x16080] =	vst v63  }
0x51a: {  	s25 =	sld [smem:$0x7FC]  }
0x51b: {  	[tilespmem:s29], [sflag:$0x1] =	stream.indirect.gather [hbm4b:s5+s6], $0x10, s24, s6, $0xb8;
	[tilespmem:$0x16080] =	vst v63  }
0x51c: {  	s29 =	sld [smem:$0x7FD]  }
0x51d: {  	[tilespmem:s26], [sflag:$0x1] =	stream.indirect.gather [hbm4b:s5+s6], $0x10, s25, s6, $0xb8;
	[tilespmem:$0x16080] =	vst v63  }
0x51e: {  	_ = 	snop  }
0x51f: {  	[tilespmem:s28], [sflag:$0x1] =	stream.indirect.gather [hbm4b:s5+s6], $0x10, s29, s6, $0xb8;
	[tilespmem:$0x16080] =	vst v63  }
0x520: {  	_ =	swait.ge [sflag:s7], $0x7D0  }
0x521: {  	[sflag:s7] =	ssyncset.done $0x0  }
0x522: {  	[sflag:s7] =	ssyncadd.s32 $0xFFFFF830  }
0x523: {  	_ =	swait.ge [sflag:s7], $0x7D0  }
0x524: {  	[sflag:s7] =	ssyncset.done $0x0  }
0x525: {  	[sflag:s7] =	ssyncadd.s32 $0xFFFFF830  }
0x526: {  	_ =	swait.ge [sflag:s7], $0x7D0  }
0x527: {  	[sflag:s7] =	ssyncset.done $0x0  }
0x528: {  	[sflag:s7] =	ssyncadd.s32 $0xFFFFF830  }
0x529: {  	_ =	swait.ge [sflag:s7], $0x7D0  }
0x52a: {  	[sflag:s7] =	ssyncset.done $0x0  }
0x52b: {  	[sflag:s7] =	ssyncadd.s32 $0xFFFFF830  }
0x52c: {  	_ =	swait.ge [sflag:s7], $0x7D0  }
0x52d: {  	[sflag:s7] =	ssyncset.done $0x0  }
0x52e: {  	[sflag:s7] =	ssyncadd.s32 $0xFFFFF830  }
0x52f: {  	_ =	swait.ge [sflag:s7], $0x7D0  }
0x530: {  	[sflag:s7] =	ssyncset.done $0x0  }
0x531: {  	[sflag:s7] =	ssyncadd.s32 $0xFFFFF830  }
0x532: {  	_ =	swait.ge [sflag:s7], $0x7D0  }
0x533: {  	[sflag:s7] =	ssyncset.done $0x0  }
0x534: {  	[sflag:s7] =	ssyncadd.s32 $0xFFFFF830  }
0x535: {  	_ =	swait.ge [sflag:s7], $0x7D0  }
0x536: {  	[sflag:s7] =	ssyncset.done $0x0  }
0x537: {  	s30 =	rddreg [dreg:$0x6];
	[sflag:s7] =	ssyncadd.s32 $0xFFFFF830  }
0x538: {  	[hbm4b:s30+s2] =	stream.linear.scatter [tilespmem:s10], [sflag:$0x2], $0x13880, $0x38;
	[tilespmem:$0x16080] =	vst v63  }
0x539: {  	_ =	swait.ge [sflag:s3], $0x13880  }
0x53a: {  	[sflag:s3] =	ssyncset.done $0x0  }
0x53b: {  	[sflag:s3] =	ssyncadd.s32 $0xFFFEC780  }
0x53c: {  	_ =	sfence.sel $0x180000  }
0x53d: {  	[bflag:$0x0] =	sbarrier.arrive $0xFFFF  }
0x53e: {  	_ =	strace $0x9000004D  }
0x53f: {  	s31 =	stileid.u32;
	[bflag:$0x2] =	sbarrier.arrive $0xFFFF  }
0x540: {  	p0 =	sne.s32 s31, $0x0;
	s0 =	rddreg [dreg:$0x2]  }
0x541: {  	s0 =	sadd.s32 @!p0 $0x100000, s0  }
0x542: {  	[sflag:s0] =	ssyncadd.tile.s32 @!p0 $0x1;
	_ =	shalt  }
.LBB2_6:
0x543: {  	s0 =	simm.s32 $0x129D0  }
0x544: {  	s8 =	simm.s32 $0x12200;
	s9 =	simm.s32 $0x11260;
	s10 =	simm.s32 $0x11A30  }
0x545: {  	s11 =	simm.s32 $0x10A90;
	s12 =	simm.s32 $0x102C0;
	s13 =	simm.s32 $0xFAF0  }
0x546: {  	s14 =	simm.s32 $0xF320;
	s15 =	simm.s32 $0xEB50;
	s16 =	simm.s32 $0xE380  }
.Ltmp3:
0x547: {  	s17 =	simm.s32 $0xD3E0;
	s18 =	simm.s32 $0xDBB0;
	(pc) =	sbr.rel .LBB2_5-.Ltmp3, $4  }
0x548: {  	s19 =	simm.s32 $0xCC10;
	s20 =	simm.s32 $0xC440;
	s21 =	simm.s32 $0xA500  }
0x549: {  	s22 =	simm.s32 $0xBC70;
	s1 =	simm.s32 $0xB4A0;
	s25 =	simm.s32 $0xACD0  }
0x54a: {  	s26 =	simm.s32 $0x6680;
	s29 =	simm.s32 $0x6E50;
	s30 =	simm.s32 $0x7620  }
0x54b: {  	s28 =	simm.s32 $0x7DF0;
	s4 =	simm.s32 $0x85C0;
	s31 =	simm.s32 $0x2800  }
.Lfunc_end2:
_tile_overlayer_lowered:
.L_overlay_start_2:
0x54c: {  	(tag) =	ssettag $0x2  }
0x54d: {  	s0 =	rddreg [dreg:$0x0];
	s2 =	stileid.u32  }
0x54e: {  	s1 =	rddreg [dreg:$0x1];
	p0 =	sne.s32 s2, $0x0  }
0x54f: {  	s3 =	rddreg [dreg:$0x2];
	[bflag:$0x3] =	sbarrier.arrive $0xFFFF;
	s2 =	simm.s32 @!p0 $0x1C02  }
0x550: {  	[timem:s3], [sflag:s2] =	dma.local @!p0 [hbm:s0], s1  }
0x551: {  	s0 =	simm.s32 @!p0 $0x2  }
0x552: {  	_ =	swait.ge @!p0 [sflag:s0], s1  }
0x553: {  	s1 =	ssub.s32 @!p0 $0x0, s1;
	[sflag:s0] =	ssyncset.done @!p0 $0x0  }
0x554: {  	[sflag:s0] =	ssyncadd.s32 @!p0 s1  }
0x555: {  	[bflag:$0x3] =	sbarrier.arrive $0xFFFF  }
0x556: {  	_ =	shalt  }

// kernel: kernel.8.cloned.1.call-start
scs
__scs_entry_jumppad:
0x0: {  	(pc) =	sbr.rel $0x88, $3  }
0x1: {  	(tag) =	ssettag $0x0;
	lr =	simm.s32 $0x1  }
0x2: {  	[smem:$0x3F8E] =	sst lr;
	_ =	strace $0xD0000000  }
0x3: {  	_ = 	snop  }
0x4: {  	_ = 	snop  }
0x5: {  	_ = 	snop  }
0x6: {  	_ = 	snop  }
0x7: {  	_ = 	snop  }
__scs_overlays_trampoline_lowered:
0x8: {  	[smem:$0x3F9D] =	sst s0  }
0x9: {  	[smem:$0x3F9E] =	sst s1  }
0xa: {  	[smem:$0x3F9F] =	sst s2  }
0xb: {  	[smem:$0x3FA0] =	sst s3  }
0xc: {  	[smem:$0x3FA1] =	sst s4  }
0xd: {  	[smem:$0x3FA2] =	sst s5  }
0xe: {  	[smem:$0x3FA3] =	sst s6  }
0xf: {  	[smem:$0x3FA4] =	sst s7  }
0x10: {  	[smem:$0x3FA5] =	sst s8  }
0x11: {  	[smem:$0x3FA6] =	sst s9;
	s0 =	simm.s32 @!p0 $0x0  }
0x12: {  	s1 =	sld [smem:$0x3F8C];
	s0 =	simm.s32 @p0 $0x1  }
0x13: {  	[smem:$0x3FA7] =	sst s0;
	s0 =	simm.s32 @!p1 $0x0  }
0x14: {  	s2 =	sld [smem:$0x3F8B];
	s0 =	simm.s32 @p1 $0x1  }
0x15: {  	[smem:$0x3FA8] =	sst s0;
	s0 =	simm.s32 @!p2 $0x0  }
0x16: {  	s3 =	sld [smem:$0x3FDB];
	s0 =	simm.s32 @p2 $0x1  }
0x17: {  	s4 =	simm.s32 $0x1BF5;
	[smem:$0x3FAA] =	sst s0  }
0x18: {  	s0 =	sld [smem:$0x3F8D];
	_ =	swait.ge [sflag:s4], $0x0  }
0x19: {  	s7 =	sld [smem:$0x3F8E]  }
0x1a: {  	s8 =	sadd.s32 $0xFFFFE003, lr  }
0x1b: {  	s9 =	sadd.s32 $0xFFFFFEF7, lr;
	s5 =	simm.s32 $0xFFFFFFFF;
	p2 =	slt.u32 s8, $0xFFFFF086  }
0x1c: {  	p1 =	slt.u32 s9, $0xF7A;
	s5 =	simm.s32 @!p2 $0x0  }
0x1d: {  	s5 =	simm.s32 @p1 $0x1;
	p0 =	seq.s32 s7, s2  }
0x1e: {  	s7 =	smul.u32 @!p0 $0xF7A, s2;
	p2 =	seq.s32 @!p0 s5, $0x0  }
0x1f: {  	s9 =	smul.u32 $0xF7A, s1;
	s8 =	simm.s32 @!p0 $0x1BF5;
	p2 =	por !p2, p0  }
0x20: {  	[sflag:s8] =	ssyncset.s32 @!p0 $0xFFFFF086;
	s6 =	sadd.s32 @!p0 s3, s7;
	s7 =	simm.s32 @!p0 $0x108  }
0x21: {  	s3 =	sadd.s32 s3, s9;
	s6 =	sadd.s32 @!p0 $0x88, s6;
	s7 =	simm.s32 @p2 $0x1082  }
0x22: {  	[simem:s7], [sflag:s8] =	dma.local @!p0 [hbm:s6], $0xF7A  }
0x23: {  	s9 =	sor.u32 $0xD0000000, s2;
	s6 =	simm.s32 $0x108;
	_ =	swait.ge @!p0 [sflag:s8], $0x0  }
0x24: {  	s3 =	sadd.s32 $0x88, s3;
	s6 =	simm.s32 @!p1 $0x1082;
	[sflag:s4] =	ssyncset.s32 $0xFFFFF086  }
0x25: {  	[simem:s6], [sflag:s4] =	dma.local [hbm:s3], $0xF7A  }
0x26: {  	[smem:$0x3F8E] =	sst s1;
	(tag) =	ssettag s2;
	_ =	strace s9  }
0x27: {  	s1 =	sld [smem:$0x3F9E]  }
0x28: {  	s2 =	sld [smem:$0x3F9F]  }
0x29: {  	s4 =	sld [smem:$0x3FA1]  }
0x2a: {  	p0 =	seq.s32 s5, $0x0;
	s5 =	sld [smem:$0x3FA2]  }
0x2b: {  	s6 =	sld [smem:$0x3FA3]  }
0x2c: {  	s7 =	sld [smem:$0x3FA4]  }
0x2d: {  	s3 =	simm.s32 $0x108;
	s8 =	sld [smem:$0x3FA5]  }
0x2e: {  	s3 =	simm.s32 @!p0 $0x1082;
	s9 =	sld [smem:$0x3FA6]  }
0x2f: {  	lr =	sadd.s32 s0, s3;
	s0 =	sld [smem:$0x3F9D]  }
0x30: {  	s3 =	sld [smem:$0x3FA0]  }
0x31: {  	[smem:$0x3FA9] =	sst s10  }
0x32: {  	s10 =	sld [smem:$0x3FA7];
	_ =	sdelay $0x3  }
0x33: {  	p0 =	seq.s32 s10, $0x1;
	s10 =	sld [smem:$0x3FA9];
	_ =	sdelay $0x3  }
0x34: {  	[smem:$0x3FA9] =	sst s10  }
0x35: {  	s10 =	sld [smem:$0x3FA8];
	_ =	sdelay $0x3  }
0x36: {  	p1 =	seq.s32 s10, $0x1;
	s10 =	sld [smem:$0x3FA9];
	_ =	sdelay $0x3  }
0x37: {  	[smem:$0x3FA9] =	sst s10  }
0x38: {  	s10 =	sld [smem:$0x3FAA]  }
0x39: {  	_ = 	snop;
	(pc) =	sbr.ind lr, $3  }
0x3a: {  	_ = 	snop  }
0x3b: {  	_ = 	snop  }
0x3c: {  	p2 =	seq.s32 s10, $0x1;
	s10 =	sld [smem:$0x3FA9]  }
0x3d: {  	_ =	shalt  }
0x3e: {  	_ =	shalt  }
0x3f: {  	_ =	shalt  }
0x40: {  	_ =	shalt  }
0x41: {  	_ =	shalt  }
0x42: {  	_ =	shalt  }
0x43: {  	_ =	shalt  }
0x44: {  	_ =	shalt  }
0x45: {  	_ =	shalt  }
0x46: {  	_ =	shalt  }
0x47: {  	_ =	shalt  }
0x48: {  	_ =	shalt  }
0x49: {  	_ =	shalt  }
0x4a: {  	_ =	shalt  }
0x4b: {  	_ =	shalt  }
0x4c: {  	_ =	shalt  }
0x4d: {  	_ =	shalt  }
0x4e: {  	_ =	shalt  }
0x4f: {  	_ =	shalt  }
0x50: {  	_ =	shalt  }
0x51: {  	_ =	shalt  }
0x52: {  	_ =	shalt  }
0x53: {  	_ =	shalt  }
0x54: {  	_ =	shalt  }
0x55: {  	_ =	shalt  }
0x56: {  	_ =	shalt  }
0x57: {  	_ =	shalt  }
0x58: {  	_ =	shalt  }
0x59: {  	_ =	shalt  }
0x5a: {  	_ =	shalt  }
0x5b: {  	_ =	shalt  }
0x5c: {  	_ =	shalt  }
0x5d: {  	_ =	shalt  }
0x5e: {  	_ =	shalt  }
0x5f: {  	_ =	shalt  }
0x60: {  	_ =	shalt  }
0x61: {  	_ =	shalt  }
0x62: {  	_ =	shalt  }
0x63: {  	_ =	shalt  }
0x64: {  	_ =	shalt  }
0x65: {  	_ =	shalt  }
0x66: {  	_ =	shalt  }
0x67: {  	_ =	shalt  }
0x68: {  	_ =	shalt  }
0x69: {  	_ =	shalt  }
0x6a: {  	_ =	shalt  }
0x6b: {  	_ =	shalt  }
0x6c: {  	_ =	shalt  }
0x6d: {  	_ =	shalt  }
0x6e: {  	_ =	shalt  }
0x6f: {  	_ =	shalt  }
0x70: {  	_ =	shalt  }
0x71: {  	_ =	shalt  }
0x72: {  	_ =	shalt  }
0x73: {  	_ =	shalt  }
0x74: {  	_ =	shalt  }
0x75: {  	_ =	shalt  }
0x76: {  	_ =	shalt  }
0x77: {  	_ =	shalt  }
0x78: {  	_ =	shalt  }
0x79: {  	_ =	shalt  }
0x7a: {  	_ =	shalt  }
0x7b: {  	_ =	shalt  }
0x7c: {  	_ =	shalt  }
0x7d: {  	_ =	shalt  }
0x7e: {  	_ =	shalt  }
0x7f: {  	_ =	shalt  }
0x80: {  	_ =	shalt  }
0x81: {  	_ =	shalt  }
0x82: {  	_ =	shalt  }
0x83: {  	_ =	shalt  }
0x84: {  	_ =	shalt  }
0x85: {  	_ =	shalt  }
0x86: {  	_ =	shalt  }
0x87: {  	_ =	shalt  }
.Lfunc_end0:
.L_simem_size_0:
called_computation_lowered:
.L_overlay_start_0:
0x88: {  	s2 =	sld [smem:$0x3FD9]  }
0x89: {  	s3 =	sld [smem:$0x3FFE];
	_ =	sdelay $0x1  }
0x8a: {  	s1 =	srdreg.scid  }
0x8b: {  	s0 =	sand.u32 $0x1, s1  }
0x8c: {  	s14 =	sshll.u32 s0, $0xA;
	s2 =	sadd.s32 s3, s2  }
0x8d: {  	s2 =	sadd.s32 s2, s14  }
0x8e: {  	[smem:$0x3FB5] =	sst s2  }
0x8f: {  	_ = 	snop  }
0x90: {  	s2 =	sld [smem:$0x3FD0];
	_ =	sdelay $0x2  }
0x91: {  	s15 =	simm.s32 $0xA;
	s4 =	simm.s32 $0x10  }
0x92: {  	[smem:s4], [sflag:s15] =	dma.local [hbm:s2], $0x1  }
0x93: {  	_ =	swait.eq [sflag:s15], $0x1  }
0x94: {  	[sflag:s15] =	ssyncset.done $0x0  }
0x95: {  	s16 =	sld [smem:$0x10];
	[sflag:s15] =	ssyncadd.s32 $0xFFFFFFFF  }
0x96: {  	s17 =	sld [smem:$0x11];
	(tm) =	ssettm $0x1  }
0x97: {  	s18 =	sld [smem:$0x3FFB];
	_ =	sdelay $0x3  }
0x98: {  	_ =	strace s18  }
0x99: {  	s4 =	sld [smem:$0x3FFC];
	_ =	sdelay $0x3  }
0x9a: {  	_ =	strace s4  }
0x9b: {  	s4 =	sld [smem:$0x3FFD];
	_ =	sdelay $0x3  }
0x9c: {  	_ =	strace s4  }
0x9d: {  	_ =	strace $0x8FFFFFFF  }
0x9e: {  	s19 =	sld [smem:$0x3FDB];
	_ =	sdelay $0x1  }
0x9f: {  	s5 =	simm.s32 $_scs_section_size  }
0xa0: {  	s6 =	simm.s32 $_size__tile_overlayer_lowered;
	s7 =	simm.s32 $_tile_overlayer_lowered  }
0xa1: {  	s22 =	simm.s32 $0x1BFF;
	s21 =	sshll.u32 s7, $0x1;
	s4 =	sadd.s32 s5, s19  }
0xa2: {  	s8 =	simm.s32 $0x0;
	s20 =	sshll.u32 s6, $0x1;
	s6 =	sadd.s32 s21, s4  }
0xa3: {  	[timem:s8], [sflag:s22] =	dma.local [hbm:s6], s20  }
0xa4: {  	_ =	swait.ge [sflag:s22], s20  }
0xa5: {  	s5 =	ssub.s32 $0x0, s20;
	[sflag:s22] =	ssyncset.done $0x0  }
0xa6: {  	[sflag:s22] =	ssyncadd.s32 s5;
	_ =	sdelay $0x1  }
0xa7: {  	s23 =	simm.s32 $0x1B8B  }
0xa8: {  	_ =	swait.ge [sflag:s23], $0x1  }
0xa9: {  	[sflag:s23] =	ssyncset.done $0x0  }
0xaa: {  	s25 =	simm.s32 $0x1B8E;
	s24 =	sld [smem:$0x3FFE];
	[sflag:s23] =	ssyncadd.s32 $0xFFFFFFFF  }
0xab: {  	s26 =	simm.s32 $execute0_lowered;
	[smem:$0x3FD2] =	sst s25  }
0xac: {  	s6 =	sshll.u32 s26, $0x1;
	_ =	strace $0x80000046;
	[dreg:$0x1] =	wrdreg $0xFFFFFFFF  }
0xad: {  	s28 =	simm.s32 $_size_execute0_lowered;
	s4 =	sadd.s32 s4, s6;
	[dreg:$0x0] =	wrdreg $0x0  }
0xae: {  	s6 =	sshll.u32 s28, $0x1;
	[dreg:$0x2] =	wrdreg s4  }
0xaf: {  	[dreg:$0x3] =	wrdreg s6  }
0xb0: {  	[dreg:$0x4] =	wrdreg $0xC0  }
0xb1: {  	_ =	task [dreg:s8], $0x5FFFF  }
0xb2: {  	[dreg:$0x1] =	wrdreg $0xFFFFFFFF  }
0xb3: {  	[dreg:$0x0] =	wrdreg $0x60  }
0xb4: {  	[dreg:$0x2] =	wrdreg s16  }
0xb5: {  	[dreg:$0x3] =	wrdreg s24  }
0xb6: {  	[dreg:$0x4] =	wrdreg s17  }
0xb7: {  	[dreg:$0x5] =	wrdreg $0x9  }
0xb8: {  	_ =	task.clear_ibuf [dreg:s8], $0x6FFFF;
	_ =	strace $0x90000046  }
0xb9: {  	s29 =	simm.s32 $0x9;
	_ =	strace $0x80000048  }
0xba: {  	_ =	swait.ge [sflag:s29], $0x1  }
0xbb: {  	[sflag:s29] =	ssyncadd.s32 $0xFFFFFFFF  }
0xbc: {  	_ =	strace $0x90000048  }
0xbd: {  	_ =	sfence  }
0xbe: {  	s30 =	sld [smem:$0x0];
	_ =	sdelay $0x2  }
0xbf: {  	s31 =	sshll.u32 s1, $0xD;
	s1 =	sshrl.u32 s1, $0x2  }
0xc0: {  	s3 =	sand.u32 $0x4000, s31;
	s1 =	sadd.s32 s1, s30  }
0xc1: {  	s0 =	sor.u32 s3, s0;
	s1 =	sshll.u32 s1, $0x11  }
0xc2: {  	s0 =	sor.u32 s1, s0  }
0xc3: {  	s0 =	sadd.s32 $0x8F2B, s0  }
0xc4: {  	[sflag:s0] =	ssyncadd.remote.s32 $0x1  }
0xc5: {  	_ =	sfence.sel $0xFFFF  }
0xc6: {  	[dreg:$0x0] =	wrdreg $0xFFFFFFFF;
	(pc) =	sbr.abs _section_cstart, $3  }
0xc7: {  	[dreg:$0x1] =	wrdreg $0xFFFFFFFF  }
0xc8: {  	_ =	task.clear_ibuf [dreg:s8], $0x2FFFF;
	_ =	strace $0x9FFFFFFF  }
0xc9: {  	(tm) =	ssettm $0x7FFFFFFF  }
tec
execute0_lowered:
.L_overlay_start_1:
0x0: {  	(tag) =	ssettag $0x1  }
0x1: {  	s1 =	srdreg.scid  }
0x2: {  	s0 =	stileid.u32;
	s3 =	rddreg [dreg:$0x0]  }
0x3: {  	s4 =	rddreg [dreg:$0x1];
	s1 =	sand.u32 $0x1, s1;
	s2 =	sshll.u32 s0, $0x1  }
0x4: {  	s6 =	rddreg [dreg:$0x2];
	s5 =	sor.u32 s1, s2;
	s2 =	simm.s32 $0x0  }
0x5: {  	s16 =	simm.s32 $0x80;
	[smem:$0x7FF] =	sst s2  }
0x6: {  	s17 =	simm.s32 $0x1BD0;
	_ =	strace $0x80000047;
	[dreg:$0x6] =	wrdreg s16  }
0x7: {  	s18 =	simm.s32 $0x100;
	[dreg:$0x7] =	wrdreg s17  }
0x8: {  	s19 =	simm.s32 $0x23A0;
	[dreg:$0x8] =	wrdreg s18  }
0x9: {  	s20 =	simm.s32 $0x180;
	[dreg:$0x9] =	wrdreg s19  }
0xa: {  	s21 =	simm.s32 $0x2B70;
	[dreg:$0xa] =	wrdreg s20  }
0xb: {  	s22 =	simm.s32 $0x200;
	[dreg:$0xb] =	wrdreg s21  }
0xc: {  	s23 =	simm.s32 $0x3340;
	[dreg:$0xc] =	wrdreg s22  }
0xd: {  	s24 =	simm.s32 $0x280;
	[dreg:$0xd] =	wrdreg s23  }
0xe: {  	s25 =	simm.s32 $0x3B10;
	[dreg:$0xe] =	wrdreg s24  }
0xf: {  	s26 =	simm.s32 $0x300;
	[dreg:$0xf] =	wrdreg s25  }
0x10: {  	s0 =	simm.s32 $0x42E0;
	[dreg:$0x10] =	wrdreg s26  }
0x11: {  	s8 =	simm.s32 $0x5280;
	[dreg:$0x11] =	wrdreg s0  }
0x12: {  	s9 =	simm.s32 $0x480;
	[dreg:$0x15] =	wrdreg s8  }
0x13: {  	s10 =	simm.s32 $0x5A50;
	[dreg:$0x16] =	wrdreg s9  }
0x14: {  	s11 =	simm.s32 $0x500;
	[dreg:$0x17] =	wrdreg s10  }
0x15: {  	s12 =	simm.s32 $0x6220;
	[dreg:$0x18] =	wrdreg s11  }
0x16: {  	s13 =	simm.s32 $0x580;
	[dreg:$0x19] =	wrdreg s12  }
0x17: {  	s14 =	simm.s32 $0x69F0;
	[dreg:$0x1a] =	wrdreg s13  }
0x18: {  	[dreg:$0x1b] =	wrdreg s14;
	s16 =	simm.s32 $0x71C0  }
0x19: {  	s17 =	simm.s32 $0x680;
	[dreg:$0x1d] =	wrdreg s16  }
0x1a: {  	s18 =	simm.s32 $0x7990;
	[dreg:$0x1e] =	wrdreg s17  }
0x1b: {  	s19 =	simm.s32 $0x700;
	[dreg:$0x1f] =	wrdreg s18  }
0x1c: {  	s20 =	simm.s32 $0x8160;
	[smem:$0x7E1] =	sst s19  }
0x1d: {  	s21 =	simm.s32 $0x780;
	[smem:$0x7E2] =	sst s20  }
0x1e: {  	s22 =	simm.s32 $0x8930;
	[smem:$0x7E4] =	sst s21  }
0x1f: {  	s23 =	simm.s32 $0x800;
	[smem:$0x7E3] =	sst s22  }
0x20: {  	s24 =	simm.s32 $0x9100;
	[smem:$0x7E9] =	sst s23  }
0x21: {  	s25 =	simm.s32 $0x880;
	[smem:$0x7EB] =	sst s24  }
0x22: {  	s26 =	simm.s32 $0x98D0;
	[smem:$0x7E8] =	sst s25  }
0x23: {  	s0 =	simm.s32 $0x900;
	[smem:$0x7E7] =	sst s26  }
0x24: {  	s8 =	simm.s32 $0xA00;
	[smem:$0x7E6] =	sst s0  }
0x25: {  	s9 =	simm.s32 $0xB040;
	[smem:$0x7F0] =	sst s8  }
0x26: {  	s10 =	simm.s32 $0xA80;
	[smem:$0x7EE] =	sst s9  }
0x27: {  	s11 =	simm.s32 $0xB810;
	[smem:$0x7F1] =	sst s10  }
0x28: {  	s7 =	smul.u32 $0x280, s5;
	s12 =	simm.s32 $0xB00;
	[smem:$0x7ED] =	sst s11  }
0x29: {  	s5 =	smul.u32 $0x2710, s5;
	s13 =	simm.s32 $0xBFE0;
	[smem:$0x7F2] =	sst s12  }
0x2a: {  	s14 =	simm.s32 $0xB80;
	[smem:$0x7E5] =	sst s13  }
0x2b: {  	s15 =	sadd.s32 s6, s5;
	[smem:$0x7F4] =	sst s14  }
0x2c: {  	s5 =	simm.s32 $0x380;
	[dreg:$0x5] =	wrdreg s15  }
0x2d: {  	s6 =	simm.s32 $0x4AB0;
	[dreg:$0x12] =	wrdreg s5  }
0x2e: {  	s4 =	sadd.s32 s7, s4;
	s7 =	simm.s32 $0x400;
	[dreg:$0x13] =	wrdreg s6  }
0x2f: {  	s16 =	simm.s32 $0xC00;
	[dreg:$0x14] =	wrdreg s7  }
0x30: {  	s17 =	simm.s32 $0xCF80;
	[smem:$0x7F5] =	sst s16  }
0x31: {  	s18 =	simm.s32 $0xC80;
	[smem:$0x7F6] =	sst s17  }
0x32: {  	s19 =	simm.s32 $0xD750;
	[smem:$0x7F9] =	sst s18  }
0x33: {  	s20 =	simm.s32 $0xD00;
	[smem:$0x7F7] =	sst s19  }
0x34: {  	s21 =	simm.s32 $0xDF20;
	[smem:$0x7FA] =	sst s20  }
0x35: {  	s22 =	simm.s32 $0xD80;
	[smem:$0x7F8] =	sst s21  }
0x36: {  	s23 =	simm.s32 $0xE6F0;
	[smem:$0x7FC] =	sst s22  }
0x37: {  	s25 =	simm.s32 $0xE00;
	[smem:$0x7FB] =	sst s23  }
0x38: {  	s4 =	sadd.s32 $0x4200, s4;
	[smem:$0x7FD] =	sst s25  }
0x39: {  	s15 =	simm.s32 $0x600;
	[dreg:$0x4] =	wrdreg s4  }
0x3a: {  	s5 =	simm.s32 $0xA0A0;
	[dreg:$0x1c] =	wrdreg s15  }
0x3b: {  	s6 =	simm.s32 $0x980;
	[smem:$0x7EA] =	sst s5  }
0x3c: {  	s7 =	simm.s32 $0xA870;
	[smem:$0x7EF] =	sst s6  }
0x3d: {  	[smem:$0x7EC] =	sst s7;
	s15 =	simm.s32 $0xC7B0  }
0x3e: {  	[smem:$0x7F3] =	sst s15  }
0x3f: {  	s4 =	simm.s32 $0x2;
	s24 =	rddreg [dreg:$0x4]  }
0x40: {  	[tilespmem:s2], [sflag:$0x2] =	stream.linear.gather [hbm4b:s24+s2], $0x1400, $0x38;
	[tilespmem:$0x14C80] =	vst v63  }
0x41: {  	_ =	swait.ge [sflag:s4], $0x1400  }
0x42: {  	s26 =	rddreg [dreg:$0xa]  }
0x43: {  	s8 =	rddreg [dreg:$0xf]  }
0x44: {  	s9 =	rddreg [dreg:$0xb]  }
0x45: {  	s10 =	rddreg [dreg:$0x8]  }
0x46: {  	s11 =	rddreg [dreg:$0x6]  }
0x47: {  	s7 =	simm.s32 $0x7D;
	s12 =	rddreg [dreg:$0x9];
	[sflag:s4] =	ssyncset.done $0x0  }
0x48: {  	s5 =	simm.s32 $0x1400;
	s13 =	rddreg [dreg:$0x7];
	[sflag:s4] =	ssyncadd.s32 $0xFFFFEC00  }
0x49: {  	[tilespmem:s5], [sflag:$0x1] =	stream.indirect.gather [hbm4b:s3+s7], $0x10, s2, s7, $0xb8;
	[tilespmem:$0x14C80] =	vst v63  }
0x4a: {  	s14 =	rddreg [dreg:$0xd]  }
0x4b: {  	[tilespmem:s13], [sflag:$0x1] =	stream.indirect.gather [hbm4b:s3+s7], $0x10, s11, s7, $0xb8;
	[tilespmem:$0x14C80] =	vst v63  }
0x4c: {  	s15 =	rddreg [dreg:$0xc]  }
0x4d: {  	[tilespmem:s12], [sflag:$0x1] =	stream.indirect.gather [hbm4b:s3+s7], $0x10, s10, s7, $0xb8;
	[tilespmem:$0x14C80] =	vst v63  }
0x4e: {  	s0 =	rddreg [dreg:$0xe]  }
0x4f: {  	[tilespmem:s9], [sflag:$0x1] =	stream.indirect.gather [hbm4b:s3+s7], $0x10, s26, s7, $0xb8;
	[tilespmem:$0x14C80] =	vst v63  }
0x50: {  	s16 =	rddreg [dreg:$0x12]  }
0x51: {  	[tilespmem:s14], [sflag:$0x1] =	stream.indirect.gather [hbm4b:s3+s7], $0x10, s15, s7, $0xb8;
	[tilespmem:$0x14C80] =	vst v63  }
0x52: {  	s13 =	rddreg [dreg:$0x10]  }
0x53: {  	[tilespmem:s8], [sflag:$0x1] =	stream.indirect.gather [hbm4b:s3+s7], $0x10, s0, s7, $0xb8;
	[tilespmem:$0x14C80] =	vst v63  }
0x54: {  	s12 =	rddreg [dreg:$0x11]  }
0x55: {  	[tilespmem:s12], [sflag:$0x1] =	stream.indirect.gather [hbm4b:s3+s7], $0x10, s13, s7, $0xb8;
	[tilespmem:$0x14C80] =	vst v63  }
0x56: {  	s6 =	simm.s32 $0x1;
	s17 =	rddreg [dreg:$0x13]  }
0x57: {  	[tilespmem:s17], [sflag:$0x1] =	stream.indirect.gather [hbm4b:s3+s7], $0x10, s16, s7, $0xb8;
	[tilespmem:$0x14C80] =	vst v63  }
0x58: {  	_ =	swait.ge [sflag:s6], $0x7D0  }
0x59: {  	[sflag:s6] =	ssyncset.done $0x0  }
0x5a: {  	[sflag:s6] =	ssyncadd.s32 $0xFFFFF830  }
0x5b: {  	_ =	swait.ge [sflag:s6], $0x7D0  }
0x5c: {  	[sflag:s6] =	ssyncset.done $0x0  }
0x5d: {  	[sflag:s6] =	ssyncadd.s32 $0xFFFFF830  }
0x5e: {  	_ =	swait.ge [sflag:s6], $0x7D0  }
0x5f: {  	[sflag:s6] =	ssyncset.done $0x0  }
0x60: {  	[sflag:s6] =	ssyncadd.s32 $0xFFFFF830  }
0x61: {  	_ =	swait.ge [sflag:s6], $0x7D0  }
0x62: {  	[sflag:s6] =	ssyncset.done $0x0  }
0x63: {  	[sflag:s6] =	ssyncadd.s32 $0xFFFFF830  }
0x64: {  	_ =	swait.ge [sflag:s6], $0x7D0  }
0x65: {  	[sflag:s6] =	ssyncset.done $0x0  }
0x66: {  	[sflag:s6] =	ssyncadd.s32 $0xFFFFF830  }
0x67: {  	_ =	swait.ge [sflag:s6], $0x7D0  }
0x68: {  	[sflag:s6] =	ssyncset.done $0x0  }
0x69: {  	[sflag:s6] =	ssyncadd.s32 $0xFFFFF830  }
0x6a: {  	_ =	swait.ge [sflag:s6], $0x7D0  }
0x6b: {  	[sflag:s6] =	ssyncset.done $0x0  }
0x6c: {  	[sflag:s6] =	ssyncadd.s32 $0xFFFFF830  }
0x6d: {  	_ =	swait.ge [sflag:s6], $0x7D0  }
0x6e: {  	s18 =	rddreg [dreg:$0x18]  }
0x6f: {  	s19 =	rddreg [dreg:$0x1a]  }
0x70: {  	s20 =	rddreg [dreg:$0x1c]  }
0x71: {  	s21 =	rddreg [dreg:$0x17]  }
0x72: {  	s22 =	rddreg [dreg:$0x16]  }
0x73: {  	s23 =	rddreg [dreg:$0x14]  }
0x74: {  	s24 =	rddreg [dreg:$0x15]  }
0x75: {  	s25 =	rddreg [dreg:$0x1b]  }
0x76: {  	[sflag:s6] =	ssyncset.done $0x0;
	s16 =	rddreg [dreg:$0x19]  }
0x77: {  	s17 =	rddreg [dreg:$0x1d];
	[sflag:s6] =	ssyncadd.s32 $0xFFFFF830  }
0x78: {  	[tilespmem:s24], [sflag:$0x1] =	stream.indirect.gather [hbm4b:s3+s7], $0x10, s23, s7, $0xb8;
	[tilespmem:$0x14C80] =	vst v63  }
0x79: {  	s26 =	sld [smem:$0x7E1]  }
0x7a: {  	[tilespmem:s21], [sflag:$0x1] =	stream.indirect.gather [hbm4b:s3+s7], $0x10, s22, s7, $0xb8;
	[tilespmem:$0x14C80] =	vst v63  }
0x7b: {  	s0 =	sld [smem:$0x7E2]  }
0x7c: {  	[tilespmem:s16], [sflag:$0x1] =	stream.indirect.gather [hbm4b:s3+s7], $0x10, s18, s7, $0xb8;
	[tilespmem:$0x14C80] =	vst v63  }
0x7d: {  	s12 =	rddreg [dreg:$0x1f]  }
0x7e: {  	[tilespmem:s25], [sflag:$0x1] =	stream.indirect.gather [hbm4b:s3+s7], $0x10, s19, s7, $0xb8;
	[tilespmem:$0x14C80] =	vst v63  }
0x7f: {  	s14 =	rddreg [dreg:$0x1e]  }
0x80: {  	[tilespmem:s17], [sflag:$0x1] =	stream.indirect.gather [hbm4b:s3+s7], $0x10, s20, s7, $0xb8;
	[tilespmem:$0x14C80] =	vst v63  }
0x81: {  	s15 =	sld [smem:$0x7E3]  }
0x82: {  	[tilespmem:s12], [sflag:$0x1] =	stream.indirect.gather [hbm4b:s3+s7], $0x10, s14, s7, $0xb8;
	[tilespmem:$0x14C80] =	vst v63  }
0x83: {  	s16 =	sld [smem:$0x7E4]  }
0x84: {  	[tilespmem:s0], [sflag:$0x1] =	stream.indirect.gather [hbm4b:s3+s7], $0x10, s26, s7, $0xb8;
	[tilespmem:$0x14C80] =	vst v63  }
0x85: {  	_ = 	snop  }
0x86: {  	[tilespmem:s15], [sflag:$0x1] =	stream.indirect.gather [hbm4b:s3+s7], $0x10, s16, s7, $0xb8;
	[tilespmem:$0x14C80] =	vst v63  }
0x87: {  	_ =	swait.ge [sflag:s6], $0x7D0  }
0x88: {  	[sflag:s6] =	ssyncset.done $0x0  }
0x89: {  	[sflag:s6] =	ssyncadd.s32 $0xFFFFF830  }
0x8a: {  	_ =	swait.ge [sflag:s6], $0x7D0  }
0x8b: {  	[sflag:s6] =	ssyncset.done $0x0  }
0x8c: {  	[sflag:s6] =	ssyncadd.s32 $0xFFFFF830  }
0x8d: {  	_ =	swait.ge [sflag:s6], $0x7D0  }
0x8e: {  	[sflag:s6] =	ssyncset.done $0x0  }
0x8f: {  	[sflag:s6] =	ssyncadd.s32 $0xFFFFF830  }
0x90: {  	_ =	swait.ge [sflag:s6], $0x7D0  }
0x91: {  	[sflag:s6] =	ssyncset.done $0x0  }
0x92: {  	[sflag:s6] =	ssyncadd.s32 $0xFFFFF830  }
0x93: {  	_ =	swait.ge [sflag:s6], $0x7D0  }
0x94: {  	[sflag:s6] =	ssyncset.done $0x0  }
0x95: {  	[sflag:s6] =	ssyncadd.s32 $0xFFFFF830  }
0x96: {  	_ =	swait.ge [sflag:s6], $0x7D0  }
0x97: {  	[sflag:s6] =	ssyncset.done $0x0  }
0x98: {  	[sflag:s6] =	ssyncadd.s32 $0xFFFFF830  }
0x99: {  	_ =	swait.ge [sflag:s6], $0x7D0  }
0x9a: {  	[sflag:s6] =	ssyncset.done $0x0  }
0x9b: {  	[sflag:s6] =	ssyncadd.s32 $0xFFFFF830  }
0x9c: {  	_ =	swait.ge [sflag:s6], $0x7D0  }
0x9d: {  	s8 =	sld [smem:$0x7E5]  }
0x9e: {  	s17 =	sld [smem:$0x7E6]  }
0x9f: {  	s20 =	sld [smem:$0x7E7]  }
0xa0: {  	s21 =	sld [smem:$0x7E8]  }
0xa1: {  	s22 =	sld [smem:$0x7E9]  }
0xa2: {  	s23 =	sld [smem:$0x7EA]  }
0xa3: {  	s24 =	sld [smem:$0x7EB]  }
0xa4: {  	s25 =	sld [smem:$0x7EC]  }
0xa5: {  	[sflag:s6] =	ssyncset.done $0x0;
	s26 =	sld [smem:$0x7ED]  }
0xa6: {  	s0 =	sld [smem:$0x7EE];
	[sflag:s6] =	ssyncadd.s32 $0xFFFFF830  }
0xa7: {  	[tilespmem:s24], [sflag:$0x1] =	stream.indirect.gather [hbm4b:s3+s7], $0x10, s22, s7, $0xb8;
	[tilespmem:$0x14C80] =	vst v63  }
0xa8: {  	s18 =	sld [smem:$0x7EF]  }
0xa9: {  	[tilespmem:s20], [sflag:$0x1] =	stream.indirect.gather [hbm4b:s3+s7], $0x10, s21, s7, $0xb8;
	[tilespmem:$0x14C80] =	vst v63  }
0xaa: {  	s19 =	sld [smem:$0x7F0]  }
0xab: {  	[tilespmem:s23], [sflag:$0x1] =	stream.indirect.gather [hbm4b:s3+s7], $0x10, s17, s7, $0xb8;
	[tilespmem:$0x14C80] =	vst v63  }
0xac: {  	s22 =	sld [smem:$0x7F3]  }
0xad: {  	[tilespmem:s25], [sflag:$0x1] =	stream.indirect.gather [hbm4b:s3+s7], $0x10, s18, s7, $0xb8;
	[tilespmem:$0x14C80] =	vst v63  }
0xae: {  	s20 =	sld [smem:$0x7F1]  }
0xaf: {  	[tilespmem:s0], [sflag:$0x1] =	stream.indirect.gather [hbm4b:s3+s7], $0x10, s19, s7, $0xb8;
	[tilespmem:$0x14C80] =	vst v63  }
0xb0: {  	s21 =	sld [smem:$0x7F2]  }
0xb1: {  	[tilespmem:s26], [sflag:$0x1] =	stream.indirect.gather [hbm4b:s3+s7], $0x10, s20, s7, $0xb8;
	[tilespmem:$0x14C80] =	vst v63  }
0xb2: {  	s23 =	sld [smem:$0x7F4]  }
0xb3: {  	[tilespmem:s8], [sflag:$0x1] =	stream.indirect.gather [hbm4b:s3+s7], $0x10, s21, s7, $0xb8;
	[tilespmem:$0x14C80] =	vst v63  }
0xb4: {  	_ = 	snop  }
0xb5: {  	[tilespmem:s22], [sflag:$0x1] =	stream.indirect.gather [hbm4b:s3+s7], $0x10, s23, s7, $0xb8;
	[tilespmem:$0x14C80] =	vst v63  }
0xb6: {  	_ =	swait.ge [sflag:s6], $0x7D0  }
0xb7: {  	[sflag:s6] =	ssyncset.done $0x0  }
0xb8: {  	[sflag:s6] =	ssyncadd.s32 $0xFFFFF830  }
0xb9: {  	_ =	swait.ge [sflag:s6], $0x7D0  }
0xba: {  	[sflag:s6] =	ssyncset.done $0x0  }
0xbb: {  	[sflag:s6] =	ssyncadd.s32 $0xFFFFF830  }
0xbc: {  	_ =	swait.ge [sflag:s6], $0x7D0  }
0xbd: {  	[sflag:s6] =	ssyncset.done $0x0  }
0xbe: {  	[sflag:s6] =	ssyncadd.s32 $0xFFFFF830  }
0xbf: {  	_ =	swait.ge [sflag:s6], $0x7D0  }
0xc0: {  	[sflag:s6] =	ssyncset.done $0x0  }
0xc1: {  	[sflag:s6] =	ssyncadd.s32 $0xFFFFF830  }
0xc2: {  	_ =	swait.ge [sflag:s6], $0x7D0  }
0xc3: {  	[sflag:s6] =	ssyncset.done $0x0  }
0xc4: {  	[sflag:s6] =	ssyncadd.s32 $0xFFFFF830  }
0xc5: {  	_ =	swait.ge [sflag:s6], $0x7D0  }
0xc6: {  	[sflag:s6] =	ssyncset.done $0x0  }
0xc7: {  	[sflag:s6] =	ssyncadd.s32 $0xFFFFF830  }
0xc8: {  	_ =	swait.ge [sflag:s6], $0x7D0  }
0xc9: {  	[sflag:s6] =	ssyncset.done $0x0  }
0xca: {  	[sflag:s6] =	ssyncadd.s32 $0xFFFFF830  }
0xcb: {  	_ =	swait.ge [sflag:s6], $0x7D0  }
0xcc: {  	s24 =	sld [smem:$0x7F5]  }
0xcd: {  	s25 =	sld [smem:$0x7F6]  }
0xce: {  	s26 =	sld [smem:$0x7F7]  }
0xcf: {  	s0 =	sld [smem:$0x7F8]  }
0xd0: {  	[sflag:s6] =	ssyncset.done $0x0;
	s13 =	sld [smem:$0x7F9]  }
0xd1: {  	s14 =	sld [smem:$0x7FA];
	[sflag:s6] =	ssyncadd.s32 $0xFFFFF830  }
0xd2: {  	[tilespmem:s25], [sflag:$0x1] =	stream.indirect.gather [hbm4b:s3+s7], $0x10, s24, s7, $0xb8;
	[tilespmem:$0x14C80] =	vst v63  }
0xd3: {  	s15 =	sld [smem:$0x7FB]  }
0xd4: {  	[tilespmem:s26], [sflag:$0x1] =	stream.indirect.gather [hbm4b:s3+s7], $0x10, s13, s7, $0xb8;
	[tilespmem:$0x14C80] =	vst v63  }
0xd5: {  	s16 =	sld [smem:$0x7FC]  }
0xd6: {  	[tilespmem:s0], [sflag:$0x1] =	stream.indirect.gather [hbm4b:s3+s7], $0x10, s14, s7, $0xb8;
	[tilespmem:$0x14C80] =	vst v63  }
0xd7: {  	s17 =	sld [smem:$0x7FD]  }
0xd8: {  	[tilespmem:s15], [sflag:$0x1] =	stream.indirect.gather [hbm4b:s3+s7], $0x10, s16, s7, $0xb8;
	[tilespmem:$0x14C80] =	vst v63  }
0xd9: {  	s18 =	simm.s32 $0xEEC0  }
0xda: {  	[tilespmem:s18], [sflag:$0x1] =	stream.indirect.gather [hbm4b:s3+s7], $0x10, s17, s7, $0xb8;
	[tilespmem:$0x14C80] =	vst v63  }
0xdb: {  	s19 =	simm.s32 $0xE80;
	s20 =	simm.s32 $0xF690  }
0xdc: {  	[tilespmem:s20], [sflag:$0x1] =	stream.indirect.gather [hbm4b:s3+s7], $0x10, s19, s7, $0xb8;
	[tilespmem:$0x14C80] =	vst v63  }
0xdd: {  	s21 =	simm.s32 $0xF00;
	s22 =	simm.s32 $0xFE60  }
0xde: {  	[tilespmem:s22], [sflag:$0x1] =	stream.indirect.gather [hbm4b:s3+s7], $0x10, s21, s7, $0xb8;
	[tilespmem:$0x14C80] =	vst v63  }
0xdf: {  	s23 =	simm.s32 $0xF80;
	s24 =	simm.s32 $0x10630  }
0xe0: {  	[tilespmem:s24], [sflag:$0x1] =	stream.indirect.gather [hbm4b:s3+s7], $0x10, s23, s7, $0xb8;
	[tilespmem:$0x14C80] =	vst v63  }
0xe1: {  	_ =	swait.ge [sflag:s6], $0x7D0  }
0xe2: {  	[sflag:s6] =	ssyncset.done $0x0  }
0xe3: {  	[sflag:s6] =	ssyncadd.s32 $0xFFFFF830  }
0xe4: {  	_ =	swait.ge [sflag:s6], $0x7D0  }
0xe5: {  	[sflag:s6] =	ssyncset.done $0x0  }
0xe6: {  	[sflag:s6] =	ssyncadd.s32 $0xFFFFF830  }
0xe7: {  	_ =	swait.ge [sflag:s6], $0x7D0  }
0xe8: {  	[sflag:s6] =	ssyncset.done $0x0  }
0xe9: {  	[sflag:s6] =	ssyncadd.s32 $0xFFFFF830  }
0xea: {  	_ =	swait.ge [sflag:s6], $0x7D0  }
0xeb: {  	[sflag:s6] =	ssyncset.done $0x0  }
0xec: {  	[sflag:s6] =	ssyncadd.s32 $0xFFFFF830  }
0xed: {  	_ =	swait.ge [sflag:s6], $0x7D0  }
0xee: {  	[sflag:s6] =	ssyncset.done $0x0  }
0xef: {  	[sflag:s6] =	ssyncadd.s32 $0xFFFFF830  }
0xf0: {  	_ =	swait.ge [sflag:s6], $0x7D0  }
0xf1: {  	[sflag:s6] =	ssyncset.done $0x0  }
0xf2: {  	[sflag:s6] =	ssyncadd.s32 $0xFFFFF830  }
0xf3: {  	_ =	swait.ge [sflag:s6], $0x7D0  }
0xf4: {  	[sflag:s6] =	ssyncset.done $0x0  }
0xf5: {  	[sflag:s6] =	ssyncadd.s32 $0xFFFFF830  }
0xf6: {  	_ =	swait.ge [sflag:s6], $0x7D0  }
0xf7: {  	[sflag:s6] =	ssyncset.done $0x0  }
0xf8: {  	s25 =	simm.s32 $0x1000;
	s26 =	simm.s32 $0x10E00;
	[sflag:s6] =	ssyncadd.s32 $0xFFFFF830  }
0xf9: {  	[tilespmem:s26], [sflag:$0x1] =	stream.indirect.gather [hbm4b:s3+s7], $0x10, s25, s7, $0xb8;
	[tilespmem:$0x14C80] =	vst v63  }
0xfa: {  	s17 =	simm.s32 $0x1080;
	s18 =	simm.s32 $0x115D0  }
0xfb: {  	[tilespmem:s18], [sflag:$0x1] =	stream.indirect.gather [hbm4b:s3+s7], $0x10, s17, s7, $0xb8;
	[tilespmem:$0x14C80] =	vst v63  }
0xfc: {  	s1 =	ssub.s32 $0x2, s1;
	s19 =	simm.s32 $0x1100;
	s20 =	simm.s32 $0x11DA0  }
0xfd: {  	[tilespmem:s20], [sflag:$0x1] =	stream.indirect.gather [hbm4b:s3+s7], $0x10, s19, s7, $0xb8;
	[tilespmem:$0x14C80] =	vst v63  }
0xfe: {  	s30 =	sshrl.u32 s1, $0x1;
	s21 =	simm.s32 $0x1180;
	s22 =	simm.s32 $0x12570  }
0xff: {  	[tilespmem:s22], [sflag:$0x1] =	stream.indirect.gather [hbm4b:s3+s7], $0x10, s21, s7, $0xb8;
	[tilespmem:$0x14C80] =	vst v63  }
0x100: {  	s1 =	ssub.s32 s1, s30;
	s23 =	simm.s32 $0x1200;
	s24 =	simm.s32 $0x12D40  }
0x101: {  	[tilespmem:s24], [sflag:$0x1] =	stream.indirect.gather [hbm4b:s3+s7], $0x10, s23, s7, $0xb8;
	[tilespmem:$0x14C80] =	vst v63  }
0x102: {  	s1 =	smax.u32 s1, $0x1;
	s25 =	simm.s32 $0x1280;
	s26 =	simm.s32 $0x13510  }
0x103: {  	[tilespmem:s26], [sflag:$0x1] =	stream.indirect.gather [hbm4b:s3+s7], $0x10, s25, s7, $0xb8;
	[tilespmem:$0x14C80] =	vst v63  }
0x104: {  	s28 =	simm.s32 $0x1300;
	s29 =	simm.s32 $0x13CE0;
	p0 =	sne.s32 s1, $0x1  }
0x105: {  	[tilespmem:s29], [sflag:$0x1] =	stream.indirect.gather [hbm4b:s3+s7], $0x10, s28, s7, $0xb8;
	[tilespmem:$0x14C80] =	vst v63  }
.Ltmp0:
0x106: {  	s31 =	simm.s32 $0x144B0;
	s30 =	simm.s32 $0x1380;
	(pc) =	sbr.rel @!p0 .LBB2_2-.Ltmp0, $4  }
0x107: {  	[tilespmem:s31], [sflag:$0x1] =	stream.indirect.gather [hbm4b:s3+s7], $0x10, s30, s7, $0xb8;
	[tilespmem:$0x14C80] =	vst v63  }
0x108: {  	_ =	swait.ge [sflag:s6], $0x7D0  }
0x109: {  	[sflag:s6] =	ssyncset.done $0x0  }
0x10a: {  	s1 =	sadd.s32 $0xFFFFFFFF, s1;
	[sflag:s6] =	ssyncadd.s32 $0xFFFFF830  }
.LBB2_1:
0x10b: {  	_ =	swait.ge [sflag:s6], $0x7D0  }
0x10c: {  	[sflag:s6] =	ssyncset.done $0x0  }
0x10d: {  	[sflag:s6] =	ssyncadd.s32 $0xFFFFF830  }
0x10e: {  	_ =	swait.ge [sflag:s6], $0x7D0  }
0x10f: {  	[sflag:s6] =	ssyncset.done $0x0  }
0x110: {  	[sflag:s6] =	ssyncadd.s32 $0xFFFFF830  }
0x111: {  	_ =	swait.ge [sflag:s6], $0x7D0  }
0x112: {  	[sflag:s6] =	ssyncset.done $0x0  }
0x113: {  	[sflag:s6] =	ssyncadd.s32 $0xFFFFF830  }
0x114: {  	_ =	swait.ge [sflag:s6], $0x7D0  }
0x115: {  	[sflag:s6] =	ssyncset.done $0x0  }
0x116: {  	[sflag:s6] =	ssyncadd.s32 $0xFFFFF830  }
0x117: {  	_ =	swait.ge [sflag:s6], $0x7D0  }
0x118: {  	[sflag:s6] =	ssyncset.done $0x0  }
0x119: {  	[sflag:s6] =	ssyncadd.s32 $0xFFFFF830  }
0x11a: {  	_ =	swait.ge [sflag:s6], $0x7D0  }
0x11b: {  	[sflag:s6] =	ssyncset.done $0x0  }
0x11c: {  	[sflag:s6] =	ssyncadd.s32 $0xFFFFF830  }
0x11d: {  	_ =	swait.ge [sflag:s6], $0x7D0  }
0x11e: {  	[sflag:s6] =	ssyncset.done $0x0  }
0x11f: {  	s0 =	rddreg [dreg:$0x5];
	[sflag:s6] =	ssyncadd.s32 $0xFFFFF830  }
0x120: {  	[hbm4b:s0+s2] =	stream.linear.scatter [tilespmem:s5], [sflag:$0x2], $0x13880, $0x38;
	[tilespmem:$0x14C80] =	vst v63  }
0x121: {  	_ =	swait.ge [sflag:s4], $0x13880  }
0x122: {  	[sflag:s4] =	ssyncset.done $0x0  }
0x123: {  	s15 =	rddreg [dreg:$0x4];
	[sflag:s4] =	ssyncadd.s32 $0xFFFEC780  }
0x124: {  	[tilespmem:s2], [sflag:$0x2] =	stream.linear.gather [hbm4b:s15+s2], $0x1400, $0x38;
	[tilespmem:$0x14C80] =	vst v63  }
0x125: {  	_ =	swait.ge [sflag:s4], $0x1400  }
0x126: {  	s16 =	rddreg [dreg:$0xa]  }
0x127: {  	s8 =	rddreg [dreg:$0xf]  }
0x128: {  	s9 =	rddreg [dreg:$0xb]  }
0x129: {  	s10 =	rddreg [dreg:$0x8]  }
0x12a: {  	s11 =	rddreg [dreg:$0x6]  }
0x12b: {  	s12 =	rddreg [dreg:$0x9];
	[sflag:s4] =	ssyncset.done $0x0  }
0x12c: {  	s13 =	rddreg [dreg:$0x7];
	[sflag:s4] =	ssyncadd.s32 $0xFFFFEC00  }
0x12d: {  	[tilespmem:s5], [sflag:$0x1] =	stream.indirect.gather [hbm4b:s3+s7], $0x10, s2, s7, $0xb8;
	[tilespmem:$0x14C80] =	vst v63  }
0x12e: {  	s14 =	rddreg [dreg:$0xd]  }
0x12f: {  	[tilespmem:s13], [sflag:$0x1] =	stream.indirect.gather [hbm4b:s3+s7], $0x10, s11, s7, $0xb8;
	[tilespmem:$0x14C80] =	vst v63  }
0x130: {  	s15 =	rddreg [dreg:$0xc]  }
0x131: {  	[tilespmem:s12], [sflag:$0x1] =	stream.indirect.gather [hbm4b:s3+s7], $0x10, s10, s7, $0xb8;
	[tilespmem:$0x14C80] =	vst v63  }
0x132: {  	s11 =	rddreg [dreg:$0xe]  }
0x133: {  	[tilespmem:s9], [sflag:$0x1] =	stream.indirect.gather [hbm4b:s3+s7], $0x10, s16, s7, $0xb8;
	[tilespmem:$0x14C80] =	vst v63  }
0x134: {  	s13 =	rddreg [dreg:$0x10]  }
0x135: {  	[tilespmem:s14], [sflag:$0x1] =	stream.indirect.gather [hbm4b:s3+s7], $0x10, s15, s7, $0xb8;
	[tilespmem:$0x14C80] =	vst v63  }
0x136: {  	s10 =	rddreg [dreg:$0x11]  }
0x137: {  	[tilespmem:s8], [sflag:$0x1] =	stream.indirect.gather [hbm4b:s3+s7], $0x10, s11, s7, $0xb8;
	[tilespmem:$0x14C80] =	vst v63  }
0x138: {  	s12 =	rddreg [dreg:$0x13]  }
0x139: {  	[tilespmem:s10], [sflag:$0x1] =	stream.indirect.gather [hbm4b:s3+s7], $0x10, s13, s7, $0xb8;
	[tilespmem:$0x14C80] =	vst v63  }
0x13a: {  	s16 =	rddreg [dreg:$0x12]  }
0x13b: {  	[tilespmem:s12], [sflag:$0x1] =	stream.indirect.gather [hbm4b:s3+s7], $0x10, s16, s7, $0xb8;
	[tilespmem:$0x14C80] =	vst v63  }
0x13c: {  	_ =	swait.ge [sflag:s6], $0x7D0  }
0x13d: {  	[sflag:s6] =	ssyncset.done $0x0  }
0x13e: {  	[sflag:s6] =	ssyncadd.s32 $0xFFFFF830  }
0x13f: {  	_ =	swait.ge [sflag:s6], $0x7D0  }
0x140: {  	[sflag:s6] =	ssyncset.done $0x0  }
0x141: {  	[sflag:s6] =	ssyncadd.s32 $0xFFFFF830  }
0x142: {  	_ =	swait.ge [sflag:s6], $0x7D0  }
0x143: {  	[sflag:s6] =	ssyncset.done $0x0  }
0x144: {  	[sflag:s6] =	ssyncadd.s32 $0xFFFFF830  }
0x145: {  	_ =	swait.ge [sflag:s6], $0x7D0  }
0x146: {  	[sflag:s6] =	ssyncset.done $0x0  }
0x147: {  	[sflag:s6] =	ssyncadd.s32 $0xFFFFF830  }
0x148: {  	_ =	swait.ge [sflag:s6], $0x7D0  }
0x149: {  	[sflag:s6] =	ssyncset.done $0x0  }
0x14a: {  	[sflag:s6] =	ssyncadd.s32 $0xFFFFF830  }
0x14b: {  	_ =	swait.ge [sflag:s6], $0x7D0  }
0x14c: {  	[sflag:s6] =	ssyncset.done $0x0  }
0x14d: {  	[sflag:s6] =	ssyncadd.s32 $0xFFFFF830  }
0x14e: {  	_ =	swait.ge [sflag:s6], $0x7D0  }
0x14f: {  	[sflag:s6] =	ssyncset.done $0x0  }
0x150: {  	[sflag:s6] =	ssyncadd.s32 $0xFFFFF830  }
0x151: {  	_ =	swait.ge [sflag:s6], $0x7D0  }
0x152: {  	s0 =	rddreg [dreg:$0x18]  }
0x153: {  	s8 =	rddreg [dreg:$0x1a]  }
0x154: {  	s9 =	rddreg [dreg:$0x1c]  }
0x155: {  	s10 =	rddreg [dreg:$0x17]  }
0x156: {  	s11 =	rddreg [dreg:$0x16]  }
0x157: {  	s12 =	rddreg [dreg:$0x14]  }
0x158: {  	s13 =	rddreg [dreg:$0x15]  }
0x159: {  	s14 =	rddreg [dreg:$0x1b]  }
0x15a: {  	[sflag:s6] =	ssyncset.done $0x0;
	s15 =	rddreg [dreg:$0x19]  }
0x15b: {  	s16 =	rddreg [dreg:$0x1d];
	[sflag:s6] =	ssyncadd.s32 $0xFFFFF830  }
0x15c: {  	[tilespmem:s13], [sflag:$0x1] =	stream.indirect.gather [hbm4b:s3+s7], $0x10, s12, s7, $0xb8;
	[tilespmem:$0x14C80] =	vst v63  }
0x15d: {  	s12 =	sld [smem:$0x7E1]  }
0x15e: {  	[tilespmem:s10], [sflag:$0x1] =	stream.indirect.gather [hbm4b:s3+s7], $0x10, s11, s7, $0xb8;
	[tilespmem:$0x14C80] =	vst v63  }
0x15f: {  	s13 =	rddreg [dreg:$0x1f]  }
0x160: {  	[tilespmem:s15], [sflag:$0x1] =	stream.indirect.gather [hbm4b:s3+s7], $0x10, s0, s7, $0xb8;
	[tilespmem:$0x14C80] =	vst v63  }
0x161: {  	s10 =	sld [smem:$0x7E2]  }
0x162: {  	[tilespmem:s14], [sflag:$0x1] =	stream.indirect.gather [hbm4b:s3+s7], $0x10, s8, s7, $0xb8;
	[tilespmem:$0x14C80] =	vst v63  }
0x163: {  	s11 =	sld [smem:$0x7E4]  }
0x164: {  	[tilespmem:s16], [sflag:$0x1] =	stream.indirect.gather [hbm4b:s3+s7], $0x10, s9, s7, $0xb8;
	[tilespmem:$0x14C80] =	vst v63  }
0x165: {  	s15 =	rddreg [dreg:$0x1e]  }
0x166: {  	[tilespmem:s13], [sflag:$0x1] =	stream.indirect.gather [hbm4b:s3+s7], $0x10, s15, s7, $0xb8;
	[tilespmem:$0x14C80] =	vst v63  }
0x167: {  	s16 =	sld [smem:$0x7E3]  }
0x168: {  	[tilespmem:s10], [sflag:$0x1] =	stream.indirect.gather [hbm4b:s3+s7], $0x10, s12, s7, $0xb8;
	[tilespmem:$0x14C80] =	vst v63  }
0x169: {  	_ = 	snop  }
0x16a: {  	[tilespmem:s16], [sflag:$0x1] =	stream.indirect.gather [hbm4b:s3+s7], $0x10, s11, s7, $0xb8;
	[tilespmem:$0x14C80] =	vst v63  }
0x16b: {  	_ =	swait.ge [sflag:s6], $0x7D0  }
0x16c: {  	[sflag:s6] =	ssyncset.done $0x0  }
0x16d: {  	[sflag:s6] =	ssyncadd.s32 $0xFFFFF830  }
0x16e: {  	_ =	swait.ge [sflag:s6], $0x7D0  }
0x16f: {  	[sflag:s6] =	ssyncset.done $0x0  }
0x170: {  	[sflag:s6] =	ssyncadd.s32 $0xFFFFF830  }
0x171: {  	_ =	swait.ge [sflag:s6], $0x7D0  }
0x172: {  	[sflag:s6] =	ssyncset.done $0x0  }
0x173: {  	[sflag:s6] =	ssyncadd.s32 $0xFFFFF830  }
0x174: {  	_ =	swait.ge [sflag:s6], $0x7D0  }
0x175: {  	[sflag:s6] =	ssyncset.done $0x0  }
0x176: {  	[sflag:s6] =	ssyncadd.s32 $0xFFFFF830  }
0x177: {  	_ =	swait.ge [sflag:s6], $0x7D0  }
0x178: {  	[sflag:s6] =	ssyncset.done $0x0  }
0x179: {  	[sflag:s6] =	ssyncadd.s32 $0xFFFFF830  }
0x17a: {  	_ =	swait.ge [sflag:s6], $0x7D0  }
0x17b: {  	[sflag:s6] =	ssyncset.done $0x0  }
0x17c: {  	[sflag:s6] =	ssyncadd.s32 $0xFFFFF830  }
0x17d: {  	_ =	swait.ge [sflag:s6], $0x7D0  }
0x17e: {  	[sflag:s6] =	ssyncset.done $0x0  }
0x17f: {  	[sflag:s6] =	ssyncadd.s32 $0xFFFFF830  }
0x180: {  	_ =	swait.ge [sflag:s6], $0x7D0  }
0x181: {  	s0 =	sld [smem:$0x7E5]  }
0x182: {  	s8 =	sld [smem:$0x7E6]  }
0x183: {  	s9 =	sld [smem:$0x7E7]  }
0x184: {  	s10 =	sld [smem:$0x7E8]  }
0x185: {  	s11 =	sld [smem:$0x7E9]  }
0x186: {  	s12 =	sld [smem:$0x7EA]  }
0x187: {  	s13 =	sld [smem:$0x7EB]  }
0x188: {  	s14 =	sld [smem:$0x7EC]  }
0x189: {  	[sflag:s6] =	ssyncset.done $0x0;
	s15 =	sld [smem:$0x7ED]  }
0x18a: {  	s16 =	sld [smem:$0x7EE];
	[sflag:s6] =	ssyncadd.s32 $0xFFFFF830  }
0x18b: {  	[tilespmem:s13], [sflag:$0x1] =	stream.indirect.gather [hbm4b:s3+s7], $0x10, s11, s7, $0xb8;
	[tilespmem:$0x14C80] =	vst v63  }
0x18c: {  	s13 =	sld [smem:$0x7EF]  }
0x18d: {  	[tilespmem:s9], [sflag:$0x1] =	stream.indirect.gather [hbm4b:s3+s7], $0x10, s10, s7, $0xb8;
	[tilespmem:$0x14C80] =	vst v63  }
0x18e: {  	s10 =	sld [smem:$0x7F0]  }
0x18f: {  	[tilespmem:s12], [sflag:$0x1] =	stream.indirect.gather [hbm4b:s3+s7], $0x10, s8, s7, $0xb8;
	[tilespmem:$0x14C80] =	vst v63  }
0x190: {  	s12 =	sld [smem:$0x7F1]  }
0x191: {  	[tilespmem:s14], [sflag:$0x1] =	stream.indirect.gather [hbm4b:s3+s7], $0x10, s13, s7, $0xb8;
	[tilespmem:$0x14C80] =	vst v63  }
0x192: {  	s13 =	sld [smem:$0x7F2]  }
0x193: {  	[tilespmem:s16], [sflag:$0x1] =	stream.indirect.gather [hbm4b:s3+s7], $0x10, s10, s7, $0xb8;
	[tilespmem:$0x14C80] =	vst v63  }
0x194: {  	s14 =	sld [smem:$0x7F3]  }
0x195: {  	[tilespmem:s15], [sflag:$0x1] =	stream.indirect.gather [hbm4b:s3+s7], $0x10, s12, s7, $0xb8;
	[tilespmem:$0x14C80] =	vst v63  }
0x196: {  	s16 =	sld [smem:$0x7F4]  }
0x197: {  	[tilespmem:s0], [sflag:$0x1] =	stream.indirect.gather [hbm4b:s3+s7], $0x10, s13, s7, $0xb8;
	[tilespmem:$0x14C80] =	vst v63  }
0x198: {  	_ = 	snop  }
0x199: {  	[tilespmem:s14], [sflag:$0x1] =	stream.indirect.gather [hbm4b:s3+s7], $0x10, s16, s7, $0xb8;
	[tilespmem:$0x14C80] =	vst v63  }
0x19a: {  	_ =	swait.ge [sflag:s6], $0x7D0  }
0x19b: {  	[sflag:s6] =	ssyncset.done $0x0  }
0x19c: {  	[sflag:s6] =	ssyncadd.s32 $0xFFFFF830  }
0x19d: {  	_ =	swait.ge [sflag:s6], $0x7D0  }
0x19e: {  	[sflag:s6] =	ssyncset.done $0x0  }
0x19f: {  	[sflag:s6] =	ssyncadd.s32 $0xFFFFF830  }
0x1a0: {  	_ =	swait.ge [sflag:s6], $0x7D0  }
0x1a1: {  	[sflag:s6] =	ssyncset.done $0x0  }
0x1a2: {  	[sflag:s6] =	ssyncadd.s32 $0xFFFFF830  }
0x1a3: {  	_ =	swait.ge [sflag:s6], $0x7D0  }
0x1a4: {  	[sflag:s6] =	ssyncset.done $0x0  }
0x1a5: {  	[sflag:s6] =	ssyncadd.s32 $0xFFFFF830  }
0x1a6: {  	_ =	swait.ge [sflag:s6], $0x7D0  }
0x1a7: {  	[sflag:s6] =	ssyncset.done $0x0  }
0x1a8: {  	[sflag:s6] =	ssyncadd.s32 $0xFFFFF830  }
0x1a9: {  	_ =	swait.ge [sflag:s6], $0x7D0  }
0x1aa: {  	[sflag:s6] =	ssyncset.done $0x0  }
0x1ab: {  	[sflag:s6] =	ssyncadd.s32 $0xFFFFF830  }
0x1ac: {  	_ =	swait.ge [sflag:s6], $0x7D0  }
0x1ad: {  	[sflag:s6] =	ssyncset.done $0x0  }
0x1ae: {  	[sflag:s6] =	ssyncadd.s32 $0xFFFFF830  }
0x1af: {  	_ =	swait.ge [sflag:s6], $0x7D0  }
0x1b0: {  	s8 =	sld [smem:$0x7F5]  }
0x1b1: {  	s9 =	sld [smem:$0x7F6]  }
0x1b2: {  	s11 =	sld [smem:$0x7F7]  }
0x1b3: {  	s10 =	sld [smem:$0x7F8]  }
0x1b4: {  	[sflag:s6] =	ssyncset.done $0x0;
	s12 =	sld [smem:$0x7F9]  }
0x1b5: {  	s13 =	sld [smem:$0x7FA];
	[sflag:s6] =	ssyncadd.s32 $0xFFFFF830  }
0x1b6: {  	[tilespmem:s9], [sflag:$0x1] =	stream.indirect.gather [hbm4b:s3+s7], $0x10, s8, s7, $0xb8;
	[tilespmem:$0x14C80] =	vst v63  }
0x1b7: {  	s16 =	sld [smem:$0x7FB]  }
0x1b8: {  	[tilespmem:s11], [sflag:$0x1] =	stream.indirect.gather [hbm4b:s3+s7], $0x10, s12, s7, $0xb8;
	[tilespmem:$0x14C80] =	vst v63  }
0x1b9: {  	s14 =	sld [smem:$0x7FC]  }
0x1ba: {  	[tilespmem:s10], [sflag:$0x1] =	stream.indirect.gather [hbm4b:s3+s7], $0x10, s13, s7, $0xb8;
	[tilespmem:$0x14C80] =	vst v63  }
0x1bb: {  	s15 =	sld [smem:$0x7FD]  }
0x1bc: {  	[tilespmem:s16], [sflag:$0x1] =	stream.indirect.gather [hbm4b:s3+s7], $0x10, s14, s7, $0xb8;
	[tilespmem:$0x14C80] =	vst v63  }
0x1bd: {  	s16 =	simm.s32 $0xEEC0  }
0x1be: {  	[tilespmem:s16], [sflag:$0x1] =	stream.indirect.gather [hbm4b:s3+s7], $0x10, s15, s7, $0xb8;
	[tilespmem:$0x14C80] =	vst v63  }
0x1bf: {  	s9 =	simm.s32 $0xE80;
	s10 =	simm.s32 $0xF690  }
0x1c0: {  	[tilespmem:s10], [sflag:$0x1] =	stream.indirect.gather [hbm4b:s3+s7], $0x10, s9, s7, $0xb8;
	[tilespmem:$0x14C80] =	vst v63  }
0x1c1: {  	s11 =	simm.s32 $0xF00;
	s12 =	simm.s32 $0xFE60  }
0x1c2: {  	[tilespmem:s12], [sflag:$0x1] =	stream.indirect.gather [hbm4b:s3+s7], $0x10, s11, s7, $0xb8;
	[tilespmem:$0x14C80] =	vst v63  }
0x1c3: {  	s13 =	simm.s32 $0xF80;
	s14 =	simm.s32 $0x10630  }
0x1c4: {  	[tilespmem:s14], [sflag:$0x1] =	stream.indirect.gather [hbm4b:s3+s7], $0x10, s13, s7, $0xb8;
	[tilespmem:$0x14C80] =	vst v63  }
0x1c5: {  	_ =	swait.ge [sflag:s6], $0x7D0  }
0x1c6: {  	[sflag:s6] =	ssyncset.done $0x0  }
0x1c7: {  	[sflag:s6] =	ssyncadd.s32 $0xFFFFF830  }
0x1c8: {  	_ =	swait.ge [sflag:s6], $0x7D0  }
0x1c9: {  	[sflag:s6] =	ssyncset.done $0x0  }
0x1ca: {  	[sflag:s6] =	ssyncadd.s32 $0xFFFFF830  }
0x1cb: {  	_ =	swait.ge [sflag:s6], $0x7D0  }
0x1cc: {  	[sflag:s6] =	ssyncset.done $0x0  }
0x1cd: {  	[sflag:s6] =	ssyncadd.s32 $0xFFFFF830  }
0x1ce: {  	_ =	swait.ge [sflag:s6], $0x7D0  }
0x1cf: {  	[sflag:s6] =	ssyncset.done $0x0  }
0x1d0: {  	[sflag:s6] =	ssyncadd.s32 $0xFFFFF830  }
0x1d1: {  	_ =	swait.ge [sflag:s6], $0x7D0  }
0x1d2: {  	[sflag:s6] =	ssyncset.done $0x0  }
0x1d3: {  	[sflag:s6] =	ssyncadd.s32 $0xFFFFF830  }
0x1d4: {  	_ =	swait.ge [sflag:s6], $0x7D0  }
0x1d5: {  	[sflag:s6] =	ssyncset.done $0x0  }
0x1d6: {  	[sflag:s6] =	ssyncadd.s32 $0xFFFFF830  }
0x1d7: {  	_ =	swait.ge [sflag:s6], $0x7D0  }
0x1d8: {  	[sflag:s6] =	ssyncset.done $0x0  }
0x1d9: {  	[sflag:s6] =	ssyncadd.s32 $0xFFFFF830  }
0x1da: {  	_ =	swait.ge [sflag:s6], $0x7D0  }
0x1db: {  	[sflag:s6] =	ssyncset.done $0x0  }
0x1dc: {  	s15 =	simm.s32 $0x1000;
	s16 =	simm.s32 $0x10E00;
	[sflag:s6] =	ssyncadd.s32 $0xFFFFF830  }
0x1dd: {  	[tilespmem:s16], [sflag:$0x1] =	stream.indirect.gather [hbm4b:s3+s7], $0x10, s15, s7, $0xb8;
	[tilespmem:$0x14C80] =	vst v63  }
0x1de: {  	_ = 	snop  }
0x1df: {  	[tilespmem:s18], [sflag:$0x1] =	stream.indirect.gather [hbm4b:s3+s7], $0x10, s17, s7, $0xb8;
	[tilespmem:$0x14C80] =	vst v63  }
0x1e0: {  	_ = 	snop  }
0x1e1: {  	[tilespmem:s20], [sflag:$0x1] =	stream.indirect.gather [hbm4b:s3+s7], $0x10, s19, s7, $0xb8;
	[tilespmem:$0x14C80] =	vst v63  }
0x1e2: {  	_ = 	snop  }
0x1e3: {  	[tilespmem:s22], [sflag:$0x1] =	stream.indirect.gather [hbm4b:s3+s7], $0x10, s21, s7, $0xb8;
	[tilespmem:$0x14C80] =	vst v63  }
0x1e4: {  	_ = 	snop  }
0x1e5: {  	[tilespmem:s24], [sflag:$0x1] =	stream.indirect.gather [hbm4b:s3+s7], $0x10, s23, s7, $0xb8;
	[tilespmem:$0x14C80] =	vst v63  }
0x1e6: {  	_ = 	snop  }
0x1e7: {  	[tilespmem:s26], [sflag:$0x1] =	stream.indirect.gather [hbm4b:s3+s7], $0x10, s25, s7, $0xb8;
	[tilespmem:$0x14C80] =	vst v63  }
0x1e8: {  	p0 =	sne.s32 s1, $0x1  }
0x1e9: {  	[tilespmem:s29], [sflag:$0x1] =	stream.indirect.gather [hbm4b:s3+s7], $0x10, s28, s7, $0xb8;
	[tilespmem:$0x14C80] =	vst v63  }
.Ltmp1:
0x1ea: {  	_ = 	snop;
	(pc) =	sbr.rel @p0 .LBB2_1-.Ltmp1, $4  }
0x1eb: {  	[tilespmem:s31], [sflag:$0x1] =	stream.indirect.gather [hbm4b:s3+s7], $0x10, s30, s7, $0xb8;
	[tilespmem:$0x14C80] =	vst v63  }
0x1ec: {  	_ =	swait.ge [sflag:s6], $0x7D0  }
0x1ed: {  	[sflag:s6] =	ssyncset.done $0x0  }
0x1ee: {  	s1 =	sadd.s32 $0xFFFFFFFF, s1;
	[sflag:s6] =	ssyncadd.s32 $0xFFFFF830  }
.LBB2_2:
0x1ef: {  	_ =	swait.ge [sflag:s6], $0x7D0  }
0x1f0: {  	[sflag:s6] =	ssyncset.done $0x0  }
0x1f1: {  	[sflag:s6] =	ssyncadd.s32 $0xFFFFF830  }
0x1f2: {  	_ =	swait.ge [sflag:s6], $0x7D0  }
0x1f3: {  	[sflag:s6] =	ssyncset.done $0x0  }
0x1f4: {  	[sflag:s6] =	ssyncadd.s32 $0xFFFFF830  }
0x1f5: {  	_ =	swait.ge [sflag:s6], $0x7D0  }
0x1f6: {  	[sflag:s6] =	ssyncset.done $0x0  }
0x1f7: {  	[sflag:s6] =	ssyncadd.s32 $0xFFFFF830  }
0x1f8: {  	_ =	swait.ge [sflag:s6], $0x7D0  }
0x1f9: {  	[sflag:s6] =	ssyncset.done $0x0  }
0x1fa: {  	[sflag:s6] =	ssyncadd.s32 $0xFFFFF830  }
0x1fb: {  	_ =	swait.ge [sflag:s6], $0x7D0  }
0x1fc: {  	[sflag:s6] =	ssyncset.done $0x0  }
0x1fd: {  	[sflag:s6] =	ssyncadd.s32 $0xFFFFF830  }
0x1fe: {  	_ =	swait.ge [sflag:s6], $0x7D0  }
0x1ff: {  	[sflag:s6] =	ssyncset.done $0x0  }
0x200: {  	[sflag:s6] =	ssyncadd.s32 $0xFFFFF830  }
0x201: {  	_ =	swait.ge [sflag:s6], $0x7D0  }
0x202: {  	[sflag:s6] =	ssyncset.done $0x0  }
0x203: {  	s0 =	rddreg [dreg:$0x5];
	[sflag:s6] =	ssyncadd.s32 $0xFFFFF830  }
0x204: {  	[hbm4b:s0+s2] =	stream.linear.scatter [tilespmem:s5], [sflag:$0x2], $0x13880, $0x38;
	[tilespmem:$0x14C80] =	vst v63  }
0x205: {  	_ =	swait.ge [sflag:s4], $0x13880  }
0x206: {  	[sflag:s4] =	ssyncset.done $0x0  }
0x207: {  	[sflag:s4] =	ssyncadd.s32 $0xFFFEC780  }
0x208: {  	_ =	sfence.sel $0x180000  }
0x209: {  	[bflag:$0x0] =	sbarrier.arrive $0xFFFF  }
0x20a: {  	_ =	strace $0x90000047  }
0x20b: {  	s31 =	stileid.u32;
	[bflag:$0x2] =	sbarrier.arrive $0xFFFF  }
0x20c: {  	p0 =	sne.s32 s31, $0x0;
	s0 =	rddreg [dreg:$0x3]  }
0x20d: {  	s0 =	sadd.s32 @!p0 $0x100000, s0  }
0x20e: {  	[sflag:s0] =	ssyncadd.tile.s32 @!p0 $0x1;
	_ =	shalt  }
.Lfunc_end2:
_tile_overlayer_lowered:
.L_overlay_start_2:
0x20f: {  	(tag) =	ssettag $0x2  }
0x210: {  	s0 =	rddreg [dreg:$0x0];
	s2 =	stileid.u32  }
0x211: {  	s1 =	rddreg [dreg:$0x1];
	p0 =	sne.s32 s2, $0x0  }
0x212: {  	s3 =	rddreg [dreg:$0x2];
	[bflag:$0x3] =	sbarrier.arrive $0xFFFF;
	s2 =	simm.s32 @!p0 $0x1C02  }
0x213: {  	[timem:s3], [sflag:s2] =	dma.local @!p0 [hbm:s0], s1  }
0x214: {  	s0 =	simm.s32 @!p0 $0x2  }
0x215: {  	_ =	swait.ge @!p0 [sflag:s0], s1  }
0x216: {  	s1 =	ssub.s32 @!p0 $0x0, s1;
	[sflag:s0] =	ssyncset.done @!p0 $0x0  }
0x217: {  	[sflag:s0] =	ssyncadd.s32 @!p0 s1  }
0x218: {  	[bflag:$0x3] =	sbarrier.arrive $0xFFFF  }
0x219: {  	_ =	shalt  }

</sc_bundles>
